<compile_context>
chip_gen: v7x
topology: tpu7x:2x2x1
jax: 0.10.2.dev20260603
libtpu: 0.0.44.dev20260713+nightly
codegen_flags: <defaults>
</compile_context>

<pallas_src>
import functools

import jax
import jax.numpy as jnp
from jax import lax
from jax.experimental import pallas as pl
from jax.experimental.pallas import tpu as pltpu
from jax.experimental.pallas import tpu_sc as plsc

N_NODES = 10000
E = 160000
R0 = 5.0

PW = 128
NC = 2
NS = 16
CHUNK = 128
GRP = 4
NSPLIT = 4
CPT = 80 // NSPLIT
EPT = CPT * CHUNK
EPH = NS * EPT
EP = NSPLIT * EPH
RPT = 632
NPAD = NS * RPT
TCB = 8192


def _leaky(x):
    return jnp.where(x >= 0, x, 0.1 * x)


def _dot(a, b):
    return lax.dot(a, b, precision=lax.Precision.HIGHEST,
                   preferred_element_type=jnp.float32)


def _edge_phi_body(r_ref, w0, b0, wd, w1, b1, w2, b2, w3, b3, wv, wdd,
                   out_ref):
    rt = r_ref[...]
    d2 = jnp.sum(rt * rt, axis=0, keepdims=True)
    x = jnp.sqrt(d2 + 1e-12) * (1.0 / R0)
    mu = lax.broadcasted_iota(jnp.int32, (8, 1), 0).astype(jnp.float32) / 7.0
    enc = jnp.exp(-0.5 * ((x - mu) * 8.0) ** 2)
    h = _dot(w0[...], enc) + b0[...]
    direct = _dot(wd[...], h)
    y = _leaky(_dot(w1[...], h) + b1[...])
    y = _leaky(_dot(w2[...], y) + b2[...])
    y = _dot(w3[...], y) + b3[...]
    rad = direct + y
    gv = _dot(wv[...], rad)
    gd = _dot(wdd[...], rad)
    rs = rt * (7.0 / R0)
    n2 = jnp.sum(rs * rs, axis=0, keepdims=True)
    rh = rs / jnp.sqrt(1.0 + n2)
    r0_, r1_, r2_ = rh[0:1], rh[1:2], rh[2:3]
    p0 = jnp.concatenate(
        [rad, gv * r0_, gv * r1_, gv * r2_, gd * (r0_ * r0_)], axis=0)
    p1 = jnp.concatenate(
        [gd * (r0_ * r1_), gd * (r0_ * r2_), gd * (r1_ * r1_),
         gd * (r1_ * r2_), gd * (r2_ * r2_)], axis=0)
    zpad = jnp.zeros((PW - 80, p0.shape[1]), jnp.float32)
    out_ref[0] = jnp.concatenate([p0, zpad], axis=0).T
    out_ref[1] = jnp.concatenate([p1, zpad], axis=0).T


def _edge_payload(r_t, *ws):
    wspecs = [pl.BlockSpec(w.shape, lambda i: (0, 0)) for w in ws]
    return pl.pallas_call(
        _edge_phi_body,
        grid=(EPH // TCB,),
        in_specs=[pl.BlockSpec((3, TCB), lambda i: (0, i))] + wspecs,
        out_specs=pl.BlockSpec((2, TCB, PW), lambda i: (0, i, 0)),
        out_shape=jax.ShapeDtypeStruct((2, EPH, PW), jnp.float32),
    )(r_t, *ws)


def _unpack_body(*refs):
    accs, (aa_ref, v_ref, d_ref) = refs[:NSPLIT], refs[NSPLIT:]
    o0 = sum(a[0] for a in accs)
    o1 = sum(a[1] for a in accs)
    aa_ref[...] = o0[:, 0:16]
    j = lax.broadcasted_iota(jnp.int32, (48, 48), 0)
    k = lax.broadcasted_iota(jnp.int32, (48, 48), 1)
    pv = ((j % 16) * 3 + j // 16 == k).astype(jnp.float32)
    v_ref[...] = _dot(o0[:, 16:64], pv)
    d6 = jnp.concatenate([o0[:, 64:80], o1], axis=1)
    j = lax.broadcasted_iota(jnp.int32, (96, 144), 0)
    k = lax.broadcasted_iota(jnp.int32, (96, 144), 1)
    r = (k % 9) // 3
    s = k % 3
    lo = jnp.minimum(r, s)
    hi = jnp.maximum(r, s)
    pair = lo * 3 - (lo * (lo - 1)) // 2 + (hi - lo)
    pd = ((j % 16 == k // 9) & (j // 16 == pair)).astype(jnp.float32)
    d_ref[...] = _dot(d6, pd)


def _unpack(*accs):
    nb = NPAD // RPT
    return pl.pallas_call(
        _unpack_body,
        grid=(nb,),
        in_specs=[pl.BlockSpec((2, RPT, 80), lambda i: (0, i, 0))
                  for _ in accs],
        out_specs=[
            pl.BlockSpec((RPT, 16), lambda i: (i, 0)),
            pl.BlockSpec((RPT, 48), lambda i: (i, 0)),
            pl.BlockSpec((RPT, 144), lambda i: (i, 0)),
        ],
        out_shape=[
            jax.ShapeDtypeStruct((NPAD, 16), jnp.float32),
            jax.ShapeDtypeStruct((NPAD, 48), jnp.float32),
            jax.ShapeDtypeStruct((NPAD, 144), jnp.float32),
        ],
    )(*accs)


@functools.cache
def _build_segment_sum_sc():
    mesh = plsc.VectorSubcoreMesh(
        core_axis_name="c", subcore_axis_name="s",
        num_cores=NC, num_subcores=NS)
    return pl.kernel(
        _segment_sum_sc_body,
        out_type=jax.ShapeDtypeStruct((NC, NPAD, 80), jnp.float32),
        mesh=mesh,
        scratch_types=[
            pltpu.VMEM_SHARED((NPAD, 80), jnp.float32),
            pltpu.VMEM((GRP * CHUNK, 80), jnp.float32),
            pltpu.VMEM((GRP, CHUNK), jnp.int32),
            pltpu.VMEM((64, 80), jnp.float32),
            pltpu.SemaphoreType.DMA,
        ],
        compiler_params=pltpu.CompilerParams(use_tc_tiling_on_sc=False),
    )


def _segment_sum_sc_body(pay_hbm, idx_hbm, out_hbm, acc, pbuf, idxbuf, zbuf,
                         sem):
    c = lax.axis_index("c")
    s = lax.axis_index("s")

    def zrow(r, carry):
        for l in range(80 // 16):
            zbuf[r, pl.ds(l * 16, 16)] = jnp.zeros((16,), jnp.float32)
        return carry

    lax.fori_loop(0, 64, zrow, 0)
    for z in range(9):
        pltpu.sync_copy(zbuf, acc.at[pl.ds(s * RPT + z * 64, 64)])
    pltpu.sync_copy(zbuf.at[pl.ds(0, 56)],
                    acc.at[pl.ds(s * RPT + 576, 56)])
    plsc.subcore_barrier()

    def body(g, carry):
        base = s * EPT + g * (GRP * CHUNK)
        for k in range(GRP):
            pltpu.sync_copy(idx_hbm.at[pl.ds(base + k * CHUNK, CHUNK)],
                            idxbuf.at[k])
        pltpu.sync_copy(
            pay_hbm.at[c, pl.ds(base, GRP * CHUNK), pl.ds(0, 80)], pbuf)
        descs = [
            pltpu.async_copy(
                pbuf.at[pl.ds(k * CHUNK, CHUNK)],
                acc.at[idxbuf.at[k]],
                sem, add=True)
            for k in range(GRP)
        ]
        for dsc in descs:
            dsc.wait()
        return carry

    lax.fori_loop(0, CPT // GRP, body, 0)
    plsc.subcore_barrier()
    pltpu.sync_copy(acc.at[pl.ds(s * RPT, RPT)],
                    out_hbm.at[c, pl.ds(s * RPT, RPT)])


def kernel(r_ij, edge_index, W0, b0, Wd, W1, b1, W2, b2, W3, b3, Wv, Wdd):
    src = edge_index[0].astype(jnp.int32)
    r_t = jnp.zeros((3, EP), jnp.float32).at[:, :E].set(r_ij.T)
    idx = jnp.full((EP,), N_NODES, jnp.int32).at[:E].set(src)
    ws = (W0, b0.reshape(-1, 1), Wd, W1, b1.reshape(-1, 1), W2,
          b2.reshape(-1, 1), W3, b3.reshape(-1, 1), Wv, Wdd)
    seg = _build_segment_sum_sc()
    accs = []
    for h in range(NSPLIT):
        pay = _edge_payload(r_t[:, h * EPH:(h + 1) * EPH], *ws)
        accs.append(seg(pay, idx[h * EPH:(h + 1) * EPH]))
    a_a, v_flat, d_flat = _unpack(*accs)
    return (a_a[:N_NODES],
            v_flat[:N_NODES].reshape(N_NODES, 16, 3),
            d_flat[:N_NODES].reshape(N_NODES, 16, 3, 3))

# --- scband reference (transcript-rebuilt; emitter-appended) ---
"""Pipeline reference for scband-displacement-tensors-16003048145210 (READ-ONLY COPY).

The authoritative reference and input builder live on the scoring server;
editing this copy changes nothing except your own understanding.
"""

import jax, jax.numpy as jnp
import numpy as np

N_NODES = 10000
E = 160000
DIM_A = 16
DIM_V = 16
DIM_D = 16
R0 = 5.0


def radial_encode_8(r_ij, r0):
    # 8 Gaussian radial basis functions on |r|/r0, centers linspace(0,1,8)
    d = jnp.sqrt(jnp.sum(r_ij * r_ij, axis=-1) + 1e-12)
    x = d / r0
    mu = jnp.linspace(0.0, 1.0, 8)
    return jnp.exp(-0.5 * ((x[..., None] - mu) * 8.0) ** 2)


def tens_sigmoid(order, t):
    # soft saturation preserving tensor direction: t / sqrt(1 + |t|^2)
    axes = tuple(range(-order, 0))
    n2 = jnp.sum(t * t, axis=axes, keepdims=True)
    return t / jnp.sqrt(1.0 + n2)


def leaky(x):
    return jnp.where(x >= 0, x, 0.1 * x)


def mlp_radial(x, W0, b0, Wd, W1, b1, W2, b2, W3, b3):
    # nn.Linear(8, dim_a) followed by MLP(dim_a) = lin_direct + 3-layer LeakyReLU stack
    h = x @ W0.T + b0
    direct = h @ Wd.T
    y = leaky(h @ W1.T + b1)
    y = leaky(y @ W2.T + b2)
    y = y @ W3.T + b3
    return direct + y


def setup_inputs(seed: int = 0) -> dict:
    key = jax.random.key(seed)
    ks = [jax.random.fold_in(key, i) for i in range(16)]
    r_ij = jax.random.normal(ks[0], (E, 3), dtype=jnp.float32) * 2.0
    edge_index = jax.random.randint(ks[1], (2, E), 0, N_NODES, dtype=jnp.int64)

    def w(k, shape):
        return (jax.random.normal(k, shape, dtype=jnp.float32) / np.sqrt(shape[-1])).astype(jnp.float32)

    return {
        "r_ij": r_ij,
        "edge_index": edge_index,
        "W0": w(ks[2], (DIM_A, 8)),
        "b0": jnp.zeros((DIM_A,), jnp.float32),
        "Wd": w(ks[3], (DIM_A, DIM_A)),
        "W1": w(ks[4], (2 * DIM_A, DIM_A)),
        "b1": jnp.zeros((2 * DIM_A,), jnp.float32),
        "W2": w(ks[5], (2 * DIM_A, 2 * DIM_A)),
        "b2": jnp.zeros((2 * DIM_A,), jnp.float32),
        "W3": w(ks[6], (DIM_A, 2 * DIM_A)),
        "b3": jnp.zeros((DIM_A,), jnp.float32),
        "Wv": w(ks[7], (DIM_V, DIM_A)),
        "Wdd": w(ks[8], (DIM_D, DIM_A)),
    }


def reference(r_ij, edge_index, W0, b0, Wd, W1, b1, W2, b2, W3, b3, Wv, Wdd):
    rad_enc_ij = mlp_radial(radial_encode_8(r_ij, R0), W0, b0, Wd, W1, b1, W2, b2, W3, b3)  # [E, dim_a]
    r = tens_sigmoid(1, r_ij * (7.0 / R0))  # [E, 3]
    phi_a_ij = rad_enc_ij                                             # [E, dim_a]
    phi_v_ij = rad_enc_ij[..., None] * r[..., None, :]                # [E, dim_a, 3]
    phi_d_ij = rad_enc_ij[..., None, None] * r[..., None, None, :] * r[..., None, :, None]  # [E, dim_a, 3, 3]
    src = edge_index[0]
    A_a_i = jax.ops.segment_sum(phi_a_ij, src, num_segments=N_NODES)
    A_v_i = jax.ops.segment_sum(phi_v_ij, src, num_segments=N_NODES)
    A_d_i = jax.ops.segment_sum(phi_d_ij, src, num_segments=N_NODES)
    out_v = jnp.einsum('nac,va->nvc', A_v_i, Wv)       # TensLinear(1, dim_a, dim_v)
    out_d = jnp.einsum('nars,da->ndrs', A_d_i, Wdd)    # TensLinear(2, dim_a, dim_d)
    return (A_a_i, out_v, out_d)

if __name__ == "__main__":
    import jax
    _d = setup_inputs()
    print(jax.jit(kernel)(*tuple(_d.values())))

</pallas_src>

<mosaic_0001>
#map = affine_map<(d0, d1) -> (0, 0, 0)>
#map1 = affine_map<(d0, d1) -> (0)>
module attributes {stable_mosaic.version = 14 : i64} {
  func.func @_segment_sum_sc_body(%arg0: i32, %arg1: i32, %arg2: memref<2x40960x128xf32, #tpu.memory_space<hbm>>, %arg3: memref<40960xi32, #tpu.memory_space<hbm>>, %arg4: memref<2x10112x80xf32, #tpu.memory_space<hbm>>, %arg5: memref<10112x80xf32, #tpu.memory_space<vmem_shared>>, %arg6: memref<512x80xf32, #tpu.memory_space<vmem>>, %arg7: memref<4x128xi32, #tpu.memory_space<vmem>>, %arg8: memref<64x80xf32, #tpu.memory_space<vmem>>, %arg9: memref<!tpu.dma_semaphore, #tpu.memory_space<semaphore_mem>>) attributes {dimension_semantics = [#tpu.dimension_semantics<core_parallel>, #tpu.dimension_semantics<subcore_parallel>], iteration_bounds = array<i64: 2, 16>, scalar_prefetch = 0 : i64, scratch_operands = 5 : i64, tpu.core_type = #tpu.core_type<sc_vector_subcore>, window_params = [{transform_indices = #map}, {transform_indices = #map1}, {transform_indices = #map}]} {
    %scan3A = arith.constant 0 : i32
    %scan3A_0 = arith.constant 0 : i32
    %scan3A_1 = arith.constant 64 : i32
    %scan3A_2 = arith.addi %scan3A_0, %scan3A_1 : i32
    %scan3A_3 = arith.constant 1 : i32
    scf.for %scan3A_54 = %scan3A_0 to %scan3A_2 step %scan3A_3  : i32 {
      %broadcast_in_dim3A = arith.constant 0.000000e+00 : f32
      %broadcast_in_dim3A_55 = vector.broadcast %broadcast_in_dim3A : f32 to vector<16xf32>
      %swap3A = arith.index_cast %scan3A_54 : i32 to index
      %swap3A_56 = arith.constant 0 : index
      %swap3A_57 = tpu.vector_load %arg8[%swap3A, %swap3A_56] {strides = array<i32>} : memref<64x80xf32, #tpu.memory_space<vmem>>, vector<1x16xf32>,
      %swap3A_58 = vector.shape_cast %swap3A_57 : vector<1x16xf32> to vector<16xf32>
      %swap3A_59 = vector.shape_cast %broadcast_in_dim3A_55 : vector<16xf32> to vector<1x16xf32>
      tpu.vector_store %arg8[%swap3A, %swap3A_56], %swap3A_59 {strides = array<i32>} : memref<64x80xf32, #tpu.memory_space<vmem>>, vector<1x16xf32>,
      %broadcast_in_dim3A_60 = arith.constant 0.000000e+00 : f32
      %broadcast_in_dim3A_61 = vector.broadcast %broadcast_in_dim3A_60 : f32 to vector<16xf32>
      %swap3A_62 = arith.index_cast %scan3A_54 : i32 to index
      %swap3A_63 = arith.constant 16 : index
      %swap3A_64 = tpu.vector_load %arg8[%swap3A_62, %swap3A_63] {strides = array<i32>} : memref<64x80xf32, #tpu.memory_space<vmem>>, vector<1x16xf32>,
      %swap3A_65 = vector.shape_cast %swap3A_64 : vector<1x16xf32> to vector<16xf32>
      %swap3A_66 = vector.shape_cast %broadcast_in_dim3A_61 : vector<16xf32> to vector<1x16xf32>
      tpu.vector_store %arg8[%swap3A_62, %swap3A_63], %swap3A_66 {strides = array<i32>} : memref<64x80xf32, #tpu.memory_space<vmem>>, vector<1x16xf32>,
      %broadcast_in_dim3A_67 = arith.constant 0.000000e+00 : f32
      %broadcast_in_dim3A_68 = vector.broadcast %broadcast_in_dim3A_67 : f32 to vector<16xf32>
      %swap3A_69 = arith.index_cast %scan3A_54 : i32 to index
      %swap3A_70 = arith.constant 32 : index
      %swap3A_71 = tpu.vector_load %arg8[%swap3A_69, %swap3A_70] {strides = array<i32>} : memref<64x80xf32, #tpu.memory_space<vmem>>, vector<1x16xf32>,
      %swap3A_72 = vector.shape_cast %swap3A_71 : vector<1x16xf32> to vector<16xf32>
      %swap3A_73 = vector.shape_cast %broadcast_in_dim3A_68 : vector<16xf32> to vector<1x16xf32>
      tpu.vector_store %arg8[%swap3A_69, %swap3A_70], %swap3A_73 {strides = array<i32>} : memref<64x80xf32, #tpu.memory_space<vmem>>, vector<1x16xf32>,
      %broadcast_in_dim3A_74 = arith.constant 0.000000e+00 : f32
      %broadcast_in_dim3A_75 = vector.broadcast %broadcast_in_dim3A_74 : f32 to vector<16xf32>
      %swap3A_76 = arith.index_cast %scan3A_54 : i32 to index
      %swap3A_77 = arith.constant 48 : index
      %swap3A_78 = tpu.vector_load %arg8[%swap3A_76, %swap3A_77] {strides = array<i32>} : memref<64x80xf32, #tpu.memory_space<vmem>>, vector<1x16xf32>,
      %swap3A_79 = vector.shape_cast %swap3A_78 : vector<1x16xf32> to vector<16xf32>
      %swap3A_80 = vector.shape_cast %broadcast_in_dim3A_75 : vector<16xf32> to vector<1x16xf32>
      tpu.vector_store %arg8[%swap3A_76, %swap3A_77], %swap3A_80 {strides = array<i32>} : memref<64x80xf32, #tpu.memory_space<vmem>>, vector<1x16xf32>,
      %broadcast_in_dim3A_81 = arith.constant 0.000000e+00 : f32
      %broadcast_in_dim3A_82 = vector.broadcast %broadcast_in_dim3A_81 : f32 to vector<16xf32>
      %swap3A_83 = arith.index_cast %scan3A_54 : i32 to index
      %swap3A_84 = arith.constant 64 : index
      %swap3A_85 = tpu.vector_load %arg8[%swap3A_83, %swap3A_84] {strides = array<i32>} : memref<64x80xf32, #tpu.memory_space<vmem>>, vector<1x16xf32>,
      %swap3A_86 = vector.shape_cast %swap3A_85 : vector<1x16xf32> to vector<16xf32>
      %swap3A_87 = vector.shape_cast %broadcast_in_dim3A_82 : vector<16xf32> to vector<1x16xf32>
      tpu.vector_store %arg8[%swap3A_83, %swap3A_84], %swap3A_87 {strides = array<i32>} : memref<64x80xf32, #tpu.memory_space<vmem>>, vector<1x16xf32>,
    }
    %scan3A_4 = arith.constant 64 : i32
    %mul3A = arith.constant 632 : i32
    %mul3A_5 = arith.muli %arg1, %mul3A : i32
    %add3A = arith.constant 0 : i32
    %add3A_6 = arith.addi %mul3A_5, %add3A : i32
    "tpu.region"() ({
      %run_scoped3A = tpu.sem_alloc : memref<!tpu.dma_semaphore, #tpu.memory_space<semaphore_mem>>
      %dma_start3A = arith.constant 0 : i32
      %dma_start3A_54 = tpu.memref_slice %arg5[%add3A_6, %dma_start3A] : memref<10112x80xf32, #tpu.memory_space<vmem_shared>> -> memref<64x80xf32, #tpu.memory_space<vmem_shared>>
      %dma_start3A_55 = arith.constant 0 : i32
      %dma_start3A_56 = tpu.memref_slice %arg5[%add3A_6, %dma_start3A_55] : memref<10112x80xf32, #tpu.memory_space<vmem_shared>> -> memref<64x80xf32, #tpu.memory_space<vmem_shared>>
      tpu.enqueue_dma source(%arg8 : memref<64x80xf32, #tpu.memory_space<vmem>>) target(%dma_start3A_56 : memref<64x80xf32, #tpu.memory_space<vmem_shared>>) target_semaphore(%run_scoped3A : memref<!tpu.dma_semaphore, #tpu.memory_space<semaphore_mem>>)
      %dma_wait3A = arith.constant 0 : i32
      %dma_wait3A_57 = tpu.memref_slice %arg5[%add3A_6, %dma_wait3A] : memref<10112x80xf32, #tpu.memory_space<vmem_shared>> -> memref<64x80xf32, #tpu.memory_space<vmem_shared>>
      %dma_wait3A_58 = arith.constant 0 : i32
      %dma_wait3A_59 = tpu.memref_slice %arg5[%add3A_6, %dma_wait3A_58] : memref<10112x80xf32, #tpu.memory_space<vmem_shared>> -> memref<64x80xf32, #tpu.memory_space<vmem_shared>>
      tpu.wait_dma2 semaphore(%run_scoped3A : memref<!tpu.dma_semaphore, #tpu.memory_space<semaphore_mem>>) src(%arg8 : memref<64x80xf32, #tpu.memory_space<vmem>>) dst(%dma_wait3A_59 : memref<64x80xf32, #tpu.memory_space<vmem_shared>>)
      tpu.yield
    }) : () -> ()
    %mul3A_7 = arith.constant 632 : i32
    %mul3A_8 = arith.muli %arg1, %mul3A_7 : i32
    %add3A_9 = arith.constant 64 : i32
    %add3A_10 = arith.addi %mul3A_8, %add3A_9 : i32
    "tpu.region"() ({
      %run_scoped3A = tpu.sem_alloc : memref<!tpu.dma_semaphore, #tpu.memory_space<semaphore_mem>>
      %dma_start3A = arith.constant 0 : i32
      %dma_start3A_54 = tpu.memref_slice %arg5[%add3A_10, %dma_start3A] : memref<10112x80xf32, #tpu.memory_space<vmem_shared>> -> memref<64x80xf32, #tpu.memory_space<vmem_shared>>
      %dma_start3A_55 = arith.constant 0 : i32
      %dma_start3A_56 = tpu.memref_slice %arg5[%add3A_10, %dma_start3A_55] : memref<10112x80xf32, #tpu.memory_space<vmem_shared>> -> memref<64x80xf32, #tpu.memory_space<vmem_shared>>
      tpu.enqueue_dma source(%arg8 : memref<64x80xf32, #tpu.memory_space<vmem>>) target(%dma_start3A_56 : memref<64x80xf32, #tpu.memory_space<vmem_shared>>) target_semaphore(%run_scoped3A : memref<!tpu.dma_semaphore, #tpu.memory_space<semaphore_mem>>)
      %dma_wait3A = arith.constant 0 : i32
      %dma_wait3A_57 = tpu.memref_slice %arg5[%add3A_10, %dma_wait3A] : memref<10112x80xf32, #tpu.memory_space<vmem_shared>> -> memref<64x80xf32, #tpu.memory_space<vmem_shared>>
      %dma_wait3A_58 = arith.constant 0 : i32
      %dma_wait3A_59 = tpu.memref_slice %arg5[%add3A_10, %dma_wait3A_58] : memref<10112x80xf32, #tpu.memory_space<vmem_shared>> -> memref<64x80xf32, #tpu.memory_space<vmem_shared>>
      tpu.wait_dma2 semaphore(%run_scoped3A : memref<!tpu.dma_semaphore, #tpu.memory_space<semaphore_mem>>) src(%arg8 : memref<64x80xf32, #tpu.memory_space<vmem>>) dst(%dma_wait3A_59 : memref<64x80xf32, #tpu.memory_space<vmem_shared>>)
      tpu.yield
    }) : () -> ()
    %mul3A_11 = arith.constant 632 : i32
    %mul3A_12 = arith.muli %arg1, %mul3A_11 : i32
    %add3A_13 = arith.constant 128 : i32
    %add3A_14 = arith.addi %mul3A_12, %add3A_13 : i32
    "tpu.region"() ({
      %run_scoped3A = tpu.sem_alloc : memref<!tpu.dma_semaphore, #tpu.memory_space<semaphore_mem>>
      %dma_start3A = arith.constant 0 : i32
      %dma_start3A_54 = tpu.memref_slice %arg5[%add3A_14, %dma_start3A] : memref<10112x80xf32, #tpu.memory_space<vmem_shared>> -> memref<64x80xf32, #tpu.memory_space<vmem_shared>>
      %dma_start3A_55 = arith.constant 0 : i32
      %dma_start3A_56 = tpu.memref_slice %arg5[%add3A_14, %dma_start3A_55] : memref<10112x80xf32, #tpu.memory_space<vmem_shared>> -> memref<64x80xf32, #tpu.memory_space<vmem_shared>>
      tpu.enqueue_dma source(%arg8 : memref<64x80xf32, #tpu.memory_space<vmem>>) target(%dma_start3A_56 : memref<64x80xf32, #tpu.memory_space<vmem_shared>>) target_semaphore(%run_scoped3A : memref<!tpu.dma_semaphore, #tpu.memory_space<semaphore_mem>>)
      %dma_wait3A = arith.constant 0 : i32
      %dma_wait3A_57 = tpu.memref_slice %arg5[%add3A_14, %dma_wait3A] : memref<10112x80xf32, #tpu.memory_space<vmem_shared>> -> memref<64x80xf32, #tpu.memory_space<vmem_shared>>
      %dma_wait3A_58 = arith.constant 0 : i32
      %dma_wait3A_59 = tpu.memref_slice %arg5[%add3A_14, %dma_wait3A_58] : memref<10112x80xf32, #tpu.memory_space<vmem_shared>> -> memref<64x80xf32, #tpu.memory_space<vmem_shared>>
      tpu.wait_dma2 semaphore(%run_scoped3A : memref<!tpu.dma_semaphore, #tpu.memory_space<semaphore_mem>>) src(%arg8 : memref<64x80xf32, #tpu.memory_space<vmem>>) dst(%dma_wait3A_59 : memref<64x80xf32, #tpu.memory_space<vmem_shared>>)
      tpu.yield
    }) : () -> ()
    %mul3A_15 = arith.constant 632 : i32
    %mul3A_16 = arith.muli %arg1, %mul3A_15 : i32
    %add3A_17 = arith.constant 192 : i32
    %add3A_18 = arith.addi %mul3A_16, %add3A_17 : i32
    "tpu.region"() ({
      %run_scoped3A = tpu.sem_alloc : memref<!tpu.dma_semaphore, #tpu.memory_space<semaphore_mem>>
      %dma_start3A = arith.constant 0 : i32
      %dma_start3A_54 = tpu.memref_slice %arg5[%add3A_18, %dma_start3A] : memref<10112x80xf32, #tpu.memory_space<vmem_shared>> -> memref<64x80xf32, #tpu.memory_space<vmem_shared>>
      %dma_start3A_55 = arith.constant 0 : i32
      %dma_start3A_56 = tpu.memref_slice %arg5[%add3A_18, %dma_start3A_55] : memref<10112x80xf32, #tpu.memory_space<vmem_shared>> -> memref<64x80xf32, #tpu.memory_space<vmem_shared>>
      tpu.enqueue_dma source(%arg8 : memref<64x80xf32, #tpu.memory_space<vmem>>) target(%dma_start3A_56 : memref<64x80xf32, #tpu.memory_space<vmem_shared>>) target_semaphore(%run_scoped3A : memref<!tpu.dma_semaphore, #tpu.memory_space<semaphore_mem>>)
      %dma_wait3A = arith.constant 0 : i32
      %dma_wait3A_57 = tpu.memref_slice %arg5[%add3A_18, %dma_wait3A] : memref<10112x80xf32, #tpu.memory_space<vmem_shared>> -> memref<64x80xf32, #tpu.memory_space<vmem_shared>>
      %dma_wait3A_58 = arith.constant 0 : i32
      %dma_wait3A_59 = tpu.memref_slice %arg5[%add3A_18, %dma_wait3A_58] : memref<10112x80xf32, #tpu.memory_space<vmem_shared>> -> memref<64x80xf32, #tpu.memory_space<vmem_shared>>
      tpu.wait_dma2 semaphore(%run_scoped3A : memref<!tpu.dma_semaphore, #tpu.memory_space<semaphore_mem>>) src(%arg8 : memref<64x80xf32, #tpu.memory_space<vmem>>) dst(%dma_wait3A_59 : memref<64x80xf32, #tpu.memory_space<vmem_shared>>)
      tpu.yield
    }) : () -> ()
    %mul3A_19 = arith.constant 632 : i32
    %mul3A_20 = arith.muli %arg1, %mul3A_19 : i32
    %add3A_21 = arith.constant 256 : i32
    %add3A_22 = arith.addi %mul3A_20, %add3A_21 : i32
    "tpu.region"() ({
      %run_scoped3A = tpu.sem_alloc : memref<!tpu.dma_semaphore, #tpu.memory_space<semaphore_mem>>
      %dma_start3A = arith.constant 0 : i32
      %dma_start3A_54 = tpu.memref_slice %arg5[%add3A_22, %dma_start3A] : memref<10112x80xf32, #tpu.memory_space<vmem_shared>> -> memref<64x80xf32, #tpu.memory_space<vmem_shared>>
      %dma_start3A_55 = arith.constant 0 : i32
      %dma_start3A_56 = tpu.memref_slice %arg5[%add3A_22, %dma_start3A_55] : memref<10112x80xf32, #tpu.memory_space<vmem_shared>> -> memref<64x80xf32, #tpu.memory_space<vmem_shared>>
      tpu.enqueue_dma source(%arg8 : memref<64x80xf32, #tpu.memory_space<vmem>>) target(%dma_start3A_56 : memref<64x80xf32, #tpu.memory_space<vmem_shared>>) target_semaphore(%run_scoped3A : memref<!tpu.dma_semaphore, #tpu.memory_space<semaphore_mem>>)
      %dma_wait3A = arith.constant 0 : i32
      %dma_wait3A_57 = tpu.memref_slice %arg5[%add3A_22, %dma_wait3A] : memref<10112x80xf32, #tpu.memory_space<vmem_shared>> -> memref<64x80xf32, #tpu.memory_space<vmem_shared>>
      %dma_wait3A_58 = arith.constant 0 : i32
      %dma_wait3A_59 = tpu.memref_slice %arg5[%add3A_22, %dma_wait3A_58] : memref<10112x80xf32, #tpu.memory_space<vmem_shared>> -> memref<64x80xf32, #tpu.memory_space<vmem_shared>>
      tpu.wait_dma2 semaphore(%run_scoped3A : memref<!tpu.dma_semaphore, #tpu.memory_space<semaphore_mem>>) src(%arg8 : memref<64x80xf32, #tpu.memory_space<vmem>>) dst(%dma_wait3A_59 : memref<64x80xf32, #tpu.memory_space<vmem_shared>>)
      tpu.yield
    }) : () -> ()
    %mul3A_23 = arith.constant 632 : i32
    %mul3A_24 = arith.muli %arg1, %mul3A_23 : i32
    %add3A_25 = arith.constant 320 : i32
    %add3A_26 = arith.addi %mul3A_24, %add3A_25 : i32
    "tpu.region"() ({
      %run_scoped3A = tpu.sem_alloc : memref<!tpu.dma_semaphore, #tpu.memory_space<semaphore_mem>>
      %dma_start3A = arith.constant 0 : i32
      %dma_start3A_54 = tpu.memref_slice %arg5[%add3A_26, %dma_start3A] : memref<10112x80xf32, #tpu.memory_space<vmem_shared>> -> memref<64x80xf32, #tpu.memory_space<vmem_shared>>
      %dma_start3A_55 = arith.constant 0 : i32
      %dma_start3A_56 = tpu.memref_slice %arg5[%add3A_26, %dma_start3A_55] : memref<10112x80xf32, #tpu.memory_space<vmem_shared>> -> memref<64x80xf32, #tpu.memory_space<vmem_shared>>
      tpu.enqueue_dma source(%arg8 : memref<64x80xf32, #tpu.memory_space<vmem>>) target(%dma_start3A_56 : memref<64x80xf32, #tpu.memory_space<vmem_shared>>) target_semaphore(%run_scoped3A : memref<!tpu.dma_semaphore, #tpu.memory_space<semaphore_mem>>)
      %dma_wait3A = arith.constant 0 : i32
      %dma_wait3A_57 = tpu.memref_slice %arg5[%add3A_26, %dma_wait3A] : memref<10112x80xf32, #tpu.memory_space<vmem_shared>> -> memref<64x80xf32, #tpu.memory_space<vmem_shared>>
      %dma_wait3A_58 = arith.constant 0 : i32
      %dma_wait3A_59 = tpu.memref_slice %arg5[%add3A_26, %dma_wait3A_58] : memref<10112x80xf32, #tpu.memory_space<vmem_shared>> -> memref<64x80xf32, #tpu.memory_space<vmem_shared>>
      tpu.wait_dma2 semaphore(%run_scoped3A : memref<!tpu.dma_semaphore, #tpu.memory_space<semaphore_mem>>) src(%arg8 : memref<64x80xf32, #tpu.memory_space<vmem>>) dst(%dma_wait3A_59 : memref<64x80xf32, #tpu.memory_space<vmem_shared>>)
      tpu.yield
    }) : () -> ()
    %mul3A_27 = arith.constant 632 : i32
    %mul3A_28 = arith.muli %arg1, %mul3A_27 : i32
    %add3A_29 = arith.constant 384 : i32
    %add3A_30 = arith.addi %mul3A_28, %add3A_29 : i32
    "tpu.region"() ({
      %run_scoped3A = tpu.sem_alloc : memref<!tpu.dma_semaphore, #tpu.memory_space<semaphore_mem>>
      %dma_start3A = arith.constant 0 : i32
      %dma_start3A_54 = tpu.memref_slice %arg5[%add3A_30, %dma_start3A] : memref<10112x80xf32, #tpu.memory_space<vmem_shared>> -> memref<64x80xf32, #tpu.memory_space<vmem_shared>>
      %dma_start3A_55 = arith.constant 0 : i32
      %dma_start3A_56 = tpu.memref_slice %arg5[%add3A_30, %dma_start3A_55] : memref<10112x80xf32, #tpu.memory_space<vmem_shared>> -> memref<64x80xf32, #tpu.memory_space<vmem_shared>>
      tpu.enqueue_dma source(%arg8 : memref<64x80xf32, #tpu.memory_space<vmem>>) target(%dma_start3A_56 : memref<64x80xf32, #tpu.memory_space<vmem_shared>>) target_semaphore(%run_scoped3A : memref<!tpu.dma_semaphore, #tpu.memory_space<semaphore_mem>>)
      %dma_wait3A = arith.constant 0 : i32
      %dma_wait3A_57 = tpu.memref_slice %arg5[%add3A_30, %dma_wait3A] : memref<10112x80xf32, #tpu.memory_space<vmem_shared>> -> memref<64x80xf32, #tpu.memory_space<vmem_shared>>
      %dma_wait3A_58 = arith.constant 0 : i32
      %dma_wait3A_59 = tpu.memref_slice %arg5[%add3A_30, %dma_wait3A_58] : memref<10112x80xf32, #tpu.memory_space<vmem_shared>> -> memref<64x80xf32, #tpu.memory_space<vmem_shared>>
      tpu.wait_dma2 semaphore(%run_scoped3A : memref<!tpu.dma_semaphore, #tpu.memory_space<semaphore_mem>>) src(%arg8 : memref<64x80xf32, #tpu.memory_space<vmem>>) dst(%dma_wait3A_59 : memref<64x80xf32, #tpu.memory_space<vmem_shared>>)
      tpu.yield
    }) : () -> ()
    %mul3A_31 = arith.constant 632 : i32
    %mul3A_32 = arith.muli %arg1, %mul3A_31 : i32
    %add3A_33 = arith.constant 448 : i32
    %add3A_34 = arith.addi %mul3A_32, %add3A_33 : i32
    "tpu.region"() ({
      %run_scoped3A = tpu.sem_alloc : memref<!tpu.dma_semaphore, #tpu.memory_space<semaphore_mem>>
      %dma_start3A = arith.constant 0 : i32
      %dma_start3A_54 = tpu.memref_slice %arg5[%add3A_34, %dma_start3A] : memref<10112x80xf32, #tpu.memory_space<vmem_shared>> -> memref<64x80xf32, #tpu.memory_space<vmem_shared>>
      %dma_start3A_55 = arith.constant 0 : i32
      %dma_start3A_56 = tpu.memref_slice %arg5[%add3A_34, %dma_start3A_55] : memref<10112x80xf32, #tpu.memory_space<vmem_shared>> -> memref<64x80xf32, #tpu.memory_space<vmem_shared>>
      tpu.enqueue_dma source(%arg8 : memref<64x80xf32, #tpu.memory_space<vmem>>) target(%dma_start3A_56 : memref<64x80xf32, #tpu.memory_space<vmem_shared>>) target_semaphore(%run_scoped3A : memref<!tpu.dma_semaphore, #tpu.memory_space<semaphore_mem>>)
      %dma_wait3A = arith.constant 0 : i32
      %dma_wait3A_57 = tpu.memref_slice %arg5[%add3A_34, %dma_wait3A] : memref<10112x80xf32, #tpu.memory_space<vmem_shared>> -> memref<64x80xf32, #tpu.memory_space<vmem_shared>>
      %dma_wait3A_58 = arith.constant 0 : i32
      %dma_wait3A_59 = tpu.memref_slice %arg5[%add3A_34, %dma_wait3A_58] : memref<10112x80xf32, #tpu.memory_space<vmem_shared>> -> memref<64x80xf32, #tpu.memory_space<vmem_shared>>
      tpu.wait_dma2 semaphore(%run_scoped3A : memref<!tpu.dma_semaphore, #tpu.memory_space<semaphore_mem>>) src(%arg8 : memref<64x80xf32, #tpu.memory_space<vmem>>) dst(%dma_wait3A_59 : memref<64x80xf32, #tpu.memory_space<vmem_shared>>)
      tpu.yield
    }) : () -> ()
    %mul3A_35 = arith.constant 632 : i32
    %mul3A_36 = arith.muli %arg1, %mul3A_35 : i32
    %add3A_37 = arith.constant 512 : i32
    %add3A_38 = arith.addi %mul3A_36, %add3A_37 : i32
    "tpu.region"() ({
      %run_scoped3A = tpu.sem_alloc : memref<!tpu.dma_semaphore, #tpu.memory_space<semaphore_mem>>
      %dma_start3A = arith.constant 0 : i32
      %dma_start3A_54 = tpu.memref_slice %arg5[%add3A_38, %dma_start3A] : memref<10112x80xf32, #tpu.memory_space<vmem_shared>> -> memref<64x80xf32, #tpu.memory_space<vmem_shared>>
      %dma_start3A_55 = arith.constant 0 : i32
      %dma_start3A_56 = tpu.memref_slice %arg5[%add3A_38, %dma_start3A_55] : memref<10112x80xf32, #tpu.memory_space<vmem_shared>> -> memref<64x80xf32, #tpu.memory_space<vmem_shared>>
      tpu.enqueue_dma source(%arg8 : memref<64x80xf32, #tpu.memory_space<vmem>>) target(%dma_start3A_56 : memref<64x80xf32, #tpu.memory_space<vmem_shared>>) target_semaphore(%run_scoped3A : memref<!tpu.dma_semaphore, #tpu.memory_space<semaphore_mem>>)
      %dma_wait3A = arith.constant 0 : i32
      %dma_wait3A_57 = tpu.memref_slice %arg5[%add3A_38, %dma_wait3A] : memref<10112x80xf32, #tpu.memory_space<vmem_shared>> -> memref<64x80xf32, #tpu.memory_space<vmem_shared>>
      %dma_wait3A_58 = arith.constant 0 : i32
      %dma_wait3A_59 = tpu.memref_slice %arg5[%add3A_38, %dma_wait3A_58] : memref<10112x80xf32, #tpu.memory_space<vmem_shared>> -> memref<64x80xf32, #tpu.memory_space<vmem_shared>>
      tpu.wait_dma2 semaphore(%run_scoped3A : memref<!tpu.dma_semaphore, #tpu.memory_space<semaphore_mem>>) src(%arg8 : memref<64x80xf32, #tpu.memory_space<vmem>>) dst(%dma_wait3A_59 : memref<64x80xf32, #tpu.memory_space<vmem_shared>>)
      tpu.yield
    }) : () -> ()
    %mul3A_39 = arith.constant 632 : i32
    %mul3A_40 = arith.muli %arg1, %mul3A_39 : i32
    %add3A_41 = arith.constant 576 : i32
    %add3A_42 = arith.addi %mul3A_40, %add3A_41 : i32
    "tpu.region"() ({
      %run_scoped3A = tpu.sem_alloc : memref<!tpu.dma_semaphore, #tpu.memory_space<semaphore_mem>>
      %dma_start3A = arith.constant 0 : i32
      %dma_start3A_54 = arith.constant 0 : i32
      %dma_start3A_55 = tpu.memref_slice %arg8[%dma_start3A, %dma_start3A_54] : memref<64x80xf32, #tpu.memory_space<vmem>> -> memref<56x80xf32, #tpu.memory_space<vmem>>
      %dma_start3A_56 = arith.constant 0 : i32
      %dma_start3A_57 = tpu.memref_slice %arg5[%add3A_42, %dma_start3A_56] : memref<10112x80xf32, #tpu.memory_space<vmem_shared>> -> memref<56x80xf32, #tpu.memory_space<vmem_shared>>
      %dma_start3A_58 = arith.constant 0 : i32
      %dma_start3A_59 = tpu.memref_slice %arg5[%add3A_42, %dma_start3A_58] : memref<10112x80xf32, #tpu.memory_space<vmem_shared>> -> memref<56x80xf32, #tpu.memory_space<vmem_shared>>
      %dma_start3A_60 = arith.constant 0 : i32
      %dma_start3A_61 = arith.constant 0 : i32
      %dma_start3A_62 = tpu.memref_slice %arg8[%dma_start3A_60, %dma_start3A_61] : memref<64x80xf32, #tpu.memory_space<vmem>> -> memref<56x80xf32, #tpu.memory_space<vmem>>
      tpu.enqueue_dma source(%dma_start3A_62 : memref<56x80xf32, #tpu.memory_space<vmem>>) target(%dma_start3A_59 : memref<56x80xf32, #tpu.memory_space<vmem_shared>>) target_semaphore(%run_scoped3A : memref<!tpu.dma_semaphore, #tpu.memory_space<semaphore_mem>>)
      %dma_wait3A = arith.constant 0 : i32
      %dma_wait3A_63 = arith.constant 0 : i32
      %dma_wait3A_64 = tpu.memref_slice %arg8[%dma_wait3A, %dma_wait3A_63] : memref<64x80xf32, #tpu.memory_space<vmem>> -> memref<56x80xf32, #tpu.memory_space<vmem>>
      %dma_wait3A_65 = arith.constant 0 : i32
      %dma_wait3A_66 = tpu.memref_slice %arg5[%add3A_42, %dma_wait3A_65] : memref<10112x80xf32, #tpu.memory_space<vmem_shared>> -> memref<56x80xf32, #tpu.memory_space<vmem_shared>>
      %dma_wait3A_67 = arith.constant 0 : i32
      %dma_wait3A_68 = tpu.memref_slice %arg5[%add3A_42, %dma_wait3A_67] : memref<10112x80xf32, #tpu.memory_space<vmem_shared>> -> memref<56x80xf32, #tpu.memory_space<vmem_shared>>
      %dma_wait3A_69 = arith.constant 0 : i32
      %dma_wait3A_70 = arith.constant 0 : i32
      %dma_wait3A_71 = tpu.memref_slice %arg8[%dma_wait3A_69, %dma_wait3A_70] : memref<64x80xf32, #tpu.memory_space<vmem>> -> memref<56x80xf32, #tpu.memory_space<vmem>>
      tpu.wait_dma2 semaphore(%run_scoped3A : memref<!tpu.dma_semaphore, #tpu.memory_space<semaphore_mem>>) src(%dma_wait3A_71 : memref<56x80xf32, #tpu.memory_space<vmem>>) dst(%dma_wait3A_68 : memref<56x80xf32, #tpu.memory_space<vmem_shared>>)
      tpu.yield
    }) : () -> ()
    %barrier3A = arith.constant 0 : index
    tpu.barrier barrier_id(%barrier3A)
    %scan3A_43 = arith.constant 0 : i32
    %scan3A_44 = arith.constant 0 : i32
    %scan3A_45 = arith.constant 5 : i32
    %scan3A_46 = arith.addi %scan3A_44, %scan3A_45 : i32
    %scan3A_47 = arith.constant 1 : i32
    scf.for %scan3A_54 = %scan3A_44 to %scan3A_46 step %scan3A_47  : i32 {
      %mul3A_55 = arith.constant 2560 : i32
      %mul3A_56 = arith.muli %arg1, %mul3A_55 : i32
      %mul3A_57 = arith.constant 512 : i32
      %mul3A_58 = arith.muli %scan3A_54, %mul3A_57 : i32
      %add3A_59 = arith.addi %mul3A_56, %mul3A_58 : i32
      %add3A_60 = arith.constant 0 : i32
      %add3A_61 = arith.addi %add3A_59, %add3A_60 : i32
      %run_scoped3A = arith.constant 0 : i32
      "tpu.region"() ({
        %run_scoped3A_149 = tpu.sem_alloc : memref<!tpu.dma_semaphore, #tpu.memory_space<semaphore_mem>>
        %dma_start3A_150 = arith.constant 0 : i32
        %dma_start3A_151 = tpu.memref_slice %arg7[%run_scoped3A, %dma_start3A_150] : memref<4x128xi32, #tpu.memory_space<vmem>> -> memref<1x128xi32, #tpu.memory_space<vmem>>
        %dma_start3A_152 = tpu.memref_squeeze %dma_start3A_151 : memref<1x128xi32, #tpu.memory_space<vmem>> -> memref<128xi32, #tpu.memory_space<vmem>>
        %dma_start3A_153 = tpu.memref_slice %arg3[%add3A_61] : memref<40960xi32, #tpu.memory_space<hbm>> -> memref<128xi32, #tpu.memory_space<hbm>>
        %dma_start3A_154 = arith.constant 0 : i32
        %dma_start3A_155 = tpu.memref_slice %arg7[%run_scoped3A, %dma_start3A_154] : memref<4x128xi32, #tpu.memory_space<vmem>> -> memref<1x128xi32, #tpu.memory_space<vmem>>
        %dma_start3A_156 = tpu.memref_squeeze %dma_start3A_155 : memref<1x128xi32, #tpu.memory_space<vmem>> -> memref<128xi32, #tpu.memory_space<vmem>>
        %dma_start3A_157 = tpu.memref_slice %arg3[%add3A_61] : memref<40960xi32, #tpu.memory_space<hbm>> -> memref<128xi32, #tpu.memory_space<hbm>>
        tpu.enqueue_dma source(%dma_start3A_157 : memref<128xi32, #tpu.memory_space<hbm>>) target(%dma_start3A_156 : memref<128xi32, #tpu.memory_space<vmem>>) target_semaphore(%run_scoped3A_149 : memref<!tpu.dma_semaphore, #tpu.memory_space<semaphore_mem>>)
        %dma_wait3A_158 = arith.constant 0 : i32
        %dma_wait3A_159 = tpu.memref_slice %arg7[%run_scoped3A, %dma_wait3A_158] : memref<4x128xi32, #tpu.memory_space<vmem>> -> memref<1x128xi32, #tpu.memory_space<vmem>>
        %dma_wait3A_160 = tpu.memref_squeeze %dma_wait3A_159 : memref<1x128xi32, #tpu.memory_space<vmem>> -> memref<128xi32, #tpu.memory_space<vmem>>
        %dma_wait3A_161 = tpu.memref_slice %arg3[%add3A_61] : memref<40960xi32, #tpu.memory_space<hbm>> -> memref<128xi32, #tpu.memory_space<hbm>>
        %dma_wait3A_162 = arith.constant 0 : i32
        %dma_wait3A_163 = tpu.memref_slice %arg7[%run_scoped3A, %dma_wait3A_162] : memref<4x128xi32, #tpu.memory_space<vmem>> -> memref<1x128xi32, #tpu.memory_space<vmem>>
        %dma_wait3A_164 = tpu.memref_squeeze %dma_wait3A_163 : memref<1x128xi32, #tpu.memory_space<vmem>> -> memref<128xi32, #tpu.memory_space<vmem>>
        %dma_wait3A_165 = tpu.memref_slice %arg3[%add3A_61] : memref<40960xi32, #tpu.memory_space<hbm>> -> memref<128xi32, #tpu.memory_space<hbm>>
        tpu.wait_dma2 semaphore(%run_scoped3A_149 : memref<!tpu.dma_semaphore, #tpu.memory_space<semaphore_mem>>) src(%dma_wait3A_165 : memref<128xi32, #tpu.memory_space<hbm>>) dst(%dma_wait3A_164 : memref<128xi32, #tpu.memory_space<vmem>>)
        tpu.yield
      }) : () -> ()
      %add3A_62 = arith.constant 128 : i32
      %add3A_63 = arith.addi %add3A_59, %add3A_62 : i32
      %run_scoped3A_64 = arith.constant 1 : i32
      "tpu.region"() ({
        %run_scoped3A_149 = tpu.sem_alloc : memref<!tpu.dma_semaphore, #tpu.memory_space<semaphore_mem>>
        %dma_start3A_150 = arith.constant 0 : i32
        %dma_start3A_151 = tpu.memref_slice %arg7[%run_scoped3A_64, %dma_start3A_150] : memref<4x128xi32, #tpu.memory_space<vmem>> -> memref<1x128xi32, #tpu.memory_space<vmem>>
        %dma_start3A_152 = tpu.memref_squeeze %dma_start3A_151 : memref<1x128xi32, #tpu.memory_space<vmem>> -> memref<128xi32, #tpu.memory_space<vmem>>
        %dma_start3A_153 = tpu.memref_slice %arg3[%add3A_63] : memref<40960xi32, #tpu.memory_space<hbm>> -> memref<128xi32, #tpu.memory_space<hbm>>
        %dma_start3A_154 = arith.constant 0 : i32
        %dma_start3A_155 = tpu.memref_slice %arg7[%run_scoped3A_64, %dma_start3A_154] : memref<4x128xi32, #tpu.memory_space<vmem>> -> memref<1x128xi32, #tpu.memory_space<vmem>>
        %dma_start3A_156 = tpu.memref_squeeze %dma_start3A_155 : memref<1x128xi32, #tpu.memory_space<vmem>> -> memref<128xi32, #tpu.memory_space<vmem>>
        %dma_start3A_157 = tpu.memref_slice %arg3[%add3A_63] : memref<40960xi32, #tpu.memory_space<hbm>> -> memref<128xi32, #tpu.memory_space<hbm>>
        tpu.enqueue_dma source(%dma_start3A_157 : memref<128xi32, #tpu.memory_space<hbm>>) target(%dma_start3A_156 : memref<128xi32, #tpu.memory_space<vmem>>) target_semaphore(%run_scoped3A_149 : memref<!tpu.dma_semaphore, #tpu.memory_space<semaphore_mem>>)
        %dma_wait3A_158 = arith.constant 0 : i32
        %dma_wait3A_159 = tpu.memref_slice %arg7[%run_scoped3A_64, %dma_wait3A_158] : memref<4x128xi32, #tpu.memory_space<vmem>> -> memref<1x128xi32, #tpu.memory_space<vmem>>
        %dma_wait3A_160 = tpu.memref_squeeze %dma_wait3A_159 : memref<1x128xi32, #tpu.memory_space<vmem>> -> memref<128xi32, #tpu.memory_space<vmem>>
        %dma_wait3A_161 = tpu.memref_slice %arg3[%add3A_63] : memref<40960xi32, #tpu.memory_space<hbm>> -> memref<128xi32, #tpu.memory_space<hbm>>
        %dma_wait3A_162 = arith.constant 0 : i32
        %dma_wait3A_163 = tpu.memref_slice %arg7[%run_scoped3A_64, %dma_wait3A_162] : memref<4x128xi32, #tpu.memory_space<vmem>> -> memref<1x128xi32, #tpu.memory_space<vmem>>
        %dma_wait3A_164 = tpu.memref_squeeze %dma_wait3A_163 : memref<1x128xi32, #tpu.memory_space<vmem>> -> memref<128xi32, #tpu.memory_space<vmem>>
        %dma_wait3A_165 = tpu.memref_slice %arg3[%add3A_63] : memref<40960xi32, #tpu.memory_space<hbm>> -> memref<128xi32, #tpu.memory_space<hbm>>
        tpu.wait_dma2 semaphore(%run_scoped3A_149 : memref<!tpu.dma_semaphore, #tpu.memory_space<semaphore_mem>>) src(%dma_wait3A_165 : memref<128xi32, #tpu.memory_space<hbm>>) dst(%dma_wait3A_164 : memref<128xi32, #tpu.memory_space<vmem>>)
        tpu.yield
      }) : () -> ()
      %add3A_65 = arith.constant 256 : i32
      %add3A_66 = arith.addi %add3A_59, %add3A_65 : i32
      %run_scoped3A_67 = arith.constant 2 : i32
      "tpu.region"() ({
        %run_scoped3A_149 = tpu.sem_alloc : memref<!tpu.dma_semaphore, #tpu.memory_space<semaphore_mem>>
        %dma_start3A_150 = arith.constant 0 : i32
        %dma_start3A_151 = tpu.memref_slice %arg7[%run_scoped3A_67, %dma_start3A_150] : memref<4x128xi32, #tpu.memory_space<vmem>> -> memref<1x128xi32, #tpu.memory_space<vmem>>
        %dma_start3A_152 = tpu.memref_squeeze %dma_start3A_151 : memref<1x128xi32, #tpu.memory_space<vmem>> -> memref<128xi32, #tpu.memory_space<vmem>>
        %dma_start3A_153 = tpu.memref_slice %arg3[%add3A_66] : memref<40960xi32, #tpu.memory_space<hbm>> -> memref<128xi32, #tpu.memory_space<hbm>>
        %dma_start3A_154 = arith.constant 0 : i32
        %dma_start3A_155 = tpu.memref_slice %arg7[%run_scoped3A_67, %dma_start3A_154] : memref<4x128xi32, #tpu.memory_space<vmem>> -> memref<1x128xi32, #tpu.memory_space<vmem>>
        %dma_start3A_156 = tpu.memref_squeeze %dma_start3A_155 : memref<1x128xi32, #tpu.memory_space<vmem>> -> memref<128xi32, #tpu.memory_space<vmem>>
        %dma_start3A_157 = tpu.memref_slice %arg3[%add3A_66] : memref<40960xi32, #tpu.memory_space<hbm>> -> memref<128xi32, #tpu.memory_space<hbm>>
        tpu.enqueue_dma source(%dma_start3A_157 : memref<128xi32, #tpu.memory_space<hbm>>) target(%dma_start3A_156 : memref<128xi32, #tpu.memory_space<vmem>>) target_semaphore(%run_scoped3A_149 : memref<!tpu.dma_semaphore, #tpu.memory_space<semaphore_mem>>)
        %dma_wait3A_158 = arith.constant 0 : i32
        %dma_wait3A_159 = tpu.memref_slice %arg7[%run_scoped3A_67, %dma_wait3A_158] : memref<4x128xi32, #tpu.memory_space<vmem>> -> memref<1x128xi32, #tpu.memory_space<vmem>>
        %dma_wait3A_160 = tpu.memref_squeeze %dma_wait3A_159 : memref<1x128xi32, #tpu.memory_space<vmem>> -> memref<128xi32, #tpu.memory_space<vmem>>
        %dma_wait3A_161 = tpu.memref_slice %arg3[%add3A_66] : memref<40960xi32, #tpu.memory_space<hbm>> -> memref<128xi32, #tpu.memory_space<hbm>>
        %dma_wait3A_162 = arith.constant 0 : i32
        %dma_wait3A_163 = tpu.memref_slice %arg7[%run_scoped3A_67, %dma_wait3A_162] : memref<4x128xi32, #tpu.memory_space<vmem>> -> memref<1x128xi32, #tpu.memory_space<vmem>>
        %dma_wait3A_164 = tpu.memref_squeeze %dma_wait3A_163 : memref<1x128xi32, #tpu.memory_space<vmem>> -> memref<128xi32, #tpu.memory_space<vmem>>
        %dma_wait3A_165 = tpu.memref_slice %arg3[%add3A_66] : memref<40960xi32, #tpu.memory_space<hbm>> -> memref<128xi32, #tpu.memory_space<hbm>>
        tpu.wait_dma2 semaphore(%run_scoped3A_149 : memref<!tpu.dma_semaphore, #tpu.memory_space<semaphore_mem>>) src(%dma_wait3A_165 : memref<128xi32, #tpu.memory_space<hbm>>) dst(%dma_wait3A_164 : memref<128xi32, #tpu.memory_space<vmem>>)
        tpu.yield
      }) : () -> ()
      %add3A_68 = arith.constant 384 : i32
      %add3A_69 = arith.addi %add3A_59, %add3A_68 : i32
      %run_scoped3A_70 = arith.constant 3 : i32
      "tpu.region"() ({
        %run_scoped3A_149 = tpu.sem_alloc : memref<!tpu.dma_semaphore, #tpu.memory_space<semaphore_mem>>
        %dma_start3A_150 = arith.constant 0 : i32
        %dma_start3A_151 = tpu.memref_slice %arg7[%run_scoped3A_70, %dma_start3A_150] : memref<4x128xi32, #tpu.memory_space<vmem>> -> memref<1x128xi32, #tpu.memory_space<vmem>>
        %dma_start3A_152 = tpu.memref_squeeze %dma_start3A_151 : memref<1x128xi32, #tpu.memory_space<vmem>> -> memref<128xi32, #tpu.memory_space<vmem>>
        %dma_start3A_153 = tpu.memref_slice %arg3[%add3A_69] : memref<40960xi32, #tpu.memory_space<hbm>> -> memref<128xi32, #tpu.memory_space<hbm>>
        %dma_start3A_154 = arith.constant 0 : i32
        %dma_start3A_155 = tpu.memref_slice %arg7[%run_scoped3A_70, %dma_start3A_154] : memref<4x128xi32, #tpu.memory_space<vmem>> -> memref<1x128xi32, #tpu.memory_space<vmem>>
        %dma_start3A_156 = tpu.memref_squeeze %dma_start3A_155 : memref<1x128xi32, #tpu.memory_space<vmem>> -> memref<128xi32, #tpu.memory_space<vmem>>
        %dma_start3A_157 = tpu.memref_slice %arg3[%add3A_69] : memref<40960xi32, #tpu.memory_space<hbm>> -> memref<128xi32, #tpu.memory_space<hbm>>
        tpu.enqueue_dma source(%dma_start3A_157 : memref<128xi32, #tpu.memory_space<hbm>>) target(%dma_start3A_156 : memref<128xi32, #tpu.memory_space<vmem>>) target_semaphore(%run_scoped3A_149 : memref<!tpu.dma_semaphore, #tpu.memory_space<semaphore_mem>>)
        %dma_wait3A_158 = arith.constant 0 : i32
        %dma_wait3A_159 = tpu.memref_slice %arg7[%run_scoped3A_70, %dma_wait3A_158] : memref<4x128xi32, #tpu.memory_space<vmem>> -> memref<1x128xi32, #tpu.memory_space<vmem>>
        %dma_wait3A_160 = tpu.memref_squeeze %dma_wait3A_159 : memref<1x128xi32, #tpu.memory_space<vmem>> -> memref<128xi32, #tpu.memory_space<vmem>>
        %dma_wait3A_161 = tpu.memref_slice %arg3[%add3A_69] : memref<40960xi32, #tpu.memory_space<hbm>> -> memref<128xi32, #tpu.memory_space<hbm>>
        %dma_wait3A_162 = arith.constant 0 : i32
        %dma_wait3A_163 = tpu.memref_slice %arg7[%run_scoped3A_70, %dma_wait3A_162] : memref<4x128xi32, #tpu.memory_space<vmem>> -> memref<1x128xi32, #tpu.memory_space<vmem>>
        %dma_wait3A_164 = tpu.memref_squeeze %dma_wait3A_163 : memref<1x128xi32, #tpu.memory_space<vmem>> -> memref<128xi32, #tpu.memory_space<vmem>>
        %dma_wait3A_165 = tpu.memref_slice %arg3[%add3A_69] : memref<40960xi32, #tpu.memory_space<hbm>> -> memref<128xi32, #tpu.memory_space<hbm>>
        tpu.wait_dma2 semaphore(%run_scoped3A_149 : memref<!tpu.dma_semaphore, #tpu.memory_space<semaphore_mem>>) src(%dma_wait3A_165 : memref<128xi32, #tpu.memory_space<hbm>>) dst(%dma_wait3A_164 : memref<128xi32, #tpu.memory_space<vmem>>)
        tpu.yield
      }) : () -> ()
      "tpu.region"() ({
        %run_scoped3A_149 = tpu.sem_alloc : memref<!tpu.dma_semaphore, #tpu.memory_space<semaphore_mem>>
        %dma_start3A_150 = arith.constant 0 : i32
        %dma_start3A_151 = tpu.memref_slice %arg2[%arg0, %add3A_59, %dma_start3A_150] : memref<2x40960x128xf32, #tpu.memory_space<hbm>> -> memref<1x512x80xf32, #tpu.memory_space<hbm>>
        %dma_start3A_152 = tpu.memref_squeeze %dma_start3A_151 : memref<1x512x80xf32, #tpu.memory_space<hbm>> -> memref<512x80xf32, #tpu.memory_space<hbm>>
        %dma_start3A_153 = arith.constant 0 : i32
        %dma_start3A_154 = tpu.memref_slice %arg2[%arg0, %add3A_59, %dma_start3A_153] : memref<2x40960x128xf32, #tpu.memory_space<hbm>> -> memref<1x512x80xf32, #tpu.memory_space<hbm>>
        %dma_start3A_155 = tpu.memref_squeeze %dma_start3A_154 : memref<1x512x80xf32, #tpu.memory_space<hbm>> -> memref<512x80xf32, #tpu.memory_space<hbm>>
        tpu.enqueue_dma source(%dma_start3A_155 : memref<512x80xf32, #tpu.memory_space<hbm>>) target(%arg6 : memref<512x80xf32, #tpu.memory_space<vmem>>) target_semaphore(%run_scoped3A_149 : memref<!tpu.dma_semaphore, #tpu.memory_space<semaphore_mem>>)
        %dma_wait3A_156 = arith.constant 0 : i32
        %dma_wait3A_157 = tpu.memref_slice %arg2[%arg0, %add3A_59, %dma_wait3A_156] : memref<2x40960x128xf32, #tpu.memory_space<hbm>> -> memref<1x512x80xf32, #tpu.memory_space<hbm>>
        %dma_wait3A_158 = tpu.memref_squeeze %dma_wait3A_157 : memref<1x512x80xf32, #tpu.memory_space<hbm>> -> memref<512x80xf32, #tpu.memory_space<hbm>>
        %dma_wait3A_159 = arith.constant 0 : i32
        %dma_wait3A_160 = tpu.memref_slice %arg2[%arg0, %add3A_59, %dma_wait3A_159] : memref<2x40960x128xf32, #tpu.memory_space<hbm>> -> memref<1x512x80xf32, #tpu.memory_space<hbm>>
        %dma_wait3A_161 = tpu.memref_squeeze %dma_wait3A_160 : memref<1x512x80xf32, #tpu.memory_space<hbm>> -> memref<512x80xf32, #tpu.memory_space<hbm>>
        tpu.wait_dma2 semaphore(%run_scoped3A_149 : memref<!tpu.dma_semaphore, #tpu.memory_space<semaphore_mem>>) src(%dma_wait3A_161 : memref<512x80xf32, #tpu.memory_space<hbm>>) dst(%arg6 : memref<512x80xf32, #tpu.memory_space<vmem>>)
        tpu.yield
      }) : () -> ()
      %dma_start3A = arith.constant 0 : i32
      %dma_start3A_71 = arith.constant 0 : i32
      %dma_start3A_72 = arith.constant 0 : i32
      %dma_start3A_73 = tpu.memref_slice %arg6[%dma_start3A_71, %dma_start3A_72] : memref<512x80xf32, #tpu.memory_space<vmem>> -> memref<128x80xf32, #tpu.memory_space<vmem>>
      %dma_start3A_74 = arith.constant 0 : i32
      %dma_start3A_75 = tpu.memref_slice %arg7[%dma_start3A, %dma_start3A_74] : memref<4x128xi32, #tpu.memory_space<vmem>> -> memref<1x128xi32, #tpu.memory_space<vmem>>
      %dma_start3A_76 = tpu.memref_squeeze %dma_start3A_75 : memref<1x128xi32, #tpu.memory_space<vmem>> -> memref<128xi32, #tpu.memory_space<vmem>>
      %dma_start3A_77 = arith.constant 0 : i32
      %dma_start3A_78 = arith.constant 0 : i32
      %dma_start3A_79 = tpu.memref_slice %arg5[%dma_start3A_77, %dma_start3A_78] : memref<10112x80xf32, #tpu.memory_space<vmem_shared>> -> memref<10112x80xf32, #tpu.memory_space<vmem_shared>>
      tpu.enqueue_indirect_dma source(%dma_start3A_73 : memref<128x80xf32, #tpu.memory_space<vmem>>) target(%dma_start3A_79 : memref<10112x80xf32, #tpu.memory_space<vmem_shared>>) offsets(%dma_start3A_76 : memref<128xi32, #tpu.memory_space<vmem>>) semaphore(%arg9 : memref<!tpu.dma_semaphore, #tpu.memory_space<semaphore_mem>>) {add = true}
      %dma_start3A_80 = arith.constant 1 : i32
      %dma_start3A_81 = arith.constant 128 : i32
      %dma_start3A_82 = arith.constant 0 : i32
      %dma_start3A_83 = tpu.memref_slice %arg6[%dma_start3A_81, %dma_start3A_82] : memref<512x80xf32, #tpu.memory_space<vmem>> -> memref<128x80xf32, #tpu.memory_space<vmem>>
      %dma_start3A_84 = arith.constant 0 : i32
      %dma_start3A_85 = tpu.memref_slice %arg7[%dma_start3A_80, %dma_start3A_84] : memref<4x128xi32, #tpu.memory_space<vmem>> -> memref<1x128xi32, #tpu.memory_space<vmem>>
      %dma_start3A_86 = tpu.memref_squeeze %dma_start3A_85 : memref<1x128xi32, #tpu.memory_space<vmem>> -> memref<128xi32, #tpu.memory_space<vmem>>
      %dma_start3A_87 = arith.constant 0 : i32
      %dma_start3A_88 = arith.constant 0 : i32
      %dma_start3A_89 = tpu.memref_slice %arg5[%dma_start3A_87, %dma_start3A_88] : memref<10112x80xf32, #tpu.memory_space<vmem_shared>> -> memref<10112x80xf32, #tpu.memory_space<vmem_shared>>
      tpu.enqueue_indirect_dma source(%dma_start3A_83 : memref<128x80xf32, #tpu.memory_space<vmem>>) target(%dma_start3A_89 : memref<10112x80xf32, #tpu.memory_space<vmem_shared>>) offsets(%dma_start3A_86 : memref<128xi32, #tpu.memory_space<vmem>>) semaphore(%arg9 : memref<!tpu.dma_semaphore, #tpu.memory_space<semaphore_mem>>) {add = true}
      %dma_start3A_90 = arith.constant 2 : i32
      %dma_start3A_91 = arith.constant 256 : i32
      %dma_start3A_92 = arith.constant 0 : i32
      %dma_start3A_93 = tpu.memref_slice %arg6[%dma_start3A_91, %dma_start3A_92] : memref<512x80xf32, #tpu.memory_space<vmem>> -> memref<128x80xf32, #tpu.memory_space<vmem>>
      %dma_start3A_94 = arith.constant 0 : i32
      %dma_start3A_95 = tpu.memref_slice %arg7[%dma_start3A_90, %dma_start3A_94] : memref<4x128xi32, #tpu.memory_space<vmem>> -> memref<1x128xi32, #tpu.memory_space<vmem>>
      %dma_start3A_96 = tpu.memref_squeeze %dma_start3A_95 : memref<1x128xi32, #tpu.memory_space<vmem>> -> memref<128xi32, #tpu.memory_space<vmem>>
      %dma_start3A_97 = arith.constant 0 : i32
      %dma_start3A_98 = arith.constant 0 : i32
      %dma_start3A_99 = tpu.memref_slice %arg5[%dma_start3A_97, %dma_start3A_98] : memref<10112x80xf32, #tpu.memory_space<vmem_shared>> -> memref<10112x80xf32, #tpu.memory_space<vmem_shared>>
      tpu.enqueue_indirect_dma source(%dma_start3A_93 : memref<128x80xf32, #tpu.memory_space<vmem>>) target(%dma_start3A_99 : memref<10112x80xf32, #tpu.memory_space<vmem_shared>>) offsets(%dma_start3A_96 : memref<128xi32, #tpu.memory_space<vmem>>) semaphore(%arg9 : memref<!tpu.dma_semaphore, #tpu.memory_space<semaphore_mem>>) {add = true}
      %dma_start3A_100 = arith.constant 3 : i32
      %dma_start3A_101 = arith.constant 384 : i32
      %dma_start3A_102 = arith.constant 0 : i32
      %dma_start3A_103 = tpu.memref_slice %arg6[%dma_start3A_101, %dma_start3A_102] : memref<512x80xf32, #tpu.memory_space<vmem>> -> memref<128x80xf32, #tpu.memory_space<vmem>>
      %dma_start3A_104 = arith.constant 0 : i32
      %dma_start3A_105 = tpu.memref_slice %arg7[%dma_start3A_100, %dma_start3A_104] : memref<4x128xi32, #tpu.memory_space<vmem>> -> memref<1x128xi32, #tpu.memory_space<vmem>>
      %dma_start3A_106 = tpu.memref_squeeze %dma_start3A_105 : memref<1x128xi32, #tpu.memory_space<vmem>> -> memref<128xi32, #tpu.memory_space<vmem>>
      %dma_start3A_107 = arith.constant 0 : i32
      %dma_start3A_108 = arith.constant 0 : i32
      %dma_start3A_109 = tpu.memref_slice %arg5[%dma_start3A_107, %dma_start3A_108] : memref<10112x80xf32, #tpu.memory_space<vmem_shared>> -> memref<10112x80xf32, #tpu.memory_space<vmem_shared>>
      tpu.enqueue_indirect_dma source(%dma_start3A_103 : memref<128x80xf32, #tpu.memory_space<vmem>>) target(%dma_start3A_109 : memref<10112x80xf32, #tpu.memory_space<vmem_shared>>) offsets(%dma_start3A_106 : memref<128xi32, #tpu.memory_space<vmem>>) semaphore(%arg9 : memref<!tpu.dma_semaphore, #tpu.memory_space<semaphore_mem>>) {add = true}
      %dma_wait3A = arith.constant 0 : i32
      %dma_wait3A_110 = arith.constant 0 : i32
      %dma_wait3A_111 = arith.constant 0 : i32
      %dma_wait3A_112 = tpu.memref_slice %arg6[%dma_wait3A_110, %dma_wait3A_111] : memref<512x80xf32, #tpu.memory_space<vmem>> -> memref<128x80xf32, #tpu.memory_space<vmem>>
      %dma_wait3A_113 = arith.constant 0 : i32
      %dma_wait3A_114 = tpu.memref_slice %arg7[%dma_wait3A, %dma_wait3A_113] : memref<4x128xi32, #tpu.memory_space<vmem>> -> memref<1x128xi32, #tpu.memory_space<vmem>>
      %dma_wait3A_115 = tpu.memref_squeeze %dma_wait3A_114 : memref<1x128xi32, #tpu.memory_space<vmem>> -> memref<128xi32, #tpu.memory_space<vmem>>
      %dma_wait3A_116 = arith.constant 0 : i32
      %dma_wait3A_117 = arith.constant 0 : i32
      %dma_wait3A_118 = tpu.memref_slice %arg5[%dma_wait3A_116, %dma_wait3A_117] : memref<10112x80xf32, #tpu.memory_space<vmem_shared>> -> memref<10112x80xf32, #tpu.memory_space<vmem_shared>>
      tpu.wait_indirect_dma semaphore(%arg9 : memref<!tpu.dma_semaphore, #tpu.memory_space<semaphore_mem>>) src(%dma_wait3A_112 : memref<128x80xf32, #tpu.memory_space<vmem>>) dst(%dma_wait3A_118 : memref<10112x80xf32, #tpu.memory_space<vmem_shared>>)
      %dma_wait3A_119 = arith.constant 1 : i32
      %dma_wait3A_120 = arith.constant 128 : i32
      %dma_wait3A_121 = arith.constant 0 : i32
      %dma_wait3A_122 = tpu.memref_slice %arg6[%dma_wait3A_120, %dma_wait3A_121] : memref<512x80xf32, #tpu.memory_space<vmem>> -> memref<128x80xf32, #tpu.memory_space<vmem>>
      %dma_wait3A_123 = arith.constant 0 : i32
      %dma_wait3A_124 = tpu.memref_slice %arg7[%dma_wait3A_119, %dma_wait3A_123] : memref<4x128xi32, #tpu.memory_space<vmem>> -> memref<1x128xi32, #tpu.memory_space<vmem>>
      %dma_wait3A_125 = tpu.memref_squeeze %dma_wait3A_124 : memref<1x128xi32, #tpu.memory_space<vmem>> -> memref<128xi32, #tpu.memory_space<vmem>>
      %dma_wait3A_126 = arith.constant 0 : i32
      %dma_wait3A_127 = arith.constant 0 : i32
      %dma_wait3A_128 = tpu.memref_slice %arg5[%dma_wait3A_126, %dma_wait3A_127] : memref<10112x80xf32, #tpu.memory_space<vmem_shared>> -> memref<10112x80xf32, #tpu.memory_space<vmem_shared>>
      tpu.wait_indirect_dma semaphore(%arg9 : memref<!tpu.dma_semaphore, #tpu.memory_space<semaphore_mem>>) src(%dma_wait3A_122 : memref<128x80xf32, #tpu.memory_space<vmem>>) dst(%dma_wait3A_128 : memref<10112x80xf32, #tpu.memory_space<vmem_shared>>)
      %dma_wait3A_129 = arith.constant 2 : i32
      %dma_wait3A_130 = arith.constant 256 : i32
      %dma_wait3A_131 = arith.constant 0 : i32
      %dma_wait3A_132 = tpu.memref_slice %arg6[%dma_wait3A_130, %dma_wait3A_131] : memref<512x80xf32, #tpu.memory_space<vmem>> -> memref<128x80xf32, #tpu.memory_space<vmem>>
      %dma_wait3A_133 = arith.constant 0 : i32
      %dma_wait3A_134 = tpu.memref_slice %arg7[%dma_wait3A_129, %dma_wait3A_133] : memref<4x128xi32, #tpu.memory_space<vmem>> -> memref<1x128xi32, #tpu.memory_space<vmem>>
      %dma_wait3A_135 = tpu.memref_squeeze %dma_wait3A_134 : memref<1x128xi32, #tpu.memory_space<vmem>> -> memref<128xi32, #tpu.memory_space<vmem>>
      %dma_wait3A_136 = arith.constant 0 : i32
      %dma_wait3A_137 = arith.constant 0 : i32
      %dma_wait3A_138 = tpu.memref_slice %arg5[%dma_wait3A_136, %dma_wait3A_137] : memref<10112x80xf32, #tpu.memory_space<vmem_shared>> -> memref<10112x80xf32, #tpu.memory_space<vmem_shared>>
      tpu.wait_indirect_dma semaphore(%arg9 : memref<!tpu.dma_semaphore, #tpu.memory_space<semaphore_mem>>) src(%dma_wait3A_132 : memref<128x80xf32, #tpu.memory_space<vmem>>) dst(%dma_wait3A_138 : memref<10112x80xf32, #tpu.memory_space<vmem_shared>>)
      %dma_wait3A_139 = arith.constant 3 : i32
      %dma_wait3A_140 = arith.constant 384 : i32
      %dma_wait3A_141 = arith.constant 0 : i32
      %dma_wait3A_142 = tpu.memref_slice %arg6[%dma_wait3A_140, %dma_wait3A_141] : memref<512x80xf32, #tpu.memory_space<vmem>> -> memref<128x80xf32, #tpu.memory_space<vmem>>
      %dma_wait3A_143 = arith.constant 0 : i32
      %dma_wait3A_144 = tpu.memref_slice %arg7[%dma_wait3A_139, %dma_wait3A_143] : memref<4x128xi32, #tpu.memory_space<vmem>> -> memref<1x128xi32, #tpu.memory_space<vmem>>
      %dma_wait3A_145 = tpu.memref_squeeze %dma_wait3A_144 : memref<1x128xi32, #tpu.memory_space<vmem>> -> memref<128xi32, #tpu.memory_space<vmem>>
      %dma_wait3A_146 = arith.constant 0 : i32
      %dma_wait3A_147 = arith.constant 0 : i32
      %dma_wait3A_148 = tpu.memref_slice %arg5[%dma_wait3A_146, %dma_wait3A_147] : memref<10112x80xf32, #tpu.memory_space<vmem_shared>> -> memref<10112x80xf32, #tpu.memory_space<vmem_shared>>
      tpu.wait_indirect_dma semaphore(%arg9 : memref<!tpu.dma_semaphore, #tpu.memory_space<semaphore_mem>>) src(%dma_wait3A_142 : memref<128x80xf32, #tpu.memory_space<vmem>>) dst(%dma_wait3A_148 : memref<10112x80xf32, #tpu.memory_space<vmem_shared>>)
    }
    %scan3A_48 = arith.constant 5 : i32
    %barrier3A_49 = arith.constant 0 : index
    tpu.barrier barrier_id(%barrier3A_49)
    %mul3A_50 = arith.constant 632 : i32
    %mul3A_51 = arith.muli %arg1, %mul3A_50 : i32
    %mul3A_52 = arith.constant 632 : i32
    %mul3A_53 = arith.muli %arg1, %mul3A_52 : i32
    "tpu.region"() ({
      %run_scoped3A = tpu.sem_alloc : memref<!tpu.dma_semaphore, #tpu.memory_space<semaphore_mem>>
      %dma_start3A = arith.constant 0 : i32
      %dma_start3A_54 = tpu.memref_slice %arg4[%arg0, %mul3A_53, %dma_start3A] : memref<2x10112x80xf32, #tpu.memory_space<hbm>> -> memref<1x632x80xf32, #tpu.memory_space<hbm>>
      %dma_start3A_55 = tpu.memref_squeeze %dma_start3A_54 : memref<1x632x80xf32, #tpu.memory_space<hbm>> -> memref<632x80xf32, #tpu.memory_space<hbm>>
      %dma_start3A_56 = arith.constant 0 : i32
      %dma_start3A_57 = tpu.memref_slice %arg5[%mul3A_51, %dma_start3A_56] : memref<10112x80xf32, #tpu.memory_space<vmem_shared>> -> memref<632x80xf32, #tpu.memory_space<vmem_shared>>
      tpu.enqueue_dma source(%dma_start3A_57 : memref<632x80xf32, #tpu.memory_space<vmem_shared>>) target(%dma_start3A_55 : memref<632x80xf32, #tpu.memory_space<hbm>>) target_semaphore(%run_scoped3A : memref<!tpu.dma_semaphore, #tpu.memory_space<semaphore_mem>>)
      %dma_wait3A = arith.constant 0 : i32
      %dma_wait3A_58 = tpu.memref_slice %arg4[%arg0, %mul3A_53, %dma_wait3A] : memref<2x10112x80xf32, #tpu.memory_space<hbm>> -> memref<1x632x80xf32, #tpu.memory_space<hbm>>
      %dma_wait3A_59 = tpu.memref_squeeze %dma_wait3A_58 : memref<1x632x80xf32, #tpu.memory_space<hbm>> -> memref<632x80xf32, #tpu.memory_space<hbm>>
      %dma_wait3A_60 = arith.constant 0 : i32
      %dma_wait3A_61 = tpu.memref_slice %arg5[%mul3A_51, %dma_wait3A_60] : memref<10112x80xf32, #tpu.memory_space<vmem_shared>> -> memref<632x80xf32, #tpu.memory_space<vmem_shared>>
      tpu.wait_dma2 semaphore(%run_scoped3A : memref<!tpu.dma_semaphore, #tpu.memory_space<semaphore_mem>>) src(%dma_wait3A_61 : memref<632x80xf32, #tpu.memory_space<vmem_shared>>) dst(%dma_wait3A_59 : memref<632x80xf32, #tpu.memory_space<hbm>>)
      tpu.yield
    }) : () -> ()
    return
  }
}

#map = affine_map<(d0, d1) -> (0, 0, 0)>
#map1 = affine_map<(d0, d1) -> (0)>
module attributes {stable_mosaic.version = 14 : i64} {
  func.func @_segment_sum_sc_body(%arg0: i32, %arg1: i32, %arg2: memref<2x40960x128xf32, #tpu.memory_space<hbm>>, %arg3: memref<40960xi32, #tpu.memory_space<hbm>>, %arg4: memref<2x10112x80xf32, #tpu.memory_space<hbm>>, %arg5: memref<10112x80xf32, #tpu.memory_space<vmem_shared>>, %arg6: memref<512x80xf32, #tpu.memory_space<vmem>>, %arg7: memref<4x128xi32, #tpu.memory_space<vmem>>, %arg8: memref<64x80xf32, #tpu.memory_space<vmem>>, %arg9: memref<!tpu.dma_semaphore, #tpu.memory_space<semaphore_mem>>) attributes {dimension_semantics = [#tpu.dimension_semantics<core_parallel>, #tpu.dimension_semantics<subcore_parallel>], iteration_bounds = array<i64: 2, 16>, scalar_prefetch = 0 : i64, scratch_operands = 5 : i64, tpu.core_type = #tpu.core_type<sc_vector_subcore>, window_params = [{transform_indices = #map}, {transform_indices = #map1}, {transform_indices = #map}]} {
    %scan3A = arith.constant 0 : i32
    %scan3A_0 = arith.constant 0 : i32
    %scan3A_1 = arith.constant 64 : i32
    %scan3A_2 = arith.addi %scan3A_0, %scan3A_1 : i32
    %scan3A_3 = arith.constant 1 : i32
    scf.for %scan3A_54 = %scan3A_0 to %scan3A_2 step %scan3A_3  : i32 {
      %broadcast_in_dim3A = arith.constant 0.000000e+00 : f32
      %broadcast_in_dim3A_55 = vector.broadcast %broadcast_in_dim3A : f32 to vector<16xf32>
      %swap3A = arith.index_cast %scan3A_54 : i32 to index
      %swap3A_56 = arith.constant 0 : index
      %swap3A_57 = tpu.vector_load %arg8[%swap3A, %swap3A_56] {strides = array<i32>} : memref<64x80xf32, #tpu.memory_space<vmem>>, vector<1x16xf32>,
      %swap3A_58 = vector.shape_cast %swap3A_57 : vector<1x16xf32> to vector<16xf32>
      %swap3A_59 = vector.shape_cast %broadcast_in_dim3A_55 : vector<16xf32> to vector<1x16xf32>
      tpu.vector_store %arg8[%swap3A, %swap3A_56], %swap3A_59 {strides = array<i32>} : memref<64x80xf32, #tpu.memory_space<vmem>>, vector<1x16xf32>,
      %broadcast_in_dim3A_60 = arith.constant 0.000000e+00 : f32
      %broadcast_in_dim3A_61 = vector.broadcast %broadcast_in_dim3A_60 : f32 to vector<16xf32>
      %swap3A_62 = arith.index_cast %scan3A_54 : i32 to index
      %swap3A_63 = arith.constant 16 : index
      %swap3A_64 = tpu.vector_load %arg8[%swap3A_62, %swap3A_63] {strides = array<i32>} : memref<64x80xf32, #tpu.memory_space<vmem>>, vector<1x16xf32>,
      %swap3A_65 = vector.shape_cast %swap3A_64 : vector<1x16xf32> to vector<16xf32>
      %swap3A_66 = vector.shape_cast %broadcast_in_dim3A_61 : vector<16xf32> to vector<1x16xf32>
      tpu.vector_store %arg8[%swap3A_62, %swap3A_63], %swap3A_66 {strides = array<i32>} : memref<64x80xf32, #tpu.memory_space<vmem>>, vector<1x16xf32>,
      %broadcast_in_dim3A_67 = arith.constant 0.000000e+00 : f32
      %broadcast_in_dim3A_68 = vector.broadcast %broadcast_in_dim3A_67 : f32 to vector<16xf32>
      %swap3A_69 = arith.index_cast %scan3A_54 : i32 to index
      %swap3A_70 = arith.constant 32 : index
      %swap3A_71 = tpu.vector_load %arg8[%swap3A_69, %swap3A_70] {strides = array<i32>} : memref<64x80xf32, #tpu.memory_space<vmem>>, vector<1x16xf32>,
      %swap3A_72 = vector.shape_cast %swap3A_71 : vector<1x16xf32> to vector<16xf32>
      %swap3A_73 = vector.shape_cast %broadcast_in_dim3A_68 : vector<16xf32> to vector<1x16xf32>
      tpu.vector_store %arg8[%swap3A_69, %swap3A_70], %swap3A_73 {strides = array<i32>} : memref<64x80xf32, #tpu.memory_space<vmem>>, vector<1x16xf32>,
      %broadcast_in_dim3A_74 = arith.constant 0.000000e+00 : f32
      %broadcast_in_dim3A_75 = vector.broadcast %broadcast_in_dim3A_74 : f32 to vector<16xf32>
      %swap3A_76 = arith.index_cast %scan3A_54 : i32 to index
      %swap3A_77 = arith.constant 48 : index
      %swap3A_78 = tpu.vector_load %arg8[%swap3A_76, %swap3A_77] {strides = array<i32>} : memref<64x80xf32, #tpu.memory_space<vmem>>, vector<1x16xf32>,
      %swap3A_79 = vector.shape_cast %swap3A_78 : vector<1x16xf32> to vector<16xf32>
      %swap3A_80 = vector.shape_cast %broadcast_in_dim3A_75 : vector<16xf32> to vector<1x16xf32>
      tpu.vector_store %arg8[%swap3A_76, %swap3A_77], %swap3A_80 {strides = array<i32>} : memref<64x80xf32, #tpu.memory_space<vmem>>, vector<1x16xf32>,
      %broadcast_in_dim3A_81 = arith.constant 0.000000e+00 : f32
      %broadcast_in_dim3A_82 = vector.broadcast %broadcast_in_dim3A_81 : f32 to vector<16xf32>
      %swap3A_83 = arith.index_cast %scan3A_54 : i32 to index
      %swap3A_84 = arith.constant 64 : index
      %swap3A_85 = tpu.vector_load %arg8[%swap3A_83, %swap3A_84] {strides = array<i32>} : memref<64x80xf32, #tpu.memory_space<vmem>>, vector<1x16xf32>,
      %swap3A_86 = vector.shape_cast %swap3A_85 : vector<1x16xf32> to vector<16xf32>
      %swap3A_87 = vector.shape_cast %broadcast_in_dim3A_82 : vector<16xf32> to vector<1x16xf32>
      tpu.vector_store %arg8[%swap3A_83, %swap3A_84], %swap3A_87 {strides = array<i32>} : memref<64x80xf32, #tpu.memory_space<vmem>>, vector<1x16xf32>,
    }
    %scan3A_4 = arith.constant 64 : i32
    %mul3A = arith.constant 632 : i32
    %mul3A_5 = arith.muli %arg1, %mul3A : i32
    %add3A = arith.constant 0 : i32
    %add3A_6 = arith.addi %mul3A_5, %add3A : i32
    "tpu.region"() ({
      %run_scoped3A = tpu.sem_alloc : memref<!tpu.dma_semaphore, #tpu.memory_space<semaphore_mem>>
      %dma_start3A = arith.constant 0 : i32
      %dma_start3A_54 = tpu.memref_slice %arg5[%add3A_6, %dma_start3A] : memref<10112x80xf32, #tpu.memory_space<vmem_shared>> -> memref<64x80xf32, #tpu.memory_space<vmem_shared>>
      %dma_start3A_55 = arith.constant 0 : i32
      %dma_start3A_56 = tpu.memref_slice %arg5[%add3A_6, %dma_start3A_55] : memref<10112x80xf32, #tpu.memory_space<vmem_shared>> -> memref<64x80xf32, #tpu.memory_space<vmem_shared>>
      tpu.enqueue_dma source(%arg8 : memref<64x80xf32, #tpu.memory_space<vmem>>) target(%dma_start3A_56 : memref<64x80xf32, #tpu.memory_space<vmem_shared>>) target_semaphore(%run_scoped3A : memref<!tpu.dma_semaphore, #tpu.memory_space<semaphore_mem>>)
      %dma_wait3A = arith.constant 0 : i32
      %dma_wait3A_57 = tpu.memref_slice %arg5[%add3A_6, %dma_wait3A] : memref<10112x80xf32, #tpu.memory_space<vmem_shared>> -> memref<64x80xf32, #tpu.memory_space<vmem_shared>>
      %dma_wait3A_58 = arith.constant 0 : i32
      %dma_wait3A_59 = tpu.memref_slice %arg5[%add3A_6, %dma_wait3A_58] : memref<10112x80xf32, #tpu.memory_space<vmem_shared>> -> memref<64x80xf32, #tpu.memory_space<vmem_shared>>
      tpu.wait_dma2 semaphore(%run_scoped3A : memref<!tpu.dma_semaphore, #tpu.memory_space<semaphore_mem>>) src(%arg8 : memref<64x80xf32, #tpu.memory_space<vmem>>) dst(%dma_wait3A_59 : memref<64x80xf32, #tpu.memory_space<vmem_shared>>)
      tpu.yield
    }) : () -> ()
    %mul3A_7 = arith.constant 632 : i32
    %mul3A_8 = arith.muli %arg1, %mul3A_7 : i32
    %add3A_9 = arith.constant 64 : i32
    %add3A_10 = arith.addi %mul3A_8, %add3A_9 : i32
    "tpu.region"() ({
      %run_scoped3A = tpu.sem_alloc : memref<!tpu.dma_semaphore, #tpu.memory_space<semaphore_mem>>
      %dma_start3A = arith.constant 0 : i32
      %dma_start3A_54 = tpu.memref_slice %arg5[%add3A_10, %dma_start3A] : memref<10112x80xf32, #tpu.memory_space<vmem_shared>> -> memref<64x80xf32, #tpu.memory_space<vmem_shared>>
      %dma_start3A_55 = arith.constant 0 : i32
      %dma_start3A_56 = tpu.memref_slice %arg5[%add3A_10, %dma_start3A_55] : memref<10112x80xf32, #tpu.memory_space<vmem_shared>> -> memref<64x80xf32, #tpu.memory_space<vmem_shared>>
      tpu.enqueue_dma source(%arg8 : memref<64x80xf32, #tpu.memory_space<vmem>>) target(%dma_start3A_56 : memref<64x80xf32, #tpu.memory_space<vmem_shared>>) target_semaphore(%run_scoped3A : memref<!tpu.dma_semaphore, #tpu.memory_space<semaphore_mem>>)
      %dma_wait3A = arith.constant 0 : i32
      %dma_wait3A_57 = tpu.memref_slice %arg5[%add3A_10, %dma_wait3A] : memref<10112x80xf32, #tpu.memory_space<vmem_shared>> -> memref<64x80xf32, #tpu.memory_space<vmem_shared>>
      %dma_wait3A_58 = arith.constant 0 : i32
      %dma_wait3A_59 = tpu.memref_slice %arg5[%add3A_10, %dma_wait3A_58] : memref<10112x80xf32, #tpu.memory_space<vmem_shared>> -> memref<64x80xf32, #tpu.memory_space<vmem_shared>>
      tpu.wait_dma2 semaphore(%run_scoped3A : memref<!tpu.dma_semaphore, #tpu.memory_space<semaphore_mem>>) src(%arg8 : memref<64x80xf32, #tpu.memory_space<vmem>>) dst(%dma_wait3A_59 : memref<64x80xf32, #tpu.memory_space<vmem_shared>>)
      tpu.yield
    }) : () -> ()
    %mul3A_11 = arith.constant 632 : i32
    %mul3A_12 = arith.muli %arg1, %mul3A_11 : i32
    %add3A_13 = arith.constant 128 : i32
    %add3A_14 = arith.addi %mul3A_12, %add3A_13 : i32
    "tpu.region"() ({
      %run_scoped3A = tpu.sem_alloc : memref<!tpu.dma_semaphore, #tpu.memory_space<semaphore_mem>>
      %dma_start3A = arith.constant 0 : i32
      %dma_start3A_54 = tpu.memref_slice %arg5[%add3A_14, %dma_start3A] : memref<10112x80xf32, #tpu.memory_space<vmem_shared>> -> memref<64x80xf32, #tpu.memory_space<vmem_shared>>
      %dma_start3A_55 = arith.constant 0 : i32
      %dma_start3A_56 = tpu.memref_slice %arg5[%add3A_14, %dma_start3A_55] : memref<10112x80xf32, #tpu.memory_space<vmem_shared>> -> memref<64x80xf32, #tpu.memory_space<vmem_shared>>
      tpu.enqueue_dma source(%arg8 : memref<64x80xf32, #tpu.memory_space<vmem>>) target(%dma_start3A_56 : memref<64x80xf32, #tpu.memory_space<vmem_shared>>) target_semaphore(%run_scoped3A : memref<!tpu.dma_semaphore, #tpu.memory_space<semaphore_mem>>)
      %dma_wait3A = arith.constant 0 : i32
      %dma_wait3A_57 = tpu.memref_slice %arg5[%add3A_14, %dma_wait3A] : memref<10112x80xf32, #tpu.memory_space<vmem_shared>> -> memref<64x80xf32, #tpu.memory_space<vmem_shared>>
      %dma_wait3A_58 = arith.constant 0 : i32
      %dma_wait3A_59 = tpu.memref_slice %arg5[%add3A_14, %dma_wait3A_58] : memref<10112x80xf32, #tpu.memory_space<vmem_shared>> -> memref<64x80xf32, #tpu.memory_space<vmem_shared>>
      tpu.wait_dma2 semaphore(%run_scoped3A : memref<!tpu.dma_semaphore, #tpu.memory_space<semaphore_mem>>) src(%arg8 : memref<64x80xf32, #tpu.memory_space<vmem>>) dst(%dma_wait3A_59 : memref<64x80xf32, #tpu.memory_space<vmem_shared>>)
      tpu.yield
    }) : () -> ()
    %mul3A_15 = arith.constant 632 : i32
    %mul3A_16 = arith.muli %arg1, %mul3A_15 : i32
    %add3A_17 = arith.constant 192 : i32
    %add3A_18 = arith.addi %mul3A_16, %add3A_17 : i32
    "tpu.region"() ({
      %run_scoped3A = tpu.sem_alloc : memref<!tpu.dma_semaphore, #tpu.memory_space<semaphore_mem>>
      %dma_start3A = arith.constant 0 : i32
      %dma_start3A_54 = tpu.memref_slice %arg5[%add3A_18, %dma_start3A] : memref<10112x80xf32, #tpu.memory_space<vmem_shared>> -> memref<64x80xf32, #tpu.memory_space<vmem_shared>>
      %dma_start3A_55 = arith.constant 0 : i32
      %dma_start3A_56 = tpu.memref_slice %arg5[%add3A_18, %dma_start3A_55] : memref<10112x80xf32, #tpu.memory_space<vmem_shared>> -> memref<64x80xf32, #tpu.memory_space<vmem_shared>>
      tpu.enqueue_dma source(%arg8 : memref<64x80xf32, #tpu.memory_space<vmem>>) target(%dma_start3A_56 : memref<64x80xf32, #tpu.memory_space<vmem_shared>>) target_semaphore(%run_scoped3A : memref<!tpu.dma_semaphore, #tpu.memory_space<semaphore_mem>>)
      %dma_wait3A = arith.constant 0 : i32
      %dma_wait3A_57 = tpu.memref_slice %arg5[%add3A_18, %dma_wait3A] : memref<10112x80xf32, #tpu.memory_space<vmem_shared>> -> memref<64x80xf32, #tpu.memory_space<vmem_shared>>
      %dma_wait3A_58 = arith.constant 0 : i32
      %dma_wait3A_59 = tpu.memref_slice %arg5[%add3A_18, %dma_wait3A_58] : memref<10112x80xf32, #tpu.memory_space<vmem_shared>> -> memref<64x80xf32, #tpu.memory_space<vmem_shared>>
      tpu.wait_dma2 semaphore(%run_scoped3A : memref<!tpu.dma_semaphore, #tpu.memory_space<semaphore_mem>>) src(%arg8 : memref<64x80xf32, #tpu.memory_space<vmem>>) dst(%dma_wait3A_59 : memref<64x80xf32, #tpu.memory_space<vmem_shared>>)
      tpu.yield
    }) : () -> ()
    %mul3A_19 = arith.constant 632 : i32
    %mul3A_20 = arith.muli %arg1, %mul3A_19 : i32
    %add3A_21 = arith.constant 256 : i32
    %add3A_22 = arith.addi %mul3A_20, %add3A_21 : i32
    "tpu.region"() ({
      %run_scoped3A = tpu.sem_alloc : memref<!tpu.dma_semaphore, #tpu.memory_space<semaphore_mem>>
      %dma_start3A = arith.constant 0 : i32
      %dma_start3A_54 = tpu.memref_slice %arg5[%add3A_22, %dma_start3A] : memref<10112x80xf32, #tpu.memory_space<vmem_shared>> -> memref<64x80xf32, #tpu.memory_space<vmem_shared>>
      %dma_start3A_55 = arith.constant 0 : i32
      %dma_start3A_56 = tpu.memref_slice %arg5[%add3A_22, %dma_start3A_55] : memref<10112x80xf32, #tpu.memory_space<vmem_shared>> -> memref<64x80xf32, #tpu.memory_space<vmem_shared>>
      tpu.enqueue_dma source(%arg8 : memref<64x80xf32, #tpu.memory_space<vmem>>) target(%dma_start3A_56 : memref<64x80xf32, #tpu.memory_space<vmem_shared>>) target_semaphore(%run_scoped3A : memref<!tpu.dma_semaphore, #tpu.memory_space<semaphore_mem>>)
      %dma_wait3A = arith.constant 0 : i32
      %dma_wait3A_57 = tpu.memref_slice %arg5[%add3A_22, %dma_wait3A] : memref<10112x80xf32, #tpu.memory_space<vmem_shared>> -> memref<64x80xf32, #tpu.memory_space<vmem_shared>>
      %dma_wait3A_58 = arith.constant 0 : i32
      %dma_wait3A_59 = tpu.memref_slice %arg5[%add3A_22, %dma_wait3A_58] : memref<10112x80xf32, #tpu.memory_space<vmem_shared>> -> memref<64x80xf32, #tpu.memory_space<vmem_shared>>
      tpu.wait_dma2 semaphore(%run_scoped3A : memref<!tpu.dma_semaphore, #tpu.memory_space<semaphore_mem>>) src(%arg8 : memref<64x80xf32, #tpu.memory_space<vmem>>) dst(%dma_wait3A_59 : memref<64x80xf32, #tpu.memory_space<vmem_shared>>)
      tpu.yield
    }) : () -> ()
    %mul3A_23 = arith.constant 632 : i32
    %mul3A_24 = arith.muli %arg1, %mul3A_23 : i32
    %add3A_25 = arith.constant 320 : i32
    %add3A_26 = arith.addi %mul3A_24, %add3A_25 : i32
    "tpu.region"() ({
      %run_scoped3A = tpu.sem_alloc : memref<!tpu.dma_semaphore, #tpu.memory_space<semaphore_mem>>
      %dma_start3A = arith.constant 0 : i32
      %dma_start3A_54 = tpu.memref_slice %arg5[%add3A_26, %dma_start3A] : memref<10112x80xf32, #tpu.memory_space<vmem_shared>> -> memref<64x80xf32, #tpu.memory_space<vmem_shared>>
      %dma_start3A_55 = arith.constant 0 : i32
      %dma_start3A_56 = tpu.memref_slice %arg5[%add3A_26, %dma_start3A_55] : memref<10112x80xf32, #tpu.memory_space<vmem_shared>> -> memref<64x80xf32, #tpu.memory_space<vmem_shared>>
      tpu.enqueue_dma source(%arg8 : memref<64x80xf32, #tpu.memory_space<vmem>>) target(%dma_start3A_56 : memref<64x80xf32, #tpu.memory_space<vmem_shared>>) target_semaphore(%run_scoped3A : memref<!tpu.dma_semaphore, #tpu.memory_space<semaphore_mem>>)
      %dma_wait3A = arith.constant 0 : i32
      %dma_wait3A_57 = tpu.memref_slice %arg5[%add3A_26, %dma_wait3A] : memref<10112x80xf32, #tpu.memory_space<vmem_shared>> -> memref<64x80xf32, #tpu.memory_space<vmem_shared>>
      %dma_wait3A_58 = arith.constant 0 : i32
      %dma_wait3A_59 = tpu.memref_slice %arg5[%add3A_26, %dma_wait3A_58] : memref<10112x80xf32, #tpu.memory_space<vmem_shared>> -> memref<64x80xf32, #tpu.memory_space<vmem_shared>>
      tpu.wait_dma2 semaphore(%run_scoped3A : memref<!tpu.dma_semaphore, #tpu.memory_space<semaphore_mem>>) src(%arg8 : memref<64x80xf32, #tpu.memory_space<vmem>>) dst(%dma_wait3A_59 : memref<64x80xf32, #tpu.memory_space<vmem_shared>>)
      tpu.yield
    }) : () -> ()
    %mul3A_27 = arith.constant 632 : i32
    %mul3A_28 = arith.muli %arg1, %mul3A_27 : i32
    %add3A_29 = arith.constant 384 : i32
    %add3A_30 = arith.addi %mul3A_28, %add3A_29 : i32
    "tpu.region"() ({
      %run_scoped3A = tpu.sem_alloc : memref<!tpu.dma_semaphore, #tpu.memory_space<semaphore_mem>>
      %dma_start3A = arith.constant 0 : i32
      %dma_start3A_54 = tpu.memref_slice %arg5[%add3A_30, %dma_start3A] : memref<10112x80xf32, #tpu.memory_space<vmem_shared>> -> memref<64x80xf32, #tpu.memory_space<vmem_shared>>
      %dma_start3A_55 = arith.constant 0 : i32
      %dma_start3A_56 = tpu.memref_slice %arg5[%add3A_30, %dma_start3A_55] : memref<10112x80xf32, #tpu.memory_space<vmem_shared>> -> memref<64x80xf32, #tpu.memory_space<vmem_shared>>
      tpu.enqueue_dma source(%arg8 : memref<64x80xf32, #tpu.memory_space<vmem>>) target(%dma_start3A_56 : memref<64x80xf32, #tpu.memory_space<vmem_shared>>) target_semaphore(%run_scoped3A : memref<!tpu.dma_semaphore, #tpu.memory_space<semaphore_mem>>)
      %dma_wait3A = arith.constant 0 : i32
      %dma_wait3A_57 = tpu.memref_slice %arg5[%add3A_30, %dma_wait3A] : memref<10112x80xf32, #tpu.memory_space<vmem_shared>> -> memref<64x80xf32, #tpu.memory_space<vmem_shared>>
      %dma_wait3A_58 = arith.constant 0 : i32
      %dma_wait3A_59 = tpu.memref_slice %arg5[%add3A_30, %dma_wait3A_58] : memref<10112x80xf32, #tpu.memory_space<vmem_shared>> -> memref<64x80xf32, #tpu.memory_space<vmem_shared>>
      tpu.wait_dma2 semaphore(%run_scoped3A : memref<!tpu.dma_semaphore, #tpu.memory_space<semaphore_mem>>) src(%arg8 : memref<64x80xf32, #tpu.memory_space<vmem>>) dst(%dma_wait3A_59 : memref<64x80xf32, #tpu.memory_space<vmem_shared>>)
      tpu.yield
    }) : () -> ()
    %mul3A_31 = arith.constant 632 : i32
    %mul3A_32 = arith.muli %arg1, %mul3A_31 : i32
    %add3A_33 = arith.constant 448 : i32
    %add3A_34 = arith.addi %mul3A_32, %add3A_33 : i32
    "tpu.region"() ({
      %run_scoped3A = tpu.sem_alloc : memref<!tpu.dma_semaphore, #tpu.memory_space<semaphore_mem>>
      %dma_start3A = arith.constant 0 : i32
      %dma_start3A_54 = tpu.memref_slice %arg5[%add3A_34, %dma_start3A] : memref<10112x80xf32, #tpu.memory_space<vmem_shared>> -> memref<64x80xf32, #tpu.memory_space<vmem_shared>>
      %dma_start3A_55 = arith.constant 0 : i32
      %dma_start3A_56 = tpu.memref_slice %arg5[%add3A_34, %dma_start3A_55] : memref<10112x80xf32, #tpu.memory_space<vmem_shared>> -> memref<64x80xf32, #tpu.memory_space<vmem_shared>>
      tpu.enqueue_dma source(%arg8 : memref<64x80xf32, #tpu.memory_space<vmem>>) target(%dma_start3A_56 : memref<64x80xf32, #tpu.memory_space<vmem_shared>>) target_semaphore(%run_scoped3A : memref<!tpu.dma_semaphore, #tpu.memory_space<semaphore_mem>>)
      %dma_wait3A = arith.constant 0 : i32
      %dma_wait3A_57 = tpu.memref_slice %arg5[%add3A_34, %dma_wait3A] : memref<10112x80xf32, #tpu.memory_space<vmem_shared>> -> memref<64x80xf32, #tpu.memory_space<vmem_shared>>
      %dma_wait3A_58 = arith.constant 0 : i32
      %dma_wait3A_59 = tpu.memref_slice %arg5[%add3A_34, %dma_wait3A_58] : memref<10112x80xf32, #tpu.memory_space<vmem_shared>> -> memref<64x80xf32, #tpu.memory_space<vmem_shared>>
      tpu.wait_dma2 semaphore(%run_scoped3A : memref<!tpu.dma_semaphore, #tpu.memory_space<semaphore_mem>>) src(%arg8 : memref<64x80xf32, #tpu.memory_space<vmem>>) dst(%dma_wait3A_59 : memref<64x80xf32, #tpu.memory_space<vmem_shared>>)
      tpu.yield
    }) : () -> ()
    %mul3A_35 = arith.constant 632 : i32
    %mul3A_36 = arith.muli %arg1, %mul3A_35 : i32
    %add3A_37 = arith.constant 512 : i32
    %add3A_38 = arith.addi %mul3A_36, %add3A_37 : i32
    "tpu.region"() ({
      %run_scoped3A = tpu.sem_alloc : memref<!tpu.dma_semaphore, #tpu.memory_space<semaphore_mem>>
      %dma_start3A = arith.constant 0 : i32
      %dma_start3A_54 = tpu.memref_slice %arg5[%add3A_38, %dma_start3A] : memref<10112x80xf32, #tpu.memory_space<vmem_shared>> -> memref<64x80xf32, #tpu.memory_space<vmem_shared>>
      %dma_start3A_55 = arith.constant 0 : i32
      %dma_start3A_56 = tpu.memref_slice %arg5[%add3A_38, %dma_start3A_55] : memref<10112x80xf32, #tpu.memory_space<vmem_shared>> -> memref<64x80xf32, #tpu.memory_space<vmem_shared>>
      tpu.enqueue_dma source(%arg8 : memref<64x80xf32, #tpu.memory_space<vmem>>) target(%dma_start3A_56 : memref<64x80xf32, #tpu.memory_space<vmem_shared>>) target_semaphore(%run_scoped3A : memref<!tpu.dma_semaphore, #tpu.memory_space<semaphore_mem>>)
      %dma_wait3A = arith.constant 0 : i32
      %dma_wait3A_57 = tpu.memref_slice %arg5[%add3A_38, %dma_wait3A] : memref<10112x80xf32, #tpu.memory_space<vmem_shared>> -> memref<64x80xf32, #tpu.memory_space<vmem_shared>>
      %dma_wait3A_58 = arith.constant 0 : i32
      %dma_wait3A_59 = tpu.memref_slice %arg5[%add3A_38, %dma_wait3A_58] : memref<10112x80xf32, #tpu.memory_space<vmem_shared>> -> memref<64x80xf32, #tpu.memory_space<vmem_shared>>
      tpu.wait_dma2 semaphore(%run_scoped3A : memref<!tpu.dma_semaphore, #tpu.memory_space<semaphore_mem>>) src(%arg8 : memref<64x80xf32, #tpu.memory_space<vmem>>) dst(%dma_wait3A_59 : memref<64x80xf32, #tpu.memory_space<vmem_shared>>)
      tpu.yield
    }) : () -> ()
    %mul3A_39 = arith.constant 632 : i32
    %mul3A_40 = arith.muli %arg1, %mul3A_39 : i32
    %add3A_41 = arith.constant 576 : i32
    %add3A_42 = arith.addi %mul3A_40, %add3A_41 : i32
    "tpu.region"() ({
      %run_scoped3A = tpu.sem_alloc : memref<!tpu.dma_semaphore, #tpu.memory_space<semaphore_mem>>
      %dma_start3A = arith.constant 0 : i32
      %dma_start3A_54 = arith.constant 0 : i32
      %dma_start3A_55 = tpu.memref_slice %arg8[%dma_start3A, %dma_start3A_54] : memref<64x80xf32, #tpu.memory_space<vmem>> -> memref<56x80xf32, #tpu.memory_space<vmem>>
      %dma_start3A_56 = arith.constant 0 : i32
      %dma_start3A_57 = tpu.memref_slice %arg5[%add3A_42, %dma_start3A_56] : memref<10112x80xf32, #tpu.memory_space<vmem_shared>> -> memref<56x80xf32, #tpu.memory_space<vmem_shared>>
      %dma_start3A_58 = arith.constant 0 : i32
      %dma_start3A_59 = tpu.memref_slice %arg5[%add3A_42, %dma_start3A_58] : memref<10112x80xf32, #tpu.memory_space<vmem_shared>> -> memref<56x80xf32, #tpu.memory_space<vmem_shared>>
      %dma_start3A_60 = arith.constant 0 : i32
      %dma_start3A_61 = arith.constant 0 : i32
      %dma_start3A_62 = tpu.memref_slice %arg8[%dma_start3A_60, %dma_start3A_61] : memref<64x80xf32, #tpu.memory_space<vmem>> -> memref<56x80xf32, #tpu.memory_space<vmem>>
      tpu.enqueue_dma source(%dma_start3A_62 : memref<56x80xf32, #tpu.memory_space<vmem>>) target(%dma_start3A_59 : memref<56x80xf32, #tpu.memory_space<vmem_shared>>) target_semaphore(%run_scoped3A : memref<!tpu.dma_semaphore, #tpu.memory_space<semaphore_mem>>)
      %dma_wait3A = arith.constant 0 : i32
      %dma_wait3A_63 = arith.constant 0 : i32
      %dma_wait3A_64 = tpu.memref_slice %arg8[%dma_wait3A, %dma_wait3A_63] : memref<64x80xf32, #tpu.memory_space<vmem>> -> memref<56x80xf32, #tpu.memory_space<vmem>>
      %dma_wait3A_65 = arith.constant 0 : i32
      %dma_wait3A_66 = tpu.memref_slice %arg5[%add3A_42, %dma_wait3A_65] : memref<10112x80xf32, #tpu.memory_space<vmem_shared>> -> memref<56x80xf32, #tpu.memory_space<vmem_shared>>
      %dma_wait3A_67 = arith.constant 0 : i32
      %dma_wait3A_68 = tpu.memref_slice %arg5[%add3A_42, %dma_wait3A_67] : memref<10112x80xf32, #tpu.memory_space<vmem_shared>> -> memref<56x80xf32, #tpu.memory_space<vmem_shared>>
      %dma_wait3A_69 = arith.constant 0 : i32
      %dma_wait3A_70 = arith.constant 0 : i32
      %dma_wait3A_71 = tpu.memref_slice %arg8[%dma_wait3A_69, %dma_wait3A_70] : memref<64x80xf32, #tpu.memory_space<vmem>> -> memref<56x80xf32, #tpu.memory_space<vmem>>
      tpu.wait_dma2 semaphore(%run_scoped3A : memref<!tpu.dma_semaphore, #tpu.memory_space<semaphore_mem>>) src(%dma_wait3A_71 : memref<56x80xf32, #tpu.memory_space<vmem>>) dst(%dma_wait3A_68 : memref<56x80xf32, #tpu.memory_space<vmem_shared>>)
      tpu.yield
    }) : () -> ()
    %barrier3A = arith.constant 0 : index
    tpu.barrier barrier_id(%barrier3A)
    %scan3A_43 = arith.constant 0 : i32
    %scan3A_44 = arith.constant 0 : i32
    %scan3A_45 = arith.constant 5 : i32
    %scan3A_46 = arith.addi %scan3A_44, %scan3A_45 : i32
    %scan3A_47 = arith.constant 1 : i32
    scf.for %scan3A_54 = %scan3A_44 to %scan3A_46 step %scan3A_47  : i32 {
      %mul3A_55 = arith.constant 2560 : i32
      %mul3A_56 = arith.muli %arg1, %mul3A_55 : i32
      %mul3A_57 = arith.constant 512 : i32
      %mul3A_58 = arith.muli %scan3A_54, %mul3A_57 : i32
      %add3A_59 = arith.addi %mul3A_56, %mul3A_58 : i32
      %add3A_60 = arith.constant 0 : i32
      %add3A_61 = arith.addi %add3A_59, %add3A_60 : i32
      %run_scoped3A = arith.constant 0 : i32
      "tpu.region"() ({
        %run_scoped3A_149 = tpu.sem_alloc : memref<!tpu.dma_semaphore, #tpu.memory_space<semaphore_mem>>
        %dma_start3A_150 = arith.constant 0 : i32
        %dma_start3A_151 = tpu.memref_slice %arg7[%run_scoped3A, %dma_start3A_150] : memref<4x128xi32, #tpu.memory_space<vmem>> -> memref<1x128xi32, #tpu.memory_space<vmem>>
        %dma_start3A_152 = tpu.memref_squeeze %dma_start3A_151 : memref<1x128xi32, #tpu.memory_space<vmem>> -> memref<128xi32, #tpu.memory_space<vmem>>
        %dma_start3A_153 = tpu.memref_slice %arg3[%add3A_61] : memref<40960xi32, #tpu.memory_space<hbm>> -> memref<128xi32, #tpu.memory_space<hbm>>
        %dma_start3A_154 = arith.constant 0 : i32
        %dma_start3A_155 = tpu.memref_slice %arg7[%run_scoped3A, %dma_start3A_154] : memref<4x128xi32, #tpu.memory_space<vmem>> -> memref<1x128xi32, #tpu.memory_space<vmem>>
        %dma_start3A_156 = tpu.memref_squeeze %dma_start3A_155 : memref<1x128xi32, #tpu.memory_space<vmem>> -> memref<128xi32, #tpu.memory_space<vmem>>
        %dma_start3A_157 = tpu.memref_slice %arg3[%add3A_61] : memref<40960xi32, #tpu.memory_space<hbm>> -> memref<128xi32, #tpu.memory_space<hbm>>
        tpu.enqueue_dma source(%dma_start3A_157 : memref<128xi32, #tpu.memory_space<hbm>>) target(%dma_start3A_156 : memref<128xi32, #tpu.memory_space<vmem>>) target_semaphore(%run_scoped3A_149 : memref<!tpu.dma_semaphore, #tpu.memory_space<semaphore_mem>>)
        %dma_wait3A_158 = arith.constant 0 : i32
        %dma_wait3A_159 = tpu.memref_slice %arg7[%run_scoped3A, %dma_wait3A_158] : memref<4x128xi32, #tpu.memory_space<vmem>> -> memref<1x128xi32, #tpu.memory_space<vmem>>
        %dma_wait3A_160 = tpu.memref_squeeze %dma_wait3A_159 : memref<1x128xi32, #tpu.memory_space<vmem>> -> memref<128xi32, #tpu.memory_space<vmem>>
        %dma_wait3A_161 = tpu.memref_slice %arg3[%add3A_61] : memref<40960xi32, #tpu.memory_space<hbm>> -> memref<128xi32, #tpu.memory_space<hbm>>
        %dma_wait3A_162 = arith.constant 0 : i32
        %dma_wait3A_163 = tpu.memref_slice %arg7[%run_scoped3A, %dma_wait3A_162] : memref<4x128xi32, #tpu.memory_space<vmem>> -> memref<1x128xi32, #tpu.memory_space<vmem>>
        %dma_wait3A_164 = tpu.memref_squeeze %dma_wait3A_163 : memref<1x128xi32, #tpu.memory_space<vmem>> -> memref<128xi32, #tpu.memory_space<vmem>>
        %dma_wait3A_165 = tpu.memref_slice %arg3[%add3A_61] : memref<40960xi32, #tpu.memory_space<hbm>> -> memref<128xi32, #tpu.memory_space<hbm>>
        tpu.wait_dma2 semaphore(%run_scoped3A_149 : memref<!tpu.dma_semaphore, #tpu.memory_space<semaphore_mem>>) src(%dma_wait3A_165 : memref<128xi32, #tpu.memory_space<hbm>>) dst(%dma_wait3A_164 : memref<128xi32, #tpu.memory_space<vmem>>)
        tpu.yield
      }) : () -> ()
      %add3A_62 = arith.constant 128 : i32
      %add3A_63 = arith.addi %add3A_59, %add3A_62 : i32
      %run_scoped3A_64 = arith.constant 1 : i32
      "tpu.region"() ({
        %run_scoped3A_149 = tpu.sem_alloc : memref<!tpu.dma_semaphore, #tpu.memory_space<semaphore_mem>>
        %dma_start3A_150 = arith.constant 0 : i32
        %dma_start3A_151 = tpu.memref_slice %arg7[%run_scoped3A_64, %dma_start3A_150] : memref<4x128xi32, #tpu.memory_space<vmem>> -> memref<1x128xi32, #tpu.memory_space<vmem>>
        %dma_start3A_152 = tpu.memref_squeeze %dma_start3A_151 : memref<1x128xi32, #tpu.memory_space<vmem>> -> memref<128xi32, #tpu.memory_space<vmem>>
        %dma_start3A_153 = tpu.memref_slice %arg3[%add3A_63] : memref<40960xi32, #tpu.memory_space<hbm>> -> memref<128xi32, #tpu.memory_space<hbm>>
        %dma_start3A_154 = arith.constant 0 : i32
        %dma_start3A_155 = tpu.memref_slice %arg7[%run_scoped3A_64, %dma_start3A_154] : memref<4x128xi32, #tpu.memory_space<vmem>> -> memref<1x128xi32, #tpu.memory_space<vmem>>
        %dma_start3A_156 = tpu.memref_squeeze %dma_start3A_155 : memref<1x128xi32, #tpu.memory_space<vmem>> -> memref<128xi32, #tpu.memory_space<vmem>>
        %dma_start3A_157 = tpu.memref_slice %arg3[%add3A_63] : memref<40960xi32, #tpu.memory_space<hbm>> -> memref<128xi32, #tpu.memory_space<hbm>>
        tpu.enqueue_dma source(%dma_start3A_157 : memref<128xi32, #tpu.memory_space<hbm>>) target(%dma_start3A_156 : memref<128xi32, #tpu.memory_space<vmem>>) target_semaphore(%run_scoped3A_149 : memref<!tpu.dma_semaphore, #tpu.memory_space<semaphore_mem>>)
        %dma_wait3A_158 = arith.constant 0 : i32
        %dma_wait3A_159 = tpu.memref_slice %arg7[%run_scoped3A_64, %dma_wait3A_158] : memref<4x128xi32, #tpu.memory_space<vmem>> -> memref<1x128xi32, #tpu.memory_space<vmem>>
        %dma_wait3A_160 = tpu.memref_squeeze %dma_wait3A_159 : memref<1x128xi32, #tpu.memory_space<vmem>> -> memref<128xi32, #tpu.memory_space<vmem>>
        %dma_wait3A_161 = tpu.memref_slice %arg3[%add3A_63] : memref<40960xi32, #tpu.memory_space<hbm>> -> memref<128xi32, #tpu.memory_space<hbm>>
        %dma_wait3A_162 = arith.constant 0 : i32
        %dma_wait3A_163 = tpu.memref_slice %arg7[%run_scoped3A_64, %dma_wait3A_162] : memref<4x128xi32, #tpu.memory_space<vmem>> -> memref<1x128xi32, #tpu.memory_space<vmem>>
        %dma_wait3A_164 = tpu.memref_squeeze %dma_wait3A_163 : memref<1x128xi32, #tpu.memory_space<vmem>> -> memref<128xi32, #tpu.memory_space<vmem>>
        %dma_wait3A_165 = tpu.memref_slice %arg3[%add3A_63] : memref<40960xi32, #tpu.memory_space<hbm>> -> memref<128xi32, #tpu.memory_space<hbm>>
        tpu.wait_dma2 semaphore(%run_scoped3A_149 : memref<!tpu.dma_semaphore, #tpu.memory_space<semaphore_mem>>) src(%dma_wait3A_165 : memref<128xi32, #tpu.memory_space<hbm>>) dst(%dma_wait3A_164 : memref<128xi32, #tpu.memory_space<vmem>>)
        tpu.yield
      }) : () -> ()
      %add3A_65 = arith.constant 256 : i32
      %add3A_66 = arith.addi %add3A_59, %add3A_65 : i32
      %run_scoped3A_67 = arith.constant 2 : i32
      "tpu.region"() ({
        %run_scoped3A_149 = tpu.sem_alloc : memref<!tpu.dma_semaphore, #tpu.memory_space<semaphore_mem>>
        %dma_start3A_150 = arith.constant 0 : i32
        %dma_start3A_151 = tpu.memref_slice %arg7[%run_scoped3A_67, %dma_start3A_150] : memref<4x128xi32, #tpu.memory_space<vmem>> -> memref<1x128xi32, #tpu.memory_space<vmem>>
        %dma_start3A_152 = tpu.memref_squeeze %dma_start3A_151 : memref<1x128xi32, #tpu.memory_space<vmem>> -> memref<128xi32, #tpu.memory_space<vmem>>
        %dma_start3A_153 = tpu.memref_slice %arg3[%add3A_66] : memref<40960xi32, #tpu.memory_space<hbm>> -> memref<128xi32, #tpu.memory_space<hbm>>
        %dma_start3A_154 = arith.constant 0 : i32
        %dma_start3A_155 = tpu.memref_slice %arg7[%run_scoped3A_67, %dma_start3A_154] : memref<4x128xi32, #tpu.memory_space<vmem>> -> memref<1x128xi32, #tpu.memory_space<vmem>>
        %dma_start3A_156 = tpu.memref_squeeze %dma_start3A_155 : memref<1x128xi32, #tpu.memory_space<vmem>> -> memref<128xi32, #tpu.memory_space<vmem>>
        %dma_start3A_157 = tpu.memref_slice %arg3[%add3A_66] : memref<40960xi32, #tpu.memory_space<hbm>> -> memref<128xi32, #tpu.memory_space<hbm>>
        tpu.enqueue_dma source(%dma_start3A_157 : memref<128xi32, #tpu.memory_space<hbm>>) target(%dma_start3A_156 : memref<128xi32, #tpu.memory_space<vmem>>) target_semaphore(%run_scoped3A_149 : memref<!tpu.dma_semaphore, #tpu.memory_space<semaphore_mem>>)
        %dma_wait3A_158 = arith.constant 0 : i32
        %dma_wait3A_159 = tpu.memref_slice %arg7[%run_scoped3A_67, %dma_wait3A_158] : memref<4x128xi32, #tpu.memory_space<vmem>> -> memref<1x128xi32, #tpu.memory_space<vmem>>
        %dma_wait3A_160 = tpu.memref_squeeze %dma_wait3A_159 : memref<1x128xi32, #tpu.memory_space<vmem>> -> memref<128xi32, #tpu.memory_space<vmem>>
        %dma_wait3A_161 = tpu.memref_slice %arg3[%add3A_66] : memref<40960xi32, #tpu.memory_space<hbm>> -> memref<128xi32, #tpu.memory_space<hbm>>
        %dma_wait3A_162 = arith.constant 0 : i32
        %dma_wait3A_163 = tpu.memref_slice %arg7[%run_scoped3A_67, %dma_wait3A_162] : memref<4x128xi32, #tpu.memory_space<vmem>> -> memref<1x128xi32, #tpu.memory_space<vmem>>
        %dma_wait3A_164 = tpu.memref_squeeze %dma_wait3A_163 : memref<1x128xi32, #tpu.memory_space<vmem>> -> memref<128xi32, #tpu.memory_space<vmem>>
        %dma_wait3A_165 = tpu.memref_slice %arg3[%add3A_66] : memref<40960xi32, #tpu.memory_space<hbm>> -> memref<128xi32, #tpu.memory_space<hbm>>
        tpu.wait_dma2 semaphore(%run_scoped3A_149 : memref<!tpu.dma_semaphore, #tpu.memory_space<semaphore_mem>>) src(%dma_wait3A_165 : memref<128xi32, #tpu.memory_space<hbm>>) dst(%dma_wait3A_164 : memref<128xi32, #tpu.memory_space<vmem>>)
        tpu.yield
      }) : () -> ()
      %add3A_68 = arith.constant 384 : i32
      %add3A_69 = arith.addi %add3A_59, %add3A_68 : i32
      %run_scoped3A_70 = arith.constant 3 : i32
      "tpu.region"() ({
        %run_scoped3A_149 = tpu.sem_alloc : memref<!tpu.dma_semaphore, #tpu.memory_space<semaphore_mem>>
        %dma_start3A_150 = arith.constant 0 : i32
        %dma_start3A_151 = tpu.memref_slice %arg7[%run_scoped3A_70, %dma_start3A_150] : memref<4x128xi32, #tpu.memory_space<vmem>> -> memref<1x128xi32, #tpu.memory_space<vmem>>
        %dma_start3A_152 = tpu.memref_squeeze %dma_start3A_151 : memref<1x128xi32, #tpu.memory_space<vmem>> -> memref<128xi32, #tpu.memory_space<vmem>>
        %dma_start3A_153 = tpu.memref_slice %arg3[%add3A_69] : memref<40960xi32, #tpu.memory_space<hbm>> -> memref<128xi32, #tpu.memory_space<hbm>>
        %dma_start3A_154 = arith.constant 0 : i32
        %dma_start3A_155 = tpu.memref_slice %arg7[%run_scoped3A_70, %dma_start3A_154] : memref<4x128xi32, #tpu.memory_space<vmem>> -> memref<1x128xi32, #tpu.memory_space<vmem>>
        %dma_start3A_156 = tpu.memref_squeeze %dma_start3A_155 : memref<1x128xi32, #tpu.memory_space<vmem>> -> memref<128xi32, #tpu.memory_space<vmem>>
        %dma_start3A_157 = tpu.memref_slice %arg3[%add3A_69] : memref<40960xi32, #tpu.memory_space<hbm>> -> memref<128xi32, #tpu.memory_space<hbm>>
        tpu.enqueue_dma source(%dma_start3A_157 : memref<128xi32, #tpu.memory_space<hbm>>) target(%dma_start3A_156 : memref<128xi32, #tpu.memory_space<vmem>>) target_semaphore(%run_scoped3A_149 : memref<!tpu.dma_semaphore, #tpu.memory_space<semaphore_mem>>)
        %dma_wait3A_158 = arith.constant 0 : i32
        %dma_wait3A_159 = tpu.memref_slice %arg7[%run_scoped3A_70, %dma_wait3A_158] : memref<4x128xi32, #tpu.memory_space<vmem>> -> memref<1x128xi32, #tpu.memory_space<vmem>>
        %dma_wait3A_160 = tpu.memref_squeeze %dma_wait3A_159 : memref<1x128xi32, #tpu.memory_space<vmem>> -> memref<128xi32, #tpu.memory_space<vmem>>
        %dma_wait3A_161 = tpu.memref_slice %arg3[%add3A_69] : memref<40960xi32, #tpu.memory_space<hbm>> -> memref<128xi32, #tpu.memory_space<hbm>>
        %dma_wait3A_162 = arith.constant 0 : i32
        %dma_wait3A_163 = tpu.memref_slice %arg7[%run_scoped3A_70, %dma_wait3A_162] : memref<4x128xi32, #tpu.memory_space<vmem>> -> memref<1x128xi32, #tpu.memory_space<vmem>>
        %dma_wait3A_164 = tpu.memref_squeeze %dma_wait3A_163 : memref<1x128xi32, #tpu.memory_space<vmem>> -> memref<128xi32, #tpu.memory_space<vmem>>
        %dma_wait3A_165 = tpu.memref_slice %arg3[%add3A_69] : memref<40960xi32, #tpu.memory_space<hbm>> -> memref<128xi32, #tpu.memory_space<hbm>>
        tpu.wait_dma2 semaphore(%run_scoped3A_149 : memref<!tpu.dma_semaphore, #tpu.memory_space<semaphore_mem>>) src(%dma_wait3A_165 : memref<128xi32, #tpu.memory_space<hbm>>) dst(%dma_wait3A_164 : memref<128xi32, #tpu.memory_space<vmem>>)
        tpu.yield
      }) : () -> ()
      "tpu.region"() ({
        %run_scoped3A_149 = tpu.sem_alloc : memref<!tpu.dma_semaphore, #tpu.memory_space<semaphore_mem>>
        %dma_start3A_150 = arith.constant 0 : i32
        %dma_start3A_151 = tpu.memref_slice %arg2[%arg0, %add3A_59, %dma_start3A_150] : memref<2x40960x128xf32, #tpu.memory_space<hbm>> -> memref<1x512x80xf32, #tpu.memory_space<hbm>>
        %dma_start3A_152 = tpu.memref_squeeze %dma_start3A_151 : memref<1x512x80xf32, #tpu.memory_space<hbm>> -> memref<512x80xf32, #tpu.memory_space<hbm>>
        %dma_start3A_153 = arith.constant 0 : i32
        %dma_start3A_154 = tpu.memref_slice %arg2[%arg0, %add3A_59, %dma_start3A_153] : memref<2x40960x128xf32, #tpu.memory_space<hbm>> -> memref<1x512x80xf32, #tpu.memory_space<hbm>>
        %dma_start3A_155 = tpu.memref_squeeze %dma_start3A_154 : memref<1x512x80xf32, #tpu.memory_space<hbm>> -> memref<512x80xf32, #tpu.memory_space<hbm>>
        tpu.enqueue_dma source(%dma_start3A_155 : memref<512x80xf32, #tpu.memory_space<hbm>>) target(%arg6 : memref<512x80xf32, #tpu.memory_space<vmem>>) target_semaphore(%run_scoped3A_149 : memref<!tpu.dma_semaphore, #tpu.memory_space<semaphore_mem>>)
        %dma_wait3A_156 = arith.constant 0 : i32
        %dma_wait3A_157 = tpu.memref_slice %arg2[%arg0, %add3A_59, %dma_wait3A_156] : memref<2x40960x128xf32, #tpu.memory_space<hbm>> -> memref<1x512x80xf32, #tpu.memory_space<hbm>>
        %dma_wait3A_158 = tpu.memref_squeeze %dma_wait3A_157 : memref<1x512x80xf32, #tpu.memory_space<hbm>> -> memref<512x80xf32, #tpu.memory_space<hbm>>
        %dma_wait3A_159 = arith.constant 0 : i32
        %dma_wait3A_160 = tpu.memref_slice %arg2[%arg0, %add3A_59, %dma_wait3A_159] : memref<2x40960x128xf32, #tpu.memory_space<hbm>> -> memref<1x512x80xf32, #tpu.memory_space<hbm>>
        %dma_wait3A_161 = tpu.memref_squeeze %dma_wait3A_160 : memref<1x512x80xf32, #tpu.memory_space<hbm>> -> memref<512x80xf32, #tpu.memory_space<hbm>>
        tpu.wait_dma2 semaphore(%run_scoped3A_149 : memref<!tpu.dma_semaphore, #tpu.memory_space<semaphore_mem>>) src(%dma_wait3A_161 : memref<512x80xf32, #tpu.memory_space<hbm>>) dst(%arg6 : memref<512x80xf32, #tpu.memory_space<vmem>>)
        tpu.yield
      }) : () -> ()
      %dma_start3A = arith.constant 0 : i32
      %dma_start3A_71 = arith.constant 0 : i32
      %dma_start3A_72 = arith.constant 0 : i32
      %dma_start3A_73 = tpu.memref_slice %arg6[%dma_start3A_71, %dma_start3A_72] : memref<512x80xf32, #tpu.memory_space<vmem>> -> memref<128x80xf32, #tpu.memory_space<vmem>>
      %dma_start3A_74 = arith.constant 0 : i32
      %dma_start3A_75 = tpu.memref_slice %arg7[%dma_start3A, %dma_start3A_74] : memref<4x128xi32, #tpu.memory_space<vmem>> -> memref<1x128xi32, #tpu.memory_space<vmem>>
      %dma_start3A_76 = tpu.memref_squeeze %dma_start3A_75 : memref<1x128xi32, #tpu.memory_space<vmem>> -> memref<128xi32, #tpu.memory_space<vmem>>
      %dma_start3A_77 = arith.constant 0 : i32
      %dma_start3A_78 = arith.constant 0 : i32
      %dma_start3A_79 = tpu.memref_slice %arg5[%dma_start3A_77, %dma_start3A_78] : memref<10112x80xf32, #tpu.memory_space<vmem_shared>> -> memref<10112x80xf32, #tpu.memory_space<vmem_shared>>
      tpu.enqueue_indirect_dma source(%dma_start3A_73 : memref<128x80xf32, #tpu.memory_space<vmem>>) target(%dma_start3A_79 : memref<10112x80xf32, #tpu.memory_space<vmem_shared>>) offsets(%dma_start3A_76 : memref<128xi32, #tpu.memory_space<vmem>>) semaphore(%arg9 : memref<!tpu.dma_semaphore, #tpu.memory_space<semaphore_mem>>) {add = true}
      %dma_start3A_80 = arith.constant 1 : i32
      %dma_start3A_81 = arith.constant 128 : i32
      %dma_start3A_82 = arith.constant 0 : i32
      %dma_start3A_83 = tpu.memref_slice %arg6[%dma_start3A_81, %dma_start3A_82] : memref<512x80xf32, #tpu.memory_space<vmem>> -> memref<128x80xf32, #tpu.memory_space<vmem>>
      %dma_start3A_84 = arith.constant 0 : i32
      %dma_start3A_85 = tpu.memref_slice %arg7[%dma_start3A_80, %dma_start3A_84] : memref<4x128xi32, #tpu.memory_space<vmem>> -> memref<1x128xi32, #tpu.memory_space<vmem>>
      %dma_start3A_86 = tpu.memref_squeeze %dma_start3A_85 : memref<1x128xi32, #tpu.memory_space<vmem>> -> memref<128xi32, #tpu.memory_space<vmem>>
      %dma_start3A_87 = arith.constant 0 : i32
      %dma_start3A_88 = arith.constant 0 : i32
      %dma_start3A_89 = tpu.memref_slice %arg5[%dma_start3A_87, %dma_start3A_88] : memref<10112x80xf32, #tpu.memory_space<vmem_shared>> -> memref<10112x80xf32, #tpu.memory_space<vmem_shared>>
      tpu.enqueue_indirect_dma source(%dma_start3A_83 : memref<128x80xf32, #tpu.memory_space<vmem>>) target(%dma_start3A_89 : memref<10112x80xf32, #tpu.memory_space<vmem_shared>>) offsets(%dma_start3A_86 : memref<128xi32, #tpu.memory_space<vmem>>) semaphore(%arg9 : memref<!tpu.dma_semaphore, #tpu.memory_space<semaphore_mem>>) {add = true}
      %dma_start3A_90 = arith.constant 2 : i32
      %dma_start3A_91 = arith.constant 256 : i32
      %dma_start3A_92 = arith.constant 0 : i32
      %dma_start3A_93 = tpu.memref_slice %arg6[%dma_start3A_91, %dma_start3A_92] : memref<512x80xf32, #tpu.memory_space<vmem>> -> memref<128x80xf32, #tpu.memory_space<vmem>>
      %dma_start3A_94 = arith.constant 0 : i32
      %dma_start3A_95 = tpu.memref_slice %arg7[%dma_start3A_90, %dma_start3A_94] : memref<4x128xi32, #tpu.memory_space<vmem>> -> memref<1x128xi32, #tpu.memory_space<vmem>>
      %dma_start3A_96 = tpu.memref_squeeze %dma_start3A_95 : memref<1x128xi32, #tpu.memory_space<vmem>> -> memref<128xi32, #tpu.memory_space<vmem>>
      %dma_start3A_97 = arith.constant 0 : i32
      %dma_start3A_98 = arith.constant 0 : i32
      %dma_start3A_99 = tpu.memref_slice %arg5[%dma_start3A_97, %dma_start3A_98] : memref<10112x80xf32, #tpu.memory_space<vmem_shared>> -> memref<10112x80xf32, #tpu.memory_space<vmem_shared>>
      tpu.enqueue_indirect_dma source(%dma_start3A_93 : memref<128x80xf32, #tpu.memory_space<vmem>>) target(%dma_start3A_99 : memref<10112x80xf32, #tpu.memory_space<vmem_shared>>) offsets(%dma_start3A_96 : memref<128xi32, #tpu.memory_space<vmem>>) semaphore(%arg9 : memref<!tpu.dma_semaphore, #tpu.memory_space<semaphore_mem>>) {add = true}
      %dma_start3A_100 = arith.constant 3 : i32
      %dma_start3A_101 = arith.constant 384 : i32
      %dma_start3A_102 = arith.constant 0 : i32
      %dma_start3A_103 = tpu.memref_slice %arg6[%dma_start3A_101, %dma_start3A_102] : memref<512x80xf32, #tpu.memory_space<vmem>> -> memref<128x80xf32, #tpu.memory_space<vmem>>
      %dma_start3A_104 = arith.constant 0 : i32
      %dma_start3A_105 = tpu.memref_slice %arg7[%dma_start3A_100, %dma_start3A_104] : memref<4x128xi32, #tpu.memory_space<vmem>> -> memref<1x128xi32, #tpu.memory_space<vmem>>
      %dma_start3A_106 = tpu.memref_squeeze %dma_start3A_105 : memref<1x128xi32, #tpu.memory_space<vmem>> -> memref<128xi32, #tpu.memory_space<vmem>>
      %dma_start3A_107 = arith.constant 0 : i32
      %dma_start3A_108 = arith.constant 0 : i32
      %dma_start3A_109 = tpu.memref_slice %arg5[%dma_start3A_107, %dma_start3A_108] : memref<10112x80xf32, #tpu.memory_space<vmem_shared>> -> memref<10112x80xf32, #tpu.memory_space<vmem_shared>>
      tpu.enqueue_indirect_dma source(%dma_start3A_103 : memref<128x80xf32, #tpu.memory_space<vmem>>) target(%dma_start3A_109 : memref<10112x80xf32, #tpu.memory_space<vmem_shared>>) offsets(%dma_start3A_106 : memref<128xi32, #tpu.memory_space<vmem>>) semaphore(%arg9 : memref<!tpu.dma_semaphore, #tpu.memory_space<semaphore_mem>>) {add = true}
      %dma_wait3A = arith.constant 0 : i32
      %dma_wait3A_110 = arith.constant 0 : i32
      %dma_wait3A_111 = arith.constant 0 : i32
      %dma_wait3A_112 = tpu.memref_slice %arg6[%dma_wait3A_110, %dma_wait3A_111] : memref<512x80xf32, #tpu.memory_space<vmem>> -> memref<128x80xf32, #tpu.memory_space<vmem>>
      %dma_wait3A_113 = arith.constant 0 : i32
      %dma_wait3A_114 = tpu.memref_slice %arg7[%dma_wait3A, %dma_wait3A_113] : memref<4x128xi32, #tpu.memory_space<vmem>> -> memref<1x128xi32, #tpu.memory_space<vmem>>
      %dma_wait3A_115 = tpu.memref_squeeze %dma_wait3A_114 : memref<1x128xi32, #tpu.memory_space<vmem>> -> memref<128xi32, #tpu.memory_space<vmem>>
      %dma_wait3A_116 = arith.constant 0 : i32
      %dma_wait3A_117 = arith.constant 0 : i32
      %dma_wait3A_118 = tpu.memref_slice %arg5[%dma_wait3A_116, %dma_wait3A_117] : memref<10112x80xf32, #tpu.memory_space<vmem_shared>> -> memref<10112x80xf32, #tpu.memory_space<vmem_shared>>
      tpu.wait_indirect_dma semaphore(%arg9 : memref<!tpu.dma_semaphore, #tpu.memory_space<semaphore_mem>>) src(%dma_wait3A_112 : memref<128x80xf32, #tpu.memory_space<vmem>>) dst(%dma_wait3A_118 : memref<10112x80xf32, #tpu.memory_space<vmem_shared>>)
      %dma_wait3A_119 = arith.constant 1 : i32
      %dma_wait3A_120 = arith.constant 128 : i32
      %dma_wait3A_121 = arith.constant 0 : i32
      %dma_wait3A_122 = tpu.memref_slice %arg6[%dma_wait3A_120, %dma_wait3A_121] : memref<512x80xf32, #tpu.memory_space<vmem>> -> memref<128x80xf32, #tpu.memory_space<vmem>>
      %dma_wait3A_123 = arith.constant 0 : i32
      %dma_wait3A_124 = tpu.memref_slice %arg7[%dma_wait3A_119, %dma_wait3A_123] : memref<4x128xi32, #tpu.memory_space<vmem>> -> memref<1x128xi32, #tpu.memory_space<vmem>>
      %dma_wait3A_125 = tpu.memref_squeeze %dma_wait3A_124 : memref<1x128xi32, #tpu.memory_space<vmem>> -> memref<128xi32, #tpu.memory_space<vmem>>
      %dma_wait3A_126 = arith.constant 0 : i32
      %dma_wait3A_127 = arith.constant 0 : i32
      %dma_wait3A_128 = tpu.memref_slice %arg5[%dma_wait3A_126, %dma_wait3A_127] : memref<10112x80xf32, #tpu.memory_space<vmem_shared>> -> memref<10112x80xf32, #tpu.memory_space<vmem_shared>>
      tpu.wait_indirect_dma semaphore(%arg9 : memref<!tpu.dma_semaphore, #tpu.memory_space<semaphore_mem>>) src(%dma_wait3A_122 : memref<128x80xf32, #tpu.memory_space<vmem>>) dst(%dma_wait3A_128 : memref<10112x80xf32, #tpu.memory_space<vmem_shared>>)
      %dma_wait3A_129 = arith.constant 2 : i32
      %dma_wait3A_130 = arith.constant 256 : i32
      %dma_wait3A_131 = arith.constant 0 : i32
      %dma_wait3A_132 = tpu.memref_slice %arg6[%dma_wait3A_130, %dma_wait3A_131] : memref<512x80xf32, #tpu.memory_space<vmem>> -> memref<128x80xf32, #tpu.memory_space<vmem>>
      %dma_wait3A_133 = arith.constant 0 : i32
      %dma_wait3A_134 = tpu.memref_slice %arg7[%dma_wait3A_129, %dma_wait3A_133] : memref<4x128xi32, #tpu.memory_space<vmem>> -> memref<1x128xi32, #tpu.memory_space<vmem>>
      %dma_wait3A_135 = tpu.memref_squeeze %dma_wait3A_134 : memref<1x128xi32, #tpu.memory_space<vmem>> -> memref<128xi32, #tpu.memory_space<vmem>>
      %dma_wait3A_136 = arith.constant 0 : i32
      %dma_wait3A_137 = arith.constant 0 : i32
      %dma_wait3A_138 = tpu.memref_slice %arg5[%dma_wait3A_136, %dma_wait3A_137] : memref<10112x80xf32, #tpu.memory_space<vmem_shared>> -> memref<10112x80xf32, #tpu.memory_space<vmem_shared>>
      tpu.wait_indirect_dma semaphore(%arg9 : memref<!tpu.dma_semaphore, #tpu.memory_space<semaphore_mem>>) src(%dma_wait3A_132 : memref<128x80xf32, #tpu.memory_space<vmem>>) dst(%dma_wait3A_138 : memref<10112x80xf32, #tpu.memory_space<vmem_shared>>)
      %dma_wait3A_139 = arith.constant 3 : i32
      %dma_wait3A_140 = arith.constant 384 : i32
      %dma_wait3A_141 = arith.constant 0 : i32
      %dma_wait3A_142 = tpu.memref_slice %arg6[%dma_wait3A_140, %dma_wait3A_141] : memref<512x80xf32, #tpu.memory_space<vmem>> -> memref<128x80xf32, #tpu.memory_space<vmem>>
      %dma_wait3A_143 = arith.constant 0 : i32
      %dma_wait3A_144 = tpu.memref_slice %arg7[%dma_wait3A_139, %dma_wait3A_143] : memref<4x128xi32, #tpu.memory_space<vmem>> -> memref<1x128xi32, #tpu.memory_space<vmem>>
      %dma_wait3A_145 = tpu.memref_squeeze %dma_wait3A_144 : memref<1x128xi32, #tpu.memory_space<vmem>> -> memref<128xi32, #tpu.memory_space<vmem>>
      %dma_wait3A_146 = arith.constant 0 : i32
      %dma_wait3A_147 = arith.constant 0 : i32
      %dma_wait3A_148 = tpu.memref_slice %arg5[%dma_wait3A_146, %dma_wait3A_147] : memref<10112x80xf32, #tpu.memory_space<vmem_shared>> -> memref<10112x80xf32, #tpu.memory_space<vmem_shared>>
      tpu.wait_indirect_dma semaphore(%arg9 : memref<!tpu.dma_semaphore, #tpu.memory_space<semaphore_mem>>) src(%dma_wait3A_142 : memref<128x80xf32, #tpu.memory_space<vmem>>) dst(%dma_wait3A_148 : memref<10112x80xf32, #tpu.memory_space<vmem_shared>>)
    }
    %scan3A_48 = arith.constant 5 : i32
    %barrier3A_49 = arith.constant 0 : index
    tpu.barrier barrier_id(%barrier3A_49)
    %mul3A_50 = arith.constant 632 : i32
    %mul3A_51 = arith.muli %arg1, %mul3A_50 : i32
    %mul3A_52 = arith.constant 632 : i32
    %mul3A_53 = arith.muli %arg1, %mul3A_52 : i32
    "tpu.region"() ({
      %run_scoped3A = tpu.sem_alloc : memref<!tpu.dma_semaphore, #tpu.memory_space<semaphore_mem>>
      %dma_start3A = arith.constant 0 : i32
      %dma_start3A_54 = tpu.memref_slice %arg4[%arg0, %mul3A_53, %dma_start3A] : memref<2x10112x80xf32, #tpu.memory_space<hbm>> -> memref<1x632x80xf32, #tpu.memory_space<hbm>>
      %dma_start3A_55 = tpu.memref_squeeze %dma_start3A_54 : memref<1x632x80xf32, #tpu.memory_space<hbm>> -> memref<632x80xf32, #tpu.memory_space<hbm>>
      %dma_start3A_56 = arith.constant 0 : i32
      %dma_start3A_57 = tpu.memref_slice %arg5[%mul3A_51, %dma_start3A_56] : memref<10112x80xf32, #tpu.memory_space<vmem_shared>> -> memref<632x80xf32, #tpu.memory_space<vmem_shared>>
      tpu.enqueue_dma source(%dma_start3A_57 : memref<632x80xf32, #tpu.memory_space<vmem_shared>>) target(%dma_start3A_55 : memref<632x80xf32, #tpu.memory_space<hbm>>) target_semaphore(%run_scoped3A : memref<!tpu.dma_semaphore, #tpu.memory_space<semaphore_mem>>)
      %dma_wait3A = arith.constant 0 : i32
      %dma_wait3A_58 = tpu.memref_slice %arg4[%arg0, %mul3A_53, %dma_wait3A] : memref<2x10112x80xf32, #tpu.memory_space<hbm>> -> memref<1x632x80xf32, #tpu.memory_space<hbm>>
      %dma_wait3A_59 = tpu.memref_squeeze %dma_wait3A_58 : memref<1x632x80xf32, #tpu.memory_space<hbm>> -> memref<632x80xf32, #tpu.memory_space<hbm>>
      %dma_wait3A_60 = arith.constant 0 : i32
      %dma_wait3A_61 = tpu.memref_slice %arg5[%mul3A_51, %dma_wait3A_60] : memref<10112x80xf32, #tpu.memory_space<vmem_shared>> -> memref<632x80xf32, #tpu.memory_space<vmem_shared>>
      tpu.wait_dma2 semaphore(%run_scoped3A : memref<!tpu.dma_semaphore, #tpu.memory_space<semaphore_mem>>) src(%dma_wait3A_61 : memref<632x80xf32, #tpu.memory_space<vmem_shared>>) dst(%dma_wait3A_59 : memref<632x80xf32, #tpu.memory_space<hbm>>)
      tpu.yield
    }) : () -> ()
    return
  }
}

#map = affine_map<(d0, d1) -> (0, 0, 0)>
#map1 = affine_map<(d0, d1) -> (0)>
module attributes {stable_mosaic.version = 14 : i64} {
  func.func @_segment_sum_sc_body(%arg0: i32, %arg1: i32, %arg2: memref<2x40960x128xf32, #tpu.memory_space<hbm>>, %arg3: memref<40960xi32, #tpu.memory_space<hbm>>, %arg4: memref<2x10112x80xf32, #tpu.memory_space<hbm>>, %arg5: memref<10112x80xf32, #tpu.memory_space<vmem_shared>>, %arg6: memref<512x80xf32, #tpu.memory_space<vmem>>, %arg7: memref<4x128xi32, #tpu.memory_space<vmem>>, %arg8: memref<64x80xf32, #tpu.memory_space<vmem>>, %arg9: memref<!tpu.dma_semaphore, #tpu.memory_space<semaphore_mem>>) attributes {dimension_semantics = [#tpu.dimension_semantics<core_parallel>, #tpu.dimension_semantics<subcore_parallel>], iteration_bounds = array<i64: 2, 16>, scalar_prefetch = 0 : i64, scratch_operands = 5 : i64, tpu.core_type = #tpu.core_type<sc_vector_subcore>, window_params = [{transform_indices = #map}, {transform_indices = #map1}, {transform_indices = #map}]} {
    %scan3A = arith.constant 0 : i32
    %scan3A_0 = arith.constant 0 : i32
    %scan3A_1 = arith.constant 64 : i32
    %scan3A_2 = arith.addi %scan3A_0, %scan3A_1 : i32
    %scan3A_3 = arith.constant 1 : i32
    scf.for %scan3A_54 = %scan3A_0 to %scan3A_2 step %scan3A_3  : i32 {
      %broadcast_in_dim3A = arith.constant 0.000000e+00 : f32
      %broadcast_in_dim3A_55 = vector.broadcast %broadcast_in_dim3A : f32 to vector<16xf32>
      %swap3A = arith.index_cast %scan3A_54 : i32 to index
      %swap3A_56 = arith.constant 0 : index
      %swap3A_57 = tpu.vector_load %arg8[%swap3A, %swap3A_56] {strides = array<i32>} : memref<64x80xf32, #tpu.memory_space<vmem>>, vector<1x16xf32>,
      %swap3A_58 = vector.shape_cast %swap3A_57 : vector<1x16xf32> to vector<16xf32>
      %swap3A_59 = vector.shape_cast %broadcast_in_dim3A_55 : vector<16xf32> to vector<1x16xf32>
      tpu.vector_store %arg8[%swap3A, %swap3A_56], %swap3A_59 {strides = array<i32>} : memref<64x80xf32, #tpu.memory_space<vmem>>, vector<1x16xf32>,
      %broadcast_in_dim3A_60 = arith.constant 0.000000e+00 : f32
      %broadcast_in_dim3A_61 = vector.broadcast %broadcast_in_dim3A_60 : f32 to vector<16xf32>
      %swap3A_62 = arith.index_cast %scan3A_54 : i32 to index
      %swap3A_63 = arith.constant 16 : index
      %swap3A_64 = tpu.vector_load %arg8[%swap3A_62, %swap3A_63] {strides = array<i32>} : memref<64x80xf32, #tpu.memory_space<vmem>>, vector<1x16xf32>,
      %swap3A_65 = vector.shape_cast %swap3A_64 : vector<1x16xf32> to vector<16xf32>
      %swap3A_66 = vector.shape_cast %broadcast_in_dim3A_61 : vector<16xf32> to vector<1x16xf32>
      tpu.vector_store %arg8[%swap3A_62, %swap3A_63], %swap3A_66 {strides = array<i32>} : memref<64x80xf32, #tpu.memory_space<vmem>>, vector<1x16xf32>,
      %broadcast_in_dim3A_67 = arith.constant 0.000000e+00 : f32
      %broadcast_in_dim3A_68 = vector.broadcast %broadcast_in_dim3A_67 : f32 to vector<16xf32>
      %swap3A_69 = arith.index_cast %scan3A_54 : i32 to index
      %swap3A_70 = arith.constant 32 : index
      %swap3A_71 = tpu.vector_load %arg8[%swap3A_69, %swap3A_70] {strides = array<i32>} : memref<64x80xf32, #tpu.memory_space<vmem>>, vector<1x16xf32>,
      %swap3A_72 = vector.shape_cast %swap3A_71 : vector<1x16xf32> to vector<16xf32>
      %swap3A_73 = vector.shape_cast %broadcast_in_dim3A_68 : vector<16xf32> to vector<1x16xf32>
      tpu.vector_store %arg8[%swap3A_69, %swap3A_70], %swap3A_73 {strides = array<i32>} : memref<64x80xf32, #tpu.memory_space<vmem>>, vector<1x16xf32>,
      %broadcast_in_dim3A_74 = arith.constant 0.000000e+00 : f32
      %broadcast_in_dim3A_75 = vector.broadcast %broadcast_in_dim3A_74 : f32 to vector<16xf32>
      %swap3A_76 = arith.index_cast %scan3A_54 : i32 to index
      %swap3A_77 = arith.constant 48 : index
      %swap3A_78 = tpu.vector_load %arg8[%swap3A_76, %swap3A_77] {strides = array<i32>} : memref<64x80xf32, #tpu.memory_space<vmem>>, vector<1x16xf32>,
      %swap3A_79 = vector.shape_cast %swap3A_78 : vector<1x16xf32> to vector<16xf32>
      %swap3A_80 = vector.shape_cast %broadcast_in_dim3A_75 : vector<16xf32> to vector<1x16xf32>
      tpu.vector_store %arg8[%swap3A_76, %swap3A_77], %swap3A_80 {strides = array<i32>} : memref<64x80xf32, #tpu.memory_space<vmem>>, vector<1x16xf32>,
      %broadcast_in_dim3A_81 = arith.constant 0.000000e+00 : f32
      %broadcast_in_dim3A_82 = vector.broadcast %broadcast_in_dim3A_81 : f32 to vector<16xf32>
      %swap3A_83 = arith.index_cast %scan3A_54 : i32 to index
      %swap3A_84 = arith.constant 64 : index
      %swap3A_85 = tpu.vector_load %arg8[%swap3A_83, %swap3A_84] {strides = array<i32>} : memref<64x80xf32, #tpu.memory_space<vmem>>, vector<1x16xf32>,
      %swap3A_86 = vector.shape_cast %swap3A_85 : vector<1x16xf32> to vector<16xf32>
      %swap3A_87 = vector.shape_cast %broadcast_in_dim3A_82 : vector<16xf32> to vector<1x16xf32>
      tpu.vector_store %arg8[%swap3A_83, %swap3A_84], %swap3A_87 {strides = array<i32>} : memref<64x80xf32, #tpu.memory_space<vmem>>, vector<1x16xf32>,
    }
    %scan3A_4 = arith.constant 64 : i32
    %mul3A = arith.constant 632 : i32
    %mul3A_5 = arith.muli %arg1, %mul3A : i32
    %add3A = arith.constant 0 : i32
    %add3A_6 = arith.addi %mul3A_5, %add3A : i32
    "tpu.region"() ({
      %run_scoped3A = tpu.sem_alloc : memref<!tpu.dma_semaphore, #tpu.memory_space<semaphore_mem>>
      %dma_start3A = arith.constant 0 : i32
      %dma_start3A_54 = tpu.memref_slice %arg5[%add3A_6, %dma_start3A] : memref<10112x80xf32, #tpu.memory_space<vmem_shared>> -> memref<64x80xf32, #tpu.memory_space<vmem_shared>>
      %dma_start3A_55 = arith.constant 0 : i32
      %dma_start3A_56 = tpu.memref_slice %arg5[%add3A_6, %dma_start3A_55] : memref<10112x80xf32, #tpu.memory_space<vmem_shared>> -> memref<64x80xf32, #tpu.memory_space<vmem_shared>>
      tpu.enqueue_dma source(%arg8 : memref<64x80xf32, #tpu.memory_space<vmem>>) target(%dma_start3A_56 : memref<64x80xf32, #tpu.memory_space<vmem_shared>>) target_semaphore(%run_scoped3A : memref<!tpu.dma_semaphore, #tpu.memory_space<semaphore_mem>>)
      %dma_wait3A = arith.constant 0 : i32
      %dma_wait3A_57 = tpu.memref_slice %arg5[%add3A_6, %dma_wait3A] : memref<10112x80xf32, #tpu.memory_space<vmem_shared>> -> memref<64x80xf32, #tpu.memory_space<vmem_shared>>
      %dma_wait3A_58 = arith.constant 0 : i32
      %dma_wait3A_59 = tpu.memref_slice %arg5[%add3A_6, %dma_wait3A_58] : memref<10112x80xf32, #tpu.memory_space<vmem_shared>> -> memref<64x80xf32, #tpu.memory_space<vmem_shared>>
      tpu.wait_dma2 semaphore(%run_scoped3A : memref<!tpu.dma_semaphore, #tpu.memory_space<semaphore_mem>>) src(%arg8 : memref<64x80xf32, #tpu.memory_space<vmem>>) dst(%dma_wait3A_59 : memref<64x80xf32, #tpu.memory_space<vmem_shared>>)
      tpu.yield
    }) : () -> ()
    %mul3A_7 = arith.constant 632 : i32
    %mul3A_8 = arith.muli %arg1, %mul3A_7 : i32
    %add3A_9 = arith.constant 64 : i32
    %add3A_10 = arith.addi %mul3A_8, %add3A_9 : i32
    "tpu.region"() ({
      %run_scoped3A = tpu.sem_alloc : memref<!tpu.dma_semaphore, #tpu.memory_space<semaphore_mem>>
      %dma_start3A = arith.constant 0 : i32
      %dma_start3A_54 = tpu.memref_slice %arg5[%add3A_10, %dma_start3A] : memref<10112x80xf32, #tpu.memory_space<vmem_shared>> -> memref<64x80xf32, #tpu.memory_space<vmem_shared>>
      %dma_start3A_55 = arith.constant 0 : i32
      %dma_start3A_56 = tpu.memref_slice %arg5[%add3A_10, %dma_start3A_55] : memref<10112x80xf32, #tpu.memory_space<vmem_shared>> -> memref<64x80xf32, #tpu.memory_space<vmem_shared>>
      tpu.enqueue_dma source(%arg8 : memref<64x80xf32, #tpu.memory_space<vmem>>) target(%dma_start3A_56 : memref<64x80xf32, #tpu.memory_space<vmem_shared>>) target_semaphore(%run_scoped3A : memref<!tpu.dma_semaphore, #tpu.memory_space<semaphore_mem>>)
      %dma_wait3A = arith.constant 0 : i32
      %dma_wait3A_57 = tpu.memref_slice %arg5[%add3A_10, %dma_wait3A] : memref<10112x80xf32, #tpu.memory_space<vmem_shared>> -> memref<64x80xf32, #tpu.memory_space<vmem_shared>>
      %dma_wait3A_58 = arith.constant 0 : i32
      %dma_wait3A_59 = tpu.memref_slice %arg5[%add3A_10, %dma_wait3A_58] : memref<10112x80xf32, #tpu.memory_space<vmem_shared>> -> memref<64x80xf32, #tpu.memory_space<vmem_shared>>
      tpu.wait_dma2 semaphore(%run_scoped3A : memref<!tpu.dma_semaphore, #tpu.memory_space<semaphore_mem>>) src(%arg8 : memref<64x80xf32, #tpu.memory_space<vmem>>) dst(%dma_wait3A_59 : memref<64x80xf32, #tpu.memory_space<vmem_shared>>)
      tpu.yield
    }) : () -> ()
    %mul3A_11 = arith.constant 632 : i32
    %mul3A_12 = arith.muli %arg1, %mul3A_11 : i32
    %add3A_13 = arith.constant 128 : i32
    %add3A_14 = arith.addi %mul3A_12, %add3A_13 : i32
    "tpu.region"() ({
      %run_scoped3A = tpu.sem_alloc : memref<!tpu.dma_semaphore, #tpu.memory_space<semaphore_mem>>
      %dma_start3A = arith.constant 0 : i32
      %dma_start3A_54 = tpu.memref_slice %arg5[%add3A_14, %dma_start3A] : memref<10112x80xf32, #tpu.memory_space<vmem_shared>> -> memref<64x80xf32, #tpu.memory_space<vmem_shared>>
      %dma_start3A_55 = arith.constant 0 : i32
      %dma_start3A_56 = tpu.memref_slice %arg5[%add3A_14, %dma_start3A_55] : memref<10112x80xf32, #tpu.memory_space<vmem_shared>> -> memref<64x80xf32, #tpu.memory_space<vmem_shared>>
      tpu.enqueue_dma source(%arg8 : memref<64x80xf32, #tpu.memory_space<vmem>>) target(%dma_start3A_56 : memref<64x80xf32, #tpu.memory_space<vmem_shared>>) target_semaphore(%run_scoped3A : memref<!tpu.dma_semaphore, #tpu.memory_space<semaphore_mem>>)
      %dma_wait3A = arith.constant 0 : i32
      %dma_wait3A_57 = tpu.memref_slice %arg5[%add3A_14, %dma_wait3A] : memref<10112x80xf32, #tpu.memory_space<vmem_shared>> -> memref<64x80xf32, #tpu.memory_space<vmem_shared>>
      %dma_wait3A_58 = arith.constant 0 : i32
      %dma_wait3A_59 = tpu.memref_slice %arg5[%add3A_14, %dma_wait3A_58] : memref<10112x80xf32, #tpu.memory_space<vmem_shared>> -> memref<64x80xf32, #tpu.memory_space<vmem_shared>>
      tpu.wait_dma2 semaphore(%run_scoped3A : memref<!tpu.dma_semaphore, #tpu.memory_space<semaphore_mem>>) src(%arg8 : memref<64x80xf32, #tpu.memory_space<vmem>>) dst(%dma_wait3A_59 : memref<64x80xf32, #tpu.memory_space<vmem_shared>>)
      tpu.yield
    }) : () -> ()
    %mul3A_15 = arith.constant 632 : i32
    %mul3A_16 = arith.muli %arg1, %mul3A_15 : i32
    %add3A_17 = arith.constant 192 : i32
    %add3A_18 = arith.addi %mul3A_16, %add3A_17 : i32
    "tpu.region"() ({
      %run_scoped3A = tpu.sem_alloc : memref<!tpu.dma_semaphore, #tpu.memory_space<semaphore_mem>>
      %dma_start3A = arith.constant 0 : i32
      %dma_start3A_54 = tpu.memref_slice %arg5[%add3A_18, %dma_start3A] : memref<10112x80xf32, #tpu.memory_space<vmem_shared>> -> memref<64x80xf32, #tpu.memory_space<vmem_shared>>
      %dma_start3A_55 = arith.constant 0 : i32
      %dma_start3A_56 = tpu.memref_slice %arg5[%add3A_18, %dma_start3A_55] : memref<10112x80xf32, #tpu.memory_space<vmem_shared>> -> memref<64x80xf32, #tpu.memory_space<vmem_shared>>
      tpu.enqueue_dma source(%arg8 : memref<64x80xf32, #tpu.memory_space<vmem>>) target(%dma_start3A_56 : memref<64x80xf32, #tpu.memory_space<vmem_shared>>) target_semaphore(%run_scoped3A : memref<!tpu.dma_semaphore, #tpu.memory_space<semaphore_mem>>)
      %dma_wait3A = arith.constant 0 : i32
      %dma_wait3A_57 = tpu.memref_slice %arg5[%add3A_18, %dma_wait3A] : memref<10112x80xf32, #tpu.memory_space<vmem_shared>> -> memref<64x80xf32, #tpu.memory_space<vmem_shared>>
      %dma_wait3A_58 = arith.constant 0 : i32
      %dma_wait3A_59 = tpu.memref_slice %arg5[%add3A_18, %dma_wait3A_58] : memref<10112x80xf32, #tpu.memory_space<vmem_shared>> -> memref<64x80xf32, #tpu.memory_space<vmem_shared>>
      tpu.wait_dma2 semaphore(%run_scoped3A : memref<!tpu.dma_semaphore, #tpu.memory_space<semaphore_mem>>) src(%arg8 : memref<64x80xf32, #tpu.memory_space<vmem>>) dst(%dma_wait3A_59 : memref<64x80xf32, #tpu.memory_space<vmem_shared>>)
      tpu.yield
    }) : () -> ()
    %mul3A_19 = arith.constant 632 : i32
    %mul3A_20 = arith.muli %arg1, %mul3A_19 : i32
    %add3A_21 = arith.constant 256 : i32
    %add3A_22 = arith.addi %mul3A_20, %add3A_21 : i32
    "tpu.region"() ({
      %run_scoped3A = tpu.sem_alloc : memref<!tpu.dma_semaphore, #tpu.memory_space<semaphore_mem>>
      %dma_start3A = arith.constant 0 : i32
      %dma_start3A_54 = tpu.memref_slice %arg5[%add3A_22, %dma_start3A] : memref<10112x80xf32, #tpu.memory_space<vmem_shared>> -> memref<64x80xf32, #tpu.memory_space<vmem_shared>>
      %dma_start3A_55 = arith.constant 0 : i32
      %dma_start3A_56 = tpu.memref_slice %arg5[%add3A_22, %dma_start3A_55] : memref<10112x80xf32, #tpu.memory_space<vmem_shared>> -> memref<64x80xf32, #tpu.memory_space<vmem_shared>>
      tpu.enqueue_dma source(%arg8 : memref<64x80xf32, #tpu.memory_space<vmem>>) target(%dma_start3A_56 : memref<64x80xf32, #tpu.memory_space<vmem_shared>>) target_semaphore(%run_scoped3A : memref<!tpu.dma_semaphore, #tpu.memory_space<semaphore_mem>>)
      %dma_wait3A = arith.constant 0 : i32
      %dma_wait3A_57 = tpu.memref_slice %arg5[%add3A_22, %dma_wait3A] : memref<10112x80xf32, #tpu.memory_space<vmem_shared>> -> memref<64x80xf32, #tpu.memory_space<vmem_shared>>
      %dma_wait3A_58 = arith.constant 0 : i32
      %dma_wait3A_59 = tpu.memref_slice %arg5[%add3A_22, %dma_wait3A_58] : memref<10112x80xf32, #tpu.memory_space<vmem_shared>> -> memref<64x80xf32, #tpu.memory_space<vmem_shared>>
      tpu.wait_dma2 semaphore(%run_scoped3A : memref<!tpu.dma_semaphore, #tpu.memory_space<semaphore_mem>>) src(%arg8 : memref<64x80xf32, #tpu.memory_space<vmem>>) dst(%dma_wait3A_59 : memref<64x80xf32, #tpu.memory_space<vmem_shared>>)
      tpu.yield
    }) : () -> ()
    %mul3A_23 = arith.constant 632 : i32
    %mul3A_24 = arith.muli %arg1, %mul3A_23 : i32
    %add3A_25 = arith.constant 320 : i32
    %add3A_26 = arith.addi %mul3A_24, %add3A_25 : i32
    "tpu.region"() ({
      %run_scoped3A = tpu.sem_alloc : memref<!tpu.dma_semaphore, #tpu.memory_space<semaphore_mem>>
      %dma_start3A = arith.constant 0 : i32
      %dma_start3A_54 = tpu.memref_slice %arg5[%add3A_26, %dma_start3A] : memref<10112x80xf32, #tpu.memory_space<vmem_shared>> -> memref<64x80xf32, #tpu.memory_space<vmem_shared>>
      %dma_start3A_55 = arith.constant 0 : i32
      %dma_start3A_56 = tpu.memref_slice %arg5[%add3A_26, %dma_start3A_55] : memref<10112x80xf32, #tpu.memory_space<vmem_shared>> -> memref<64x80xf32, #tpu.memory_space<vmem_shared>>
      tpu.enqueue_dma source(%arg8 : memref<64x80xf32, #tpu.memory_space<vmem>>) target(%dma_start3A_56 : memref<64x80xf32, #tpu.memory_space<vmem_shared>>) target_semaphore(%run_scoped3A : memref<!tpu.dma_semaphore, #tpu.memory_space<semaphore_mem>>)
      %dma_wait3A = arith.constant 0 : i32
      %dma_wait3A_57 = tpu.memref_slice %arg5[%add3A_26, %dma_wait3A] : memref<10112x80xf32, #tpu.memory_space<vmem_shared>> -> memref<64x80xf32, #tpu.memory_space<vmem_shared>>
      %dma_wait3A_58 = arith.constant 0 : i32
      %dma_wait3A_59 = tpu.memref_slice %arg5[%add3A_26, %dma_wait3A_58] : memref<10112x80xf32, #tpu.memory_space<vmem_shared>> -> memref<64x80xf32, #tpu.memory_space<vmem_shared>>
      tpu.wait_dma2 semaphore(%run_scoped3A : memref<!tpu.dma_semaphore, #tpu.memory_space<semaphore_mem>>) src(%arg8 : memref<64x80xf32, #tpu.memory_space<vmem>>) dst(%dma_wait3A_59 : memref<64x80xf32, #tpu.memory_space<vmem_shared>>)
      tpu.yield
    }) : () -> ()
    %mul3A_27 = arith.constant 632 : i32
    %mul3A_28 = arith.muli %arg1, %mul3A_27 : i32
    %add3A_29 = arith.constant 384 : i32
    %add3A_30 = arith.addi %mul3A_28, %add3A_29 : i32
    "tpu.region"() ({
      %run_scoped3A = tpu.sem_alloc : memref<!tpu.dma_semaphore, #tpu.memory_space<semaphore_mem>>
      %dma_start3A = arith.constant 0 : i32
      %dma_start3A_54 = tpu.memref_slice %arg5[%add3A_30, %dma_start3A] : memref<10112x80xf32, #tpu.memory_space<vmem_shared>> -> memref<64x80xf32, #tpu.memory_space<vmem_shared>>
      %dma_start3A_55 = arith.constant 0 : i32
      %dma_start3A_56 = tpu.memref_slice %arg5[%add3A_30, %dma_start3A_55] : memref<10112x80xf32, #tpu.memory_space<vmem_shared>> -> memref<64x80xf32, #tpu.memory_space<vmem_shared>>
      tpu.enqueue_dma source(%arg8 : memref<64x80xf32, #tpu.memory_space<vmem>>) target(%dma_start3A_56 : memref<64x80xf32, #tpu.memory_space<vmem_shared>>) target_semaphore(%run_scoped3A : memref<!tpu.dma_semaphore, #tpu.memory_space<semaphore_mem>>)
      %dma_wait3A = arith.constant 0 : i32
      %dma_wait3A_57 = tpu.memref_slice %arg5[%add3A_30, %dma_wait3A] : memref<10112x80xf32, #tpu.memory_space<vmem_shared>> -> memref<64x80xf32, #tpu.memory_space<vmem_shared>>
      %dma_wait3A_58 = arith.constant 0 : i32
      %dma_wait3A_59 = tpu.memref_slice %arg5[%add3A_30, %dma_wait3A_58] : memref<10112x80xf32, #tpu.memory_space<vmem_shared>> -> memref<64x80xf32, #tpu.memory_space<vmem_shared>>
      tpu.wait_dma2 semaphore(%run_scoped3A : memref<!tpu.dma_semaphore, #tpu.memory_space<semaphore_mem>>) src(%arg8 : memref<64x80xf32, #tpu.memory_space<vmem>>) dst(%dma_wait3A_59 : memref<64x80xf32, #tpu.memory_space<vmem_shared>>)
      tpu.yield
    }) : () -> ()
    %mul3A_31 = arith.constant 632 : i32
    %mul3A_32 = arith.muli %arg1, %mul3A_31 : i32
    %add3A_33 = arith.constant 448 : i32
    %add3A_34 = arith.addi %mul3A_32, %add3A_33 : i32
    "tpu.region"() ({
      %run_scoped3A = tpu.sem_alloc : memref<!tpu.dma_semaphore, #tpu.memory_space<semaphore_mem>>
      %dma_start3A = arith.constant 0 : i32
      %dma_start3A_54 = tpu.memref_slice %arg5[%add3A_34, %dma_start3A] : memref<10112x80xf32, #tpu.memory_space<vmem_shared>> -> memref<64x80xf32, #tpu.memory_space<vmem_shared>>
      %dma_start3A_55 = arith.constant 0 : i32
      %dma_start3A_56 = tpu.memref_slice %arg5[%add3A_34, %dma_start3A_55] : memref<10112x80xf32, #tpu.memory_space<vmem_shared>> -> memref<64x80xf32, #tpu.memory_space<vmem_shared>>
      tpu.enqueue_dma source(%arg8 : memref<64x80xf32, #tpu.memory_space<vmem>>) target(%dma_start3A_56 : memref<64x80xf32, #tpu.memory_space<vmem_shared>>) target_semaphore(%run_scoped3A : memref<!tpu.dma_semaphore, #tpu.memory_space<semaphore_mem>>)
      %dma_wait3A = arith.constant 0 : i32
      %dma_wait3A_57 = tpu.memref_slice %arg5[%add3A_34, %dma_wait3A] : memref<10112x80xf32, #tpu.memory_space<vmem_shared>> -> memref<64x80xf32, #tpu.memory_space<vmem_shared>>
      %dma_wait3A_58 = arith.constant 0 : i32
      %dma_wait3A_59 = tpu.memref_slice %arg5[%add3A_34, %dma_wait3A_58] : memref<10112x80xf32, #tpu.memory_space<vmem_shared>> -> memref<64x80xf32, #tpu.memory_space<vmem_shared>>
      tpu.wait_dma2 semaphore(%run_scoped3A : memref<!tpu.dma_semaphore, #tpu.memory_space<semaphore_mem>>) src(%arg8 : memref<64x80xf32, #tpu.memory_space<vmem>>) dst(%dma_wait3A_59 : memref<64x80xf32, #tpu.memory_space<vmem_shared>>)
      tpu.yield
    }) : () -> ()
    %mul3A_35 = arith.constant 632 : i32
    %mul3A_36 = arith.muli %arg1, %mul3A_35 : i32
    %add3A_37 = arith.constant 512 : i32
    %add3A_38 = arith.addi %mul3A_36, %add3A_37 : i32
    "tpu.region"() ({
      %run_scoped3A = tpu.sem_alloc : memref<!tpu.dma_semaphore, #tpu.memory_space<semaphore_mem>>
      %dma_start3A = arith.constant 0 : i32
      %dma_start3A_54 = tpu.memref_slice %arg5[%add3A_38, %dma_start3A] : memref<10112x80xf32, #tpu.memory_space<vmem_shared>> -> memref<64x80xf32, #tpu.memory_space<vmem_shared>>
      %dma_start3A_55 = arith.constant 0 : i32
      %dma_start3A_56 = tpu.memref_slice %arg5[%add3A_38, %dma_start3A_55] : memref<10112x80xf32, #tpu.memory_space<vmem_shared>> -> memref<64x80xf32, #tpu.memory_space<vmem_shared>>
      tpu.enqueue_dma source(%arg8 : memref<64x80xf32, #tpu.memory_space<vmem>>) target(%dma_start3A_56 : memref<64x80xf32, #tpu.memory_space<vmem_shared>>) target_semaphore(%run_scoped3A : memref<!tpu.dma_semaphore, #tpu.memory_space<semaphore_mem>>)
      %dma_wait3A = arith.constant 0 : i32
      %dma_wait3A_57 = tpu.memref_slice %arg5[%add3A_38, %dma_wait3A] : memref<10112x80xf32, #tpu.memory_space<vmem_shared>> -> memref<64x80xf32, #tpu.memory_space<vmem_shared>>
      %dma_wait3A_58 = arith.constant 0 : i32
      %dma_wait3A_59 = tpu.memref_slice %arg5[%add3A_38, %dma_wait3A_58] : memref<10112x80xf32, #tpu.memory_space<vmem_shared>> -> memref<64x80xf32, #tpu.memory_space<vmem_shared>>
      tpu.wait_dma2 semaphore(%run_scoped3A : memref<!tpu.dma_semaphore, #tpu.memory_space<semaphore_mem>>) src(%arg8 : memref<64x80xf32, #tpu.memory_space<vmem>>) dst(%dma_wait3A_59 : memref<64x80xf32, #tpu.memory_space<vmem_shared>>)
      tpu.yield
    }) : () -> ()
    %mul3A_39 = arith.constant 632 : i32
    %mul3A_40 = arith.muli %arg1, %mul3A_39 : i32
    %add3A_41 = arith.constant 576 : i32
    %add3A_42 = arith.addi %mul3A_40, %add3A_41 : i32
    "tpu.region"() ({
      %run_scoped3A = tpu.sem_alloc : memref<!tpu.dma_semaphore, #tpu.memory_space<semaphore_mem>>
      %dma_start3A = arith.constant 0 : i32
      %dma_start3A_54 = arith.constant 0 : i32
      %dma_start3A_55 = tpu.memref_slice %arg8[%dma_start3A, %dma_start3A_54] : memref<64x80xf32, #tpu.memory_space<vmem>> -> memref<56x80xf32, #tpu.memory_space<vmem>>
      %dma_start3A_56 = arith.constant 0 : i32
      %dma_start3A_57 = tpu.memref_slice %arg5[%add3A_42, %dma_start3A_56] : memref<10112x80xf32, #tpu.memory_space<vmem_shared>> -> memref<56x80xf32, #tpu.memory_space<vmem_shared>>
      %dma_start3A_58 = arith.constant 0 : i32
      %dma_start3A_59 = tpu.memref_slice %arg5[%add3A_42, %dma_start3A_58] : memref<10112x80xf32, #tpu.memory_space<vmem_shared>> -> memref<56x80xf32, #tpu.memory_space<vmem_shared>>
      %dma_start3A_60 = arith.constant 0 : i32
      %dma_start3A_61 = arith.constant 0 : i32
      %dma_start3A_62 = tpu.memref_slice %arg8[%dma_start3A_60, %dma_start3A_61] : memref<64x80xf32, #tpu.memory_space<vmem>> -> memref<56x80xf32, #tpu.memory_space<vmem>>
      tpu.enqueue_dma source(%dma_start3A_62 : memref<56x80xf32, #tpu.memory_space<vmem>>) target(%dma_start3A_59 : memref<56x80xf32, #tpu.memory_space<vmem_shared>>) target_semaphore(%run_scoped3A : memref<!tpu.dma_semaphore, #tpu.memory_space<semaphore_mem>>)
      %dma_wait3A = arith.constant 0 : i32
      %dma_wait3A_63 = arith.constant 0 : i32
      %dma_wait3A_64 = tpu.memref_slice %arg8[%dma_wait3A, %dma_wait3A_63] : memref<64x80xf32, #tpu.memory_space<vmem>> -> memref<56x80xf32, #tpu.memory_space<vmem>>
      %dma_wait3A_65 = arith.constant 0 : i32
      %dma_wait3A_66 = tpu.memref_slice %arg5[%add3A_42, %dma_wait3A_65] : memref<10112x80xf32, #tpu.memory_space<vmem_shared>> -> memref<56x80xf32, #tpu.memory_space<vmem_shared>>
      %dma_wait3A_67 = arith.constant 0 : i32
      %dma_wait3A_68 = tpu.memref_slice %arg5[%add3A_42, %dma_wait3A_67] : memref<10112x80xf32, #tpu.memory_space<vmem_shared>> -> memref<56x80xf32, #tpu.memory_space<vmem_shared>>
      %dma_wait3A_69 = arith.constant 0 : i32
      %dma_wait3A_70 = arith.constant 0 : i32
      %dma_wait3A_71 = tpu.memref_slice %arg8[%dma_wait3A_69, %dma_wait3A_70] : memref<64x80xf32, #tpu.memory_space<vmem>> -> memref<56x80xf32, #tpu.memory_space<vmem>>
      tpu.wait_dma2 semaphore(%run_scoped3A : memref<!tpu.dma_semaphore, #tpu.memory_space<semaphore_mem>>) src(%dma_wait3A_71 : memref<56x80xf32, #tpu.memory_space<vmem>>) dst(%dma_wait3A_68 : memref<56x80xf32, #tpu.memory_space<vmem_shared>>)
      tpu.yield
    }) : () -> ()
    %barrier3A = arith.constant 0 : index
    tpu.barrier barrier_id(%barrier3A)
    %scan3A_43 = arith.constant 0 : i32
    %scan3A_44 = arith.constant 0 : i32
    %scan3A_45 = arith.constant 5 : i32
    %scan3A_46 = arith.addi %scan3A_44, %scan3A_45 : i32
    %scan3A_47 = arith.constant 1 : i32
    scf.for %scan3A_54 = %scan3A_44 to %scan3A_46 step %scan3A_47  : i32 {
      %mul3A_55 = arith.constant 2560 : i32
      %mul3A_56 = arith.muli %arg1, %mul3A_55 : i32
      %mul3A_57 = arith.constant 512 : i32
      %mul3A_58 = arith.muli %scan3A_54, %mul3A_57 : i32
      %add3A_59 = arith.addi %mul3A_56, %mul3A_58 : i32
      %add3A_60 = arith.constant 0 : i32
      %add3A_61 = arith.addi %add3A_59, %add3A_60 : i32
      %run_scoped3A = arith.constant 0 : i32
      "tpu.region"() ({
        %run_scoped3A_149 = tpu.sem_alloc : memref<!tpu.dma_semaphore, #tpu.memory_space<semaphore_mem>>
        %dma_start3A_150 = arith.constant 0 : i32
        %dma_start3A_151 = tpu.memref_slice %arg7[%run_scoped3A, %dma_start3A_150] : memref<4x128xi32, #tpu.memory_space<vmem>> -> memref<1x128xi32, #tpu.memory_space<vmem>>
        %dma_start3A_152 = tpu.memref_squeeze %dma_start3A_151 : memref<1x128xi32, #tpu.memory_space<vmem>> -> memref<128xi32, #tpu.memory_space<vmem>>
        %dma_start3A_153 = tpu.memref_slice %arg3[%add3A_61] : memref<40960xi32, #tpu.memory_space<hbm>> -> memref<128xi32, #tpu.memory_space<hbm>>
        %dma_start3A_154 = arith.constant 0 : i32
        %dma_start3A_155 = tpu.memref_slice %arg7[%run_scoped3A, %dma_start3A_154] : memref<4x128xi32, #tpu.memory_space<vmem>> -> memref<1x128xi32, #tpu.memory_space<vmem>>
        %dma_start3A_156 = tpu.memref_squeeze %dma_start3A_155 : memref<1x128xi32, #tpu.memory_space<vmem>> -> memref<128xi32, #tpu.memory_space<vmem>>
        %dma_start3A_157 = tpu.memref_slice %arg3[%add3A_61] : memref<40960xi32, #tpu.memory_space<hbm>> -> memref<128xi32, #tpu.memory_space<hbm>>
        tpu.enqueue_dma source(%dma_start3A_157 : memref<128xi32, #tpu.memory_space<hbm>>) target(%dma_start3A_156 : memref<128xi32, #tpu.memory_space<vmem>>) target_semaphore(%run_scoped3A_149 : memref<!tpu.dma_semaphore, #tpu.memory_space<semaphore_mem>>)
        %dma_wait3A_158 = arith.constant 0 : i32
        %dma_wait3A_159 = tpu.memref_slice %arg7[%run_scoped3A, %dma_wait3A_158] : memref<4x128xi32, #tpu.memory_space<vmem>> -> memref<1x128xi32, #tpu.memory_space<vmem>>
        %dma_wait3A_160 = tpu.memref_squeeze %dma_wait3A_159 : memref<1x128xi32, #tpu.memory_space<vmem>> -> memref<128xi32, #tpu.memory_space<vmem>>
        %dma_wait3A_161 = tpu.memref_slice %arg3[%add3A_61] : memref<40960xi32, #tpu.memory_space<hbm>> -> memref<128xi32, #tpu.memory_space<hbm>>
        %dma_wait3A_162 = arith.constant 0 : i32
        %dma_wait3A_163 = tpu.memref_slice %arg7[%run_scoped3A, %dma_wait3A_162] : memref<4x128xi32, #tpu.memory_space<vmem>> -> memref<1x128xi32, #tpu.memory_space<vmem>>
        %dma_wait3A_164 = tpu.memref_squeeze %dma_wait3A_163 : memref<1x128xi32, #tpu.memory_space<vmem>> -> memref<128xi32, #tpu.memory_space<vmem>>
        %dma_wait3A_165 = tpu.memref_slice %arg3[%add3A_61] : memref<40960xi32, #tpu.memory_space<hbm>> -> memref<128xi32, #tpu.memory_space<hbm>>
        tpu.wait_dma2 semaphore(%run_scoped3A_149 : memref<!tpu.dma_semaphore, #tpu.memory_space<semaphore_mem>>) src(%dma_wait3A_165 : memref<128xi32, #tpu.memory_space<hbm>>) dst(%dma_wait3A_164 : memref<128xi32, #tpu.memory_space<vmem>>)
        tpu.yield
      }) : () -> ()
      %add3A_62 = arith.constant 128 : i32
      %add3A_63 = arith.addi %add3A_59, %add3A_62 : i32
      %run_scoped3A_64 = arith.constant 1 : i32
      "tpu.region"() ({
        %run_scoped3A_149 = tpu.sem_alloc : memref<!tpu.dma_semaphore, #tpu.memory_space<semaphore_mem>>
        %dma_start3A_150 = arith.constant 0 : i32
        %dma_start3A_151 = tpu.memref_slice %arg7[%run_scoped3A_64, %dma_start3A_150] : memref<4x128xi32, #tpu.memory_space<vmem>> -> memref<1x128xi32, #tpu.memory_space<vmem>>
        %dma_start3A_152 = tpu.memref_squeeze %dma_start3A_151 : memref<1x128xi32, #tpu.memory_space<vmem>> -> memref<128xi32, #tpu.memory_space<vmem>>
        %dma_start3A_153 = tpu.memref_slice %arg3[%add3A_63] : memref<40960xi32, #tpu.memory_space<hbm>> -> memref<128xi32, #tpu.memory_space<hbm>>
        %dma_start3A_154 = arith.constant 0 : i32
        %dma_start3A_155 = tpu.memref_slice %arg7[%run_scoped3A_64, %dma_start3A_154] : memref<4x128xi32, #tpu.memory_space<vmem>> -> memref<1x128xi32, #tpu.memory_space<vmem>>
        %dma_start3A_156 = tpu.memref_squeeze %dma_start3A_155 : memref<1x128xi32, #tpu.memory_space<vmem>> -> memref<128xi32, #tpu.memory_space<vmem>>
        %dma_start3A_157 = tpu.memref_slice %arg3[%add3A_63] : memref<40960xi32, #tpu.memory_space<hbm>> -> memref<128xi32, #tpu.memory_space<hbm>>
        tpu.enqueue_dma source(%dma_start3A_157 : memref<128xi32, #tpu.memory_space<hbm>>) target(%dma_start3A_156 : memref<128xi32, #tpu.memory_space<vmem>>) target_semaphore(%run_scoped3A_149 : memref<!tpu.dma_semaphore, #tpu.memory_space<semaphore_mem>>)
        %dma_wait3A_158 = arith.constant 0 : i32
        %dma_wait3A_159 = tpu.memref_slice %arg7[%run_scoped3A_64, %dma_wait3A_158] : memref<4x128xi32, #tpu.memory_space<vmem>> -> memref<1x128xi32, #tpu.memory_space<vmem>>
        %dma_wait3A_160 = tpu.memref_squeeze %dma_wait3A_159 : memref<1x128xi32, #tpu.memory_space<vmem>> -> memref<128xi32, #tpu.memory_space<vmem>>
        %dma_wait3A_161 = tpu.memref_slice %arg3[%add3A_63] : memref<40960xi32, #tpu.memory_space<hbm>> -> memref<128xi32, #tpu.memory_space<hbm>>
        %dma_wait3A_162 = arith.constant 0 : i32
        %dma_wait3A_163 = tpu.memref_slice %arg7[%run_scoped3A_64, %dma_wait3A_162] : memref<4x128xi32, #tpu.memory_space<vmem>> -> memref<1x128xi32, #tpu.memory_space<vmem>>
        %dma_wait3A_164 = tpu.memref_squeeze %dma_wait3A_163 : memref<1x128xi32, #tpu.memory_space<vmem>> -> memref<128xi32, #tpu.memory_space<vmem>>
        %dma_wait3A_165 = tpu.memref_slice %arg3[%add3A_63] : memref<40960xi32, #tpu.memory_space<hbm>> -> memref<128xi32, #tpu.memory_space<hbm>>
        tpu.wait_dma2 semaphore(%run_scoped3A_149 : memref<!tpu.dma_semaphore, #tpu.memory_space<semaphore_mem>>) src(%dma_wait3A_165 : memref<128xi32, #tpu.memory_space<hbm>>) dst(%dma_wait3A_164 : memref<128xi32, #tpu.memory_space<vmem>>)
        tpu.yield
      }) : () -> ()
      %add3A_65 = arith.constant 256 : i32
      %add3A_66 = arith.addi %add3A_59, %add3A_65 : i32
      %run_scoped3A_67 = arith.constant 2 : i32
      "tpu.region"() ({
        %run_scoped3A_149 = tpu.sem_alloc : memref<!tpu.dma_semaphore, #tpu.memory_space<semaphore_mem>>
        %dma_start3A_150 = arith.constant 0 : i32
        %dma_start3A_151 = tpu.memref_slice %arg7[%run_scoped3A_67, %dma_start3A_150] : memref<4x128xi32, #tpu.memory_space<vmem>> -> memref<1x128xi32, #tpu.memory_space<vmem>>
        %dma_start3A_152 = tpu.memref_squeeze %dma_start3A_151 : memref<1x128xi32, #tpu.memory_space<vmem>> -> memref<128xi32, #tpu.memory_space<vmem>>
        %dma_start3A_153 = tpu.memref_slice %arg3[%add3A_66] : memref<40960xi32, #tpu.memory_space<hbm>> -> memref<128xi32, #tpu.memory_space<hbm>>
        %dma_start3A_154 = arith.constant 0 : i32
        %dma_start3A_155 = tpu.memref_slice %arg7[%run_scoped3A_67, %dma_start3A_154] : memref<4x128xi32, #tpu.memory_space<vmem>> -> memref<1x128xi32, #tpu.memory_space<vmem>>
        %dma_start3A_156 = tpu.memref_squeeze %dma_start3A_155 : memref<1x128xi32, #tpu.memory_space<vmem>> -> memref<128xi32, #tpu.memory_space<vmem>>
        %dma_start3A_157 = tpu.memref_slice %arg3[%add3A_66] : memref<40960xi32, #tpu.memory_space<hbm>> -> memref<128xi32, #tpu.memory_space<hbm>>
        tpu.enqueue_dma source(%dma_start3A_157 : memref<128xi32, #tpu.memory_space<hbm>>) target(%dma_start3A_156 : memref<128xi32, #tpu.memory_space<vmem>>) target_semaphore(%run_scoped3A_149 : memref<!tpu.dma_semaphore, #tpu.memory_space<semaphore_mem>>)
        %dma_wait3A_158 = arith.constant 0 : i32
        %dma_wait3A_159 = tpu.memref_slice %arg7[%run_scoped3A_67, %dma_wait3A_158] : memref<4x128xi32, #tpu.memory_space<vmem>> -> memref<1x128xi32, #tpu.memory_space<vmem>>
        %dma_wait3A_160 = tpu.memref_squeeze %dma_wait3A_159 : memref<1x128xi32, #tpu.memory_space<vmem>> -> memref<128xi32, #tpu.memory_space<vmem>>
        %dma_wait3A_161 = tpu.memref_slice %arg3[%add3A_66] : memref<40960xi32, #tpu.memory_space<hbm>> -> memref<128xi32, #tpu.memory_space<hbm>>
        %dma_wait3A_162 = arith.constant 0 : i32
        %dma_wait3A_163 = tpu.memref_slice %arg7[%run_scoped3A_67, %dma_wait3A_162] : memref<4x128xi32, #tpu.memory_space<vmem>> -> memref<1x128xi32, #tpu.memory_space<vmem>>
        %dma_wait3A_164 = tpu.memref_squeeze %dma_wait3A_163 : memref<1x128xi32, #tpu.memory_space<vmem>> -> memref<128xi32, #tpu.memory_space<vmem>>
        %dma_wait3A_165 = tpu.memref_slice %arg3[%add3A_66] : memref<40960xi32, #tpu.memory_space<hbm>> -> memref<128xi32, #tpu.memory_space<hbm>>
        tpu.wait_dma2 semaphore(%run_scoped3A_149 : memref<!tpu.dma_semaphore, #tpu.memory_space<semaphore_mem>>) src(%dma_wait3A_165 : memref<128xi32, #tpu.memory_space<hbm>>) dst(%dma_wait3A_164 : memref<128xi32, #tpu.memory_space<vmem>>)
        tpu.yield
      }) : () -> ()
      %add3A_68 = arith.constant 384 : i32
      %add3A_69 = arith.addi %add3A_59, %add3A_68 : i32
      %run_scoped3A_70 = arith.constant 3 : i32
      "tpu.region"() ({
        %run_scoped3A_149 = tpu.sem_alloc : memref<!tpu.dma_semaphore, #tpu.memory_space<semaphore_mem>>
        %dma_start3A_150 = arith.constant 0 : i32
        %dma_start3A_151 = tpu.memref_slice %arg7[%run_scoped3A_70, %dma_start3A_150] : memref<4x128xi32, #tpu.memory_space<vmem>> -> memref<1x128xi32, #tpu.memory_space<vmem>>
        %dma_start3A_152 = tpu.memref_squeeze %dma_start3A_151 : memref<1x128xi32, #tpu.memory_space<vmem>> -> memref<128xi32, #tpu.memory_space<vmem>>
        %dma_start3A_153 = tpu.memref_slice %arg3[%add3A_69] : memref<40960xi32, #tpu.memory_space<hbm>> -> memref<128xi32, #tpu.memory_space<hbm>>
        %dma_start3A_154 = arith.constant 0 : i32
        %dma_start3A_155 = tpu.memref_slice %arg7[%run_scoped3A_70, %dma_start3A_154] : memref<4x128xi32, #tpu.memory_space<vmem>> -> memref<1x128xi32, #tpu.memory_space<vmem>>
        %dma_start3A_156 = tpu.memref_squeeze %dma_start3A_155 : memref<1x128xi32, #tpu.memory_space<vmem>> -> memref<128xi32, #tpu.memory_space<vmem>>
        %dma_start3A_157 = tpu.memref_slice %arg3[%add3A_69] : memref<40960xi32, #tpu.memory_space<hbm>> -> memref<128xi32, #tpu.memory_space<hbm>>
        tpu.enqueue_dma source(%dma_start3A_157 : memref<128xi32, #tpu.memory_space<hbm>>) target(%dma_start3A_156 : memref<128xi32, #tpu.memory_space<vmem>>) target_semaphore(%run_scoped3A_149 : memref<!tpu.dma_semaphore, #tpu.memory_space<semaphore_mem>>)
        %dma_wait3A_158 = arith.constant 0 : i32
        %dma_wait3A_159 = tpu.memref_slice %arg7[%run_scoped3A_70, %dma_wait3A_158] : memref<4x128xi32, #tpu.memory_space<vmem>> -> memref<1x128xi32, #tpu.memory_space<vmem>>
        %dma_wait3A_160 = tpu.memref_squeeze %dma_wait3A_159 : memref<1x128xi32, #tpu.memory_space<vmem>> -> memref<128xi32, #tpu.memory_space<vmem>>
        %dma_wait3A_161 = tpu.memref_slice %arg3[%add3A_69] : memref<40960xi32, #tpu.memory_space<hbm>> -> memref<128xi32, #tpu.memory_space<hbm>>
        %dma_wait3A_162 = arith.constant 0 : i32
        %dma_wait3A_163 = tpu.memref_slice %arg7[%run_scoped3A_70, %dma_wait3A_162] : memref<4x128xi32, #tpu.memory_space<vmem>> -> memref<1x128xi32, #tpu.memory_space<vmem>>
        %dma_wait3A_164 = tpu.memref_squeeze %dma_wait3A_163 : memref<1x128xi32, #tpu.memory_space<vmem>> -> memref<128xi32, #tpu.memory_space<vmem>>
        %dma_wait3A_165 = tpu.memref_slice %arg3[%add3A_69] : memref<40960xi32, #tpu.memory_space<hbm>> -> memref<128xi32, #tpu.memory_space<hbm>>
        tpu.wait_dma2 semaphore(%run_scoped3A_149 : memref<!tpu.dma_semaphore, #tpu.memory_space<semaphore_mem>>) src(%dma_wait3A_165 : memref<128xi32, #tpu.memory_space<hbm>>) dst(%dma_wait3A_164 : memref<128xi32, #tpu.memory_space<vmem>>)
        tpu.yield
      }) : () -> ()
      "tpu.region"() ({
        %run_scoped3A_149 = tpu.sem_alloc : memref<!tpu.dma_semaphore, #tpu.memory_space<semaphore_mem>>
        %dma_start3A_150 = arith.constant 0 : i32
        %dma_start3A_151 = tpu.memref_slice %arg2[%arg0, %add3A_59, %dma_start3A_150] : memref<2x40960x128xf32, #tpu.memory_space<hbm>> -> memref<1x512x80xf32, #tpu.memory_space<hbm>>
        %dma_start3A_152 = tpu.memref_squeeze %dma_start3A_151 : memref<1x512x80xf32, #tpu.memory_space<hbm>> -> memref<512x80xf32, #tpu.memory_space<hbm>>
        %dma_start3A_153 = arith.constant 0 : i32
        %dma_start3A_154 = tpu.memref_slice %arg2[%arg0, %add3A_59, %dma_start3A_153] : memref<2x40960x128xf32, #tpu.memory_space<hbm>> -> memref<1x512x80xf32, #tpu.memory_space<hbm>>
        %dma_start3A_155 = tpu.memref_squeeze %dma_start3A_154 : memref<1x512x80xf32, #tpu.memory_space<hbm>> -> memref<512x80xf32, #tpu.memory_space<hbm>>
        tpu.enqueue_dma source(%dma_start3A_155 : memref<512x80xf32, #tpu.memory_space<hbm>>) target(%arg6 : memref<512x80xf32, #tpu.memory_space<vmem>>) target_semaphore(%run_scoped3A_149 : memref<!tpu.dma_semaphore, #tpu.memory_space<semaphore_mem>>)
        %dma_wait3A_156 = arith.constant 0 : i32
        %dma_wait3A_157 = tpu.memref_slice %arg2[%arg0, %add3A_59, %dma_wait3A_156] : memref<2x40960x128xf32, #tpu.memory_space<hbm>> -> memref<1x512x80xf32, #tpu.memory_space<hbm>>
        %dma_wait3A_158 = tpu.memref_squeeze %dma_wait3A_157 : memref<1x512x80xf32, #tpu.memory_space<hbm>> -> memref<512x80xf32, #tpu.memory_space<hbm>>
        %dma_wait3A_159 = arith.constant 0 : i32
        %dma_wait3A_160 = tpu.memref_slice %arg2[%arg0, %add3A_59, %dma_wait3A_159] : memref<2x40960x128xf32, #tpu.memory_space<hbm>> -> memref<1x512x80xf32, #tpu.memory_space<hbm>>
        %dma_wait3A_161 = tpu.memref_squeeze %dma_wait3A_160 : memref<1x512x80xf32, #tpu.memory_space<hbm>> -> memref<512x80xf32, #tpu.memory_space<hbm>>
        tpu.wait_dma2 semaphore(%run_scoped3A_149 : memref<!tpu.dma_semaphore, #tpu.memory_space<semaphore_mem>>) src(%dma_wait3A_161 : memref<512x80xf32, #tpu.memory_space<hbm>>) dst(%arg6 : memref<512x80xf32, #tpu.memory_space<vmem>>)
        tpu.yield
      }) : () -> ()
      %dma_start3A = arith.constant 0 : i32
      %dma_start3A_71 = arith.constant 0 : i32
      %dma_start3A_72 = arith.constant 0 : i32
      %dma_start3A_73 = tpu.memref_slice %arg6[%dma_start3A_71, %dma_start3A_72] : memref<512x80xf32, #tpu.memory_space<vmem>> -> memref<128x80xf32, #tpu.memory_space<vmem>>
      %dma_start3A_74 = arith.constant 0 : i32
      %dma_start3A_75 = tpu.memref_slice %arg7[%dma_start3A, %dma_start3A_74] : memref<4x128xi32, #tpu.memory_space<vmem>> -> memref<1x128xi32, #tpu.memory_space<vmem>>
      %dma_start3A_76 = tpu.memref_squeeze %dma_start3A_75 : memref<1x128xi32, #tpu.memory_space<vmem>> -> memref<128xi32, #tpu.memory_space<vmem>>
      %dma_start3A_77 = arith.constant 0 : i32
      %dma_start3A_78 = arith.constant 0 : i32
      %dma_start3A_79 = tpu.memref_slice %arg5[%dma_start3A_77, %dma_start3A_78] : memref<10112x80xf32, #tpu.memory_space<vmem_shared>> -> memref<10112x80xf32, #tpu.memory_space<vmem_shared>>
      tpu.enqueue_indirect_dma source(%dma_start3A_73 : memref<128x80xf32, #tpu.memory_space<vmem>>) target(%dma_start3A_79 : memref<10112x80xf32, #tpu.memory_space<vmem_shared>>) offsets(%dma_start3A_76 : memref<128xi32, #tpu.memory_space<vmem>>) semaphore(%arg9 : memref<!tpu.dma_semaphore, #tpu.memory_space<semaphore_mem>>) {add = true}
      %dma_start3A_80 = arith.constant 1 : i32
      %dma_start3A_81 = arith.constant 128 : i32
      %dma_start3A_82 = arith.constant 0 : i32
      %dma_start3A_83 = tpu.memref_slice %arg6[%dma_start3A_81, %dma_start3A_82] : memref<512x80xf32, #tpu.memory_space<vmem>> -> memref<128x80xf32, #tpu.memory_space<vmem>>
      %dma_start3A_84 = arith.constant 0 : i32
      %dma_start3A_85 = tpu.memref_slice %arg7[%dma_start3A_80, %dma_start3A_84] : memref<4x128xi32, #tpu.memory_space<vmem>> -> memref<1x128xi32, #tpu.memory_space<vmem>>
      %dma_start3A_86 = tpu.memref_squeeze %dma_start3A_85 : memref<1x128xi32, #tpu.memory_space<vmem>> -> memref<128xi32, #tpu.memory_space<vmem>>
      %dma_start3A_87 = arith.constant 0 : i32
      %dma_start3A_88 = arith.constant 0 : i32
      %dma_start3A_89 = tpu.memref_slice %arg5[%dma_start3A_87, %dma_start3A_88] : memref<10112x80xf32, #tpu.memory_space<vmem_shared>> -> memref<10112x80xf32, #tpu.memory_space<vmem_shared>>
      tpu.enqueue_indirect_dma source(%dma_start3A_83 : memref<128x80xf32, #tpu.memory_space<vmem>>) target(%dma_start3A_89 : memref<10112x80xf32, #tpu.memory_space<vmem_shared>>) offsets(%dma_start3A_86 : memref<128xi32, #tpu.memory_space<vmem>>) semaphore(%arg9 : memref<!tpu.dma_semaphore, #tpu.memory_space<semaphore_mem>>) {add = true}
      %dma_start3A_90 = arith.constant 2 : i32
      %dma_start3A_91 = arith.constant 256 : i32
      %dma_start3A_92 = arith.constant 0 : i32
      %dma_start3A_93 = tpu.memref_slice %arg6[%dma_start3A_91, %dma_start3A_92] : memref<512x80xf32, #tpu.memory_space<vmem>> -> memref<128x80xf32, #tpu.memory_space<vmem>>
      %dma_start3A_94 = arith.constant 0 : i32
      %dma_start3A_95 = tpu.memref_slice %arg7[%dma_start3A_90, %dma_start3A_94] : memref<4x128xi32, #tpu.memory_space<vmem>> -> memref<1x128xi32, #tpu.memory_space<vmem>>
      %dma_start3A_96 = tpu.memref_squeeze %dma_start3A_95 : memref<1x128xi32, #tpu.memory_space<vmem>> -> memref<128xi32, #tpu.memory_space<vmem>>
      %dma_start3A_97 = arith.constant 0 : i32
      %dma_start3A_98 = arith.constant 0 : i32
      %dma_start3A_99 = tpu.memref_slice %arg5[%dma_start3A_97, %dma_start3A_98] : memref<10112x80xf32, #tpu.memory_space<vmem_shared>> -> memref<10112x80xf32, #tpu.memory_space<vmem_shared>>
      tpu.enqueue_indirect_dma source(%dma_start3A_93 : memref<128x80xf32, #tpu.memory_space<vmem>>) target(%dma_start3A_99 : memref<10112x80xf32, #tpu.memory_space<vmem_shared>>) offsets(%dma_start3A_96 : memref<128xi32, #tpu.memory_space<vmem>>) semaphore(%arg9 : memref<!tpu.dma_semaphore, #tpu.memory_space<semaphore_mem>>) {add = true}
      %dma_start3A_100 = arith.constant 3 : i32
      %dma_start3A_101 = arith.constant 384 : i32
      %dma_start3A_102 = arith.constant 0 : i32
      %dma_start3A_103 = tpu.memref_slice %arg6[%dma_start3A_101, %dma_start3A_102] : memref<512x80xf32, #tpu.memory_space<vmem>> -> memref<128x80xf32, #tpu.memory_space<vmem>>
      %dma_start3A_104 = arith.constant 0 : i32
      %dma_start3A_105 = tpu.memref_slice %arg7[%dma_start3A_100, %dma_start3A_104] : memref<4x128xi32, #tpu.memory_space<vmem>> -> memref<1x128xi32, #tpu.memory_space<vmem>>
      %dma_start3A_106 = tpu.memref_squeeze %dma_start3A_105 : memref<1x128xi32, #tpu.memory_space<vmem>> -> memref<128xi32, #tpu.memory_space<vmem>>
      %dma_start3A_107 = arith.constant 0 : i32
      %dma_start3A_108 = arith.constant 0 : i32
      %dma_start3A_109 = tpu.memref_slice %arg5[%dma_start3A_107, %dma_start3A_108] : memref<10112x80xf32, #tpu.memory_space<vmem_shared>> -> memref<10112x80xf32, #tpu.memory_space<vmem_shared>>
      tpu.enqueue_indirect_dma source(%dma_start3A_103 : memref<128x80xf32, #tpu.memory_space<vmem>>) target(%dma_start3A_109 : memref<10112x80xf32, #tpu.memory_space<vmem_shared>>) offsets(%dma_start3A_106 : memref<128xi32, #tpu.memory_space<vmem>>) semaphore(%arg9 : memref<!tpu.dma_semaphore, #tpu.memory_space<semaphore_mem>>) {add = true}
      %dma_wait3A = arith.constant 0 : i32
      %dma_wait3A_110 = arith.constant 0 : i32
      %dma_wait3A_111 = arith.constant 0 : i32
      %dma_wait3A_112 = tpu.memref_slice %arg6[%dma_wait3A_110, %dma_wait3A_111] : memref<512x80xf32, #tpu.memory_space<vmem>> -> memref<128x80xf32, #tpu.memory_space<vmem>>
      %dma_wait3A_113 = arith.constant 0 : i32
      %dma_wait3A_114 = tpu.memref_slice %arg7[%dma_wait3A, %dma_wait3A_113] : memref<4x128xi32, #tpu.memory_space<vmem>> -> memref<1x128xi32, #tpu.memory_space<vmem>>
      %dma_wait3A_115 = tpu.memref_squeeze %dma_wait3A_114 : memref<1x128xi32, #tpu.memory_space<vmem>> -> memref<128xi32, #tpu.memory_space<vmem>>
      %dma_wait3A_116 = arith.constant 0 : i32
      %dma_wait3A_117 = arith.constant 0 : i32
      %dma_wait3A_118 = tpu.memref_slice %arg5[%dma_wait3A_116, %dma_wait3A_117] : memref<10112x80xf32, #tpu.memory_space<vmem_shared>> -> memref<10112x80xf32, #tpu.memory_space<vmem_shared>>
      tpu.wait_indirect_dma semaphore(%arg9 : memref<!tpu.dma_semaphore, #tpu.memory_space<semaphore_mem>>) src(%dma_wait3A_112 : memref<128x80xf32, #tpu.memory_space<vmem>>) dst(%dma_wait3A_118 : memref<10112x80xf32, #tpu.memory_space<vmem_shared>>)
      %dma_wait3A_119 = arith.constant 1 : i32
      %dma_wait3A_120 = arith.constant 128 : i32
      %dma_wait3A_121 = arith.constant 0 : i32
      %dma_wait3A_122 = tpu.memref_slice %arg6[%dma_wait3A_120, %dma_wait3A_121] : memref<512x80xf32, #tpu.memory_space<vmem>> -> memref<128x80xf32, #tpu.memory_space<vmem>>
      %dma_wait3A_123 = arith.constant 0 : i32
      %dma_wait3A_124 = tpu.memref_slice %arg7[%dma_wait3A_119, %dma_wait3A_123] : memref<4x128xi32, #tpu.memory_space<vmem>> -> memref<1x128xi32, #tpu.memory_space<vmem>>
      %dma_wait3A_125 = tpu.memref_squeeze %dma_wait3A_124 : memref<1x128xi32, #tpu.memory_space<vmem>> -> memref<128xi32, #tpu.memory_space<vmem>>
      %dma_wait3A_126 = arith.constant 0 : i32
      %dma_wait3A_127 = arith.constant 0 : i32
      %dma_wait3A_128 = tpu.memref_slice %arg5[%dma_wait3A_126, %dma_wait3A_127] : memref<10112x80xf32, #tpu.memory_space<vmem_shared>> -> memref<10112x80xf32, #tpu.memory_space<vmem_shared>>
      tpu.wait_indirect_dma semaphore(%arg9 : memref<!tpu.dma_semaphore, #tpu.memory_space<semaphore_mem>>) src(%dma_wait3A_122 : memref<128x80xf32, #tpu.memory_space<vmem>>) dst(%dma_wait3A_128 : memref<10112x80xf32, #tpu.memory_space<vmem_shared>>)
      %dma_wait3A_129 = arith.constant 2 : i32
      %dma_wait3A_130 = arith.constant 256 : i32
      %dma_wait3A_131 = arith.constant 0 : i32
      %dma_wait3A_132 = tpu.memref_slice %arg6[%dma_wait3A_130, %dma_wait3A_131] : memref<512x80xf32, #tpu.memory_space<vmem>> -> memref<128x80xf32, #tpu.memory_space<vmem>>
      %dma_wait3A_133 = arith.constant 0 : i32
      %dma_wait3A_134 = tpu.memref_slice %arg7[%dma_wait3A_129, %dma_wait3A_133] : memref<4x128xi32, #tpu.memory_space<vmem>> -> memref<1x128xi32, #tpu.memory_space<vmem>>
      %dma_wait3A_135 = tpu.memref_squeeze %dma_wait3A_134 : memref<1x128xi32, #tpu.memory_space<vmem>> -> memref<128xi32, #tpu.memory_space<vmem>>
      %dma_wait3A_136 = arith.constant 0 : i32
      %dma_wait3A_137 = arith.constant 0 : i32
      %dma_wait3A_138 = tpu.memref_slice %arg5[%dma_wait3A_136, %dma_wait3A_137] : memref<10112x80xf32, #tpu.memory_space<vmem_shared>> -> memref<10112x80xf32, #tpu.memory_space<vmem_shared>>
      tpu.wait_indirect_dma semaphore(%arg9 : memref<!tpu.dma_semaphore, #tpu.memory_space<semaphore_mem>>) src(%dma_wait3A_132 : memref<128x80xf32, #tpu.memory_space<vmem>>) dst(%dma_wait3A_138 : memref<10112x80xf32, #tpu.memory_space<vmem_shared>>)
      %dma_wait3A_139 = arith.constant 3 : i32
      %dma_wait3A_140 = arith.constant 384 : i32
      %dma_wait3A_141 = arith.constant 0 : i32
      %dma_wait3A_142 = tpu.memref_slice %arg6[%dma_wait3A_140, %dma_wait3A_141] : memref<512x80xf32, #tpu.memory_space<vmem>> -> memref<128x80xf32, #tpu.memory_space<vmem>>
      %dma_wait3A_143 = arith.constant 0 : i32
      %dma_wait3A_144 = tpu.memref_slice %arg7[%dma_wait3A_139, %dma_wait3A_143] : memref<4x128xi32, #tpu.memory_space<vmem>> -> memref<1x128xi32, #tpu.memory_space<vmem>>
      %dma_wait3A_145 = tpu.memref_squeeze %dma_wait3A_144 : memref<1x128xi32, #tpu.memory_space<vmem>> -> memref<128xi32, #tpu.memory_space<vmem>>
      %dma_wait3A_146 = arith.constant 0 : i32
      %dma_wait3A_147 = arith.constant 0 : i32
      %dma_wait3A_148 = tpu.memref_slice %arg5[%dma_wait3A_146, %dma_wait3A_147] : memref<10112x80xf32, #tpu.memory_space<vmem_shared>> -> memref<10112x80xf32, #tpu.memory_space<vmem_shared>>
      tpu.wait_indirect_dma semaphore(%arg9 : memref<!tpu.dma_semaphore, #tpu.memory_space<semaphore_mem>>) src(%dma_wait3A_142 : memref<128x80xf32, #tpu.memory_space<vmem>>) dst(%dma_wait3A_148 : memref<10112x80xf32, #tpu.memory_space<vmem_shared>>)
    }
    %scan3A_48 = arith.constant 5 : i32
    %barrier3A_49 = arith.constant 0 : index
    tpu.barrier barrier_id(%barrier3A_49)
    %mul3A_50 = arith.constant 632 : i32
    %mul3A_51 = arith.muli %arg1, %mul3A_50 : i32
    %mul3A_52 = arith.constant 632 : i32
    %mul3A_53 = arith.muli %arg1, %mul3A_52 : i32
    "tpu.region"() ({
      %run_scoped3A = tpu.sem_alloc : memref<!tpu.dma_semaphore, #tpu.memory_space<semaphore_mem>>
      %dma_start3A = arith.constant 0 : i32
      %dma_start3A_54 = tpu.memref_slice %arg4[%arg0, %mul3A_53, %dma_start3A] : memref<2x10112x80xf32, #tpu.memory_space<hbm>> -> memref<1x632x80xf32, #tpu.memory_space<hbm>>
      %dma_start3A_55 = tpu.memref_squeeze %dma_start3A_54 : memref<1x632x80xf32, #tpu.memory_space<hbm>> -> memref<632x80xf32, #tpu.memory_space<hbm>>
      %dma_start3A_56 = arith.constant 0 : i32
      %dma_start3A_57 = tpu.memref_slice %arg5[%mul3A_51, %dma_start3A_56] : memref<10112x80xf32, #tpu.memory_space<vmem_shared>> -> memref<632x80xf32, #tpu.memory_space<vmem_shared>>
      tpu.enqueue_dma source(%dma_start3A_57 : memref<632x80xf32, #tpu.memory_space<vmem_shared>>) target(%dma_start3A_55 : memref<632x80xf32, #tpu.memory_space<hbm>>) target_semaphore(%run_scoped3A : memref<!tpu.dma_semaphore, #tpu.memory_space<semaphore_mem>>)
      %dma_wait3A = arith.constant 0 : i32
      %dma_wait3A_58 = tpu.memref_slice %arg4[%arg0, %mul3A_53, %dma_wait3A] : memref<2x10112x80xf32, #tpu.memory_space<hbm>> -> memref<1x632x80xf32, #tpu.memory_space<hbm>>
      %dma_wait3A_59 = tpu.memref_squeeze %dma_wait3A_58 : memref<1x632x80xf32, #tpu.memory_space<hbm>> -> memref<632x80xf32, #tpu.memory_space<hbm>>
      %dma_wait3A_60 = arith.constant 0 : i32
      %dma_wait3A_61 = tpu.memref_slice %arg5[%mul3A_51, %dma_wait3A_60] : memref<10112x80xf32, #tpu.memory_space<vmem_shared>> -> memref<632x80xf32, #tpu.memory_space<vmem_shared>>
      tpu.wait_dma2 semaphore(%run_scoped3A : memref<!tpu.dma_semaphore, #tpu.memory_space<semaphore_mem>>) src(%dma_wait3A_61 : memref<632x80xf32, #tpu.memory_space<vmem_shared>>) dst(%dma_wait3A_59 : memref<632x80xf32, #tpu.memory_space<hbm>>)
      tpu.yield
    }) : () -> ()
    return
  }
}

#map = affine_map<(d0, d1) -> (0, 0, 0)>
#map1 = affine_map<(d0, d1) -> (0)>
module attributes {stable_mosaic.version = 14 : i64} {
  func.func @_segment_sum_sc_body(%arg0: i32, %arg1: i32, %arg2: memref<2x40960x128xf32, #tpu.memory_space<hbm>>, %arg3: memref<40960xi32, #tpu.memory_space<hbm>>, %arg4: memref<2x10112x80xf32, #tpu.memory_space<hbm>>, %arg5: memref<10112x80xf32, #tpu.memory_space<vmem_shared>>, %arg6: memref<512x80xf32, #tpu.memory_space<vmem>>, %arg7: memref<4x128xi32, #tpu.memory_space<vmem>>, %arg8: memref<64x80xf32, #tpu.memory_space<vmem>>, %arg9: memref<!tpu.dma_semaphore, #tpu.memory_space<semaphore_mem>>) attributes {dimension_semantics = [#tpu.dimension_semantics<core_parallel>, #tpu.dimension_semantics<subcore_parallel>], iteration_bounds = array<i64: 2, 16>, scalar_prefetch = 0 : i64, scratch_operands = 5 : i64, tpu.core_type = #tpu.core_type<sc_vector_subcore>, window_params = [{transform_indices = #map}, {transform_indices = #map1}, {transform_indices = #map}]} {
    %scan3A = arith.constant 0 : i32
    %scan3A_0 = arith.constant 0 : i32
    %scan3A_1 = arith.constant 64 : i32
    %scan3A_2 = arith.addi %scan3A_0, %scan3A_1 : i32
    %scan3A_3 = arith.constant 1 : i32
    scf.for %scan3A_54 = %scan3A_0 to %scan3A_2 step %scan3A_3  : i32 {
      %broadcast_in_dim3A = arith.constant 0.000000e+00 : f32
      %broadcast_in_dim3A_55 = vector.broadcast %broadcast_in_dim3A : f32 to vector<16xf32>
      %swap3A = arith.index_cast %scan3A_54 : i32 to index
      %swap3A_56 = arith.constant 0 : index
      %swap3A_57 = tpu.vector_load %arg8[%swap3A, %swap3A_56] {strides = array<i32>} : memref<64x80xf32, #tpu.memory_space<vmem>>, vector<1x16xf32>,
      %swap3A_58 = vector.shape_cast %swap3A_57 : vector<1x16xf32> to vector<16xf32>
      %swap3A_59 = vector.shape_cast %broadcast_in_dim3A_55 : vector<16xf32> to vector<1x16xf32>
      tpu.vector_store %arg8[%swap3A, %swap3A_56], %swap3A_59 {strides = array<i32>} : memref<64x80xf32, #tpu.memory_space<vmem>>, vector<1x16xf32>,
      %broadcast_in_dim3A_60 = arith.constant 0.000000e+00 : f32
      %broadcast_in_dim3A_61 = vector.broadcast %broadcast_in_dim3A_60 : f32 to vector<16xf32>
      %swap3A_62 = arith.index_cast %scan3A_54 : i32 to index
      %swap3A_63 = arith.constant 16 : index
      %swap3A_64 = tpu.vector_load %arg8[%swap3A_62, %swap3A_63] {strides = array<i32>} : memref<64x80xf32, #tpu.memory_space<vmem>>, vector<1x16xf32>,
      %swap3A_65 = vector.shape_cast %swap3A_64 : vector<1x16xf32> to vector<16xf32>
      %swap3A_66 = vector.shape_cast %broadcast_in_dim3A_61 : vector<16xf32> to vector<1x16xf32>
      tpu.vector_store %arg8[%swap3A_62, %swap3A_63], %swap3A_66 {strides = array<i32>} : memref<64x80xf32, #tpu.memory_space<vmem>>, vector<1x16xf32>,
      %broadcast_in_dim3A_67 = arith.constant 0.000000e+00 : f32
      %broadcast_in_dim3A_68 = vector.broadcast %broadcast_in_dim3A_67 : f32 to vector<16xf32>
      %swap3A_69 = arith.index_cast %scan3A_54 : i32 to index
      %swap3A_70 = arith.constant 32 : index
      %swap3A_71 = tpu.vector_load %arg8[%swap3A_69, %swap3A_70] {strides = array<i32>} : memref<64x80xf32, #tpu.memory_space<vmem>>, vector<1x16xf32>,
      %swap3A_72 = vector.shape_cast %swap3A_71 : vector<1x16xf32> to vector<16xf32>
      %swap3A_73 = vector.shape_cast %broadcast_in_dim3A_68 : vector<16xf32> to vector<1x16xf32>
      tpu.vector_store %arg8[%swap3A_69, %swap3A_70], %swap3A_73 {strides = array<i32>} : memref<64x80xf32, #tpu.memory_space<vmem>>, vector<1x16xf32>,
      %broadcast_in_dim3A_74 = arith.constant 0.000000e+00 : f32
      %broadcast_in_dim3A_75 = vector.broadcast %broadcast_in_dim3A_74 : f32 to vector<16xf32>
      %swap3A_76 = arith.index_cast %scan3A_54 : i32 to index
      %swap3A_77 = arith.constant 48 : index
      %swap3A_78 = tpu.vector_load %arg8[%swap3A_76, %swap3A_77] {strides = array<i32>} : memref<64x80xf32, #tpu.memory_space<vmem>>, vector<1x16xf32>,
      %swap3A_79 = vector.shape_cast %swap3A_78 : vector<1x16xf32> to vector<16xf32>
      %swap3A_80 = vector.shape_cast %broadcast_in_dim3A_75 : vector<16xf32> to vector<1x16xf32>
      tpu.vector_store %arg8[%swap3A_76, %swap3A_77], %swap3A_80 {strides = array<i32>} : memref<64x80xf32, #tpu.memory_space<vmem>>, vector<1x16xf32>,
      %broadcast_in_dim3A_81 = arith.constant 0.000000e+00 : f32
      %broadcast_in_dim3A_82 = vector.broadcast %broadcast_in_dim3A_81 : f32 to vector<16xf32>
      %swap3A_83 = arith.index_cast %scan3A_54 : i32 to index
      %swap3A_84 = arith.constant 64 : index
      %swap3A_85 = tpu.vector_load %arg8[%swap3A_83, %swap3A_84] {strides = array<i32>} : memref<64x80xf32, #tpu.memory_space<vmem>>, vector<1x16xf32>,
      %swap3A_86 = vector.shape_cast %swap3A_85 : vector<1x16xf32> to vector<16xf32>
      %swap3A_87 = vector.shape_cast %broadcast_in_dim3A_82 : vector<16xf32> to vector<1x16xf32>
      tpu.vector_store %arg8[%swap3A_83, %swap3A_84], %swap3A_87 {strides = array<i32>} : memref<64x80xf32, #tpu.memory_space<vmem>>, vector<1x16xf32>,
    }
    %scan3A_4 = arith.constant 64 : i32
    %mul3A = arith.constant 632 : i32
    %mul3A_5 = arith.muli %arg1, %mul3A : i32
    %add3A = arith.constant 0 : i32
    %add3A_6 = arith.addi %mul3A_5, %add3A : i32
    "tpu.region"() ({
      %run_scoped3A = tpu.sem_alloc : memref<!tpu.dma_semaphore, #tpu.memory_space<semaphore_mem>>
      %dma_start3A = arith.constant 0 : i32
      %dma_start3A_54 = tpu.memref_slice %arg5[%add3A_6, %dma_start3A] : memref<10112x80xf32, #tpu.memory_space<vmem_shared>> -> memref<64x80xf32, #tpu.memory_space<vmem_shared>>
      %dma_start3A_55 = arith.constant 0 : i32
      %dma_start3A_56 = tpu.memref_slice %arg5[%add3A_6, %dma_start3A_55] : memref<10112x80xf32, #tpu.memory_space<vmem_shared>> -> memref<64x80xf32, #tpu.memory_space<vmem_shared>>
      tpu.enqueue_dma source(%arg8 : memref<64x80xf32, #tpu.memory_space<vmem>>) target(%dma_start3A_56 : memref<64x80xf32, #tpu.memory_space<vmem_shared>>) target_semaphore(%run_scoped3A : memref<!tpu.dma_semaphore, #tpu.memory_space<semaphore_mem>>)
      %dma_wait3A = arith.constant 0 : i32
      %dma_wait3A_57 = tpu.memref_slice %arg5[%add3A_6, %dma_wait3A] : memref<10112x80xf32, #tpu.memory_space<vmem_shared>> -> memref<64x80xf32, #tpu.memory_space<vmem_shared>>
      %dma_wait3A_58 = arith.constant 0 : i32
      %dma_wait3A_59 = tpu.memref_slice %arg5[%add3A_6, %dma_wait3A_58] : memref<10112x80xf32, #tpu.memory_space<vmem_shared>> -> memref<64x80xf32, #tpu.memory_space<vmem_shared>>
      tpu.wait_dma2 semaphore(%run_scoped3A : memref<!tpu.dma_semaphore, #tpu.memory_space<semaphore_mem>>) src(%arg8 : memref<64x80xf32, #tpu.memory_space<vmem>>) dst(%dma_wait3A_59 : memref<64x80xf32, #tpu.memory_space<vmem_shared>>)
      tpu.yield
    }) : () -> ()
    %mul3A_7 = arith.constant 632 : i32
    %mul3A_8 = arith.muli %arg1, %mul3A_7 : i32
    %add3A_9 = arith.constant 64 : i32
    %add3A_10 = arith.addi %mul3A_8, %add3A_9 : i32
    "tpu.region"() ({
      %run_scoped3A = tpu.sem_alloc : memref<!tpu.dma_semaphore, #tpu.memory_space<semaphore_mem>>
      %dma_start3A = arith.constant 0 : i32
      %dma_start3A_54 = tpu.memref_slice %arg5[%add3A_10, %dma_start3A] : memref<10112x80xf32, #tpu.memory_space<vmem_shared>> -> memref<64x80xf32, #tpu.memory_space<vmem_shared>>
      %dma_start3A_55 = arith.constant 0 : i32
      %dma_start3A_56 = tpu.memref_slice %arg5[%add3A_10, %dma_start3A_55] : memref<10112x80xf32, #tpu.memory_space<vmem_shared>> -> memref<64x80xf32, #tpu.memory_space<vmem_shared>>
      tpu.enqueue_dma source(%arg8 : memref<64x80xf32, #tpu.memory_space<vmem>>) target(%dma_start3A_56 : memref<64x80xf32, #tpu.memory_space<vmem_shared>>) target_semaphore(%run_scoped3A : memref<!tpu.dma_semaphore, #tpu.memory_space<semaphore_mem>>)
      %dma_wait3A = arith.constant 0 : i32
      %dma_wait3A_57 = tpu.memref_slice %arg5[%add3A_10, %dma_wait3A] : memref<10112x80xf32, #tpu.memory_space<vmem_shared>> -> memref<64x80xf32, #tpu.memory_space<vmem_shared>>
      %dma_wait3A_58 = arith.constant 0 : i32
      %dma_wait3A_59 = tpu.memref_slice %arg5[%add3A_10, %dma_wait3A_58] : memref<10112x80xf32, #tpu.memory_space<vmem_shared>> -> memref<64x80xf32, #tpu.memory_space<vmem_shared>>
      tpu.wait_dma2 semaphore(%run_scoped3A : memref<!tpu.dma_semaphore, #tpu.memory_space<semaphore_mem>>) src(%arg8 : memref<64x80xf32, #tpu.memory_space<vmem>>) dst(%dma_wait3A_59 : memref<64x80xf32, #tpu.memory_space<vmem_shared>>)
      tpu.yield
    }) : () -> ()
    %mul3A_11 = arith.constant 632 : i32
    %mul3A_12 = arith.muli %arg1, %mul3A_11 : i32
    %add3A_13 = arith.constant 128 : i32
    %add3A_14 = arith.addi %mul3A_12, %add3A_13 : i32
    "tpu.region"() ({
      %run_scoped3A = tpu.sem_alloc : memref<!tpu.dma_semaphore, #tpu.memory_space<semaphore_mem>>
      %dma_start3A = arith.constant 0 : i32
      %dma_start3A_54 = tpu.memref_slice %arg5[%add3A_14, %dma_start3A] : memref<10112x80xf32, #tpu.memory_space<vmem_shared>> -> memref<64x80xf32, #tpu.memory_space<vmem_shared>>
      %dma_start3A_55 = arith.constant 0 : i32
      %dma_start3A_56 = tpu.memref_slice %arg5[%add3A_14, %dma_start3A_55] : memref<10112x80xf32, #tpu.memory_space<vmem_shared>> -> memref<64x80xf32, #tpu.memory_space<vmem_shared>>
      tpu.enqueue_dma source(%arg8 : memref<64x80xf32, #tpu.memory_space<vmem>>) target(%dma_start3A_56 : memref<64x80xf32, #tpu.memory_space<vmem_shared>>) target_semaphore(%run_scoped3A : memref<!tpu.dma_semaphore, #tpu.memory_space<semaphore_mem>>)
      %dma_wait3A = arith.constant 0 : i32
      %dma_wait3A_57 = tpu.memref_slice %arg5[%add3A_14, %dma_wait3A] : memref<10112x80xf32, #tpu.memory_space<vmem_shared>> -> memref<64x80xf32, #tpu.memory_space<vmem_shared>>
      %dma_wait3A_58 = arith.constant 0 : i32
      %dma_wait3A_59 = tpu.memref_slice %arg5[%add3A_14, %dma_wait3A_58] : memref<10112x80xf32, #tpu.memory_space<vmem_shared>> -> memref<64x80xf32, #tpu.memory_space<vmem_shared>>
      tpu.wait_dma2 semaphore(%run_scoped3A : memref<!tpu.dma_semaphore, #tpu.memory_space<semaphore_mem>>) src(%arg8 : memref<64x80xf32, #tpu.memory_space<vmem>>) dst(%dma_wait3A_59 : memref<64x80xf32, #tpu.memory_space<vmem_shared>>)
      tpu.yield
    }) : () -> ()
    %mul3A_15 = arith.constant 632 : i32
    %mul3A_16 = arith.muli %arg1, %mul3A_15 : i32
    %add3A_17 = arith.constant 192 : i32
    %add3A_18 = arith.addi %mul3A_16, %add3A_17 : i32
    "tpu.region"() ({
      %run_scoped3A = tpu.sem_alloc : memref<!tpu.dma_semaphore, #tpu.memory_space<semaphore_mem>>
      %dma_start3A = arith.constant 0 : i32
      %dma_start3A_54 = tpu.memref_slice %arg5[%add3A_18, %dma_start3A] : memref<10112x80xf32, #tpu.memory_space<vmem_shared>> -> memref<64x80xf32, #tpu.memory_space<vmem_shared>>
      %dma_start3A_55 = arith.constant 0 : i32
      %dma_start3A_56 = tpu.memref_slice %arg5[%add3A_18, %dma_start3A_55] : memref<10112x80xf32, #tpu.memory_space<vmem_shared>> -> memref<64x80xf32, #tpu.memory_space<vmem_shared>>
      tpu.enqueue_dma source(%arg8 : memref<64x80xf32, #tpu.memory_space<vmem>>) target(%dma_start3A_56 : memref<64x80xf32, #tpu.memory_space<vmem_shared>>) target_semaphore(%run_scoped3A : memref<!tpu.dma_semaphore, #tpu.memory_space<semaphore_mem>>)
      %dma_wait3A = arith.constant 0 : i32
      %dma_wait3A_57 = tpu.memref_slice %arg5[%add3A_18, %dma_wait3A] : memref<10112x80xf32, #tpu.memory_space<vmem_shared>> -> memref<64x80xf32, #tpu.memory_space<vmem_shared>>
      %dma_wait3A_58 = arith.constant 0 : i32
      %dma_wait3A_59 = tpu.memref_slice %arg5[%add3A_18, %dma_wait3A_58] : memref<10112x80xf32, #tpu.memory_space<vmem_shared>> -> memref<64x80xf32, #tpu.memory_space<vmem_shared>>
      tpu.wait_dma2 semaphore(%run_scoped3A : memref<!tpu.dma_semaphore, #tpu.memory_space<semaphore_mem>>) src(%arg8 : memref<64x80xf32, #tpu.memory_space<vmem>>) dst(%dma_wait3A_59 : memref<64x80xf32, #tpu.memory_space<vmem_shared>>)
      tpu.yield
    }) : () -> ()
    %mul3A_19 = arith.constant 632 : i32
    %mul3A_20 = arith.muli %arg1, %mul3A_19 : i32
    %add3A_21 = arith.constant 256 : i32
    %add3A_22 = arith.addi %mul3A_20, %add3A_21 : i32
    "tpu.region"() ({
      %run_scoped3A = tpu.sem_alloc : memref<!tpu.dma_semaphore, #tpu.memory_space<semaphore_mem>>
      %dma_start3A = arith.constant 0 : i32
      %dma_start3A_54 = tpu.memref_slice %arg5[%add3A_22, %dma_start3A] : memref<10112x80xf32, #tpu.memory_space<vmem_shared>> -> memref<64x80xf32, #tpu.memory_space<vmem_shared>>
      %dma_start3A_55 = arith.constant 0 : i32
      %dma_start3A_56 = tpu.memref_slice %arg5[%add3A_22, %dma_start3A_55] : memref<10112x80xf32, #tpu.memory_space<vmem_shared>> -> memref<64x80xf32, #tpu.memory_space<vmem_shared>>
      tpu.enqueue_dma source(%arg8 : memref<64x80xf32, #tpu.memory_space<vmem>>) target(%dma_start3A_56 : memref<64x80xf32, #tpu.memory_space<vmem_shared>>) target_semaphore(%run_scoped3A : memref<!tpu.dma_semaphore, #tpu.memory_space<semaphore_mem>>)
      %dma_wait3A = arith.constant 0 : i32
      %dma_wait3A_57 = tpu.memref_slice %arg5[%add3A_22, %dma_wait3A] : memref<10112x80xf32, #tpu.memory_space<vmem_shared>> -> memref<64x80xf32, #tpu.memory_space<vmem_shared>>
      %dma_wait3A_58 = arith.constant 0 : i32
      %dma_wait3A_59 = tpu.memref_slice %arg5[%add3A_22, %dma_wait3A_58] : memref<10112x80xf32, #tpu.memory_space<vmem_shared>> -> memref<64x80xf32, #tpu.memory_space<vmem_shared>>
      tpu.wait_dma2 semaphore(%run_scoped3A : memref<!tpu.dma_semaphore, #tpu.memory_space<semaphore_mem>>) src(%arg8 : memref<64x80xf32, #tpu.memory_space<vmem>>) dst(%dma_wait3A_59 : memref<64x80xf32, #tpu.memory_space<vmem_shared>>)
      tpu.yield
    }) : () -> ()
    %mul3A_23 = arith.constant 632 : i32
    %mul3A_24 = arith.muli %arg1, %mul3A_23 : i32
    %add3A_25 = arith.constant 320 : i32
    %add3A_26 = arith.addi %mul3A_24, %add3A_25 : i32
    "tpu.region"() ({
      %run_scoped3A = tpu.sem_alloc : memref<!tpu.dma_semaphore, #tpu.memory_space<semaphore_mem>>
      %dma_start3A = arith.constant 0 : i32
      %dma_start3A_54 = tpu.memref_slice %arg5[%add3A_26, %dma_start3A] : memref<10112x80xf32, #tpu.memory_space<vmem_shared>> -> memref<64x80xf32, #tpu.memory_space<vmem_shared>>
      %dma_start3A_55 = arith.constant 0 : i32
      %dma_start3A_56 = tpu.memref_slice %arg5[%add3A_26, %dma_start3A_55] : memref<10112x80xf32, #tpu.memory_space<vmem_shared>> -> memref<64x80xf32, #tpu.memory_space<vmem_shared>>
      tpu.enqueue_dma source(%arg8 : memref<64x80xf32, #tpu.memory_space<vmem>>) target(%dma_start3A_56 : memref<64x80xf32, #tpu.memory_space<vmem_shared>>) target_semaphore(%run_scoped3A : memref<!tpu.dma_semaphore, #tpu.memory_space<semaphore_mem>>)
      %dma_wait3A = arith.constant 0 : i32
      %dma_wait3A_57 = tpu.memref_slice %arg5[%add3A_26, %dma_wait3A] : memref<10112x80xf32, #tpu.memory_space<vmem_shared>> -> memref<64x80xf32, #tpu.memory_space<vmem_shared>>
      %dma_wait3A_58 = arith.constant 0 : i32
      %dma_wait3A_59 = tpu.memref_slice %arg5[%add3A_26, %dma_wait3A_58] : memref<10112x80xf32, #tpu.memory_space<vmem_shared>> -> memref<64x80xf32, #tpu.memory_space<vmem_shared>>
      tpu.wait_dma2 semaphore(%run_scoped3A : memref<!tpu.dma_semaphore, #tpu.memory_space<semaphore_mem>>) src(%arg8 : memref<64x80xf32, #tpu.memory_space<vmem>>) dst(%dma_wait3A_59 : memref<64x80xf32, #tpu.memory_space<vmem_shared>>)
      tpu.yield
    }) : () -> ()
    %mul3A_27 = arith.constant 632 : i32
    %mul3A_28 = arith.muli %arg1, %mul3A_27 : i32
    %add3A_29 = arith.constant 384 : i32
    %add3A_30 = arith.addi %mul3A_28, %add3A_29 : i32
    "tpu.region"() ({
      %run_scoped3A = tpu.sem_alloc : memref<!tpu.dma_semaphore, #tpu.memory_space<semaphore_mem>>
      %dma_start3A = arith.constant 0 : i32
      %dma_start3A_54 = tpu.memref_slice %arg5[%add3A_30, %dma_start3A] : memref<10112x80xf32, #tpu.memory_space<vmem_shared>> -> memref<64x80xf32, #tpu.memory_space<vmem_shared>>
      %dma_start3A_55 = arith.constant 0 : i32
      %dma_start3A_56 = tpu.memref_slice %arg5[%add3A_30, %dma_start3A_55] : memref<10112x80xf32, #tpu.memory_space<vmem_shared>> -> memref<64x80xf32, #tpu.memory_space<vmem_shared>>
      tpu.enqueue_dma source(%arg8 : memref<64x80xf32, #tpu.memory_space<vmem>>) target(%dma_start3A_56 : memref<64x80xf32, #tpu.memory_space<vmem_shared>>) target_semaphore(%run_scoped3A : memref<!tpu.dma_semaphore, #tpu.memory_space<semaphore_mem>>)
      %dma_wait3A = arith.constant 0 : i32
      %dma_wait3A_57 = tpu.memref_slice %arg5[%add3A_30, %dma_wait3A] : memref<10112x80xf32, #tpu.memory_space<vmem_shared>> -> memref<64x80xf32, #tpu.memory_space<vmem_shared>>
      %dma_wait3A_58 = arith.constant 0 : i32
      %dma_wait3A_59 = tpu.memref_slice %arg5[%add3A_30, %dma_wait3A_58] : memref<10112x80xf32, #tpu.memory_space<vmem_shared>> -> memref<64x80xf32, #tpu.memory_space<vmem_shared>>
      tpu.wait_dma2 semaphore(%run_scoped3A : memref<!tpu.dma_semaphore, #tpu.memory_space<semaphore_mem>>) src(%arg8 : memref<64x80xf32, #tpu.memory_space<vmem>>) dst(%dma_wait3A_59 : memref<64x80xf32, #tpu.memory_space<vmem_shared>>)
      tpu.yield
    }) : () -> ()
    %mul3A_31 = arith.constant 632 : i32
    %mul3A_32 = arith.muli %arg1, %mul3A_31 : i32
    %add3A_33 = arith.constant 448 : i32
    %add3A_34 = arith.addi %mul3A_32, %add3A_33 : i32
    "tpu.region"() ({
      %run_scoped3A = tpu.sem_alloc : memref<!tpu.dma_semaphore, #tpu.memory_space<semaphore_mem>>
      %dma_start3A = arith.constant 0 : i32
      %dma_start3A_54 = tpu.memref_slice %arg5[%add3A_34, %dma_start3A] : memref<10112x80xf32, #tpu.memory_space<vmem_shared>> -> memref<64x80xf32, #tpu.memory_space<vmem_shared>>
      %dma_start3A_55 = arith.constant 0 : i32
      %dma_start3A_56 = tpu.memref_slice %arg5[%add3A_34, %dma_start3A_55] : memref<10112x80xf32, #tpu.memory_space<vmem_shared>> -> memref<64x80xf32, #tpu.memory_space<vmem_shared>>
      tpu.enqueue_dma source(%arg8 : memref<64x80xf32, #tpu.memory_space<vmem>>) target(%dma_start3A_56 : memref<64x80xf32, #tpu.memory_space<vmem_shared>>) target_semaphore(%run_scoped3A : memref<!tpu.dma_semaphore, #tpu.memory_space<semaphore_mem>>)
      %dma_wait3A = arith.constant 0 : i32
      %dma_wait3A_57 = tpu.memref_slice %arg5[%add3A_34, %dma_wait3A] : memref<10112x80xf32, #tpu.memory_space<vmem_shared>> -> memref<64x80xf32, #tpu.memory_space<vmem_shared>>
      %dma_wait3A_58 = arith.constant 0 : i32
      %dma_wait3A_59 = tpu.memref_slice %arg5[%add3A_34, %dma_wait3A_58] : memref<10112x80xf32, #tpu.memory_space<vmem_shared>> -> memref<64x80xf32, #tpu.memory_space<vmem_shared>>
      tpu.wait_dma2 semaphore(%run_scoped3A : memref<!tpu.dma_semaphore, #tpu.memory_space<semaphore_mem>>) src(%arg8 : memref<64x80xf32, #tpu.memory_space<vmem>>) dst(%dma_wait3A_59 : memref<64x80xf32, #tpu.memory_space<vmem_shared>>)
      tpu.yield
    }) : () -> ()
    %mul3A_35 = arith.constant 632 : i32
    %mul3A_36 = arith.muli %arg1, %mul3A_35 : i32
    %add3A_37 = arith.constant 512 : i32
    %add3A_38 = arith.addi %mul3A_36, %add3A_37 : i32
    "tpu.region"() ({
      %run_scoped3A = tpu.sem_alloc : memref<!tpu.dma_semaphore, #tpu.memory_space<semaphore_mem>>
      %dma_start3A = arith.constant 0 : i32
      %dma_start3A_54 = tpu.memref_slice %arg5[%add3A_38, %dma_start3A] : memref<10112x80xf32, #tpu.memory_space<vmem_shared>> -> memref<64x80xf32, #tpu.memory_space<vmem_shared>>
      %dma_start3A_55 = arith.constant 0 : i32
      %dma_start3A_56 = tpu.memref_slice %arg5[%add3A_38, %dma_start3A_55] : memref<10112x80xf32, #tpu.memory_space<vmem_shared>> -> memref<64x80xf32, #tpu.memory_space<vmem_shared>>
      tpu.enqueue_dma source(%arg8 : memref<64x80xf32, #tpu.memory_space<vmem>>) target(%dma_start3A_56 : memref<64x80xf32, #tpu.memory_space<vmem_shared>>) target_semaphore(%run_scoped3A : memref<!tpu.dma_semaphore, #tpu.memory_space<semaphore_mem>>)
      %dma_wait3A = arith.constant 0 : i32
      %dma_wait3A_57 = tpu.memref_slice %arg5[%add3A_38, %dma_wait3A] : memref<10112x80xf32, #tpu.memory_space<vmem_shared>> -> memref<64x80xf32, #tpu.memory_space<vmem_shared>>
      %dma_wait3A_58 = arith.constant 0 : i32
      %dma_wait3A_59 = tpu.memref_slice %arg5[%add3A_38, %dma_wait3A_58] : memref<10112x80xf32, #tpu.memory_space<vmem_shared>> -> memref<64x80xf32, #tpu.memory_space<vmem_shared>>
      tpu.wait_dma2 semaphore(%run_scoped3A : memref<!tpu.dma_semaphore, #tpu.memory_space<semaphore_mem>>) src(%arg8 : memref<64x80xf32, #tpu.memory_space<vmem>>) dst(%dma_wait3A_59 : memref<64x80xf32, #tpu.memory_space<vmem_shared>>)
      tpu.yield
    }) : () -> ()
    %mul3A_39 = arith.constant 632 : i32
    %mul3A_40 = arith.muli %arg1, %mul3A_39 : i32
    %add3A_41 = arith.constant 576 : i32
    %add3A_42 = arith.addi %mul3A_40, %add3A_41 : i32
    "tpu.region"() ({
      %run_scoped3A = tpu.sem_alloc : memref<!tpu.dma_semaphore, #tpu.memory_space<semaphore_mem>>
      %dma_start3A = arith.constant 0 : i32
      %dma_start3A_54 = arith.constant 0 : i32
      %dma_start3A_55 = tpu.memref_slice %arg8[%dma_start3A, %dma_start3A_54] : memref<64x80xf32, #tpu.memory_space<vmem>> -> memref<56x80xf32, #tpu.memory_space<vmem>>
      %dma_start3A_56 = arith.constant 0 : i32
      %dma_start3A_57 = tpu.memref_slice %arg5[%add3A_42, %dma_start3A_56] : memref<10112x80xf32, #tpu.memory_space<vmem_shared>> -> memref<56x80xf32, #tpu.memory_space<vmem_shared>>
      %dma_start3A_58 = arith.constant 0 : i32
      %dma_start3A_59 = tpu.memref_slice %arg5[%add3A_42, %dma_start3A_58] : memref<10112x80xf32, #tpu.memory_space<vmem_shared>> -> memref<56x80xf32, #tpu.memory_space<vmem_shared>>
      %dma_start3A_60 = arith.constant 0 : i32
      %dma_start3A_61 = arith.constant 0 : i32
      %dma_start3A_62 = tpu.memref_slice %arg8[%dma_start3A_60, %dma_start3A_61] : memref<64x80xf32, #tpu.memory_space<vmem>> -> memref<56x80xf32, #tpu.memory_space<vmem>>
      tpu.enqueue_dma source(%dma_start3A_62 : memref<56x80xf32, #tpu.memory_space<vmem>>) target(%dma_start3A_59 : memref<56x80xf32, #tpu.memory_space<vmem_shared>>) target_semaphore(%run_scoped3A : memref<!tpu.dma_semaphore, #tpu.memory_space<semaphore_mem>>)
      %dma_wait3A = arith.constant 0 : i32
      %dma_wait3A_63 = arith.constant 0 : i32
      %dma_wait3A_64 = tpu.memref_slice %arg8[%dma_wait3A, %dma_wait3A_63] : memref<64x80xf32, #tpu.memory_space<vmem>> -> memref<56x80xf32, #tpu.memory_space<vmem>>
      %dma_wait3A_65 = arith.constant 0 : i32
      %dma_wait3A_66 = tpu.memref_slice %arg5[%add3A_42, %dma_wait3A_65] : memref<10112x80xf32, #tpu.memory_space<vmem_shared>> -> memref<56x80xf32, #tpu.memory_space<vmem_shared>>
      %dma_wait3A_67 = arith.constant 0 : i32
      %dma_wait3A_68 = tpu.memref_slice %arg5[%add3A_42, %dma_wait3A_67] : memref<10112x80xf32, #tpu.memory_space<vmem_shared>> -> memref<56x80xf32, #tpu.memory_space<vmem_shared>>
      %dma_wait3A_69 = arith.constant 0 : i32
      %dma_wait3A_70 = arith.constant 0 : i32
      %dma_wait3A_71 = tpu.memref_slice %arg8[%dma_wait3A_69, %dma_wait3A_70] : memref<64x80xf32, #tpu.memory_space<vmem>> -> memref<56x80xf32, #tpu.memory_space<vmem>>
      tpu.wait_dma2 semaphore(%run_scoped3A : memref<!tpu.dma_semaphore, #tpu.memory_space<semaphore_mem>>) src(%dma_wait3A_71 : memref<56x80xf32, #tpu.memory_space<vmem>>) dst(%dma_wait3A_68 : memref<56x80xf32, #tpu.memory_space<vmem_shared>>)
      tpu.yield
    }) : () -> ()
    %barrier3A = arith.constant 0 : index
    tpu.barrier barrier_id(%barrier3A)
    %scan3A_43 = arith.constant 0 : i32
    %scan3A_44 = arith.constant 0 : i32
    %scan3A_45 = arith.constant 5 : i32
    %scan3A_46 = arith.addi %scan3A_44, %scan3A_45 : i32
    %scan3A_47 = arith.constant 1 : i32
    scf.for %scan3A_54 = %scan3A_44 to %scan3A_46 step %scan3A_47  : i32 {
      %mul3A_55 = arith.constant 2560 : i32
      %mul3A_56 = arith.muli %arg1, %mul3A_55 : i32
      %mul3A_57 = arith.constant 512 : i32
      %mul3A_58 = arith.muli %scan3A_54, %mul3A_57 : i32
      %add3A_59 = arith.addi %mul3A_56, %mul3A_58 : i32
      %add3A_60 = arith.constant 0 : i32
      %add3A_61 = arith.addi %add3A_59, %add3A_60 : i32
      %run_scoped3A = arith.constant 0 : i32
      "tpu.region"() ({
        %run_scoped3A_149 = tpu.sem_alloc : memref<!tpu.dma_semaphore, #tpu.memory_space<semaphore_mem>>
        %dma_start3A_150 = arith.constant 0 : i32
        %dma_start3A_151 = tpu.memref_slice %arg7[%run_scoped3A, %dma_start3A_150] : memref<4x128xi32, #tpu.memory_space<vmem>> -> memref<1x128xi32, #tpu.memory_space<vmem>>
        %dma_start3A_152 = tpu.memref_squeeze %dma_start3A_151 : memref<1x128xi32, #tpu.memory_space<vmem>> -> memref<128xi32, #tpu.memory_space<vmem>>
        %dma_start3A_153 = tpu.memref_slice %arg3[%add3A_61] : memref<40960xi32, #tpu.memory_space<hbm>> -> memref<128xi32, #tpu.memory_space<hbm>>
        %dma_start3A_154 = arith.constant 0 : i32
        %dma_start3A_155 = tpu.memref_slice %arg7[%run_scoped3A, %dma_start3A_154] : memref<4x128xi32, #tpu.memory_space<vmem>> -> memref<1x128xi32, #tpu.memory_space<vmem>>
        %dma_start3A_156 = tpu.memref_squeeze %dma_start3A_155 : memref<1x128xi32, #tpu.memory_space<vmem>> -> memref<128xi32, #tpu.memory_space<vmem>>
        %dma_start3A_157 = tpu.memref_slice %arg3[%add3A_61] : memref<40960xi32, #tpu.memory_space<hbm>> -> memref<128xi32, #tpu.memory_space<hbm>>
        tpu.enqueue_dma source(%dma_start3A_157 : memref<128xi32, #tpu.memory_space<hbm>>) target(%dma_start3A_156 : memref<128xi32, #tpu.memory_space<vmem>>) target_semaphore(%run_scoped3A_149 : memref<!tpu.dma_semaphore, #tpu.memory_space<semaphore_mem>>)
        %dma_wait3A_158 = arith.constant 0 : i32
        %dma_wait3A_159 = tpu.memref_slice %arg7[%run_scoped3A, %dma_wait3A_158] : memref<4x128xi32, #tpu.memory_space<vmem>> -> memref<1x128xi32, #tpu.memory_space<vmem>>
        %dma_wait3A_160 = tpu.memref_squeeze %dma_wait3A_159 : memref<1x128xi32, #tpu.memory_space<vmem>> -> memref<128xi32, #tpu.memory_space<vmem>>
        %dma_wait3A_161 = tpu.memref_slice %arg3[%add3A_61] : memref<40960xi32, #tpu.memory_space<hbm>> -> memref<128xi32, #tpu.memory_space<hbm>>
        %dma_wait3A_162 = arith.constant 0 : i32
        %dma_wait3A_163 = tpu.memref_slice %arg7[%run_scoped3A, %dma_wait3A_162] : memref<4x128xi32, #tpu.memory_space<vmem>> -> memref<1x128xi32, #tpu.memory_space<vmem>>
        %dma_wait3A_164 = tpu.memref_squeeze %dma_wait3A_163 : memref<1x128xi32, #tpu.memory_space<vmem>> -> memref<128xi32, #tpu.memory_space<vmem>>
        %dma_wait3A_165 = tpu.memref_slice %arg3[%add3A_61] : memref<40960xi32, #tpu.memory_space<hbm>> -> memref<128xi32, #tpu.memory_space<hbm>>
        tpu.wait_dma2 semaphore(%run_scoped3A_149 : memref<!tpu.dma_semaphore, #tpu.memory_space<semaphore_mem>>) src(%dma_wait3A_165 : memref<128xi32, #tpu.memory_space<hbm>>) dst(%dma_wait3A_164 : memref<128xi32, #tpu.memory_space<vmem>>)
        tpu.yield
      }) : () -> ()
      %add3A_62 = arith.constant 128 : i32
      %add3A_63 = arith.addi %add3A_59, %add3A_62 : i32
      %run_scoped3A_64 = arith.constant 1 : i32
      "tpu.region"() ({
        %run_scoped3A_149 = tpu.sem_alloc : memref<!tpu.dma_semaphore, #tpu.memory_space<semaphore_mem>>
        %dma_start3A_150 = arith.constant 0 : i32
        %dma_start3A_151 = tpu.memref_slice %arg7[%run_scoped3A_64, %dma_start3A_150] : memref<4x128xi32, #tpu.memory_space<vmem>> -> memref<1x128xi32, #tpu.memory_space<vmem>>
        %dma_start3A_152 = tpu.memref_squeeze %dma_start3A_151 : memref<1x128xi32, #tpu.memory_space<vmem>> -> memref<128xi32, #tpu.memory_space<vmem>>
        %dma_start3A_153 = tpu.memref_slice %arg3[%add3A_63] : memref<40960xi32, #tpu.memory_space<hbm>> -> memref<128xi32, #tpu.memory_space<hbm>>
        %dma_start3A_154 = arith.constant 0 : i32
        %dma_start3A_155 = tpu.memref_slice %arg7[%run_scoped3A_64, %dma_start3A_154] : memref<4x128xi32, #tpu.memory_space<vmem>> -> memref<1x128xi32, #tpu.memory_space<vmem>>
        %dma_start3A_156 = tpu.memref_squeeze %dma_start3A_155 : memref<1x128xi32, #tpu.memory_space<vmem>> -> memref<128xi32, #tpu.memory_space<vmem>>
        %dma_start3A_157 = tpu.memref_slice %arg3[%add3A_63] : memref<40960xi32, #tpu.memory_space<hbm>> -> memref<128xi32, #tpu.memory_space<hbm>>
        tpu.enqueue_dma source(%dma_start3A_157 : memref<128xi32, #tpu.memory_space<hbm>>) target(%dma_start3A_156 : memref<128xi32, #tpu.memory_space<vmem>>) target_semaphore(%run_scoped3A_149 : memref<!tpu.dma_semaphore, #tpu.memory_space<semaphore_mem>>)
        %dma_wait3A_158 = arith.constant 0 : i32
        %dma_wait3A_159 = tpu.memref_slice %arg7[%run_scoped3A_64, %dma_wait3A_158] : memref<4x128xi32, #tpu.memory_space<vmem>> -> memref<1x128xi32, #tpu.memory_space<vmem>>
        %dma_wait3A_160 = tpu.memref_squeeze %dma_wait3A_159 : memref<1x128xi32, #tpu.memory_space<vmem>> -> memref<128xi32, #tpu.memory_space<vmem>>
        %dma_wait3A_161 = tpu.memref_slice %arg3[%add3A_63] : memref<40960xi32, #tpu.memory_space<hbm>> -> memref<128xi32, #tpu.memory_space<hbm>>
        %dma_wait3A_162 = arith.constant 0 : i32
        %dma_wait3A_163 = tpu.memref_slice %arg7[%run_scoped3A_64, %dma_wait3A_162] : memref<4x128xi32, #tpu.memory_space<vmem>> -> memref<1x128xi32, #tpu.memory_space<vmem>>
        %dma_wait3A_164 = tpu.memref_squeeze %dma_wait3A_163 : memref<1x128xi32, #tpu.memory_space<vmem>> -> memref<128xi32, #tpu.memory_space<vmem>>
        %dma_wait3A_165 = tpu.memref_slice %arg3[%add3A_63] : memref<40960xi32, #tpu.memory_space<hbm>> -> memref<128xi32, #tpu.memory_space<hbm>>
        tpu.wait_dma2 semaphore(%run_scoped3A_149 : memref<!tpu.dma_semaphore, #tpu.memory_space<semaphore_mem>>) src(%dma_wait3A_165 : memref<128xi32, #tpu.memory_space<hbm>>) dst(%dma_wait3A_164 : memref<128xi32, #tpu.memory_space<vmem>>)
        tpu.yield
      }) : () -> ()
      %add3A_65 = arith.constant 256 : i32
      %add3A_66 = arith.addi %add3A_59, %add3A_65 : i32
      %run_scoped3A_67 = arith.constant 2 : i32
      "tpu.region"() ({
        %run_scoped3A_149 = tpu.sem_alloc : memref<!tpu.dma_semaphore, #tpu.memory_space<semaphore_mem>>
        %dma_start3A_150 = arith.constant 0 : i32
        %dma_start3A_151 = tpu.memref_slice %arg7[%run_scoped3A_67, %dma_start3A_150] : memref<4x128xi32, #tpu.memory_space<vmem>> -> memref<1x128xi32, #tpu.memory_space<vmem>>
        %dma_start3A_152 = tpu.memref_squeeze %dma_start3A_151 : memref<1x128xi32, #tpu.memory_space<vmem>> -> memref<128xi32, #tpu.memory_space<vmem>>
        %dma_start3A_153 = tpu.memref_slice %arg3[%add3A_66] : memref<40960xi32, #tpu.memory_space<hbm>> -> memref<128xi32, #tpu.memory_space<hbm>>
        %dma_start3A_154 = arith.constant 0 : i32
        %dma_start3A_155 = tpu.memref_slice %arg7[%run_scoped3A_67, %dma_start3A_154] : memref<4x128xi32, #tpu.memory_space<vmem>> -> memref<1x128xi32, #tpu.memory_space<vmem>>
        %dma_start3A_156 = tpu.memref_squeeze %dma_start3A_155 : memref<1x128xi32, #tpu.memory_space<vmem>> -> memref<128xi32, #tpu.memory_space<vmem>>
        %dma_start3A_157 = tpu.memref_slice %arg3[%add3A_66] : memref<40960xi32, #tpu.memory_space<hbm>> -> memref<128xi32, #tpu.memory_space<hbm>>
        tpu.enqueue_dma source(%dma_start3A_157 : memref<128xi32, #tpu.memory_space<hbm>>) target(%dma_start3A_156 : memref<128xi32, #tpu.memory_space<vmem>>) target_semaphore(%run_scoped3A_149 : memref<!tpu.dma_semaphore, #tpu.memory_space<semaphore_mem>>)
        %dma_wait3A_158 = arith.constant 0 : i32
        %dma_wait3A_159 = tpu.memref_slice %arg7[%run_scoped3A_67, %dma_wait3A_158] : memref<4x128xi32, #tpu.memory_space<vmem>> -> memref<1x128xi32, #tpu.memory_space<vmem>>
        %dma_wait3A_160 = tpu.memref_squeeze %dma_wait3A_159 : memref<1x128xi32, #tpu.memory_space<vmem>> -> memref<128xi32, #tpu.memory_space<vmem>>
        %dma_wait3A_161 = tpu.memref_slice %arg3[%add3A_66] : memref<40960xi32, #tpu.memory_space<hbm>> -> memref<128xi32, #tpu.memory_space<hbm>>
        %dma_wait3A_162 = arith.constant 0 : i32
        %dma_wait3A_163 = tpu.memref_slice %arg7[%run_scoped3A_67, %dma_wait3A_162] : memref<4x128xi32, #tpu.memory_space<vmem>> -> memref<1x128xi32, #tpu.memory_space<vmem>>
        %dma_wait3A_164 = tpu.memref_squeeze %dma_wait3A_163 : memref<1x128xi32, #tpu.memory_space<vmem>> -> memref<128xi32, #tpu.memory_space<vmem>>
        %dma_wait3A_165 = tpu.memref_slice %arg3[%add3A_66] : memref<40960xi32, #tpu.memory_space<hbm>> -> memref<128xi32, #tpu.memory_space<hbm>>
        tpu.wait_dma2 semaphore(%run_scoped3A_149 : memref<!tpu.dma_semaphore, #tpu.memory_space<semaphore_mem>>) src(%dma_wait3A_165 : memref<128xi32, #tpu.memory_space<hbm>>) dst(%dma_wait3A_164 : memref<128xi32, #tpu.memory_space<vmem>>)
        tpu.yield
      }) : () -> ()
      %add3A_68 = arith.constant 384 : i32
      %add3A_69 = arith.addi %add3A_59, %add3A_68 : i32
      %run_scoped3A_70 = arith.constant 3 : i32
      "tpu.region"() ({
        %run_scoped3A_149 = tpu.sem_alloc : memref<!tpu.dma_semaphore, #tpu.memory_space<semaphore_mem>>
        %dma_start3A_150 = arith.constant 0 : i32
        %dma_start3A_151 = tpu.memref_slice %arg7[%run_scoped3A_70, %dma_start3A_150] : memref<4x128xi32, #tpu.memory_space<vmem>> -> memref<1x128xi32, #tpu.memory_space<vmem>>
        %dma_start3A_152 = tpu.memref_squeeze %dma_start3A_151 : memref<1x128xi32, #tpu.memory_space<vmem>> -> memref<128xi32, #tpu.memory_space<vmem>>
        %dma_start3A_153 = tpu.memref_slice %arg3[%add3A_69] : memref<40960xi32, #tpu.memory_space<hbm>> -> memref<128xi32, #tpu.memory_space<hbm>>
        %dma_start3A_154 = arith.constant 0 : i32
        %dma_start3A_155 = tpu.memref_slice %arg7[%run_scoped3A_70, %dma_start3A_154] : memref<4x128xi32, #tpu.memory_space<vmem>> -> memref<1x128xi32, #tpu.memory_space<vmem>>
        %dma_start3A_156 = tpu.memref_squeeze %dma_start3A_155 : memref<1x128xi32, #tpu.memory_space<vmem>> -> memref<128xi32, #tpu.memory_space<vmem>>
        %dma_start3A_157 = tpu.memref_slice %arg3[%add3A_69] : memref<40960xi32, #tpu.memory_space<hbm>> -> memref<128xi32, #tpu.memory_space<hbm>>
        tpu.enqueue_dma source(%dma_start3A_157 : memref<128xi32, #tpu.memory_space<hbm>>) target(%dma_start3A_156 : memref<128xi32, #tpu.memory_space<vmem>>) target_semaphore(%run_scoped3A_149 : memref<!tpu.dma_semaphore, #tpu.memory_space<semaphore_mem>>)
        %dma_wait3A_158 = arith.constant 0 : i32
        %dma_wait3A_159 = tpu.memref_slice %arg7[%run_scoped3A_70, %dma_wait3A_158] : memref<4x128xi32, #tpu.memory_space<vmem>> -> memref<1x128xi32, #tpu.memory_space<vmem>>
        %dma_wait3A_160 = tpu.memref_squeeze %dma_wait3A_159 : memref<1x128xi32, #tpu.memory_space<vmem>> -> memref<128xi32, #tpu.memory_space<vmem>>
        %dma_wait3A_161 = tpu.memref_slice %arg3[%add3A_69] : memref<40960xi32, #tpu.memory_space<hbm>> -> memref<128xi32, #tpu.memory_space<hbm>>
        %dma_wait3A_162 = arith.constant 0 : i32
        %dma_wait3A_163 = tpu.memref_slice %arg7[%run_scoped3A_70, %dma_wait3A_162] : memref<4x128xi32, #tpu.memory_space<vmem>> -> memref<1x128xi32, #tpu.memory_space<vmem>>
        %dma_wait3A_164 = tpu.memref_squeeze %dma_wait3A_163 : memref<1x128xi32, #tpu.memory_space<vmem>> -> memref<128xi32, #tpu.memory_space<vmem>>
        %dma_wait3A_165 = tpu.memref_slice %arg3[%add3A_69] : memref<40960xi32, #tpu.memory_space<hbm>> -> memref<128xi32, #tpu.memory_space<hbm>>
        tpu.wait_dma2 semaphore(%run_scoped3A_149 : memref<!tpu.dma_semaphore, #tpu.memory_space<semaphore_mem>>) src(%dma_wait3A_165 : memref<128xi32, #tpu.memory_space<hbm>>) dst(%dma_wait3A_164 : memref<128xi32, #tpu.memory_space<vmem>>)
        tpu.yield
      }) : () -> ()
      "tpu.region"() ({
        %run_scoped3A_149 = tpu.sem_alloc : memref<!tpu.dma_semaphore, #tpu.memory_space<semaphore_mem>>
        %dma_start3A_150 = arith.constant 0 : i32
        %dma_start3A_151 = tpu.memref_slice %arg2[%arg0, %add3A_59, %dma_start3A_150] : memref<2x40960x128xf32, #tpu.memory_space<hbm>> -> memref<1x512x80xf32, #tpu.memory_space<hbm>>
        %dma_start3A_152 = tpu.memref_squeeze %dma_start3A_151 : memref<1x512x80xf32, #tpu.memory_space<hbm>> -> memref<512x80xf32, #tpu.memory_space<hbm>>
        %dma_start3A_153 = arith.constant 0 : i32
        %dma_start3A_154 = tpu.memref_slice %arg2[%arg0, %add3A_59, %dma_start3A_153] : memref<2x40960x128xf32, #tpu.memory_space<hbm>> -> memref<1x512x80xf32, #tpu.memory_space<hbm>>
        %dma_start3A_155 = tpu.memref_squeeze %dma_start3A_154 : memref<1x512x80xf32, #tpu.memory_space<hbm>> -> memref<512x80xf32, #tpu.memory_space<hbm>>
        tpu.enqueue_dma source(%dma_start3A_155 : memref<512x80xf32, #tpu.memory_space<hbm>>) target(%arg6 : memref<512x80xf32, #tpu.memory_space<vmem>>) target_semaphore(%run_scoped3A_149 : memref<!tpu.dma_semaphore, #tpu.memory_space<semaphore_mem>>)
        %dma_wait3A_156 = arith.constant 0 : i32
        %dma_wait3A_157 = tpu.memref_slice %arg2[%arg0, %add3A_59, %dma_wait3A_156] : memref<2x40960x128xf32, #tpu.memory_space<hbm>> -> memref<1x512x80xf32, #tpu.memory_space<hbm>>
        %dma_wait3A_158 = tpu.memref_squeeze %dma_wait3A_157 : memref<1x512x80xf32, #tpu.memory_space<hbm>> -> memref<512x80xf32, #tpu.memory_space<hbm>>
        %dma_wait3A_159 = arith.constant 0 : i32
        %dma_wait3A_160 = tpu.memref_slice %arg2[%arg0, %add3A_59, %dma_wait3A_159] : memref<2x40960x128xf32, #tpu.memory_space<hbm>> -> memref<1x512x80xf32, #tpu.memory_space<hbm>>
        %dma_wait3A_161 = tpu.memref_squeeze %dma_wait3A_160 : memref<1x512x80xf32, #tpu.memory_space<hbm>> -> memref<512x80xf32, #tpu.memory_space<hbm>>
        tpu.wait_dma2 semaphore(%run_scoped3A_149 : memref<!tpu.dma_semaphore, #tpu.memory_space<semaphore_mem>>) src(%dma_wait3A_161 : memref<512x80xf32, #tpu.memory_space<hbm>>) dst(%arg6 : memref<512x80xf32, #tpu.memory_space<vmem>>)
        tpu.yield
      }) : () -> ()
      %dma_start3A = arith.constant 0 : i32
      %dma_start3A_71 = arith.constant 0 : i32
      %dma_start3A_72 = arith.constant 0 : i32
      %dma_start3A_73 = tpu.memref_slice %arg6[%dma_start3A_71, %dma_start3A_72] : memref<512x80xf32, #tpu.memory_space<vmem>> -> memref<128x80xf32, #tpu.memory_space<vmem>>
      %dma_start3A_74 = arith.constant 0 : i32
      %dma_start3A_75 = tpu.memref_slice %arg7[%dma_start3A, %dma_start3A_74] : memref<4x128xi32, #tpu.memory_space<vmem>> -> memref<1x128xi32, #tpu.memory_space<vmem>>
      %dma_start3A_76 = tpu.memref_squeeze %dma_start3A_75 : memref<1x128xi32, #tpu.memory_space<vmem>> -> memref<128xi32, #tpu.memory_space<vmem>>
      %dma_start3A_77 = arith.constant 0 : i32
      %dma_start3A_78 = arith.constant 0 : i32
      %dma_start3A_79 = tpu.memref_slice %arg5[%dma_start3A_77, %dma_start3A_78] : memref<10112x80xf32, #tpu.memory_space<vmem_shared>> -> memref<10112x80xf32, #tpu.memory_space<vmem_shared>>
      tpu.enqueue_indirect_dma source(%dma_start3A_73 : memref<128x80xf32, #tpu.memory_space<vmem>>) target(%dma_start3A_79 : memref<10112x80xf32, #tpu.memory_space<vmem_shared>>) offsets(%dma_start3A_76 : memref<128xi32, #tpu.memory_space<vmem>>) semaphore(%arg9 : memref<!tpu.dma_semaphore, #tpu.memory_space<semaphore_mem>>) {add = true}
      %dma_start3A_80 = arith.constant 1 : i32
      %dma_start3A_81 = arith.constant 128 : i32
      %dma_start3A_82 = arith.constant 0 : i32
      %dma_start3A_83 = tpu.memref_slice %arg6[%dma_start3A_81, %dma_start3A_82] : memref<512x80xf32, #tpu.memory_space<vmem>> -> memref<128x80xf32, #tpu.memory_space<vmem>>
      %dma_start3A_84 = arith.constant 0 : i32
      %dma_start3A_85 = tpu.memref_slice %arg7[%dma_start3A_80, %dma_start3A_84] : memref<4x128xi32, #tpu.memory_space<vmem>> -> memref<1x128xi32, #tpu.memory_space<vmem>>
      %dma_start3A_86 = tpu.memref_squeeze %dma_start3A_85 : memref<1x128xi32, #tpu.memory_space<vmem>> -> memref<128xi32, #tpu.memory_space<vmem>>
      %dma_start3A_87 = arith.constant 0 : i32
      %dma_start3A_88 = arith.constant 0 : i32
      %dma_start3A_89 = tpu.memref_slice %arg5[%dma_start3A_87, %dma_start3A_88] : memref<10112x80xf32, #tpu.memory_space<vmem_shared>> -> memref<10112x80xf32, #tpu.memory_space<vmem_shared>>
      tpu.enqueue_indirect_dma source(%dma_start3A_83 : memref<128x80xf32, #tpu.memory_space<vmem>>) target(%dma_start3A_89 : memref<10112x80xf32, #tpu.memory_space<vmem_shared>>) offsets(%dma_start3A_86 : memref<128xi32, #tpu.memory_space<vmem>>) semaphore(%arg9 : memref<!tpu.dma_semaphore, #tpu.memory_space<semaphore_mem>>) {add = true}
      %dma_start3A_90 = arith.constant 2 : i32
      %dma_start3A_91 = arith.constant 256 : i32
      %dma_start3A_92 = arith.constant 0 : i32
      %dma_start3A_93 = tpu.memref_slice %arg6[%dma_start3A_91, %dma_start3A_92] : memref<512x80xf32, #tpu.memory_space<vmem>> -> memref<128x80xf32, #tpu.memory_space<vmem>>
      %dma_start3A_94 = arith.constant 0 : i32
      %dma_start3A_95 = tpu.memref_slice %arg7[%dma_start3A_90, %dma_start3A_94] : memref<4x128xi32, #tpu.memory_space<vmem>> -> memref<1x128xi32, #tpu.memory_space<vmem>>
      %dma_start3A_96 = tpu.memref_squeeze %dma_start3A_95 : memref<1x128xi32, #tpu.memory_space<vmem>> -> memref<128xi32, #tpu.memory_space<vmem>>
      %dma_start3A_97 = arith.constant 0 : i32
      %dma_start3A_98 = arith.constant 0 : i32
      %dma_start3A_99 = tpu.memref_slice %arg5[%dma_start3A_97, %dma_start3A_98] : memref<10112x80xf32, #tpu.memory_space<vmem_shared>> -> memref<10112x80xf32, #tpu.memory_space<vmem_shared>>
      tpu.enqueue_indirect_dma source(%dma_start3A_93 : memref<128x80xf32, #tpu.memory_space<vmem>>) target(%dma_start3A_99 : memref<10112x80xf32, #tpu.memory_space<vmem_shared>>) offsets(%dma_start3A_96 : memref<128xi32, #tpu.memory_space<vmem>>) semaphore(%arg9 : memref<!tpu.dma_semaphore, #tpu.memory_space<semaphore_mem>>) {add = true}
      %dma_start3A_100 = arith.constant 3 : i32
      %dma_start3A_101 = arith.constant 384 : i32
      %dma_start3A_102 = arith.constant 0 : i32
      %dma_start3A_103 = tpu.memref_slice %arg6[%dma_start3A_101, %dma_start3A_102] : memref<512x80xf32, #tpu.memory_space<vmem>> -> memref<128x80xf32, #tpu.memory_space<vmem>>
      %dma_start3A_104 = arith.constant 0 : i32
      %dma_start3A_105 = tpu.memref_slice %arg7[%dma_start3A_100, %dma_start3A_104] : memref<4x128xi32, #tpu.memory_space<vmem>> -> memref<1x128xi32, #tpu.memory_space<vmem>>
      %dma_start3A_106 = tpu.memref_squeeze %dma_start3A_105 : memref<1x128xi32, #tpu.memory_space<vmem>> -> memref<128xi32, #tpu.memory_space<vmem>>
      %dma_start3A_107 = arith.constant 0 : i32
      %dma_start3A_108 = arith.constant 0 : i32
      %dma_start3A_109 = tpu.memref_slice %arg5[%dma_start3A_107, %dma_start3A_108] : memref<10112x80xf32, #tpu.memory_space<vmem_shared>> -> memref<10112x80xf32, #tpu.memory_space<vmem_shared>>
      tpu.enqueue_indirect_dma source(%dma_start3A_103 : memref<128x80xf32, #tpu.memory_space<vmem>>) target(%dma_start3A_109 : memref<10112x80xf32, #tpu.memory_space<vmem_shared>>) offsets(%dma_start3A_106 : memref<128xi32, #tpu.memory_space<vmem>>) semaphore(%arg9 : memref<!tpu.dma_semaphore, #tpu.memory_space<semaphore_mem>>) {add = true}
      %dma_wait3A = arith.constant 0 : i32
      %dma_wait3A_110 = arith.constant 0 : i32
      %dma_wait3A_111 = arith.constant 0 : i32
      %dma_wait3A_112 = tpu.memref_slice %arg6[%dma_wait3A_110, %dma_wait3A_111] : memref<512x80xf32, #tpu.memory_space<vmem>> -> memref<128x80xf32, #tpu.memory_space<vmem>>
      %dma_wait3A_113 = arith.constant 0 : i32
      %dma_wait3A_114 = tpu.memref_slice %arg7[%dma_wait3A, %dma_wait3A_113] : memref<4x128xi32, #tpu.memory_space<vmem>> -> memref<1x128xi32, #tpu.memory_space<vmem>>
      %dma_wait3A_115 = tpu.memref_squeeze %dma_wait3A_114 : memref<1x128xi32, #tpu.memory_space<vmem>> -> memref<128xi32, #tpu.memory_space<vmem>>
      %dma_wait3A_116 = arith.constant 0 : i32
      %dma_wait3A_117 = arith.constant 0 : i32
      %dma_wait3A_118 = tpu.memref_slice %arg5[%dma_wait3A_116, %dma_wait3A_117] : memref<10112x80xf32, #tpu.memory_space<vmem_shared>> -> memref<10112x80xf32, #tpu.memory_space<vmem_shared>>
      tpu.wait_indirect_dma semaphore(%arg9 : memref<!tpu.dma_semaphore, #tpu.memory_space<semaphore_mem>>) src(%dma_wait3A_112 : memref<128x80xf32, #tpu.memory_space<vmem>>) dst(%dma_wait3A_118 : memref<10112x80xf32, #tpu.memory_space<vmem_shared>>)
      %dma_wait3A_119 = arith.constant 1 : i32
      %dma_wait3A_120 = arith.constant 128 : i32
      %dma_wait3A_121 = arith.constant 0 : i32
      %dma_wait3A_122 = tpu.memref_slice %arg6[%dma_wait3A_120, %dma_wait3A_121] : memref<512x80xf32, #tpu.memory_space<vmem>> -> memref<128x80xf32, #tpu.memory_space<vmem>>
      %dma_wait3A_123 = arith.constant 0 : i32
      %dma_wait3A_124 = tpu.memref_slice %arg7[%dma_wait3A_119, %dma_wait3A_123] : memref<4x128xi32, #tpu.memory_space<vmem>> -> memref<1x128xi32, #tpu.memory_space<vmem>>
      %dma_wait3A_125 = tpu.memref_squeeze %dma_wait3A_124 : memref<1x128xi32, #tpu.memory_space<vmem>> -> memref<128xi32, #tpu.memory_space<vmem>>
      %dma_wait3A_126 = arith.constant 0 : i32
      %dma_wait3A_127 = arith.constant 0 : i32
      %dma_wait3A_128 = tpu.memref_slice %arg5[%dma_wait3A_126, %dma_wait3A_127] : memref<10112x80xf32, #tpu.memory_space<vmem_shared>> -> memref<10112x80xf32, #tpu.memory_space<vmem_shared>>
      tpu.wait_indirect_dma semaphore(%arg9 : memref<!tpu.dma_semaphore, #tpu.memory_space<semaphore_mem>>) src(%dma_wait3A_122 : memref<128x80xf32, #tpu.memory_space<vmem>>) dst(%dma_wait3A_128 : memref<10112x80xf32, #tpu.memory_space<vmem_shared>>)
      %dma_wait3A_129 = arith.constant 2 : i32
      %dma_wait3A_130 = arith.constant 256 : i32
      %dma_wait3A_131 = arith.constant 0 : i32
      %dma_wait3A_132 = tpu.memref_slice %arg6[%dma_wait3A_130, %dma_wait3A_131] : memref<512x80xf32, #tpu.memory_space<vmem>> -> memref<128x80xf32, #tpu.memory_space<vmem>>
      %dma_wait3A_133 = arith.constant 0 : i32
      %dma_wait3A_134 = tpu.memref_slice %arg7[%dma_wait3A_129, %dma_wait3A_133] : memref<4x128xi32, #tpu.memory_space<vmem>> -> memref<1x128xi32, #tpu.memory_space<vmem>>
      %dma_wait3A_135 = tpu.memref_squeeze %dma_wait3A_134 : memref<1x128xi32, #tpu.memory_space<vmem>> -> memref<128xi32, #tpu.memory_space<vmem>>
      %dma_wait3A_136 = arith.constant 0 : i32
      %dma_wait3A_137 = arith.constant 0 : i32
      %dma_wait3A_138 = tpu.memref_slice %arg5[%dma_wait3A_136, %dma_wait3A_137] : memref<10112x80xf32, #tpu.memory_space<vmem_shared>> -> memref<10112x80xf32, #tpu.memory_space<vmem_shared>>
      tpu.wait_indirect_dma semaphore(%arg9 : memref<!tpu.dma_semaphore, #tpu.memory_space<semaphore_mem>>) src(%dma_wait3A_132 : memref<128x80xf32, #tpu.memory_space<vmem>>) dst(%dma_wait3A_138 : memref<10112x80xf32, #tpu.memory_space<vmem_shared>>)
      %dma_wait3A_139 = arith.constant 3 : i32
      %dma_wait3A_140 = arith.constant 384 : i32
      %dma_wait3A_141 = arith.constant 0 : i32
      %dma_wait3A_142 = tpu.memref_slice %arg6[%dma_wait3A_140, %dma_wait3A_141] : memref<512x80xf32, #tpu.memory_space<vmem>> -> memref<128x80xf32, #tpu.memory_space<vmem>>
      %dma_wait3A_143 = arith.constant 0 : i32
      %dma_wait3A_144 = tpu.memref_slice %arg7[%dma_wait3A_139, %dma_wait3A_143] : memref<4x128xi32, #tpu.memory_space<vmem>> -> memref<1x128xi32, #tpu.memory_space<vmem>>
      %dma_wait3A_145 = tpu.memref_squeeze %dma_wait3A_144 : memref<1x128xi32, #tpu.memory_space<vmem>> -> memref<128xi32, #tpu.memory_space<vmem>>
      %dma_wait3A_146 = arith.constant 0 : i32
      %dma_wait3A_147 = arith.constant 0 : i32
      %dma_wait3A_148 = tpu.memref_slice %arg5[%dma_wait3A_146, %dma_wait3A_147] : memref<10112x80xf32, #tpu.memory_space<vmem_shared>> -> memref<10112x80xf32, #tpu.memory_space<vmem_shared>>
      tpu.wait_indirect_dma semaphore(%arg9 : memref<!tpu.dma_semaphore, #tpu.memory_space<semaphore_mem>>) src(%dma_wait3A_142 : memref<128x80xf32, #tpu.memory_space<vmem>>) dst(%dma_wait3A_148 : memref<10112x80xf32, #tpu.memory_space<vmem_shared>>)
    }
    %scan3A_48 = arith.constant 5 : i32
    %barrier3A_49 = arith.constant 0 : index
    tpu.barrier barrier_id(%barrier3A_49)
    %mul3A_50 = arith.constant 632 : i32
    %mul3A_51 = arith.muli %arg1, %mul3A_50 : i32
    %mul3A_52 = arith.constant 632 : i32
    %mul3A_53 = arith.muli %arg1, %mul3A_52 : i32
    "tpu.region"() ({
      %run_scoped3A = tpu.sem_alloc : memref<!tpu.dma_semaphore, #tpu.memory_space<semaphore_mem>>
      %dma_start3A = arith.constant 0 : i32
      %dma_start3A_54 = tpu.memref_slice %arg4[%arg0, %mul3A_53, %dma_start3A] : memref<2x10112x80xf32, #tpu.memory_space<hbm>> -> memref<1x632x80xf32, #tpu.memory_space<hbm>>
      %dma_start3A_55 = tpu.memref_squeeze %dma_start3A_54 : memref<1x632x80xf32, #tpu.memory_space<hbm>> -> memref<632x80xf32, #tpu.memory_space<hbm>>
      %dma_start3A_56 = arith.constant 0 : i32
      %dma_start3A_57 = tpu.memref_slice %arg5[%mul3A_51, %dma_start3A_56] : memref<10112x80xf32, #tpu.memory_space<vmem_shared>> -> memref<632x80xf32, #tpu.memory_space<vmem_shared>>
      tpu.enqueue_dma source(%dma_start3A_57 : memref<632x80xf32, #tpu.memory_space<vmem_shared>>) target(%dma_start3A_55 : memref<632x80xf32, #tpu.memory_space<hbm>>) target_semaphore(%run_scoped3A : memref<!tpu.dma_semaphore, #tpu.memory_space<semaphore_mem>>)
      %dma_wait3A = arith.constant 0 : i32
      %dma_wait3A_58 = tpu.memref_slice %arg4[%arg0, %mul3A_53, %dma_wait3A] : memref<2x10112x80xf32, #tpu.memory_space<hbm>> -> memref<1x632x80xf32, #tpu.memory_space<hbm>>
      %dma_wait3A_59 = tpu.memref_squeeze %dma_wait3A_58 : memref<1x632x80xf32, #tpu.memory_space<hbm>> -> memref<632x80xf32, #tpu.memory_space<hbm>>
      %dma_wait3A_60 = arith.constant 0 : i32
      %dma_wait3A_61 = tpu.memref_slice %arg5[%mul3A_51, %dma_wait3A_60] : memref<10112x80xf32, #tpu.memory_space<vmem_shared>> -> memref<632x80xf32, #tpu.memory_space<vmem_shared>>
      tpu.wait_dma2 semaphore(%run_scoped3A : memref<!tpu.dma_semaphore, #tpu.memory_space<semaphore_mem>>) src(%dma_wait3A_61 : memref<632x80xf32, #tpu.memory_space<vmem_shared>>) dst(%dma_wait3A_59 : memref<632x80xf32, #tpu.memory_space<hbm>>)
      tpu.yield
    }) : () -> ()
    return
  }
}

module attributes {stable_mosaic.version = 14 : i64} {
  func.func @_edge_phi_body(%arg0: i32, %arg1: memref<3x8192xf32, #tpu.memory_space<vmem>>, %arg2: memref<16x8xf32, #tpu.memory_space<vmem>>, %arg3: memref<16x1xf32, #tpu.memory_space<vmem>>, %arg4: memref<16x16xf32, #tpu.memory_space<vmem>>, %arg5: memref<32x16xf32, #tpu.memory_space<vmem>>, %arg6: memref<32x1xf32, #tpu.memory_space<vmem>>, %arg7: memref<32x32xf32, #tpu.memory_space<vmem>>, %arg8: memref<32x1xf32, #tpu.memory_space<vmem>>, %arg9: memref<16x32xf32, #tpu.memory_space<vmem>>, %arg10: memref<16x1xf32, #tpu.memory_space<vmem>>, %arg11: memref<16x16xf32, #tpu.memory_space<vmem>>, %arg12: memref<16x16xf32, #tpu.memory_space<vmem>>, %arg13: memref<2x8192x128xf32, #tpu.memory_space<vmem>>) attributes {dimension_semantics = [#tpu.dimension_semantics<arbitrary>], iteration_bounds = array<i64: 5>, scalar_prefetch = 0 : i64, scratch_operands = 0 : i64, tpu.core_type = #tpu.core_type<tc>, window_params = [{transform_indices = @transform_0, window_bounds = array<i64: 3, 8192>}, {pipeline_mode = #tpu.pipeline_mode<synchronous>, transform_indices = @transform_1, window_bounds = array<i64: 16, 8>}, {pipeline_mode = #tpu.pipeline_mode<synchronous>, transform_indices = @transform_2, window_bounds = array<i64: 16, 1>}, {pipeline_mode = #tpu.pipeline_mode<synchronous>, transform_indices = @transform_3, window_bounds = array<i64: 16, 16>}, {pipeline_mode = #tpu.pipeline_mode<synchronous>, transform_indices = @transform_4, window_bounds = array<i64: 32, 16>}, {pipeline_mode = #tpu.pipeline_mode<synchronous>, transform_indices = @transform_5, window_bounds = array<i64: 32, 1>}, {pipeline_mode = #tpu.pipeline_mode<synchronous>, transform_indices = @transform_6, window_bounds = array<i64: 32, 32>}, {pipeline_mode = #tpu.pipeline_mode<synchronous>, transform_indices = @transform_7, window_bounds = array<i64: 32, 1>}, {pipeline_mode = #tpu.pipeline_mode<synchronous>, transform_indices = @transform_8, window_bounds = array<i64: 16, 32>}, {pipeline_mode = #tpu.pipeline_mode<synchronous>, transform_indices = @transform_9, window_bounds = array<i64: 16, 1>}, {pipeline_mode = #tpu.pipeline_mode<synchronous>, transform_indices = @transform_10, window_bounds = array<i64: 16, 16>}, {pipeline_mode = #tpu.pipeline_mode<synchronous>, transform_indices = @transform_11, window_bounds = array<i64: 16, 16>}, {transform_indices = @transform_12, window_bounds = array<i64: 2, 8192, 128>}]} {
    %get3A = arith.constant 0 : index
    %get3A_0 = arith.constant 0 : index
    %get3A_1 = vector.load %arg1[%get3A, %get3A_0] : memref<3x8192xf32, #tpu.memory_space<vmem>>, vector<3x8192xf32>
    %mul3A = arith.mulf %get3A_1, %get3A_1 : vector<3x8192xf32>
    %reduce_sum3A = arith.constant dense<0.000000e+00> : vector<8192xf32>
    %reduce_sum3A_2 = vector.multi_reduction <add>, %mul3A, %reduce_sum3A [0] : vector<3x8192xf32> to vector<8192xf32>
    %broadcast_in_dim3A = vector.shape_cast %reduce_sum3A_2 : vector<8192xf32> to vector<1x8192xf32>
    %add3A = arith.constant 9.99999996E-13 : f32
    %add3A_3 = vector.broadcast %add3A : f32 to vector<1x8192xf32>
    %add3A_4 = arith.addf %broadcast_in_dim3A, %add3A_3 : vector<1x8192xf32>
    %sqrt3A = math.sqrt %add3A_4 : vector<1x8192xf32>
    %mul3A_5 = arith.constant 2.000000e-01 : f32
    %mul3A_6 = vector.broadcast %mul3A_5 : f32 to vector<1x8192xf32>
    %mul3A_7 = arith.mulf %sqrt3A, %mul3A_6 : vector<1x8192xf32>
    %iota3A = tpu.iota {dimensions = array<i32: 0>} : vector<8x1xi32>
    %convert_element_type3A = arith.sitofp %iota3A : vector<8x1xi32> to vector<8x1xf32>
    %div3A = arith.constant 7.000000e+00 : f32
    %div3A_8 = vector.broadcast %div3A : f32 to vector<8x1xf32>
    %div3A_9 = arith.divf %convert_element_type3A, %div3A_8 : vector<8x1xf32>
    %sub3A = vector.broadcast %mul3A_7 : vector<1x8192xf32> to vector<8x8192xf32>
    %sub3A_10 = vector.broadcast %div3A_9 : vector<8x1xf32> to vector<8x8192xf32>
    %sub3A_11 = arith.subf %sub3A, %sub3A_10 : vector<8x8192xf32>
    %mul3A_12 = arith.constant 8.000000e+00 : f32
    %mul3A_13 = vector.broadcast %mul3A_12 : f32 to vector<8x8192xf32>
    %mul3A_14 = arith.mulf %sub3A_11, %mul3A_13 : vector<8x8192xf32>
    %integer_pow3A = arith.mulf %mul3A_14, %mul3A_14 : vector<8x8192xf32>
    %mul3A_15 = arith.constant -5.000000e-01 : f32
    %mul3A_16 = vector.broadcast %mul3A_15 : f32 to vector<8x8192xf32>
    %mul3A_17 = arith.mulf %mul3A_16, %integer_pow3A : vector<8x8192xf32>
    %exp3A = math.exp %mul3A_17 : vector<8x8192xf32>
    %get3A_18 = arith.constant 0 : index
    %get3A_19 = arith.constant 0 : index
    %get3A_20 = vector.load %arg2[%get3A_18, %get3A_19] : memref<16x8xf32, #tpu.memory_space<vmem>>, vector<16x8xf32>
    %dot_general3A = arith.constant dense<0.000000e+00> : vector<16x8192xf32>
    %dot_general3A_21 = tpu.matmul %get3A_20, %exp3A, %dot_general3A {dimension_numbers = #tpu.dot_dimension_numbers<[1], [0], [0], [1], [0, 0, 1, 1], [], []>, precision = #tpu.contract_precision<fp32>, transpose_lhs_hint = false} : vector<16x8xf32>, vector<8x8192xf32>, vector<16x8192xf32> -> vector<16x8192xf32>
    %get3A_22 = arith.constant 0 : index
    %get3A_23 = arith.constant 0 : index
    %get3A_24 = vector.load %arg3[%get3A_22, %get3A_23] : memref<16x1xf32, #tpu.memory_space<vmem>>, vector<16x1xf32>
    %add3A_25 = vector.broadcast %get3A_24 : vector<16x1xf32> to vector<16x8192xf32>
    %add3A_26 = arith.addf %dot_general3A_21, %add3A_25 : vector<16x8192xf32>
    %get3A_27 = arith.constant 0 : index
    %get3A_28 = arith.constant 0 : index
    %get3A_29 = vector.load %arg4[%get3A_27, %get3A_28] : memref<16x16xf32, #tpu.memory_space<vmem>>, vector<16x16xf32>
    %dot_general3A_30 = arith.constant dense<0.000000e+00> : vector<16x8192xf32>
    %dot_general3A_31 = tpu.matmul %get3A_29, %add3A_26, %dot_general3A_30 {dimension_numbers = #tpu.dot_dimension_numbers<[1], [0], [0], [1], [0, 0, 1, 1], [], []>, precision = #tpu.contract_precision<fp32>, transpose_lhs_hint = false} : vector<16x16xf32>, vector<16x8192xf32>, vector<16x8192xf32> -> vector<16x8192xf32>
    %get3A_32 = arith.constant 0 : index
    %get3A_33 = arith.constant 0 : index
    %get3A_34 = vector.load %arg5[%get3A_32, %get3A_33] : memref<32x16xf32, #tpu.memory_space<vmem>>, vector<32x16xf32>
    %dot_general3A_35 = arith.constant dense<0.000000e+00> : vector<32x8192xf32>
    %dot_general3A_36 = tpu.matmul %get3A_34, %add3A_26, %dot_general3A_35 {dimension_numbers = #tpu.dot_dimension_numbers<[1], [0], [0], [1], [0, 0, 1, 1], [], []>, precision = #tpu.contract_precision<fp32>, transpose_lhs_hint = false} : vector<32x16xf32>, vector<16x8192xf32>, vector<32x8192xf32> -> vector<32x8192xf32>
    %get3A_37 = arith.constant 0 : index
    %get3A_38 = arith.constant 0 : index
    %get3A_39 = vector.load %arg6[%get3A_37, %get3A_38] : memref<32x1xf32, #tpu.memory_space<vmem>>, vector<32x1xf32>
    %add3A_40 = vector.broadcast %get3A_39 : vector<32x1xf32> to vector<32x8192xf32>
    %add3A_41 = arith.addf %dot_general3A_36, %add3A_40 : vector<32x8192xf32>
    %ge3A = arith.constant 0.000000e+00 : f32
    %ge3A_42 = vector.broadcast %ge3A : f32 to vector<32x8192xf32>
    %ge3A_43 = arith.cmpf oge, %add3A_41, %ge3A_42 : vector<32x8192xf32>
    %mul3A_44 = arith.constant 1.000000e-01 : f32
    %mul3A_45 = vector.broadcast %mul3A_44 : f32 to vector<32x8192xf32>
    %mul3A_46 = arith.mulf %mul3A_45, %add3A_41 : vector<32x8192xf32>
    %select_n3A = arith.select %ge3A_43, %add3A_41, %mul3A_46 : vector<32x8192xi1>, vector<32x8192xf32>
    %get3A_47 = arith.constant 0 : index
    %get3A_48 = arith.constant 0 : index
    %get3A_49 = vector.load %arg7[%get3A_47, %get3A_48] : memref<32x32xf32, #tpu.memory_space<vmem>>, vector<32x32xf32>
    %dot_general3A_50 = arith.constant dense<0.000000e+00> : vector<32x8192xf32>
    %dot_general3A_51 = tpu.matmul %get3A_49, %select_n3A, %dot_general3A_50 {dimension_numbers = #tpu.dot_dimension_numbers<[1], [0], [0], [1], [0, 0, 1, 1], [], []>, precision = #tpu.contract_precision<fp32>, transpose_lhs_hint = false} : vector<32x32xf32>, vector<32x8192xf32>, vector<32x8192xf32> -> vector<32x8192xf32>
    %get3A_52 = arith.constant 0 : index
    %get3A_53 = arith.constant 0 : index
    %get3A_54 = vector.load %arg8[%get3A_52, %get3A_53] : memref<32x1xf32, #tpu.memory_space<vmem>>, vector<32x1xf32>
    %add3A_55 = vector.broadcast %get3A_54 : vector<32x1xf32> to vector<32x8192xf32>
    %add3A_56 = arith.addf %dot_general3A_51, %add3A_55 : vector<32x8192xf32>
    %ge3A_57 = arith.constant 0.000000e+00 : f32
    %ge3A_58 = vector.broadcast %ge3A_57 : f32 to vector<32x8192xf32>
    %ge3A_59 = arith.cmpf oge, %add3A_56, %ge3A_58 : vector<32x8192xf32>
    %mul3A_60 = arith.constant 1.000000e-01 : f32
    %mul3A_61 = vector.broadcast %mul3A_60 : f32 to vector<32x8192xf32>
    %mul3A_62 = arith.mulf %mul3A_61, %add3A_56 : vector<32x8192xf32>
    %select_n3A_63 = arith.select %ge3A_59, %add3A_56, %mul3A_62 : vector<32x8192xi1>, vector<32x8192xf32>
    %get3A_64 = arith.constant 0 : index
    %get3A_65 = arith.constant 0 : index
    %get3A_66 = vector.load %arg9[%get3A_64, %get3A_65] : memref<16x32xf32, #tpu.memory_space<vmem>>, vector<16x32xf32>
    %dot_general3A_67 = arith.constant dense<0.000000e+00> : vector<16x8192xf32>
    %dot_general3A_68 = tpu.matmul %get3A_66, %select_n3A_63, %dot_general3A_67 {dimension_numbers = #tpu.dot_dimension_numbers<[1], [0], [0], [1], [0, 0, 1, 1], [], []>, precision = #tpu.contract_precision<fp32>, transpose_lhs_hint = false} : vector<16x32xf32>, vector<32x8192xf32>, vector<16x8192xf32> -> vector<16x8192xf32>
    %get3A_69 = arith.constant 0 : index
    %get3A_70 = arith.constant 0 : index
    %get3A_71 = vector.load %arg10[%get3A_69, %get3A_70] : memref<16x1xf32, #tpu.memory_space<vmem>>, vector<16x1xf32>
    %add3A_72 = vector.broadcast %get3A_71 : vector<16x1xf32> to vector<16x8192xf32>
    %add3A_73 = arith.addf %dot_general3A_68, %add3A_72 : vector<16x8192xf32>
    %add3A_74 = arith.addf %dot_general3A_31, %add3A_73 : vector<16x8192xf32>
    %get3A_75 = arith.constant 0 : index
    %get3A_76 = arith.constant 0 : index
    %get3A_77 = vector.load %arg11[%get3A_75, %get3A_76] : memref<16x16xf32, #tpu.memory_space<vmem>>, vector<16x16xf32>
    %dot_general3A_78 = arith.constant dense<0.000000e+00> : vector<16x8192xf32>
    %dot_general3A_79 = tpu.matmul %get3A_77, %add3A_74, %dot_general3A_78 {dimension_numbers = #tpu.dot_dimension_numbers<[1], [0], [0], [1], [0, 0, 1, 1], [], []>, precision = #tpu.contract_precision<fp32>, transpose_lhs_hint = false} : vector<16x16xf32>, vector<16x8192xf32>, vector<16x8192xf32> -> vector<16x8192xf32>
    %get3A_80 = arith.constant 0 : index
    %get3A_81 = arith.constant 0 : index
    %get3A_82 = vector.load %arg12[%get3A_80, %get3A_81] : memref<16x16xf32, #tpu.memory_space<vmem>>, vector<16x16xf32>
    %dot_general3A_83 = arith.constant dense<0.000000e+00> : vector<16x8192xf32>
    %dot_general3A_84 = tpu.matmul %get3A_82, %add3A_74, %dot_general3A_83 {dimension_numbers = #tpu.dot_dimension_numbers<[1], [0], [0], [1], [0, 0, 1, 1], [], []>, precision = #tpu.contract_precision<fp32>, transpose_lhs_hint = false} : vector<16x16xf32>, vector<16x8192xf32>, vector<16x8192xf32> -> vector<16x8192xf32>
    %mul3A_85 = arith.constant 1.400000e+00 : f32
    %mul3A_86 = vector.broadcast %mul3A_85 : f32 to vector<3x8192xf32>
    %mul3A_87 = arith.mulf %get3A_1, %mul3A_86 : vector<3x8192xf32>
    %mul3A_88 = arith.mulf %mul3A_87, %mul3A_87 : vector<3x8192xf32>
    %reduce_sum3A_89 = arith.constant dense<0.000000e+00> : vector<8192xf32>
    %reduce_sum3A_90 = vector.multi_reduction <add>, %mul3A_88, %reduce_sum3A_89 [0] : vector<3x8192xf32> to vector<8192xf32>
    %broadcast_in_dim3A_91 = vector.shape_cast %reduce_sum3A_90 : vector<8192xf32> to vector<1x8192xf32>
    %add3A_92 = arith.constant 1.000000e+00 : f32
    %add3A_93 = vector.broadcast %add3A_92 : f32 to vector<1x8192xf32>
    %add3A_94 = arith.addf %add3A_93, %broadcast_in_dim3A_91 : vector<1x8192xf32>
    %sqrt3A_95 = math.sqrt %add3A_94 : vector<1x8192xf32>
    %div3A_96 = vector.broadcast %sqrt3A_95 : vector<1x8192xf32> to vector<3x8192xf32>
    %div3A_97 = arith.divf %mul3A_87, %div3A_96 : vector<3x8192xf32>
    %slice3A = vector.extract_strided_slice %div3A_97 {offsets = [0, 0], sizes = [1, 8192], strides = [1, 1]} : vector<3x8192xf32> to vector<1x8192xf32>
    %slice3A_98 = vector.extract_strided_slice %div3A_97 {offsets = [1, 0], sizes = [1, 8192], strides = [1, 1]} : vector<3x8192xf32> to vector<1x8192xf32>
    %slice3A_99 = vector.extract_strided_slice %div3A_97 {offsets = [2, 0], sizes = [1, 8192], strides = [1, 1]} : vector<3x8192xf32> to vector<1x8192xf32>
    %mul3A_100 = vector.broadcast %slice3A : vector<1x8192xf32> to vector<16x8192xf32>
    %mul3A_101 = arith.mulf %dot_general3A_79, %mul3A_100 : vector<16x8192xf32>
    %mul3A_102 = vector.broadcast %slice3A_98 : vector<1x8192xf32> to vector<16x8192xf32>
    %mul3A_103 = arith.mulf %dot_general3A_79, %mul3A_102 : vector<16x8192xf32>
    %mul3A_104 = vector.broadcast %slice3A_99 : vector<1x8192xf32> to vector<16x8192xf32>
    %mul3A_105 = arith.mulf %dot_general3A_79, %mul3A_104 : vector<16x8192xf32>
    %mul3A_106 = arith.mulf %slice3A, %slice3A : vector<1x8192xf32>
    %mul3A_107 = vector.broadcast %mul3A_106 : vector<1x8192xf32> to vector<16x8192xf32>
    %mul3A_108 = arith.mulf %dot_general3A_84, %mul3A_107 : vector<16x8192xf32>
    %concatenate3A = tpu.concatenate %add3A_74, %mul3A_101, %mul3A_103, %mul3A_105, %mul3A_108 in 0 : vector<16x8192xf32>, vector<16x8192xf32>, vector<16x8192xf32>, vector<16x8192xf32>, vector<16x8192xf32> -> vector<80x8192xf32>
    %mul3A_109 = arith.mulf %slice3A, %slice3A_98 : vector<1x8192xf32>
    %mul3A_110 = vector.broadcast %mul3A_109 : vector<1x8192xf32> to vector<16x8192xf32>
    %mul3A_111 = arith.mulf %dot_general3A_84, %mul3A_110 : vector<16x8192xf32>
    %mul3A_112 = arith.mulf %slice3A, %slice3A_99 : vector<1x8192xf32>
    %mul3A_113 = vector.broadcast %mul3A_112 : vector<1x8192xf32> to vector<16x8192xf32>
    %mul3A_114 = arith.mulf %dot_general3A_84, %mul3A_113 : vector<16x8192xf32>
    %mul3A_115 = arith.mulf %slice3A_98, %slice3A_98 : vector<1x8192xf32>
    %mul3A_116 = vector.broadcast %mul3A_115 : vector<1x8192xf32> to vector<16x8192xf32>
    %mul3A_117 = arith.mulf %dot_general3A_84, %mul3A_116 : vector<16x8192xf32>
    %mul3A_118 = arith.mulf %slice3A_98, %slice3A_99 : vector<1x8192xf32>
    %mul3A_119 = vector.broadcast %mul3A_118 : vector<1x8192xf32> to vector<16x8192xf32>
    %mul3A_120 = arith.mulf %dot_general3A_84, %mul3A_119 : vector<16x8192xf32>
    %mul3A_121 = arith.mulf %slice3A_99, %slice3A_99 : vector<1x8192xf32>
    %mul3A_122 = vector.broadcast %mul3A_121 : vector<1x8192xf32> to vector<16x8192xf32>
    %mul3A_123 = arith.mulf %dot_general3A_84, %mul3A_122 : vector<16x8192xf32>
    %concatenate3A_124 = tpu.concatenate %mul3A_111, %mul3A_114, %mul3A_117, %mul3A_120, %mul3A_123 in 0 : vector<16x8192xf32>, vector<16x8192xf32>, vector<16x8192xf32>, vector<16x8192xf32>, vector<16x8192xf32> -> vector<80x8192xf32>
    %broadcast_in_dim3A_125 = arith.constant 0.000000e+00 : f32
    %broadcast_in_dim3A_126 = vector.broadcast %broadcast_in_dim3A_125 : f32 to vector<48x8192xf32>
    %concatenate3A_127 = tpu.concatenate %concatenate3A, %broadcast_in_dim3A_126 in 0 : vector<80x8192xf32>, vector<48x8192xf32> -> vector<128x8192xf32>
    %transpose3A = tpu.transpose %concatenate3A_127, [1, 0] : vector<128x8192xf32> -> vector<8192x128xf32>
    %swap3A = arith.constant 0 : index
    %swap3A_128 = arith.constant 0 : index
    %swap3A_129 = arith.constant 0 : index
    %swap3A_130 = vector.load %arg13[%swap3A, %swap3A_128, %swap3A_129] : memref<2x8192x128xf32, #tpu.memory_space<vmem>>, vector<1x8192x128xf32>
    %swap3A_131 = vector.shape_cast %swap3A_130 : vector<1x8192x128xf32> to vector<8192x128xf32>
    %swap3A_132 = vector.shape_cast %transpose3A : vector<8192x128xf32> to vector<1x8192x128xf32>
    tpu.vector_store %arg13[%swap3A, %swap3A_128, %swap3A_129], %swap3A_132 {strides = array<i32>} : memref<2x8192x128xf32, #tpu.memory_space<vmem>>, vector<1x8192x128xf32>,
    %concatenate3A_133 = tpu.concatenate %concatenate3A_124, %broadcast_in_dim3A_126 in 0 : vector<80x8192xf32>, vector<48x8192xf32> -> vector<128x8192xf32>
    %transpose3A_134 = tpu.transpose %concatenate3A_133, [1, 0] : vector<128x8192xf32> -> vector<8192x128xf32>
    %swap3A_135 = arith.constant 1 : index
    %swap3A_136 = arith.constant 0 : index
    %swap3A_137 = arith.constant 0 : index
    %swap3A_138 = vector.load %arg13[%swap3A_135, %swap3A_136, %swap3A_137] : memref<2x8192x128xf32, #tpu.memory_space<vmem>>, vector<1x8192x128xf32>
    %swap3A_139 = vector.shape_cast %swap3A_138 : vector<1x8192x128xf32> to vector<8192x128xf32>
    %swap3A_140 = vector.shape_cast %transpose3A_134 : vector<8192x128xf32> to vector<1x8192x128xf32>
    tpu.vector_store %arg13[%swap3A_135, %swap3A_136, %swap3A_137], %swap3A_140 {strides = array<i32>} : memref<2x8192x128xf32, #tpu.memory_space<vmem>>, vector<1x8192x128xf32>,
    return
  }
  func.func @transform_0(%arg0: i32) -> (i32, i32) {
    %c0_i32 = arith.constant 0 : i32
    %c0_i32_0 = arith.constant 0 : i32
    return %c0_i32, %arg0 : i32, i32
  }
  func.func @transform_1(%arg0: i32) -> (i32, i32) {
    %c0_i32 = arith.constant 0 : i32
    %c0_i32_0 = arith.constant 0 : i32
    %c0_i32_1 = arith.constant 0 : i32
    return %c0_i32, %c0_i32_0 : i32, i32
  }
  func.func @transform_2(%arg0: i32) -> (i32, i32) {
    %c0_i32 = arith.constant 0 : i32
    %c0_i32_0 = arith.constant 0 : i32
    %c0_i32_1 = arith.constant 0 : i32
    return %c0_i32, %c0_i32_0 : i32, i32
  }
  func.func @transform_3(%arg0: i32) -> (i32, i32) {
    %c0_i32 = arith.constant 0 : i32
    %c0_i32_0 = arith.constant 0 : i32
    %c0_i32_1 = arith.constant 0 : i32
    return %c0_i32, %c0_i32_0 : i32, i32
  }
  func.func @transform_4(%arg0: i32) -> (i32, i32) {
    %c0_i32 = arith.constant 0 : i32
    %c0_i32_0 = arith.constant 0 : i32
    %c0_i32_1 = arith.constant 0 : i32
    return %c0_i32, %c0_i32_0 : i32, i32
  }
  func.func @transform_5(%arg0: i32) -> (i32, i32) {
    %c0_i32 = arith.constant 0 : i32
    %c0_i32_0 = arith.constant 0 : i32
    %c0_i32_1 = arith.constant 0 : i32
    return %c0_i32, %c0_i32_0 : i32, i32
  }
  func.func @transform_6(%arg0: i32) -> (i32, i32) {
    %c0_i32 = arith.constant 0 : i32
    %c0_i32_0 = arith.constant 0 : i32
    %c0_i32_1 = arith.constant 0 : i32
    return %c0_i32, %c0_i32_0 : i32, i32
  }
  func.func @transform_7(%arg0: i32) -> (i32, i32) {
    %c0_i32 = arith.constant 0 : i32
    %c0_i32_0 = arith.constant 0 : i32
    %c0_i32_1 = arith.constant 0 : i32
    return %c0_i32, %c0_i32_0 : i32, i32
  }
  func.func @transform_8(%arg0: i32) -> (i32, i32) {
    %c0_i32 = arith.constant 0 : i32
    %c0_i32_0 = arith.constant 0 : i32
    %c0_i32_1 = arith.constant 0 : i32
    return %c0_i32, %c0_i32_0 : i32, i32
  }
  func.func @transform_9(%arg0: i32) -> (i32, i32) {
    %c0_i32 = arith.constant 0 : i32
    %c0_i32_0 = arith.constant 0 : i32
    %c0_i32_1 = arith.constant 0 : i32
    return %c0_i32, %c0_i32_0 : i32, i32
  }
  func.func @transform_10(%arg0: i32) -> (i32, i32) {
    %c0_i32 = arith.constant 0 : i32
    %c0_i32_0 = arith.constant 0 : i32
    %c0_i32_1 = arith.constant 0 : i32
    return %c0_i32, %c0_i32_0 : i32, i32
  }
  func.func @transform_11(%arg0: i32) -> (i32, i32) {
    %c0_i32 = arith.constant 0 : i32
    %c0_i32_0 = arith.constant 0 : i32
    %c0_i32_1 = arith.constant 0 : i32
    return %c0_i32, %c0_i32_0 : i32, i32
  }
  func.func @transform_12(%arg0: i32) -> (i32, i32, i32) {
    %c0_i32 = arith.constant 0 : i32
    %c0_i32_0 = arith.constant 0 : i32
    %c0_i32_1 = arith.constant 0 : i32
    return %c0_i32, %arg0, %c0_i32_0 : i32, i32, i32
  }
}

module attributes {stable_mosaic.version = 14 : i64} {
  func.func @_unpack_body(%arg0: i32, %arg1: memref<2x632x80xf32, #tpu.memory_space<vmem>>, %arg2: memref<2x632x80xf32, #tpu.memory_space<vmem>>, %arg3: memref<2x632x80xf32, #tpu.memory_space<vmem>>, %arg4: memref<2x632x80xf32, #tpu.memory_space<vmem>>, %arg5: memref<632x16xf32, #tpu.memory_space<vmem>>, %arg6: memref<632x48xf32, #tpu.memory_space<vmem>>, %arg7: memref<632x144xf32, #tpu.memory_space<vmem>>) attributes {dimension_semantics = [#tpu.dimension_semantics<arbitrary>], iteration_bounds = array<i64: 16>, scalar_prefetch = 0 : i64, scratch_operands = 0 : i64, tpu.core_type = #tpu.core_type<tc>, window_params = [{transform_indices = @transform_0, window_bounds = array<i64: 2, 632, 80>}, {transform_indices = @transform_1, window_bounds = array<i64: 2, 632, 80>}, {transform_indices = @transform_2, window_bounds = array<i64: 2, 632, 80>}, {transform_indices = @transform_3, window_bounds = array<i64: 2, 632, 80>}, {transform_indices = @transform_4, window_bounds = array<i64: 632, 16>}, {transform_indices = @transform_5, window_bounds = array<i64: 632, 48>}, {transform_indices = @transform_6, window_bounds = array<i64: 632, 144>}]} {
    %get3A = arith.constant 0 : index
    %get3A_0 = arith.constant 0 : index
    %get3A_1 = arith.constant 0 : index
    %get3A_2 = vector.load %arg1[%get3A, %get3A_0, %get3A_1] : memref<2x632x80xf32, #tpu.memory_space<vmem>>, vector<1x632x80xf32>
    %get3A_3 = vector.shape_cast %get3A_2 : vector<1x632x80xf32> to vector<632x80xf32>
    %add3A = arith.constant 0.000000e+00 : f32
    %add3A_4 = vector.broadcast %add3A : f32 to vector<632x80xf32>
    %add3A_5 = arith.addf %add3A_4, %get3A_3 : vector<632x80xf32>
    %get3A_6 = arith.constant 0 : index
    %get3A_7 = arith.constant 0 : index
    %get3A_8 = arith.constant 0 : index
    %get3A_9 = vector.load %arg2[%get3A_6, %get3A_7, %get3A_8] : memref<2x632x80xf32, #tpu.memory_space<vmem>>, vector<1x632x80xf32>
    %get3A_10 = vector.shape_cast %get3A_9 : vector<1x632x80xf32> to vector<632x80xf32>
    %add3A_11 = arith.addf %add3A_5, %get3A_10 : vector<632x80xf32>
    %get3A_12 = arith.constant 0 : index
    %get3A_13 = arith.constant 0 : index
    %get3A_14 = arith.constant 0 : index
    %get3A_15 = vector.load %arg3[%get3A_12, %get3A_13, %get3A_14] : memref<2x632x80xf32, #tpu.memory_space<vmem>>, vector<1x632x80xf32>
    %get3A_16 = vector.shape_cast %get3A_15 : vector<1x632x80xf32> to vector<632x80xf32>
    %add3A_17 = arith.addf %add3A_11, %get3A_16 : vector<632x80xf32>
    %get3A_18 = arith.constant 0 : index
    %get3A_19 = arith.constant 0 : index
    %get3A_20 = arith.constant 0 : index
    %get3A_21 = vector.load %arg4[%get3A_18, %get3A_19, %get3A_20] : memref<2x632x80xf32, #tpu.memory_space<vmem>>, vector<1x632x80xf32>
    %get3A_22 = vector.shape_cast %get3A_21 : vector<1x632x80xf32> to vector<632x80xf32>
    %add3A_23 = arith.addf %add3A_17, %get3A_22 : vector<632x80xf32>
    %get3A_24 = arith.constant 1 : index
    %get3A_25 = arith.constant 0 : index
    %get3A_26 = arith.constant 0 : index
    %get3A_27 = vector.load %arg1[%get3A_24, %get3A_25, %get3A_26] : memref<2x632x80xf32, #tpu.memory_space<vmem>>, vector<1x632x80xf32>
    %get3A_28 = vector.shape_cast %get3A_27 : vector<1x632x80xf32> to vector<632x80xf32>
    %add3A_29 = arith.constant 0.000000e+00 : f32
    %add3A_30 = vector.broadcast %add3A_29 : f32 to vector<632x80xf32>
    %add3A_31 = arith.addf %add3A_30, %get3A_28 : vector<632x80xf32>
    %get3A_32 = arith.constant 1 : index
    %get3A_33 = arith.constant 0 : index
    %get3A_34 = arith.constant 0 : index
    %get3A_35 = vector.load %arg2[%get3A_32, %get3A_33, %get3A_34] : memref<2x632x80xf32, #tpu.memory_space<vmem>>, vector<1x632x80xf32>
    %get3A_36 = vector.shape_cast %get3A_35 : vector<1x632x80xf32> to vector<632x80xf32>
    %add3A_37 = arith.addf %add3A_31, %get3A_36 : vector<632x80xf32>
    %get3A_38 = arith.constant 1 : index
    %get3A_39 = arith.constant 0 : index
    %get3A_40 = arith.constant 0 : index
    %get3A_41 = vector.load %arg3[%get3A_38, %get3A_39, %get3A_40] : memref<2x632x80xf32, #tpu.memory_space<vmem>>, vector<1x632x80xf32>
    %get3A_42 = vector.shape_cast %get3A_41 : vector<1x632x80xf32> to vector<632x80xf32>
    %add3A_43 = arith.addf %add3A_37, %get3A_42 : vector<632x80xf32>
    %get3A_44 = arith.constant 1 : index
    %get3A_45 = arith.constant 0 : index
    %get3A_46 = arith.constant 0 : index
    %get3A_47 = vector.load %arg4[%get3A_44, %get3A_45, %get3A_46] : memref<2x632x80xf32, #tpu.memory_space<vmem>>, vector<1x632x80xf32>
    %get3A_48 = vector.shape_cast %get3A_47 : vector<1x632x80xf32> to vector<632x80xf32>
    %add3A_49 = arith.addf %add3A_43, %get3A_48 : vector<632x80xf32>
    %slice3A = vector.extract_strided_slice %add3A_23 {offsets = [0, 0], sizes = [632, 16], strides = [1, 1]} : vector<632x80xf32> to vector<632x16xf32>
    %swap3A = arith.constant 0 : index
    %swap3A_50 = arith.constant 0 : index
    %swap3A_51 = vector.load %arg5[%swap3A, %swap3A_50] : memref<632x16xf32, #tpu.memory_space<vmem>>, vector<632x16xf32>
    tpu.vector_store %arg5[%swap3A, %swap3A_50], %slice3A {strides = array<i32>} : memref<632x16xf32, #tpu.memory_space<vmem>>, vector<632x16xf32>,
    %iota3A = tpu.iota {dimensions = array<i32: 0>} : vector<48x48xi32>
    %iota3A_52 = tpu.iota {dimensions = array<i32: 1>} : vector<48x48xi32>
    %jit3A = arith.constant 16 : i32
    %eq3A = arith.constant 0 : i32
    %eq3A_53 = arith.cmpi eq, %jit3A, %eq3A : i32
    %jit3A_54 = arith.constant 1 : i32
    %select_n3A = arith.select %eq3A_53, %jit3A_54, %jit3A : i32
    %rem3A = vector.broadcast %select_n3A : i32 to vector<48x48xi32>
    %rem3A_55 = arith.remsi %iota3A, %rem3A : vector<48x48xi32>
    %ne3A = arith.constant 0 : i32
    %ne3A_56 = vector.broadcast %ne3A : i32 to vector<48x48xi32>
    %ne3A_57 = arith.cmpi ne, %rem3A_55, %ne3A_56 : vector<48x48xi32>
    %lt3A = arith.constant 0 : i32
    %lt3A_58 = vector.broadcast %lt3A : i32 to vector<48x48xi32>
    %lt3A_59 = arith.cmpi slt, %rem3A_55, %lt3A_58 : vector<48x48xi32>
    %lt3A_60 = arith.constant 0 : i32
    %lt3A_61 = arith.cmpi slt, %select_n3A, %lt3A_60 : i32
    %ne3A_62 = vector.broadcast %lt3A_61 : i1 to vector<48x48xi1>
    %ne3A_63 = vector.broadcast %ne3A_62 : vector<48x48xi1> to vector<48x48xi1>
    %ne3A_64 = arith.xori %lt3A_59, %ne3A_63 : vector<48x48xi1>
    %and3A = arith.andi %ne3A_64, %ne3A_57 : vector<48x48xi1>
    %add3A_65 = vector.broadcast %select_n3A : i32 to vector<48x48xi32>
    %add3A_66 = arith.addi %rem3A_55, %add3A_65 : vector<48x48xi32>
    %select_n3A_67 = arith.select %and3A, %add3A_66, %rem3A_55 : vector<48x48xi1>, vector<48x48xi32>
    %mul3A = arith.constant 3 : i32
    %mul3A_68 = vector.broadcast %mul3A : i32 to vector<48x48xi32>
    %mul3A_69 = arith.muli %select_n3A_67, %mul3A_68 : vector<48x48xi32>
    %jit3A_70 = arith.constant 16 : i32
    %div3A = vector.broadcast %jit3A_70 : i32 to vector<48x48xi32>
    %div3A_71 = arith.divsi %iota3A, %div3A : vector<48x48xi32>
    %sign3A = arith.constant 0 : i32
    %sign3A_72 = vector.broadcast %sign3A : i32 to vector<48x48xi32>
    %sign3A_73 = arith.cmpi sgt, %iota3A, %sign3A_72 : vector<48x48xi32>
    %sign3A_74 = arith.extui %sign3A_73 : vector<48x48xi1> to vector<48x48xi32>
    %sign3A_75 = arith.constant 0 : i32
    %sign3A_76 = vector.broadcast %sign3A_75 : i32 to vector<48x48xi32>
    %sign3A_77 = arith.cmpi slt, %iota3A, %sign3A_76 : vector<48x48xi32>
    %sign3A_78 = arith.extui %sign3A_77 : vector<48x48xi1> to vector<48x48xi32>
    %sign3A_79 = arith.subi %sign3A_74, %sign3A_78 : vector<48x48xi32>
    %sign3A_80 = arith.constant 0 : i32
    %sign3A_81 = arith.cmpi sgt, %jit3A_70, %sign3A_80 : i32
    %sign3A_82 = arith.extui %sign3A_81 : i1 to i32
    %sign3A_83 = arith.constant 0 : i32
    %sign3A_84 = arith.cmpi slt, %jit3A_70, %sign3A_83 : i32
    %sign3A_85 = arith.extui %sign3A_84 : i1 to i32
    %sign3A_86 = arith.subi %sign3A_82, %sign3A_85 : i32
    %ne3A_87 = vector.broadcast %sign3A_86 : i32 to vector<48x48xi32>
    %ne3A_88 = arith.cmpi ne, %sign3A_79, %ne3A_87 : vector<48x48xi32>
    %rem3A_89 = vector.broadcast %jit3A_70 : i32 to vector<48x48xi32>
    %rem3A_90 = arith.remsi %iota3A, %rem3A_89 : vector<48x48xi32>
    %ne3A_91 = arith.constant 0 : i32
    %ne3A_92 = vector.broadcast %ne3A_91 : i32 to vector<48x48xi32>
    %ne3A_93 = arith.cmpi ne, %rem3A_90, %ne3A_92 : vector<48x48xi32>
    %and3A_94 = arith.andi %ne3A_88, %ne3A_93 : vector<48x48xi1>
    %sub3A = arith.constant 1 : i32
    %sub3A_95 = vector.broadcast %sub3A : i32 to vector<48x48xi32>
    %sub3A_96 = arith.subi %div3A_71, %sub3A_95 : vector<48x48xi32>
    %select_n3A_97 = arith.select %and3A_94, %sub3A_96, %div3A_71 : vector<48x48xi1>, vector<48x48xi32>
    %add3A_98 = arith.addi %mul3A_69, %select_n3A_97 : vector<48x48xi32>
    %eq3A_99 = arith.cmpi eq, %add3A_98, %iota3A_52 : vector<48x48xi32>
    %convert_element_type3A = arith.extui %eq3A_99 : vector<48x48xi1> to vector<48x48xi32>
    %convert_element_type3A_100 = arith.sitofp %convert_element_type3A : vector<48x48xi32> to vector<48x48xf32>
    %slice3A_101 = vector.extract_strided_slice %add3A_23 {offsets = [0, 16], sizes = [632, 48], strides = [1, 1]} : vector<632x80xf32> to vector<632x48xf32>
    %dot_general3A = arith.constant dense<0.000000e+00> : vector<632x48xf32>
    %dot_general3A_102 = tpu.matmul %slice3A_101, %convert_element_type3A_100, %dot_general3A {dimension_numbers = #tpu.dot_dimension_numbers<[1], [0], [0], [1], [0, 0, 1, 1], [], []>, precision = #tpu.contract_precision<fp32>, transpose_lhs_hint = false} : vector<632x48xf32>, vector<48x48xf32>, vector<632x48xf32> -> vector<632x48xf32>
    %swap3A_103 = arith.constant 0 : index
    %swap3A_104 = arith.constant 0 : index
    %swap3A_105 = vector.load %arg6[%swap3A_103, %swap3A_104] : memref<632x48xf32, #tpu.memory_space<vmem>>, vector<632x48xf32>
    tpu.vector_store %arg6[%swap3A_103, %swap3A_104], %dot_general3A_102 {strides = array<i32>} : memref<632x48xf32, #tpu.memory_space<vmem>>, vector<632x48xf32>,
    %slice3A_106 = vector.extract_strided_slice %add3A_23 {offsets = [0, 64], sizes = [632, 16], strides = [1, 1]} : vector<632x80xf32> to vector<632x16xf32>
    %concatenate3A = tpu.concatenate %slice3A_106, %add3A_49 in 1 : vector<632x16xf32>, vector<632x80xf32> -> vector<632x96xf32>
    %iota3A_107 = tpu.iota {dimensions = array<i32: 0>} : vector<96x144xi32>
    %iota3A_108 = tpu.iota {dimensions = array<i32: 1>} : vector<96x144xi32>
    %jit3A_109 = arith.constant 9 : i32
    %eq3A_110 = arith.constant 0 : i32
    %eq3A_111 = arith.cmpi eq, %jit3A_109, %eq3A_110 : i32
    %jit3A_112 = arith.constant 1 : i32
    %select_n3A_113 = arith.select %eq3A_111, %jit3A_112, %jit3A_109 : i32
    %rem3A_114 = vector.broadcast %select_n3A_113 : i32 to vector<96x144xi32>
    %rem3A_115 = arith.remsi %iota3A_108, %rem3A_114 : vector<96x144xi32>
    %ne3A_116 = arith.constant 0 : i32
    %ne3A_117 = vector.broadcast %ne3A_116 : i32 to vector<96x144xi32>
    %ne3A_118 = arith.cmpi ne, %rem3A_115, %ne3A_117 : vector<96x144xi32>
    %lt3A_119 = arith.constant 0 : i32
    %lt3A_120 = vector.broadcast %lt3A_119 : i32 to vector<96x144xi32>
    %lt3A_121 = arith.cmpi slt, %rem3A_115, %lt3A_120 : vector<96x144xi32>
    %lt3A_122 = arith.constant 0 : i32
    %lt3A_123 = arith.cmpi slt, %select_n3A_113, %lt3A_122 : i32
    %ne3A_124 = vector.broadcast %lt3A_123 : i1 to vector<96x144xi1>
    %ne3A_125 = vector.broadcast %ne3A_124 : vector<96x144xi1> to vector<96x144xi1>
    %ne3A_126 = arith.xori %lt3A_121, %ne3A_125 : vector<96x144xi1>
    %and3A_127 = arith.andi %ne3A_126, %ne3A_118 : vector<96x144xi1>
    %add3A_128 = vector.broadcast %select_n3A_113 : i32 to vector<96x144xi32>
    %add3A_129 = arith.addi %rem3A_115, %add3A_128 : vector<96x144xi32>
    %select_n3A_130 = arith.select %and3A_127, %add3A_129, %rem3A_115 : vector<96x144xi1>, vector<96x144xi32>
    %jit3A_131 = arith.constant 3 : i32
    %div3A_132 = vector.broadcast %jit3A_131 : i32 to vector<96x144xi32>
    %div3A_133 = arith.divsi %select_n3A_130, %div3A_132 : vector<96x144xi32>
    %sign3A_134 = arith.constant 0 : i32
    %sign3A_135 = vector.broadcast %sign3A_134 : i32 to vector<96x144xi32>
    %sign3A_136 = arith.cmpi sgt, %select_n3A_130, %sign3A_135 : vector<96x144xi32>
    %sign3A_137 = arith.extui %sign3A_136 : vector<96x144xi1> to vector<96x144xi32>
    %sign3A_138 = arith.constant 0 : i32
    %sign3A_139 = vector.broadcast %sign3A_138 : i32 to vector<96x144xi32>
    %sign3A_140 = arith.cmpi slt, %select_n3A_130, %sign3A_139 : vector<96x144xi32>
    %sign3A_141 = arith.extui %sign3A_140 : vector<96x144xi1> to vector<96x144xi32>
    %sign3A_142 = arith.subi %sign3A_137, %sign3A_141 : vector<96x144xi32>
    %sign3A_143 = arith.constant 0 : i32
    %sign3A_144 = arith.cmpi sgt, %jit3A_131, %sign3A_143 : i32
    %sign3A_145 = arith.extui %sign3A_144 : i1 to i32
    %sign3A_146 = arith.constant 0 : i32
    %sign3A_147 = arith.cmpi slt, %jit3A_131, %sign3A_146 : i32
    %sign3A_148 = arith.extui %sign3A_147 : i1 to i32
    %sign3A_149 = arith.subi %sign3A_145, %sign3A_148 : i32
    %ne3A_150 = vector.broadcast %sign3A_149 : i32 to vector<96x144xi32>
    %ne3A_151 = arith.cmpi ne, %sign3A_142, %ne3A_150 : vector<96x144xi32>
    %rem3A_152 = vector.broadcast %jit3A_131 : i32 to vector<96x144xi32>
    %rem3A_153 = arith.remsi %select_n3A_130, %rem3A_152 : vector<96x144xi32>
    %ne3A_154 = arith.constant 0 : i32
    %ne3A_155 = vector.broadcast %ne3A_154 : i32 to vector<96x144xi32>
    %ne3A_156 = arith.cmpi ne, %rem3A_153, %ne3A_155 : vector<96x144xi32>
    %and3A_157 = arith.andi %ne3A_151, %ne3A_156 : vector<96x144xi1>
    %sub3A_158 = arith.constant 1 : i32
    %sub3A_159 = vector.broadcast %sub3A_158 : i32 to vector<96x144xi32>
    %sub3A_160 = arith.subi %div3A_133, %sub3A_159 : vector<96x144xi32>
    %select_n3A_161 = arith.select %and3A_157, %sub3A_160, %div3A_133 : vector<96x144xi1>, vector<96x144xi32>
    %jit3A_162 = arith.constant 3 : i32
    %eq3A_163 = arith.constant 0 : i32
    %eq3A_164 = arith.cmpi eq, %jit3A_162, %eq3A_163 : i32
    %jit3A_165 = arith.constant 1 : i32
    %select_n3A_166 = arith.select %eq3A_164, %jit3A_165, %jit3A_162 : i32
    %rem3A_167 = vector.broadcast %select_n3A_166 : i32 to vector<96x144xi32>
    %rem3A_168 = arith.remsi %iota3A_108, %rem3A_167 : vector<96x144xi32>
    %ne3A_169 = arith.constant 0 : i32
    %ne3A_170 = vector.broadcast %ne3A_169 : i32 to vector<96x144xi32>
    %ne3A_171 = arith.cmpi ne, %rem3A_168, %ne3A_170 : vector<96x144xi32>
    %lt3A_172 = arith.constant 0 : i32
    %lt3A_173 = vector.broadcast %lt3A_172 : i32 to vector<96x144xi32>
    %lt3A_174 = arith.cmpi slt, %rem3A_168, %lt3A_173 : vector<96x144xi32>
    %lt3A_175 = arith.constant 0 : i32
    %lt3A_176 = arith.cmpi slt, %select_n3A_166, %lt3A_175 : i32
    %ne3A_177 = vector.broadcast %lt3A_176 : i1 to vector<96x144xi1>
    %ne3A_178 = vector.broadcast %ne3A_177 : vector<96x144xi1> to vector<96x144xi1>
    %ne3A_179 = arith.xori %lt3A_174, %ne3A_178 : vector<96x144xi1>
    %and3A_180 = arith.andi %ne3A_179, %ne3A_171 : vector<96x144xi1>
    %add3A_181 = vector.broadcast %select_n3A_166 : i32 to vector<96x144xi32>
    %add3A_182 = arith.addi %rem3A_168, %add3A_181 : vector<96x144xi32>
    %select_n3A_183 = arith.select %and3A_180, %add3A_182, %rem3A_168 : vector<96x144xi1>, vector<96x144xi32>
    %min3A = arith.minsi %select_n3A_161, %select_n3A_183 : vector<96x144xi32>
    %max3A = arith.maxsi %select_n3A_161, %select_n3A_183 : vector<96x144xi32>
    %mul3A_184 = arith.constant 3 : i32
    %mul3A_185 = vector.broadcast %mul3A_184 : i32 to vector<96x144xi32>
    %mul3A_186 = arith.muli %min3A, %mul3A_185 : vector<96x144xi32>
    %sub3A_187 = arith.constant 1 : i32
    %sub3A_188 = vector.broadcast %sub3A_187 : i32 to vector<96x144xi32>
    %sub3A_189 = arith.subi %min3A, %sub3A_188 : vector<96x144xi32>
    %mul3A_190 = arith.muli %min3A, %sub3A_189 : vector<96x144xi32>
    %jit3A_191 = arith.constant 2 : i32
    %div3A_192 = vector.broadcast %jit3A_191 : i32 to vector<96x144xi32>
    %div3A_193 = arith.divsi %mul3A_190, %div3A_192 : vector<96x144xi32>
    %sign3A_194 = arith.constant 0 : i32
    %sign3A_195 = vector.broadcast %sign3A_194 : i32 to vector<96x144xi32>
    %sign3A_196 = arith.cmpi sgt, %mul3A_190, %sign3A_195 : vector<96x144xi32>
    %sign3A_197 = arith.extui %sign3A_196 : vector<96x144xi1> to vector<96x144xi32>
    %sign3A_198 = arith.constant 0 : i32
    %sign3A_199 = vector.broadcast %sign3A_198 : i32 to vector<96x144xi32>
    %sign3A_200 = arith.cmpi slt, %mul3A_190, %sign3A_199 : vector<96x144xi32>
    %sign3A_201 = arith.extui %sign3A_200 : vector<96x144xi1> to vector<96x144xi32>
    %sign3A_202 = arith.subi %sign3A_197, %sign3A_201 : vector<96x144xi32>
    %sign3A_203 = arith.constant 0 : i32
    %sign3A_204 = arith.cmpi sgt, %jit3A_191, %sign3A_203 : i32
    %sign3A_205 = arith.extui %sign3A_204 : i1 to i32
    %sign3A_206 = arith.constant 0 : i32
    %sign3A_207 = arith.cmpi slt, %jit3A_191, %sign3A_206 : i32
    %sign3A_208 = arith.extui %sign3A_207 : i1 to i32
    %sign3A_209 = arith.subi %sign3A_205, %sign3A_208 : i32
    %ne3A_210 = vector.broadcast %sign3A_209 : i32 to vector<96x144xi32>
    %ne3A_211 = arith.cmpi ne, %sign3A_202, %ne3A_210 : vector<96x144xi32>
    %rem3A_212 = vector.broadcast %jit3A_191 : i32 to vector<96x144xi32>
    %rem3A_213 = arith.remsi %mul3A_190, %rem3A_212 : vector<96x144xi32>
    %ne3A_214 = arith.constant 0 : i32
    %ne3A_215 = vector.broadcast %ne3A_214 : i32 to vector<96x144xi32>
    %ne3A_216 = arith.cmpi ne, %rem3A_213, %ne3A_215 : vector<96x144xi32>
    %and3A_217 = arith.andi %ne3A_211, %ne3A_216 : vector<96x144xi1>
    %sub3A_218 = arith.constant 1 : i32
    %sub3A_219 = vector.broadcast %sub3A_218 : i32 to vector<96x144xi32>
    %sub3A_220 = arith.subi %div3A_193, %sub3A_219 : vector<96x144xi32>
    %select_n3A_221 = arith.select %and3A_217, %sub3A_220, %div3A_193 : vector<96x144xi1>, vector<96x144xi32>
    %sub3A_222 = arith.subi %mul3A_186, %select_n3A_221 : vector<96x144xi32>
    %sub3A_223 = arith.subi %max3A, %min3A : vector<96x144xi32>
    %add3A_224 = arith.addi %sub3A_222, %sub3A_223 : vector<96x144xi32>
    %jit3A_225 = arith.constant 16 : i32
    %eq3A_226 = arith.constant 0 : i32
    %eq3A_227 = arith.cmpi eq, %jit3A_225, %eq3A_226 : i32
    %jit3A_228 = arith.constant 1 : i32
    %select_n3A_229 = arith.select %eq3A_227, %jit3A_228, %jit3A_225 : i32
    %rem3A_230 = vector.broadcast %select_n3A_229 : i32 to vector<96x144xi32>
    %rem3A_231 = arith.remsi %iota3A_107, %rem3A_230 : vector<96x144xi32>
    %ne3A_232 = arith.constant 0 : i32
    %ne3A_233 = vector.broadcast %ne3A_232 : i32 to vector<96x144xi32>
    %ne3A_234 = arith.cmpi ne, %rem3A_231, %ne3A_233 : vector<96x144xi32>
    %lt3A_235 = arith.constant 0 : i32
    %lt3A_236 = vector.broadcast %lt3A_235 : i32 to vector<96x144xi32>
    %lt3A_237 = arith.cmpi slt, %rem3A_231, %lt3A_236 : vector<96x144xi32>
    %lt3A_238 = arith.constant 0 : i32
    %lt3A_239 = arith.cmpi slt, %select_n3A_229, %lt3A_238 : i32
    %ne3A_240 = vector.broadcast %lt3A_239 : i1 to vector<96x144xi1>
    %ne3A_241 = vector.broadcast %ne3A_240 : vector<96x144xi1> to vector<96x144xi1>
    %ne3A_242 = arith.xori %lt3A_237, %ne3A_241 : vector<96x144xi1>
    %and3A_243 = arith.andi %ne3A_242, %ne3A_234 : vector<96x144xi1>
    %add3A_244 = vector.broadcast %select_n3A_229 : i32 to vector<96x144xi32>
    %add3A_245 = arith.addi %rem3A_231, %add3A_244 : vector<96x144xi32>
    %select_n3A_246 = arith.select %and3A_243, %add3A_245, %rem3A_231 : vector<96x144xi1>, vector<96x144xi32>
    %jit3A_247 = arith.constant 9 : i32
    %div3A_248 = vector.broadcast %jit3A_247 : i32 to vector<96x144xi32>
    %div3A_249 = arith.divsi %iota3A_108, %div3A_248 : vector<96x144xi32>
    %sign3A_250 = arith.constant 0 : i32
    %sign3A_251 = vector.broadcast %sign3A_250 : i32 to vector<96x144xi32>
    %sign3A_252 = arith.cmpi sgt, %iota3A_108, %sign3A_251 : vector<96x144xi32>
    %sign3A_253 = arith.extui %sign3A_252 : vector<96x144xi1> to vector<96x144xi32>
    %sign3A_254 = arith.constant 0 : i32
    %sign3A_255 = vector.broadcast %sign3A_254 : i32 to vector<96x144xi32>
    %sign3A_256 = arith.cmpi slt, %iota3A_108, %sign3A_255 : vector<96x144xi32>
    %sign3A_257 = arith.extui %sign3A_256 : vector<96x144xi1> to vector<96x144xi32>
    %sign3A_258 = arith.subi %sign3A_253, %sign3A_257 : vector<96x144xi32>
    %sign3A_259 = arith.constant 0 : i32
    %sign3A_260 = arith.cmpi sgt, %jit3A_247, %sign3A_259 : i32
    %sign3A_261 = arith.extui %sign3A_260 : i1 to i32
    %sign3A_262 = arith.constant 0 : i32
    %sign3A_263 = arith.cmpi slt, %jit3A_247, %sign3A_262 : i32
    %sign3A_264 = arith.extui %sign3A_263 : i1 to i32
    %sign3A_265 = arith.subi %sign3A_261, %sign3A_264 : i32
    %ne3A_266 = vector.broadcast %sign3A_265 : i32 to vector<96x144xi32>
    %ne3A_267 = arith.cmpi ne, %sign3A_258, %ne3A_266 : vector<96x144xi32>
    %rem3A_268 = vector.broadcast %jit3A_247 : i32 to vector<96x144xi32>
    %rem3A_269 = arith.remsi %iota3A_108, %rem3A_268 : vector<96x144xi32>
    %ne3A_270 = arith.constant 0 : i32
    %ne3A_271 = vector.broadcast %ne3A_270 : i32 to vector<96x144xi32>
    %ne3A_272 = arith.cmpi ne, %rem3A_269, %ne3A_271 : vector<96x144xi32>
    %and3A_273 = arith.andi %ne3A_267, %ne3A_272 : vector<96x144xi1>
    %sub3A_274 = arith.constant 1 : i32
    %sub3A_275 = vector.broadcast %sub3A_274 : i32 to vector<96x144xi32>
    %sub3A_276 = arith.subi %div3A_249, %sub3A_275 : vector<96x144xi32>
    %select_n3A_277 = arith.select %and3A_273, %sub3A_276, %div3A_249 : vector<96x144xi1>, vector<96x144xi32>
    %eq3A_278 = arith.cmpi eq, %select_n3A_246, %select_n3A_277 : vector<96x144xi32>
    %jit3A_279 = arith.constant 16 : i32
    %div3A_280 = vector.broadcast %jit3A_279 : i32 to vector<96x144xi32>
    %div3A_281 = arith.divsi %iota3A_107, %div3A_280 : vector<96x144xi32>
    %sign3A_282 = arith.constant 0 : i32
    %sign3A_283 = vector.broadcast %sign3A_282 : i32 to vector<96x144xi32>
    %sign3A_284 = arith.cmpi sgt, %iota3A_107, %sign3A_283 : vector<96x144xi32>
    %sign3A_285 = arith.extui %sign3A_284 : vector<96x144xi1> to vector<96x144xi32>
    %sign3A_286 = arith.constant 0 : i32
    %sign3A_287 = vector.broadcast %sign3A_286 : i32 to vector<96x144xi32>
    %sign3A_288 = arith.cmpi slt, %iota3A_107, %sign3A_287 : vector<96x144xi32>
    %sign3A_289 = arith.extui %sign3A_288 : vector<96x144xi1> to vector<96x144xi32>
    %sign3A_290 = arith.subi %sign3A_285, %sign3A_289 : vector<96x144xi32>
    %sign3A_291 = arith.constant 0 : i32
    %sign3A_292 = arith.cmpi sgt, %jit3A_279, %sign3A_291 : i32
    %sign3A_293 = arith.extui %sign3A_292 : i1 to i32
    %sign3A_294 = arith.constant 0 : i32
    %sign3A_295 = arith.cmpi slt, %jit3A_279, %sign3A_294 : i32
    %sign3A_296 = arith.extui %sign3A_295 : i1 to i32
    %sign3A_297 = arith.subi %sign3A_293, %sign3A_296 : i32
    %ne3A_298 = vector.broadcast %sign3A_297 : i32 to vector<96x144xi32>
    %ne3A_299 = arith.cmpi ne, %sign3A_290, %ne3A_298 : vector<96x144xi32>
    %rem3A_300 = vector.broadcast %jit3A_279 : i32 to vector<96x144xi32>
    %rem3A_301 = arith.remsi %iota3A_107, %rem3A_300 : vector<96x144xi32>
    %ne3A_302 = arith.constant 0 : i32
    %ne3A_303 = vector.broadcast %ne3A_302 : i32 to vector<96x144xi32>
    %ne3A_304 = arith.cmpi ne, %rem3A_301, %ne3A_303 : vector<96x144xi32>
    %and3A_305 = arith.andi %ne3A_299, %ne3A_304 : vector<96x144xi1>
    %sub3A_306 = arith.constant 1 : i32
    %sub3A_307 = vector.broadcast %sub3A_306 : i32 to vector<96x144xi32>
    %sub3A_308 = arith.subi %div3A_281, %sub3A_307 : vector<96x144xi32>
    %select_n3A_309 = arith.select %and3A_305, %sub3A_308, %div3A_281 : vector<96x144xi1>, vector<96x144xi32>
    %eq3A_310 = arith.cmpi eq, %select_n3A_309, %add3A_224 : vector<96x144xi32>
    %and3A_311 = arith.andi %eq3A_278, %eq3A_310 : vector<96x144xi1>
    %convert_element_type3A_312 = arith.extui %and3A_311 : vector<96x144xi1> to vector<96x144xi32>
    %convert_element_type3A_313 = arith.sitofp %convert_element_type3A_312 : vector<96x144xi32> to vector<96x144xf32>
    %dot_general3A_314 = arith.constant dense<0.000000e+00> : vector<632x144xf32>
    %dot_general3A_315 = tpu.matmul %concatenate3A, %convert_element_type3A_313, %dot_general3A_314 {dimension_numbers = #tpu.dot_dimension_numbers<[1], [0], [0], [1], [0, 0, 1, 1], [], []>, precision = #tpu.contract_precision<fp32>, transpose_lhs_hint = false} : vector<632x96xf32>, vector<96x144xf32>, vector<632x144xf32> -> vector<632x144xf32>
    %swap3A_316 = arith.constant 0 : index
    %swap3A_317 = arith.constant 0 : index
    %swap3A_318 = vector.load %arg7[%swap3A_316, %swap3A_317] : memref<632x144xf32, #tpu.memory_space<vmem>>, vector<632x144xf32>
    tpu.vector_store %arg7[%swap3A_316, %swap3A_317], %dot_general3A_315 {strides = array<i32>} : memref<632x144xf32, #tpu.memory_space<vmem>>, vector<632x144xf32>,
    return
  }
  func.func @transform_0(%arg0: i32) -> (i32, i32, i32) {
    %c0_i32 = arith.constant 0 : i32
    %c0_i32_0 = arith.constant 0 : i32
    %c0_i32_1 = arith.constant 0 : i32
    return %c0_i32, %arg0, %c0_i32_0 : i32, i32, i32
  }
  func.func @transform_1(%arg0: i32) -> (i32, i32, i32) {
    %c0_i32 = arith.constant 0 : i32
    %c0_i32_0 = arith.constant 0 : i32
    %c0_i32_1 = arith.constant 0 : i32
    return %c0_i32, %arg0, %c0_i32_0 : i32, i32, i32
  }
  func.func @transform_2(%arg0: i32) -> (i32, i32, i32) {
    %c0_i32 = arith.constant 0 : i32
    %c0_i32_0 = arith.constant 0 : i32
    %c0_i32_1 = arith.constant 0 : i32
    return %c0_i32, %arg0, %c0_i32_0 : i32, i32, i32
  }
  func.func @transform_3(%arg0: i32) -> (i32, i32, i32) {
    %c0_i32 = arith.constant 0 : i32
    %c0_i32_0 = arith.constant 0 : i32
    %c0_i32_1 = arith.constant 0 : i32
    return %c0_i32, %arg0, %c0_i32_0 : i32, i32, i32
  }
  func.func @transform_4(%arg0: i32) -> (i32, i32) {
    %c0_i32 = arith.constant 0 : i32
    %c0_i32_0 = arith.constant 0 : i32
    return %arg0, %c0_i32 : i32, i32
  }
  func.func @transform_5(%arg0: i32) -> (i32, i32) {
    %c0_i32 = arith.constant 0 : i32
    %c0_i32_0 = arith.constant 0 : i32
    return %arg0, %c0_i32 : i32, i32
  }
  func.func @transform_6(%arg0: i32) -> (i32, i32) {
    %c0_i32 = arith.constant 0 : i32
    %c0_i32_0 = arith.constant 0 : i32
    return %arg0, %c0_i32 : i32, i32
  }
}

</mosaic_0001>

<sc_bundles>
// kernel: kernel.11.cloned.1.call-start
scs
__scs_entry_jumppad:
0x0: {  	(pc) =	sbr.rel $0x88, $3  }
0x1: {  	(tag) =	ssettag $0x0;
	lr =	simm.s32 $0x1  }
0x2: {  	[smem:$0x3F94] =	sst lr;
	_ =	strace $0xD0000000  }
0x3: {  	_ = 	snop  }
0x4: {  	_ = 	snop  }
0x5: {  	_ = 	snop  }
0x6: {  	_ = 	snop  }
0x7: {  	_ = 	snop  }
__scs_overlays_trampoline_lowered:
0x8: {  	[smem:$0x3FA3] =	sst s0  }
0x9: {  	[smem:$0x3FA4] =	sst s1  }
0xa: {  	[smem:$0x3FA5] =	sst s2  }
0xb: {  	[smem:$0x3FA6] =	sst s3  }
0xc: {  	[smem:$0x3FA7] =	sst s4  }
0xd: {  	[smem:$0x3FA8] =	sst s5  }
0xe: {  	[smem:$0x3FA9] =	sst s6  }
0xf: {  	[smem:$0x3FAA] =	sst s7  }
0x10: {  	[smem:$0x3FAB] =	sst s8  }
0x11: {  	[smem:$0x3FAC] =	sst s9;
	s0 =	simm.s32 @!p0 $0x0  }
0x12: {  	s1 =	sld [smem:$0x3F92];
	s0 =	simm.s32 @p0 $0x1  }
0x13: {  	[smem:$0x3FAD] =	sst s0;
	s0 =	simm.s32 @!p1 $0x0  }
0x14: {  	s2 =	sld [smem:$0x3F91];
	s0 =	simm.s32 @p1 $0x1  }
0x15: {  	[smem:$0x3FAE] =	sst s0;
	s0 =	simm.s32 @!p2 $0x0  }
0x16: {  	s3 =	sld [smem:$0x3FDB];
	s0 =	simm.s32 @p2 $0x1  }
0x17: {  	s4 =	simm.s32 $0x1BF5;
	[smem:$0x3FB0] =	sst s0  }
0x18: {  	s0 =	sld [smem:$0x3F93];
	_ =	swait.ge [sflag:s4], $0x0  }
0x19: {  	s7 =	sld [smem:$0x3F94]  }
0x1a: {  	s8 =	sadd.s32 $0xFFFFE003, lr  }
0x1b: {  	s9 =	sadd.s32 $0xFFFFFEF7, lr;
	s5 =	simm.s32 $0xFFFFFFFF;
	p2 =	slt.u32 s8, $0xFFFFF086  }
0x1c: {  	p1 =	slt.u32 s9, $0xF7A;
	s5 =	simm.s32 @!p2 $0x0  }
0x1d: {  	s5 =	simm.s32 @p1 $0x1;
	p0 =	seq.s32 s7, s2  }
0x1e: {  	s7 =	smul.u32 @!p0 $0xF7A, s2;
	p2 =	seq.s32 @!p0 s5, $0x0  }
0x1f: {  	s9 =	smul.u32 $0xF7A, s1;
	s8 =	simm.s32 @!p0 $0x1BF5;
	p2 =	por !p2, p0  }
0x20: {  	[sflag:s8] =	ssyncset.s32 @!p0 $0xFFFFF086;
	s6 =	sadd.s32 @!p0 s3, s7;
	s7 =	simm.s32 @!p0 $0x108  }
0x21: {  	s3 =	sadd.s32 s3, s9;
	s6 =	sadd.s32 @!p0 $0x88, s6;
	s7 =	simm.s32 @p2 $0x1082  }
0x22: {  	[simem:s7], [sflag:s8] =	dma.local @!p0 [hbm:s6], $0xF7A  }
0x23: {  	s9 =	sor.u32 $0xD0000000, s2;
	s6 =	simm.s32 $0x108;
	_ =	swait.ge @!p0 [sflag:s8], $0x0  }
0x24: {  	s3 =	sadd.s32 $0x88, s3;
	s6 =	simm.s32 @!p1 $0x1082;
	[sflag:s4] =	ssyncset.s32 $0xFFFFF086  }
0x25: {  	[simem:s6], [sflag:s4] =	dma.local [hbm:s3], $0xF7A  }
0x26: {  	[smem:$0x3F94] =	sst s1;
	(tag) =	ssettag s2;
	_ =	strace s9  }
0x27: {  	s1 =	sld [smem:$0x3FA4]  }
0x28: {  	s2 =	sld [smem:$0x3FA5]  }
0x29: {  	s4 =	sld [smem:$0x3FA7]  }
0x2a: {  	p0 =	seq.s32 s5, $0x0;
	s5 =	sld [smem:$0x3FA8]  }
0x2b: {  	s6 =	sld [smem:$0x3FA9]  }
0x2c: {  	s7 =	sld [smem:$0x3FAA]  }
0x2d: {  	s3 =	simm.s32 $0x108;
	s8 =	sld [smem:$0x3FAB]  }
0x2e: {  	s3 =	simm.s32 @!p0 $0x1082;
	s9 =	sld [smem:$0x3FAC]  }
0x2f: {  	lr =	sadd.s32 s0, s3;
	s0 =	sld [smem:$0x3FA3]  }
0x30: {  	s3 =	sld [smem:$0x3FA6]  }
0x31: {  	[smem:$0x3FAF] =	sst s10  }
0x32: {  	s10 =	sld [smem:$0x3FAD];
	_ =	sdelay $0x3  }
0x33: {  	p0 =	seq.s32 s10, $0x1;
	s10 =	sld [smem:$0x3FAF];
	_ =	sdelay $0x3  }
0x34: {  	[smem:$0x3FAF] =	sst s10  }
0x35: {  	s10 =	sld [smem:$0x3FAE];
	_ =	sdelay $0x3  }
0x36: {  	p1 =	seq.s32 s10, $0x1;
	s10 =	sld [smem:$0x3FAF];
	_ =	sdelay $0x3  }
0x37: {  	[smem:$0x3FAF] =	sst s10  }
0x38: {  	s10 =	sld [smem:$0x3FB0]  }
0x39: {  	_ = 	snop;
	(pc) =	sbr.ind lr, $3  }
0x3a: {  	_ = 	snop  }
0x3b: {  	_ = 	snop  }
0x3c: {  	p2 =	seq.s32 s10, $0x1;
	s10 =	sld [smem:$0x3FAF]  }
0x3d: {  	_ =	shalt  }
0x3e: {  	_ =	shalt  }
0x3f: {  	_ =	shalt  }
0x40: {  	_ =	shalt  }
0x41: {  	_ =	shalt  }
0x42: {  	_ =	shalt  }
0x43: {  	_ =	shalt  }
0x44: {  	_ =	shalt  }
0x45: {  	_ =	shalt  }
0x46: {  	_ =	shalt  }
0x47: {  	_ =	shalt  }
0x48: {  	_ =	shalt  }
0x49: {  	_ =	shalt  }
0x4a: {  	_ =	shalt  }
0x4b: {  	_ =	shalt  }
0x4c: {  	_ =	shalt  }
0x4d: {  	_ =	shalt  }
0x4e: {  	_ =	shalt  }
0x4f: {  	_ =	shalt  }
0x50: {  	_ =	shalt  }
0x51: {  	_ =	shalt  }
0x52: {  	_ =	shalt  }
0x53: {  	_ =	shalt  }
0x54: {  	_ =	shalt  }
0x55: {  	_ =	shalt  }
0x56: {  	_ =	shalt  }
0x57: {  	_ =	shalt  }
0x58: {  	_ =	shalt  }
0x59: {  	_ =	shalt  }
0x5a: {  	_ =	shalt  }
0x5b: {  	_ =	shalt  }
0x5c: {  	_ =	shalt  }
0x5d: {  	_ =	shalt  }
0x5e: {  	_ =	shalt  }
0x5f: {  	_ =	shalt  }
0x60: {  	_ =	shalt  }
0x61: {  	_ =	shalt  }
0x62: {  	_ =	shalt  }
0x63: {  	_ =	shalt  }
0x64: {  	_ =	shalt  }
0x65: {  	_ =	shalt  }
0x66: {  	_ =	shalt  }
0x67: {  	_ =	shalt  }
0x68: {  	_ =	shalt  }
0x69: {  	_ =	shalt  }
0x6a: {  	_ =	shalt  }
0x6b: {  	_ =	shalt  }
0x6c: {  	_ =	shalt  }
0x6d: {  	_ =	shalt  }
0x6e: {  	_ =	shalt  }
0x6f: {  	_ =	shalt  }
0x70: {  	_ =	shalt  }
0x71: {  	_ =	shalt  }
0x72: {  	_ =	shalt  }
0x73: {  	_ =	shalt  }
0x74: {  	_ =	shalt  }
0x75: {  	_ =	shalt  }
0x76: {  	_ =	shalt  }
0x77: {  	_ =	shalt  }
0x78: {  	_ =	shalt  }
0x79: {  	_ =	shalt  }
0x7a: {  	_ =	shalt  }
0x7b: {  	_ =	shalt  }
0x7c: {  	_ =	shalt  }
0x7d: {  	_ =	shalt  }
0x7e: {  	_ =	shalt  }
0x7f: {  	_ =	shalt  }
0x80: {  	_ =	shalt  }
0x81: {  	_ =	shalt  }
0x82: {  	_ =	shalt  }
0x83: {  	_ =	shalt  }
0x84: {  	_ =	shalt  }
0x85: {  	_ =	shalt  }
0x86: {  	_ =	shalt  }
0x87: {  	_ =	shalt  }
.Lfunc_end0:
.L_simem_size_0:
called_computation_lowered:
.L_overlay_start_0:
0x88: {  	s2 =	sld [smem:$0x3FD9]  }
0x89: {  	s3 =	sld [smem:$0x3FFE];
	_ =	sdelay $0x1  }
0x8a: {  	s1 =	srdreg.scid  }
0x8b: {  	s0 =	sand.u32 $0x1, s1  }
0x8c: {  	s15 =	sshll.u32 s0, $0xA;
	s2 =	sadd.s32 s3, s2  }
0x8d: {  	s2 =	sadd.s32 s2, s15  }
0x8e: {  	[smem:$0x3FBB] =	sst s2  }
0x8f: {  	_ = 	snop  }
0x90: {  	s2 =	sld [smem:$0x3FD0];
	_ =	sdelay $0x2  }
0x91: {  	s16 =	simm.s32 $0xD;
	s4 =	simm.s32 $0x10  }
0x92: {  	[smem:s4], [sflag:s16] =	dma.local [hbm:s2], $0x1  }
0x93: {  	_ =	swait.eq [sflag:s16], $0x1  }
0x94: {  	[sflag:s16] =	ssyncset.done $0x0  }
0x95: {  	[sflag:s16] =	ssyncadd.s32 $0xFFFFFFFF  }
0x96: {  	s17 =	sld [smem:$0x10];
	(tm) =	ssettm $0x1  }
0x97: {  	s18 =	sld [smem:$0x3FFB];
	_ =	sdelay $0x3  }
0x98: {  	_ =	strace s18  }
0x99: {  	s2 =	sld [smem:$0x3FFC];
	_ =	sdelay $0x3  }
0x9a: {  	_ =	strace s2  }
0x9b: {  	s2 =	sld [smem:$0x3FFD];
	_ =	sdelay $0x3  }
0x9c: {  	_ =	strace s2  }
0x9d: {  	_ =	strace $0x8FFFFFFF  }
0x9e: {  	s19 =	sld [smem:$0x3FDB];
	_ =	sdelay $0x1  }
0x9f: {  	s20 =	simm.s32 $_scs_section_size  }
0xa0: {  	s5 =	simm.s32 $_size__tile_overlayer_lowered;
	s6 =	simm.s32 $_tile_overlayer_lowered  }
0xa1: {  	s7 =	simm.s32 $0x1BFF;
	s21 =	sshll.u32 s6, $0x1;
	s4 =	sadd.s32 s20, s19  }
0xa2: {  	s22 =	simm.s32 $0x0;
	s5 =	sshll.u32 s5, $0x1;
	s6 =	sadd.s32 s21, s4  }
0xa3: {  	[timem:s22], [sflag:s7] =	dma.local [hbm:s6], s5  }
0xa4: {  	_ =	swait.ge [sflag:s7], s5  }
0xa5: {  	s5 =	ssub.s32 $0x0, s5;
	[sflag:s7] =	ssyncset.done $0x0  }
0xa6: {  	[sflag:s7] =	ssyncadd.s32 s5;
	_ =	sdelay $0x1  }
0xa7: {  	s23 =	simm.s32 $0x1B8B  }
0xa8: {  	_ =	swait.ge [sflag:s23], $0x1  }
0xa9: {  	[sflag:s23] =	ssyncset.done $0x0  }
0xaa: {  	[sflag:s23] =	ssyncadd.s32 $0xFFFFFFFF  }
0xab: {  	s5 =	sld [smem:$0x0]  }
0xac: {  	s6 =	sand.u32 $0xFFFFFFFE, s1  }
0xad: {  	p0 =	sne.s32 s1, s6  }
0xae: {  	s6 =	sshll.u32 @p0 s6, $0xE  }
0xaf: {  	s6 =	sadd.s32 @p0 $0x11B8D, s6;
	s7 =	sshll.u32 @p0 s5, $0x11  }
0xb0: {  	s6 =	sor.u32 @p0 s7, s6  }
0xb1: {  	[sflag:s6] =	ssyncadd.remote.s32 @p0 $0x1;
	_ =	sdelay $0x1  }
0xb2: {  	s6 =	simm.s32 @p0 $0x1B8D  }
0xb3: {  	_ =	swait.eq @p0 [sflag:s6], $0x1  }
0xb4: {  	[sflag:s6] =	ssyncadd.s32 @p0 $0xFFFFFFFF  }
0xb5: {  	s7 =	sshll.u32 @!p0 s1, $0xE  }
0xb6: {  	s7 =	sor.u32 @!p0 $0x4000, s7;
	s6 =	simm.s32 @!p0 $0x1B8D  }
0xb7: {  	s5 =	sshll.u32 @!p0 s5, $0x11;
	s7 =	sadd.s32 @!p0 $0x11B8D, s7;
	_ =	swait.eq @!p0 [sflag:s6], $0x1  }
0xb8: {  	s5 =	sor.u32 @!p0 s5, s7;
	[sflag:s6] =	ssyncadd.s32 @!p0 $0xFFFFFFFF  }
0xb9: {  	s25 =	simm.s32 $0x1B8E;
	s24 =	sld [smem:$0x3FFE];
	[sflag:s5] =	ssyncadd.remote.s32 @!p0 $0x1  }
0xba: {  	s26 =	simm.s32 $execute0_lowered;
	[smem:$0x3FD2] =	sst s25  }
0xbb: {  	s6 =	sshll.u32 s26, $0x1;
	_ =	strace $0x8000004F;
	[dreg:$0x1] =	wrdreg $0xFFFFFFFF  }
0xbc: {  	s28 =	simm.s32 $_size_execute0_lowered;
	s4 =	sadd.s32 s4, s6;
	[dreg:$0x0] =	wrdreg $0x0  }
0xbd: {  	s6 =	sshll.u32 s28, $0x1;
	[dreg:$0x2] =	wrdreg s4  }
0xbe: {  	[dreg:$0x3] =	wrdreg s6  }
0xbf: {  	[dreg:$0x4] =	wrdreg $0xC0  }
0xc0: {  	_ =	task [dreg:s22], $0x5FFFF  }
0xc1: {  	[dreg:$0x1] =	wrdreg $0xFFFFFFFF  }
0xc2: {  	[dreg:$0x0] =	wrdreg $0x60  }
0xc3: {  	[dreg:$0x2] =	wrdreg s24  }
0xc4: {  	[dreg:$0x3] =	wrdreg s17  }
0xc5: {  	[dreg:$0x4] =	wrdreg $0x0  }
0xc6: {  	[dreg:$0x5] =	wrdreg $0x9  }
0xc7: {  	_ =	task.clear_ibuf [dreg:s22], $0x6FFFF;
	_ =	strace $0x9000004F  }
0xc8: {  	s29 =	simm.s32 $0x9;
	_ =	strace $0x80000051  }
0xc9: {  	_ =	swait.ge [sflag:s29], $0x1  }
0xca: {  	[sflag:s29] =	ssyncadd.s32 $0xFFFFFFFF  }
0xcb: {  	_ =	strace $0x90000051  }
0xcc: {  	_ =	sfence  }
0xcd: {  	s30 =	sld [smem:$0x0];
	_ =	sdelay $0x2  }
0xce: {  	s31 =	sshll.u32 s1, $0xD;
	s1 =	sshrl.u32 s1, $0x2  }
0xcf: {  	s4 =	sand.u32 $0x4000, s31;
	s1 =	sadd.s32 s1, s30  }
0xd0: {  	s0 =	sor.u32 s4, s0;
	s1 =	sshll.u32 s1, $0x11  }
0xd1: {  	s0 =	sor.u32 s1, s0  }
0xd2: {  	s0 =	sadd.s32 $0x8F2B, s0  }
0xd3: {  	[sflag:s0] =	ssyncadd.remote.s32 $0x1  }
0xd4: {  	_ =	sfence.sel $0xFFFF  }
0xd5: {  	[dreg:$0x0] =	wrdreg $0xFFFFFFFF;
	(pc) =	sbr.abs _section_cstart, $3  }
0xd6: {  	[dreg:$0x1] =	wrdreg $0xFFFFFFFF  }
0xd7: {  	_ =	task.clear_ibuf [dreg:s22], $0x2FFFF;
	_ =	strace $0x9FFFFFFF  }
0xd8: {  	(tm) =	ssettm $0x7FFFFFFF  }
0xd9: {  	_ =	shalt  }
tec
execute0_lowered:
.L_overlay_start_1:
0x0: {  	(tag) =	ssettag $0x1  }
0x1: {  	s0 =	rddreg [dreg:$0x0]  }
0x2: {  	s1 =	srdreg.scid;
	s14 =	stileid.u32  }
0x3: {  	s5 =	rddreg [dreg:$0x1];
	s6 =	smul.u32 $0x50000, s14  }
0x4: {  	s2 =	rddreg [dreg:$0x2];
	s7 =	smul.u32 $0xC580, s14  }
0x5: {  	s3 =	simm.s32 $0x0;
	s28 =	simm.s32 $0xED80;
	s8 =	smul.u32 $0x31600, s14  }
0x6: {  	s29 =	simm.s32 $0x11580;
	s1 =	sand.u32 $0x1, s1;
	s26 =	smul.u32 $0x140, s14  }
0x7: {  	s30 =	simm.s32 $0x13D80;
	s31 =	simm.s32 $0x1;
	s4 =	smul.u32 $0x500000, s1  }
0x8: {  	[smem:$0x7FF] =	sst s3;
	s18 =	smul.u32 $0xC5800, s1;
	s1 =	ssub.s32 $0x2, s1  }
0x9: {  	_ =	strace $0x80000050;
	s20 =	sshrl.u32 s8, $0x2;
	s21 =	sshrl.u32 s1, $0x1  }
0xa: {  	s17 =	sadd.s32 s26, s5;
	s26 =	simm.s32 $0xC580;
	s4 =	sadd.s32 s6, s4  }
0xb: {  	s19 =	sadd.s32 s7, s18;
	s6 =	sadd.s32 s20, s2;
	s1 =	ssub.s32 s1, s21  }
0xc: {  	s18 =	simm.s32 $0x16780;
	s20 =	simm.s32 $0x16580;
	s21 =	simm.s32 $0x16600  }
0xd: {  	s4 =	sshrl.u32 s4, $0x3;
	s22 =	sadd.s32 $0x1400, s6;
	s23 =	sadd.s32 $0x2800, s6  }
0xe: {  	s24 =	sadd.s32 $0x3C00, s6;
	s25 =	sadd.s32 $0x5000, s6;
	s9 =	sadd.s32 $0x6400, s6  }
0xf: {  	s10 =	sadd.s32 $0x7800, s6;
	s11 =	sadd.s32 $0x8C00, s6;
	[dreg:$0x4] =	wrdreg s22  }
0x10: {  	s12 =	sadd.s32 $0xA000, s6;
	s13 =	sadd.s32 $0xB400, s6;
	[dreg:$0x5] =	wrdreg s23  }
0x11: {  	s15 =	smax.u32 s1, $0x1;
	s1 =	simm.s32 $0x0;
	[dreg:$0x6] =	wrdreg s24  }
0x12: {  	s16 =	sadd.s32 s4, s0;
	s4 =	sshrl.u32 s19, $0x3;
	[dreg:$0x7] =	wrdreg s25  }
0x13: {  	s19 =	simm.s32 $0x2;
	s22 =	simm.s32 $0x16680;
	s23 =	simm.s32 $0x16700  }
0x14: {  	s24 =	simm.s32 $0x50;
	s25 =	simm.s32 $0x80;
	s0 =	sadd.s32 s4, s0  }
0x15: {  	v0 =	vimm.f32 $0.0e+00;
	s4 =	sadd.s32 s7, s2;
	s16 =	sadd.s32 $0x458200, s16;
	s14 =	sadd.s32 $0x598200, s0  }
.LBB2_1:
0x16: {  	s5 =	simm.s32 $0x140;
	s0 =	simm.s32 $0x0  }
.LBB2_2:
0x17: {  	p0 =	sne.s32 s5, $0x4EC0;
	[tilespmem:s0+$0x167C0] =	vst v0;
	s6 =	smov.u32 s5;
	s5 =	sadd.s32 $0x140, s5  }
.Ltmp0:
0x18: {  	[tilespmem:s0+$0x167B0] =	vst v0;
	(pc) =	sbr.rel @p0 .LBB2_2-.Ltmp0, $4  }
0x19: {  	[tilespmem:s0+$0x167A0] =	vst v0  }
0x1a: {  	[tilespmem:s0+$0x16780] =	vst v0  }
0x1b: {  	[tilespmem:s0+$0x16790] =	vst v0  }
0x1c: {  	s0 =	sshra.s32 s6, $0x2  }
0x1d: {  	[tilespmem:s0+$0x167C0] =	vst v0  }
0x1e: {  	[tilespmem:s0+$0x167B0] =	vst v0  }
0x1f: {  	[tilespmem:s0+$0x167A0] =	vst v0  }
0x20: {  	[tilespmem:s0+$0x16780] =	vst v0  }
0x21: {  	[tilespmem:s0+$0x16790] =	vst v0  }
0x22: {  	[spmem:s4] =	stream.linear.scatter [tilespmem:s18], [sflag:$0x2], $0x1400, $0x38;
	[tilespmem:$0x17B80] =	vst v63  }
0x23: {  	_ =	swait.ge [sflag:s19], $0x1400  }
0x24: {  	[sflag:s19] =	ssyncset.done $0x0  }
0x25: {  	s7 =	rddreg [dreg:$0x4];
	[sflag:s19] =	ssyncadd.s32 $0xFFFFEC00  }
0x26: {  	[spmem:s7] =	stream.linear.scatter [tilespmem:s18], [sflag:$0x2], $0x1400, $0x38;
	[tilespmem:$0x17B80] =	vst v63  }
0x27: {  	_ =	swait.ge [sflag:s19], $0x1400  }
0x28: {  	[sflag:s19] =	ssyncset.done $0x0  }
0x29: {  	s8 =	rddreg [dreg:$0x5];
	[sflag:s19] =	ssyncadd.s32 $0xFFFFEC00  }
0x2a: {  	[spmem:s8] =	stream.linear.scatter [tilespmem:s18], [sflag:$0x2], $0x1400, $0x38;
	[tilespmem:$0x17B80] =	vst v63  }
0x2b: {  	_ =	swait.ge [sflag:s19], $0x1400  }
0x2c: {  	[sflag:s19] =	ssyncset.done $0x0  }
0x2d: {  	s5 =	rddreg [dreg:$0x6];
	[sflag:s19] =	ssyncadd.s32 $0xFFFFEC00  }
0x2e: {  	[spmem:s5] =	stream.linear.scatter [tilespmem:s18], [sflag:$0x2], $0x1400, $0x38;
	[tilespmem:$0x17B80] =	vst v63  }
0x2f: {  	_ =	swait.ge [sflag:s19], $0x1400  }
0x30: {  	[sflag:s19] =	ssyncset.done $0x0  }
0x31: {  	s6 =	rddreg [dreg:$0x7];
	[sflag:s19] =	ssyncadd.s32 $0xFFFFEC00  }
0x32: {  	[spmem:s6] =	stream.linear.scatter [tilespmem:s18], [sflag:$0x2], $0x1400, $0x38;
	[tilespmem:$0x17B80] =	vst v63  }
0x33: {  	_ =	swait.ge [sflag:s19], $0x1400  }
0x34: {  	[sflag:s19] =	ssyncset.done $0x0  }
0x35: {  	[sflag:s19] =	ssyncadd.s32 $0xFFFFEC00  }
0x36: {  	[spmem:s9] =	stream.linear.scatter [tilespmem:s18], [sflag:$0x2], $0x1400, $0x38;
	[tilespmem:$0x17B80] =	vst v63  }
0x37: {  	_ =	swait.ge [sflag:s19], $0x1400  }
0x38: {  	[sflag:s19] =	ssyncset.done $0x0  }
0x39: {  	[sflag:s19] =	ssyncadd.s32 $0xFFFFEC00  }
0x3a: {  	[spmem:s10] =	stream.linear.scatter [tilespmem:s18], [sflag:$0x2], $0x1400, $0x38;
	[tilespmem:$0x17B80] =	vst v63  }
0x3b: {  	_ =	swait.ge [sflag:s19], $0x1400  }
0x3c: {  	[sflag:s19] =	ssyncset.done $0x0  }
0x3d: {  	[sflag:s19] =	ssyncadd.s32 $0xFFFFEC00  }
0x3e: {  	[spmem:s11] =	stream.linear.scatter [tilespmem:s18], [sflag:$0x2], $0x1400, $0x38;
	[tilespmem:$0x17B80] =	vst v63  }
0x3f: {  	_ =	swait.ge [sflag:s19], $0x1400  }
0x40: {  	[sflag:s19] =	ssyncset.done $0x0  }
0x41: {  	[sflag:s19] =	ssyncadd.s32 $0xFFFFEC00  }
0x42: {  	[spmem:s12] =	stream.linear.scatter [tilespmem:s18], [sflag:$0x2], $0x1400, $0x38;
	[tilespmem:$0x17B80] =	vst v63  }
0x43: {  	_ =	swait.ge [sflag:s19], $0x1400  }
0x44: {  	[sflag:s19] =	ssyncset.done $0x0  }
0x45: {  	[sflag:s19] =	ssyncadd.s32 $0xFFFFEC00  }
0x46: {  	[spmem:s13] =	stream.linear.scatter [tilespmem:s18], [sflag:$0x2], $0x1180, $0x38;
	[tilespmem:$0x17B80] =	vst v63  }
0x47: {  	_ =	swait.ge [sflag:s19], $0x1180  }
0x48: {  	[sflag:s19] =	ssyncset.done $0x0  }
0x49: {  	[sflag:s19] =	ssyncadd.s32 $0xFFFFEE80  }
0x4a: {  	s7 =	sadd.s32 $0x0, s17;
	[bflag:$0x0] =	sbarrier.arrive $0xFFFF  }
0x4b: {  	[tilespmem:s20], [sflag:$0x2] =	stream.linear.gather [hbm4b:s7+s3], $0x80, $0x38;
	[tilespmem:$0x17B80] =	vst v63  }
0x4c: {  	_ =	swait.ge [sflag:s19], $0x80  }
0x4d: {  	[sflag:s19] =	ssyncset.done $0x0  }
0x4e: {  	s5 =	sadd.s32 $0x10, s7;
	[sflag:s19] =	ssyncadd.s32 $0xFFFFFF80  }
0x4f: {  	[tilespmem:s21], [sflag:$0x2] =	stream.linear.gather [hbm4b:s5+s3], $0x80, $0x38;
	[tilespmem:$0x17B80] =	vst v63  }
0x50: {  	_ =	swait.ge [sflag:s19], $0x80  }
0x51: {  	[sflag:s19] =	ssyncset.done $0x0  }
0x52: {  	s8 =	sadd.s32 $0x20, s7;
	[sflag:s19] =	ssyncadd.s32 $0xFFFFFF80  }
0x53: {  	[tilespmem:s22], [sflag:$0x2] =	stream.linear.gather [hbm4b:s8+s3], $0x80, $0x38;
	[tilespmem:$0x17B80] =	vst v63  }
0x54: {  	_ =	swait.ge [sflag:s19], $0x80  }
0x55: {  	[sflag:s19] =	ssyncset.done $0x0  }
0x56: {  	s0 =	sadd.s32 $0x30, s7;
	[sflag:s19] =	ssyncadd.s32 $0xFFFFFF80  }
0x57: {  	[tilespmem:s23], [sflag:$0x2] =	stream.linear.gather [hbm4b:s0+s3], $0x80, $0x38;
	[tilespmem:$0x17B80] =	vst v63  }
0x58: {  	_ =	swait.ge [sflag:s19], $0x80  }
0x59: {  	[sflag:s19] =	ssyncset.done $0x0  }
0x5a: {  	[sflag:s19] =	ssyncadd.s32 $0xFFFFFF80  }
0x5b: {  	[tilespmem:s26], [sflag:$0x2] =	stream.strided.gather [hbm4b:s16+s24], $0xA000, s25, s24, $0x38;
	[tilespmem:$0x17B80] =	vst v63  }
0x5c: {  	_ =	swait.ge [sflag:s19], $0xA000  }
0x5d: {  	[sflag:s19] =	ssyncset.done $0x0  }
0x5e: {  	[sflag:s19] =	ssyncadd.s32 $0xFFFF6000  }
0x5f: {  	[spmem:s2] =	stream.indirect.scatter.add.f32 [tilespmem:s26], [sflag:$0x1], $0x50, s20, s25, $0xb8;
	[tilespmem:$0x17B80] =	vst v63  }
0x60: {  	_ = 	snop  }
0x61: {  	[spmem:s2] =	stream.indirect.scatter.add.f32 [tilespmem:s28], [sflag:$0x1], $0x50, s21, s25, $0xb8;
	[tilespmem:$0x17B80] =	vst v63  }
0x62: {  	_ = 	snop  }
0x63: {  	[spmem:s2] =	stream.indirect.scatter.add.f32 [tilespmem:s29], [sflag:$0x1], $0x50, s22, s25, $0xb8;
	[tilespmem:$0x17B80] =	vst v63  }
0x64: {  	_ = 	snop  }
0x65: {  	[spmem:s2] =	stream.indirect.scatter.add.f32 [tilespmem:s30], [sflag:$0x1], $0x50, s23, s25, $0xb8;
	[tilespmem:$0x17B80] =	vst v63  }
0x66: {  	_ =	swait.ge [sflag:s31], $0x2800  }
0x67: {  	[sflag:s31] =	ssyncset.done $0x0  }
0x68: {  	[sflag:s31] =	ssyncadd.s32 $0xFFFFD800  }
0x69: {  	_ =	swait.ge [sflag:s31], $0x2800  }
0x6a: {  	[sflag:s31] =	ssyncset.done $0x0  }
0x6b: {  	[sflag:s31] =	ssyncadd.s32 $0xFFFFD800  }
0x6c: {  	_ =	swait.ge [sflag:s31], $0x2800  }
0x6d: {  	[sflag:s31] =	ssyncset.done $0x0  }
0x6e: {  	[sflag:s31] =	ssyncadd.s32 $0xFFFFD800  }
0x6f: {  	s6 =	simm.s32 $0x80;
	_ =	swait.ge [sflag:s31], $0x2800  }
0x70: {  	s5 =	simm.s32 $0x40;
	s0 =	sadd.s32 $0x2000, s16;
	[sflag:s31] =	ssyncset.done $0x0  }
.LBB2_4:
0x71: {  	s8 =	sadd.s32 s5, s17  }
0x72: {  	[sflag:s31] =	ssyncadd.s32 $0xFFFFD800;
	s5 =	smov.u32 s6;
	s7 =	sadd.s32 $0x40, s6  }
0x73: {  	[tilespmem:s20], [sflag:$0x2] =	stream.linear.gather [hbm4b:s8+s3], $0x80, $0x38;
	[tilespmem:$0x17B80] =	vst v63  }
0x74: {  	p0 =	sne.s32 s6, $0x100;
	_ =	swait.ge [sflag:s19], $0x80  }
0x75: {  	[sflag:s19] =	ssyncset.done $0x0  }
0x76: {  	s6 =	sadd.s32 $0x10, s8;
	[sflag:s19] =	ssyncadd.s32 $0xFFFFFF80  }
0x77: {  	[tilespmem:s21], [sflag:$0x2] =	stream.linear.gather [hbm4b:s6+s3], $0x80, $0x38;
	[tilespmem:$0x17B80] =	vst v63  }
0x78: {  	_ =	swait.ge [sflag:s19], $0x80  }
0x79: {  	[sflag:s19] =	ssyncset.done $0x0  }
0x7a: {  	s6 =	sadd.s32 $0x20, s8;
	[sflag:s19] =	ssyncadd.s32 $0xFFFFFF80  }
0x7b: {  	[tilespmem:s22], [sflag:$0x2] =	stream.linear.gather [hbm4b:s6+s3], $0x80, $0x38;
	[tilespmem:$0x17B80] =	vst v63  }
0x7c: {  	_ =	swait.ge [sflag:s19], $0x80  }
0x7d: {  	[sflag:s19] =	ssyncset.done $0x0  }
0x7e: {  	s6 =	sadd.s32 $0x30, s8;
	[sflag:s19] =	ssyncadd.s32 $0xFFFFFF80  }
0x7f: {  	[tilespmem:s23], [sflag:$0x2] =	stream.linear.gather [hbm4b:s6+s3], $0x80, $0x38;
	[tilespmem:$0x17B80] =	vst v63  }
0x80: {  	_ =	swait.ge [sflag:s19], $0x80  }
0x81: {  	[sflag:s19] =	ssyncset.done $0x0  }
0x82: {  	[sflag:s19] =	ssyncadd.s32 $0xFFFFFF80  }
0x83: {  	[tilespmem:s26], [sflag:$0x2] =	stream.strided.gather [hbm4b:s0+s24], $0xA000, s25, s24, $0x38;
	[tilespmem:$0x17B80] =	vst v63  }
0x84: {  	_ =	swait.ge [sflag:s19], $0xA000  }
0x85: {  	[sflag:s19] =	ssyncset.done $0x0  }
0x86: {  	[sflag:s19] =	ssyncadd.s32 $0xFFFF6000  }
0x87: {  	[spmem:s2] =	stream.indirect.scatter.add.f32 [tilespmem:s26], [sflag:$0x1], $0x50, s20, s25, $0xb8;
	[tilespmem:$0x17B80] =	vst v63  }
0x88: {  	_ = 	snop  }
0x89: {  	[spmem:s2] =	stream.indirect.scatter.add.f32 [tilespmem:s28], [sflag:$0x1], $0x50, s21, s25, $0xb8;
	[tilespmem:$0x17B80] =	vst v63  }
0x8a: {  	_ = 	snop  }
0x8b: {  	[spmem:s2] =	stream.indirect.scatter.add.f32 [tilespmem:s29], [sflag:$0x1], $0x50, s22, s25, $0xb8;
	[tilespmem:$0x17B80] =	vst v63  }
0x8c: {  	_ = 	snop  }
0x8d: {  	[spmem:s2] =	stream.indirect.scatter.add.f32 [tilespmem:s30], [sflag:$0x1], $0x50, s23, s25, $0xb8;
	[tilespmem:$0x17B80] =	vst v63  }
0x8e: {  	_ =	swait.ge [sflag:s31], $0x2800  }
0x8f: {  	[sflag:s31] =	ssyncset.done $0x0  }
0x90: {  	[sflag:s31] =	ssyncadd.s32 $0xFFFFD800  }
0x91: {  	_ =	swait.ge [sflag:s31], $0x2800  }
0x92: {  	[sflag:s31] =	ssyncset.done $0x0  }
0x93: {  	[sflag:s31] =	ssyncadd.s32 $0xFFFFD800  }
.Ltmp1:
0x94: {  	_ =	swait.ge [sflag:s31], $0x2800;
	(pc) =	sbr.rel @p0 .LBB2_4-.Ltmp1, $4  }
0x95: {  	[sflag:s31] =	ssyncset.done $0x0  }
0x96: {  	[sflag:s31] =	ssyncadd.s32 $0xFFFFD800  }
0x97: {  	_ =	swait.ge [sflag:s31], $0x2800  }
0x98: {  	s6 =	smov.u32 s7;
	s0 =	sadd.s32 $0x2000, s0;
	[sflag:s31] =	ssyncset.done $0x0  }
0x99: {  	s5 =	sadd.s32 s5, s17;
	[sflag:s31] =	ssyncadd.s32 $0xFFFFD800  }
0x9a: {  	[tilespmem:s20], [sflag:$0x2] =	stream.linear.gather [hbm4b:s5+s3], $0x80, $0x38;
	[tilespmem:$0x17B80] =	vst v63  }
0x9b: {  	_ =	swait.ge [sflag:s19], $0x80  }
0x9c: {  	[sflag:s19] =	ssyncset.done $0x0  }
0x9d: {  	s6 =	sadd.s32 $0x10, s5;
	[sflag:s19] =	ssyncadd.s32 $0xFFFFFF80  }
0x9e: {  	[tilespmem:s21], [sflag:$0x2] =	stream.linear.gather [hbm4b:s6+s3], $0x80, $0x38;
	[tilespmem:$0x17B80] =	vst v63  }
0x9f: {  	_ =	swait.ge [sflag:s19], $0x80  }
0xa0: {  	[sflag:s19] =	ssyncset.done $0x0  }
0xa1: {  	s8 =	sadd.s32 $0x20, s5;
	[sflag:s19] =	ssyncadd.s32 $0xFFFFFF80  }
0xa2: {  	[tilespmem:s22], [sflag:$0x2] =	stream.linear.gather [hbm4b:s8+s3], $0x80, $0x38;
	[tilespmem:$0x17B80] =	vst v63  }
0xa3: {  	_ =	swait.ge [sflag:s19], $0x80  }
0xa4: {  	[sflag:s19] =	ssyncset.done $0x0  }
0xa5: {  	s5 =	sadd.s32 $0x30, s5;
	[sflag:s19] =	ssyncadd.s32 $0xFFFFFF80  }
0xa6: {  	[tilespmem:s23], [sflag:$0x2] =	stream.linear.gather [hbm4b:s5+s3], $0x80, $0x38;
	[tilespmem:$0x17B80] =	vst v63  }
0xa7: {  	_ =	swait.ge [sflag:s19], $0x80  }
0xa8: {  	[sflag:s19] =	ssyncset.done $0x0  }
0xa9: {  	[sflag:s19] =	ssyncadd.s32 $0xFFFFFF80  }
0xaa: {  	[tilespmem:s26], [sflag:$0x2] =	stream.strided.gather [hbm4b:s0+s24], $0xA000, s25, s24, $0x38;
	[tilespmem:$0x17B80] =	vst v63  }
0xab: {  	_ =	swait.ge [sflag:s19], $0xA000  }
0xac: {  	[sflag:s19] =	ssyncset.done $0x0  }
0xad: {  	[sflag:s19] =	ssyncadd.s32 $0xFFFF6000  }
0xae: {  	[spmem:s2] =	stream.indirect.scatter.add.f32 [tilespmem:s26], [sflag:$0x1], $0x50, s20, s25, $0xb8;
	[tilespmem:$0x17B80] =	vst v63  }
0xaf: {  	_ = 	snop  }
0xb0: {  	[spmem:s2] =	stream.indirect.scatter.add.f32 [tilespmem:s28], [sflag:$0x1], $0x50, s21, s25, $0xb8;
	[tilespmem:$0x17B80] =	vst v63  }
0xb1: {  	_ = 	snop  }
0xb2: {  	[spmem:s2] =	stream.indirect.scatter.add.f32 [tilespmem:s29], [sflag:$0x1], $0x50, s22, s25, $0xb8;
	[tilespmem:$0x17B80] =	vst v63  }
0xb3: {  	_ = 	snop  }
0xb4: {  	[spmem:s2] =	stream.indirect.scatter.add.f32 [tilespmem:s30], [sflag:$0x1], $0x50, s23, s25, $0xb8;
	[tilespmem:$0x17B80] =	vst v63  }
0xb5: {  	_ =	swait.ge [sflag:s31], $0x2800  }
0xb6: {  	[sflag:s31] =	ssyncset.done $0x0  }
0xb7: {  	[sflag:s31] =	ssyncadd.s32 $0xFFFFD800  }
0xb8: {  	_ =	swait.ge [sflag:s31], $0x2800  }
0xb9: {  	[sflag:s31] =	ssyncset.done $0x0  }
0xba: {  	[sflag:s31] =	ssyncadd.s32 $0xFFFFD800  }
0xbb: {  	_ =	swait.ge [sflag:s31], $0x2800  }
0xbc: {  	[sflag:s31] =	ssyncset.done $0x0  }
0xbd: {  	[sflag:s31] =	ssyncadd.s32 $0xFFFFD800  }
0xbe: {  	s1 =	sadd.s32 $0x1, s1;
	_ =	swait.ge [sflag:s31], $0x2800  }
0xbf: {  	s7 =	stileid.u32;
	p0 =	sne.s32 s1, s15;
	[sflag:s31] =	ssyncset.done $0x0  }
0xc0: {  	s8 =	sshrl.u32 s4, $0x3;
	s0 =	sshll.u32 s7, $0x6;
	[sflag:s31] =	ssyncadd.s32 $0xFFFFD800  }
.Ltmp2:
0xc1: {  	s0 =	sor.u32 $0x1C02, s0;
	[bflag:$0x0] =	sbarrier.arrive $0xFFFF;
	(pc) =	sbr.rel @p0 .LBB2_1-.Ltmp2, $4  }
0xc2: {  	[hbm:s14], [sflag:s0] =	dma.local [spmem:s8], $0x18B0  }
0xc3: {  	_ =	swait.ge [sflag:s19], $0x18B0  }
0xc4: {  	[sflag:s19] =	ssyncset.done $0x0  }
0xc5: {  	[sflag:s19] =	ssyncadd.s32 $0xFFFFE750  }
0xc6: {  	_ =	sfence.sel $0x180000  }
0xc7: {  	[bflag:$0x0] =	sbarrier.arrive $0xFFFF  }
0xc8: {  	_ =	strace $0x90000050  }
0xc9: {  	s0 =	stileid.u32;
	[bflag:$0x2] =	sbarrier.arrive $0xFFFF  }
0xca: {  	p0 =	sne.s32 s0, $0x0;
	s0 =	rddreg [dreg:$0x3]  }
0xcb: {  	s0 =	sadd.s32 @!p0 $0x100000, s0  }
0xcc: {  	[sflag:s0] =	ssyncadd.tile.s32 @!p0 $0x1;
	_ =	shalt  }
.Lfunc_end2:
_tile_overlayer_lowered:
.L_overlay_start_2:
0xcd: {  	(tag) =	ssettag $0x2  }
0xce: {  	s0 =	rddreg [dreg:$0x0];
	s2 =	stileid.u32  }
0xcf: {  	s1 =	rddreg [dreg:$0x1];
	p0 =	sne.s32 s2, $0x0  }
0xd0: {  	s3 =	rddreg [dreg:$0x2];
	[bflag:$0x3] =	sbarrier.arrive $0xFFFF;
	s2 =	simm.s32 @!p0 $0x1C02  }
0xd1: {  	[timem:s3], [sflag:s2] =	dma.local @!p0 [hbm:s0], s1  }
0xd2: {  	s0 =	simm.s32 @!p0 $0x2  }
0xd3: {  	_ =	swait.ge @!p0 [sflag:s0], s1  }
0xd4: {  	s1 =	ssub.s32 @!p0 $0x0, s1;
	[sflag:s0] =	ssyncset.done @!p0 $0x0  }
0xd5: {  	[sflag:s0] =	ssyncadd.s32 @!p0 s1  }
0xd6: {  	[bflag:$0x3] =	sbarrier.arrive $0xFFFF  }
0xd7: {  	_ =	shalt  }

// kernel: kernel.14.cloned.1.call-start
scs
__scs_entry_jumppad:
0x0: {  	(pc) =	sbr.rel $0x88, $3  }
0x1: {  	(tag) =	ssettag $0x0;
	lr =	simm.s32 $0x1  }
0x2: {  	[smem:$0x3F94] =	sst lr;
	_ =	strace $0xD0000000  }
0x3: {  	_ = 	snop  }
0x4: {  	_ = 	snop  }
0x5: {  	_ = 	snop  }
0x6: {  	_ = 	snop  }
0x7: {  	_ = 	snop  }
__scs_overlays_trampoline_lowered:
0x8: {  	[smem:$0x3FA3] =	sst s0  }
0x9: {  	[smem:$0x3FA4] =	sst s1  }
0xa: {  	[smem:$0x3FA5] =	sst s2  }
0xb: {  	[smem:$0x3FA6] =	sst s3  }
0xc: {  	[smem:$0x3FA7] =	sst s4  }
0xd: {  	[smem:$0x3FA8] =	sst s5  }
0xe: {  	[smem:$0x3FA9] =	sst s6  }
0xf: {  	[smem:$0x3FAA] =	sst s7  }
0x10: {  	[smem:$0x3FAB] =	sst s8  }
0x11: {  	[smem:$0x3FAC] =	sst s9;
	s0 =	simm.s32 @!p0 $0x0  }
0x12: {  	s1 =	sld [smem:$0x3F92];
	s0 =	simm.s32 @p0 $0x1  }
0x13: {  	[smem:$0x3FAD] =	sst s0;
	s0 =	simm.s32 @!p1 $0x0  }
0x14: {  	s2 =	sld [smem:$0x3F91];
	s0 =	simm.s32 @p1 $0x1  }
0x15: {  	[smem:$0x3FAE] =	sst s0;
	s0 =	simm.s32 @!p2 $0x0  }
0x16: {  	s3 =	sld [smem:$0x3FDB];
	s0 =	simm.s32 @p2 $0x1  }
0x17: {  	s4 =	simm.s32 $0x1BF5;
	[smem:$0x3FB0] =	sst s0  }
0x18: {  	s0 =	sld [smem:$0x3F93];
	_ =	swait.ge [sflag:s4], $0x0  }
0x19: {  	s7 =	sld [smem:$0x3F94]  }
0x1a: {  	s8 =	sadd.s32 $0xFFFFE003, lr  }
0x1b: {  	s9 =	sadd.s32 $0xFFFFFEF7, lr;
	s5 =	simm.s32 $0xFFFFFFFF;
	p2 =	slt.u32 s8, $0xFFFFF086  }
0x1c: {  	p1 =	slt.u32 s9, $0xF7A;
	s5 =	simm.s32 @!p2 $0x0  }
0x1d: {  	s5 =	simm.s32 @p1 $0x1;
	p0 =	seq.s32 s7, s2  }
0x1e: {  	s7 =	smul.u32 @!p0 $0xF7A, s2;
	p2 =	seq.s32 @!p0 s5, $0x0  }
0x1f: {  	s9 =	smul.u32 $0xF7A, s1;
	s8 =	simm.s32 @!p0 $0x1BF5;
	p2 =	por !p2, p0  }
0x20: {  	[sflag:s8] =	ssyncset.s32 @!p0 $0xFFFFF086;
	s6 =	sadd.s32 @!p0 s3, s7;
	s7 =	simm.s32 @!p0 $0x108  }
0x21: {  	s3 =	sadd.s32 s3, s9;
	s6 =	sadd.s32 @!p0 $0x88, s6;
	s7 =	simm.s32 @p2 $0x1082  }
0x22: {  	[simem:s7], [sflag:s8] =	dma.local @!p0 [hbm:s6], $0xF7A  }
0x23: {  	s9 =	sor.u32 $0xD0000000, s2;
	s6 =	simm.s32 $0x108;
	_ =	swait.ge @!p0 [sflag:s8], $0x0  }
0x24: {  	s3 =	sadd.s32 $0x88, s3;
	s6 =	simm.s32 @!p1 $0x1082;
	[sflag:s4] =	ssyncset.s32 $0xFFFFF086  }
0x25: {  	[simem:s6], [sflag:s4] =	dma.local [hbm:s3], $0xF7A  }
0x26: {  	[smem:$0x3F94] =	sst s1;
	(tag) =	ssettag s2;
	_ =	strace s9  }
0x27: {  	s1 =	sld [smem:$0x3FA4]  }
0x28: {  	s2 =	sld [smem:$0x3FA5]  }
0x29: {  	s4 =	sld [smem:$0x3FA7]  }
0x2a: {  	p0 =	seq.s32 s5, $0x0;
	s5 =	sld [smem:$0x3FA8]  }
0x2b: {  	s6 =	sld [smem:$0x3FA9]  }
0x2c: {  	s7 =	sld [smem:$0x3FAA]  }
0x2d: {  	s3 =	simm.s32 $0x108;
	s8 =	sld [smem:$0x3FAB]  }
0x2e: {  	s3 =	simm.s32 @!p0 $0x1082;
	s9 =	sld [smem:$0x3FAC]  }
0x2f: {  	lr =	sadd.s32 s0, s3;
	s0 =	sld [smem:$0x3FA3]  }
0x30: {  	s3 =	sld [smem:$0x3FA6]  }
0x31: {  	[smem:$0x3FAF] =	sst s10  }
0x32: {  	s10 =	sld [smem:$0x3FAD];
	_ =	sdelay $0x3  }
0x33: {  	p0 =	seq.s32 s10, $0x1;
	s10 =	sld [smem:$0x3FAF];
	_ =	sdelay $0x3  }
0x34: {  	[smem:$0x3FAF] =	sst s10  }
0x35: {  	s10 =	sld [smem:$0x3FAE];
	_ =	sdelay $0x3  }
0x36: {  	p1 =	seq.s32 s10, $0x1;
	s10 =	sld [smem:$0x3FAF];
	_ =	sdelay $0x3  }
0x37: {  	[smem:$0x3FAF] =	sst s10  }
0x38: {  	s10 =	sld [smem:$0x3FB0]  }
0x39: {  	_ = 	snop;
	(pc) =	sbr.ind lr, $3  }
0x3a: {  	_ = 	snop  }
0x3b: {  	_ = 	snop  }
0x3c: {  	p2 =	seq.s32 s10, $0x1;
	s10 =	sld [smem:$0x3FAF]  }
0x3d: {  	_ =	shalt  }
0x3e: {  	_ =	shalt  }
0x3f: {  	_ =	shalt  }
0x40: {  	_ =	shalt  }
0x41: {  	_ =	shalt  }
0x42: {  	_ =	shalt  }
0x43: {  	_ =	shalt  }
0x44: {  	_ =	shalt  }
0x45: {  	_ =	shalt  }
0x46: {  	_ =	shalt  }
0x47: {  	_ =	shalt  }
0x48: {  	_ =	shalt  }
0x49: {  	_ =	shalt  }
0x4a: {  	_ =	shalt  }
0x4b: {  	_ =	shalt  }
0x4c: {  	_ =	shalt  }
0x4d: {  	_ =	shalt  }
0x4e: {  	_ =	shalt  }
0x4f: {  	_ =	shalt  }
0x50: {  	_ =	shalt  }
0x51: {  	_ =	shalt  }
0x52: {  	_ =	shalt  }
0x53: {  	_ =	shalt  }
0x54: {  	_ =	shalt  }
0x55: {  	_ =	shalt  }
0x56: {  	_ =	shalt  }
0x57: {  	_ =	shalt  }
0x58: {  	_ =	shalt  }
0x59: {  	_ =	shalt  }
0x5a: {  	_ =	shalt  }
0x5b: {  	_ =	shalt  }
0x5c: {  	_ =	shalt  }
0x5d: {  	_ =	shalt  }
0x5e: {  	_ =	shalt  }
0x5f: {  	_ =	shalt  }
0x60: {  	_ =	shalt  }
0x61: {  	_ =	shalt  }
0x62: {  	_ =	shalt  }
0x63: {  	_ =	shalt  }
0x64: {  	_ =	shalt  }
0x65: {  	_ =	shalt  }
0x66: {  	_ =	shalt  }
0x67: {  	_ =	shalt  }
0x68: {  	_ =	shalt  }
0x69: {  	_ =	shalt  }
0x6a: {  	_ =	shalt  }
0x6b: {  	_ =	shalt  }
0x6c: {  	_ =	shalt  }
0x6d: {  	_ =	shalt  }
0x6e: {  	_ =	shalt  }
0x6f: {  	_ =	shalt  }
0x70: {  	_ =	shalt  }
0x71: {  	_ =	shalt  }
0x72: {  	_ =	shalt  }
0x73: {  	_ =	shalt  }
0x74: {  	_ =	shalt  }
0x75: {  	_ =	shalt  }
0x76: {  	_ =	shalt  }
0x77: {  	_ =	shalt  }
0x78: {  	_ =	shalt  }
0x79: {  	_ =	shalt  }
0x7a: {  	_ =	shalt  }
0x7b: {  	_ =	shalt  }
0x7c: {  	_ =	shalt  }
0x7d: {  	_ =	shalt  }
0x7e: {  	_ =	shalt  }
0x7f: {  	_ =	shalt  }
0x80: {  	_ =	shalt  }
0x81: {  	_ =	shalt  }
0x82: {  	_ =	shalt  }
0x83: {  	_ =	shalt  }
0x84: {  	_ =	shalt  }
0x85: {  	_ =	shalt  }
0x86: {  	_ =	shalt  }
0x87: {  	_ =	shalt  }
.Lfunc_end0:
.L_simem_size_0:
called_computation.1_lowered:
.L_overlay_start_0:
0x88: {  	s2 =	sld [smem:$0x3FD9]  }
0x89: {  	s3 =	sld [smem:$0x3FFE];
	_ =	sdelay $0x1  }
0x8a: {  	s1 =	srdreg.scid  }
0x8b: {  	s0 =	sand.u32 $0x1, s1  }
0x8c: {  	s17 =	sshll.u32 s0, $0xA;
	s2 =	sadd.s32 s3, s2  }
0x8d: {  	s2 =	sadd.s32 s2, s17  }
0x8e: {  	[smem:$0x3FBB] =	sst s2  }
0x8f: {  	_ = 	snop  }
0x90: {  	(tm) =	ssettm $0x1  }
0x91: {  	s18 =	sld [smem:$0x3FFB];
	_ =	sdelay $0x3  }
0x92: {  	_ =	strace s18  }
0x93: {  	s2 =	sld [smem:$0x3FFC];
	_ =	sdelay $0x3  }
0x94: {  	_ =	strace s2  }
0x95: {  	s2 =	sld [smem:$0x3FFD];
	_ =	sdelay $0x3  }
0x96: {  	_ =	strace s2  }
0x97: {  	_ =	strace $0x8FFFFFFF  }
0x98: {  	s19 =	sld [smem:$0x3FDB];
	_ =	sdelay $0x1  }
0x99: {  	s20 =	simm.s32 $_scs_section_size  }
0x9a: {  	s4 =	simm.s32 $_size__tile_overlayer_lowered;
	s5 =	simm.s32 $_tile_overlayer_lowered  }
0x9b: {  	s6 =	simm.s32 $0x1BFF;
	s21 =	sshll.u32 s5, $0x1;
	s3 =	sadd.s32 s20, s19  }
0x9c: {  	s22 =	simm.s32 $0x0;
	s4 =	sshll.u32 s4, $0x1;
	s5 =	sadd.s32 s21, s3  }
0x9d: {  	[timem:s22], [sflag:s6] =	dma.local [hbm:s5], s4  }
0x9e: {  	_ =	swait.ge [sflag:s6], s4  }
0x9f: {  	s4 =	ssub.s32 $0x0, s4;
	[sflag:s6] =	ssyncset.done $0x0  }
0xa0: {  	[sflag:s6] =	ssyncadd.s32 s4;
	_ =	sdelay $0x1  }
0xa1: {  	s23 =	simm.s32 $0x1B8B  }
0xa2: {  	_ =	swait.ge [sflag:s23], $0x1  }
0xa3: {  	[sflag:s23] =	ssyncset.done $0x0  }
0xa4: {  	[sflag:s23] =	ssyncadd.s32 $0xFFFFFFFF  }
0xa5: {  	s4 =	sld [smem:$0x0]  }
0xa6: {  	s5 =	sand.u32 $0xFFFFFFFE, s1  }
0xa7: {  	p0 =	sne.s32 s1, s5  }
0xa8: {  	s5 =	sshll.u32 @p0 s5, $0xE  }
0xa9: {  	s5 =	sadd.s32 @p0 $0x11B8D, s5;
	s6 =	sshll.u32 @p0 s4, $0x11  }
0xaa: {  	s5 =	sor.u32 @p0 s6, s5  }
0xab: {  	[sflag:s5] =	ssyncadd.remote.s32 @p0 $0x1;
	_ =	sdelay $0x1  }
0xac: {  	s5 =	simm.s32 @p0 $0x1B8D  }
0xad: {  	_ =	swait.eq @p0 [sflag:s5], $0x1  }
0xae: {  	[sflag:s5] =	ssyncadd.s32 @p0 $0xFFFFFFFF  }
0xaf: {  	s6 =	sshll.u32 @!p0 s1, $0xE  }
0xb0: {  	s6 =	sor.u32 @!p0 $0x4000, s6;
	s5 =	simm.s32 @!p0 $0x1B8D  }
0xb1: {  	s4 =	sshll.u32 @!p0 s4, $0x11;
	s6 =	sadd.s32 @!p0 $0x11B8D, s6;
	_ =	swait.eq @!p0 [sflag:s5], $0x1  }
0xb2: {  	s4 =	sor.u32 @!p0 s4, s6;
	[sflag:s5] =	ssyncadd.s32 @!p0 $0xFFFFFFFF  }
0xb3: {  	s25 =	simm.s32 $0x1B8E;
	s24 =	sld [smem:$0x3FFE];
	[sflag:s4] =	ssyncadd.remote.s32 @!p0 $0x1  }
0xb4: {  	s26 =	simm.s32 $execute0_lowered;
	[smem:$0x3FD2] =	sst s25  }
0xb5: {  	s5 =	sshll.u32 s26, $0x1;
	_ =	strace $0x8000004C;
	[dreg:$0x1] =	wrdreg $0xFFFFFFFF  }
0xb6: {  	s28 =	simm.s32 $_size_execute0_lowered;
	s3 =	sadd.s32 s3, s5;
	[dreg:$0x0] =	wrdreg $0x0  }
0xb7: {  	s5 =	sshll.u32 s28, $0x1;
	[dreg:$0x2] =	wrdreg s3  }
0xb8: {  	[dreg:$0x3] =	wrdreg s5  }
0xb9: {  	[dreg:$0x4] =	wrdreg $0xC0  }
0xba: {  	_ =	task [dreg:s22], $0x5FFFF  }
0xbb: {  	[dreg:$0x1] =	wrdreg $0xFFFFFFFF  }
0xbc: {  	[dreg:$0x0] =	wrdreg $0x60  }
0xbd: {  	[dreg:$0x2] =	wrdreg s24  }
0xbe: {  	[dreg:$0x3] =	wrdreg $0x0  }
0xbf: {  	[dreg:$0x4] =	wrdreg $0xA  }
0xc0: {  	_ =	task.clear_ibuf [dreg:s22], $0x5FFFF;
	_ =	strace $0x9000004C  }
0xc1: {  	s29 =	simm.s32 $0xA;
	_ =	strace $0x8000004E  }
0xc2: {  	_ =	swait.ge [sflag:s29], $0x1  }
0xc3: {  	[sflag:s29] =	ssyncadd.s32 $0xFFFFFFFF  }
0xc4: {  	_ =	strace $0x9000004E  }
0xc5: {  	_ =	sfence  }
0xc6: {  	s30 =	sld [smem:$0x0];
	_ =	sdelay $0x2  }
0xc7: {  	s31 =	sshll.u32 s1, $0xD;
	s1 =	sshrl.u32 s1, $0x2  }
0xc8: {  	s4 =	sand.u32 $0x4000, s31;
	s1 =	sadd.s32 s1, s30  }
0xc9: {  	s0 =	sor.u32 s4, s0;
	s1 =	sshll.u32 s1, $0x11  }
0xca: {  	s0 =	sor.u32 s1, s0  }
0xcb: {  	s0 =	sadd.s32 $0x8F2B, s0  }
0xcc: {  	[sflag:s0] =	ssyncadd.remote.s32 $0x1  }
0xcd: {  	_ =	sfence.sel $0xFFFF  }
0xce: {  	[dreg:$0x0] =	wrdreg $0xFFFFFFFF;
	(pc) =	sbr.abs _section_cstart, $3  }
0xcf: {  	[dreg:$0x1] =	wrdreg $0xFFFFFFFF  }
0xd0: {  	_ =	task.clear_ibuf [dreg:s22], $0x2FFFF;
	_ =	strace $0x9FFFFFFF  }
0xd1: {  	(tm) =	ssettm $0x7FFFFFFF  }
tec
execute0_lowered:
.L_overlay_start_1:
0x0: {  	(tag) =	ssettag $0x1  }
0x1: {  	s0 =	srdreg.scid;
	s8 =	stileid.u32  }
0x2: {  	s1 =	rddreg [dreg:$0x0];
	s5 =	smul.u32 $0x50000, s8  }
0x3: {  	s2 =	rddreg [dreg:$0x1];
	s3 =	simm.s32 $0x0;
	s6 =	smul.u32 $0xC580, s8  }
0x4: {  	s18 =	simm.s32 $0x16780;
	s28 =	simm.s32 $0xED80;
	s7 =	smul.u32 $0x140, s8  }
0x5: {  	s29 =	simm.s32 $0x11580;
	s0 =	sand.u32 $0x1, s0;
	s21 =	smul.u32 $0x31600, s8  }
0x6: {  	s30 =	simm.s32 $0x13D80;
	s31 =	simm.s32 $0x1;
	s4 =	smul.u32 $0x500000, s0  }
0x7: {  	[smem:$0x7FF] =	sst s3;
	s19 =	smul.u32 $0xC5800, s0;
	s0 =	ssub.s32 $0x2, s0  }
0x8: {  	_ =	strace $0x8000004D;
	s7 =	sadd.s32 s7, s1;
	s22 =	sshrl.u32 s0, $0x1  }
0x9: {  	s4 =	sadd.s32 s5, s4;
	s20 =	sadd.s32 s6, s19;
	s5 =	sshrl.u32 s21, $0x2  }
0xa: {  	s0 =	ssub.s32 s0, s22;
	s17 =	sadd.s32 $0x2C00, s7;
	s19 =	simm.s32 $0x2  }
0xb: {  	s21 =	simm.s32 $0x16600;
	s22 =	simm.s32 $0x16680;
	s4 =	sshrl.u32 s4, $0x3  }
0xc: {  	s5 =	sadd.s32 s5, s2;
	s15 =	smax.u32 s0, $0x1;
	s16 =	sadd.s32 s4, s1  }
0xd: {  	s4 =	sshrl.u32 s20, $0x3;
	s23 =	sadd.s32 $0x1400, s5;
	s24 =	sadd.s32 $0x2800, s5  }
0xe: {  	s25 =	sadd.s32 $0x3C00, s5;
	s26 =	sadd.s32 $0x5000, s5;
	s9 =	sadd.s32 $0x6400, s5  }
0xf: {  	s10 =	sadd.s32 $0x7800, s5;
	s11 =	sadd.s32 $0x8C00, s5;
	[dreg:$0x3] =	wrdreg s23  }
0x10: {  	s12 =	sadd.s32 $0xA000, s5;
	s13 =	sadd.s32 $0xB400, s5;
	[dreg:$0x4] =	wrdreg s24  }
0x11: {  	s20 =	simm.s32 $0x16580;
	s1 =	sadd.s32 s4, s1;
	[dreg:$0x5] =	wrdreg s25  }
0x12: {  	s4 =	sadd.s32 s6, s2;
	[dreg:$0x6] =	wrdreg s26;
	s16 =	sadd.s32 $0x2E6C00, s16  }
0x13: {  	s23 =	simm.s32 $0x16700;
	s24 =	simm.s32 $0x50;
	s25 =	simm.s32 $0x80  }
0x14: {  	v0 =	vimm.f32 $0.0e+00;
	s26 =	simm.s32 $0xC580;
	s14 =	sadd.s32 $0x426C00, s1;
	s1 =	simm.s32 $0x0  }
.LBB2_1:
0x15: {  	s5 =	simm.s32 $0x140;
	s0 =	simm.s32 $0x0  }
.LBB2_2:
0x16: {  	p0 =	sne.s32 s5, $0x4EC0;
	[tilespmem:s0+$0x167C0] =	vst v0;
	s6 =	smov.u32 s5;
	s5 =	sadd.s32 $0x140, s5  }
.Ltmp0:
0x17: {  	[tilespmem:s0+$0x167B0] =	vst v0;
	(pc) =	sbr.rel @p0 .LBB2_2-.Ltmp0, $4  }
0x18: {  	[tilespmem:s0+$0x167A0] =	vst v0  }
0x19: {  	[tilespmem:s0+$0x16780] =	vst v0  }
0x1a: {  	[tilespmem:s0+$0x16790] =	vst v0  }
0x1b: {  	s0 =	sshra.s32 s6, $0x2  }
0x1c: {  	[tilespmem:s0+$0x167C0] =	vst v0  }
0x1d: {  	[tilespmem:s0+$0x167B0] =	vst v0  }
0x1e: {  	[tilespmem:s0+$0x167A0] =	vst v0  }
0x1f: {  	[tilespmem:s0+$0x16780] =	vst v0  }
0x20: {  	[tilespmem:s0+$0x16790] =	vst v0  }
0x21: {  	[spmem:s4] =	stream.linear.scatter [tilespmem:s18], [sflag:$0x2], $0x1400, $0x38;
	[tilespmem:$0x17B80] =	vst v63  }
0x22: {  	_ =	swait.ge [sflag:s19], $0x1400  }
0x23: {  	[sflag:s19] =	ssyncset.done $0x0  }
0x24: {  	s7 =	rddreg [dreg:$0x3];
	[sflag:s19] =	ssyncadd.s32 $0xFFFFEC00  }
0x25: {  	[spmem:s7] =	stream.linear.scatter [tilespmem:s18], [sflag:$0x2], $0x1400, $0x38;
	[tilespmem:$0x17B80] =	vst v63  }
0x26: {  	_ =	swait.ge [sflag:s19], $0x1400  }
0x27: {  	[sflag:s19] =	ssyncset.done $0x0  }
0x28: {  	s8 =	rddreg [dreg:$0x4];
	[sflag:s19] =	ssyncadd.s32 $0xFFFFEC00  }
0x29: {  	[spmem:s8] =	stream.linear.scatter [tilespmem:s18], [sflag:$0x2], $0x1400, $0x38;
	[tilespmem:$0x17B80] =	vst v63  }
0x2a: {  	_ =	swait.ge [sflag:s19], $0x1400  }
0x2b: {  	[sflag:s19] =	ssyncset.done $0x0  }
0x2c: {  	s5 =	rddreg [dreg:$0x5];
	[sflag:s19] =	ssyncadd.s32 $0xFFFFEC00  }
0x2d: {  	[spmem:s5] =	stream.linear.scatter [tilespmem:s18], [sflag:$0x2], $0x1400, $0x38;
	[tilespmem:$0x17B80] =	vst v63  }
0x2e: {  	_ =	swait.ge [sflag:s19], $0x1400  }
0x2f: {  	[sflag:s19] =	ssyncset.done $0x0  }
0x30: {  	s6 =	rddreg [dreg:$0x6];
	[sflag:s19] =	ssyncadd.s32 $0xFFFFEC00  }
0x31: {  	[spmem:s6] =	stream.linear.scatter [tilespmem:s18], [sflag:$0x2], $0x1400, $0x38;
	[tilespmem:$0x17B80] =	vst v63  }
0x32: {  	_ =	swait.ge [sflag:s19], $0x1400  }
0x33: {  	[sflag:s19] =	ssyncset.done $0x0  }
0x34: {  	[sflag:s19] =	ssyncadd.s32 $0xFFFFEC00  }
0x35: {  	[spmem:s9] =	stream.linear.scatter [tilespmem:s18], [sflag:$0x2], $0x1400, $0x38;
	[tilespmem:$0x17B80] =	vst v63  }
0x36: {  	_ =	swait.ge [sflag:s19], $0x1400  }
0x37: {  	[sflag:s19] =	ssyncset.done $0x0  }
0x38: {  	[sflag:s19] =	ssyncadd.s32 $0xFFFFEC00  }
0x39: {  	[spmem:s10] =	stream.linear.scatter [tilespmem:s18], [sflag:$0x2], $0x1400, $0x38;
	[tilespmem:$0x17B80] =	vst v63  }
0x3a: {  	_ =	swait.ge [sflag:s19], $0x1400  }
0x3b: {  	[sflag:s19] =	ssyncset.done $0x0  }
0x3c: {  	[sflag:s19] =	ssyncadd.s32 $0xFFFFEC00  }
0x3d: {  	[spmem:s11] =	stream.linear.scatter [tilespmem:s18], [sflag:$0x2], $0x1400, $0x38;
	[tilespmem:$0x17B80] =	vst v63  }
0x3e: {  	_ =	swait.ge [sflag:s19], $0x1400  }
0x3f: {  	[sflag:s19] =	ssyncset.done $0x0  }
0x40: {  	[sflag:s19] =	ssyncadd.s32 $0xFFFFEC00  }
0x41: {  	[spmem:s12] =	stream.linear.scatter [tilespmem:s18], [sflag:$0x2], $0x1400, $0x38;
	[tilespmem:$0x17B80] =	vst v63  }
0x42: {  	_ =	swait.ge [sflag:s19], $0x1400  }
0x43: {  	[sflag:s19] =	ssyncset.done $0x0  }
0x44: {  	[sflag:s19] =	ssyncadd.s32 $0xFFFFEC00  }
0x45: {  	[spmem:s13] =	stream.linear.scatter [tilespmem:s18], [sflag:$0x2], $0x1180, $0x38;
	[tilespmem:$0x17B80] =	vst v63  }
0x46: {  	_ =	swait.ge [sflag:s19], $0x1180  }
0x47: {  	[sflag:s19] =	ssyncset.done $0x0  }
0x48: {  	[sflag:s19] =	ssyncadd.s32 $0xFFFFEE80  }
0x49: {  	s7 =	sadd.s32 $0x0, s17;
	[bflag:$0x0] =	sbarrier.arrive $0xFFFF  }
0x4a: {  	[tilespmem:s20], [sflag:$0x2] =	stream.linear.gather [hbm4b:s7+s3], $0x80, $0x38;
	[tilespmem:$0x17B80] =	vst v63  }
0x4b: {  	_ =	swait.ge [sflag:s19], $0x80  }
0x4c: {  	[sflag:s19] =	ssyncset.done $0x0  }
0x4d: {  	s5 =	sadd.s32 $0x10, s7;
	[sflag:s19] =	ssyncadd.s32 $0xFFFFFF80  }
0x4e: {  	[tilespmem:s21], [sflag:$0x2] =	stream.linear.gather [hbm4b:s5+s3], $0x80, $0x38;
	[tilespmem:$0x17B80] =	vst v63  }
0x4f: {  	_ =	swait.ge [sflag:s19], $0x80  }
0x50: {  	[sflag:s19] =	ssyncset.done $0x0  }
0x51: {  	s8 =	sadd.s32 $0x20, s7;
	[sflag:s19] =	ssyncadd.s32 $0xFFFFFF80  }
0x52: {  	[tilespmem:s22], [sflag:$0x2] =	stream.linear.gather [hbm4b:s8+s3], $0x80, $0x38;
	[tilespmem:$0x17B80] =	vst v63  }
0x53: {  	_ =	swait.ge [sflag:s19], $0x80  }
0x54: {  	[sflag:s19] =	ssyncset.done $0x0  }
0x55: {  	s0 =	sadd.s32 $0x30, s7;
	[sflag:s19] =	ssyncadd.s32 $0xFFFFFF80  }
0x56: {  	[tilespmem:s23], [sflag:$0x2] =	stream.linear.gather [hbm4b:s0+s3], $0x80, $0x38;
	[tilespmem:$0x17B80] =	vst v63  }
0x57: {  	_ =	swait.ge [sflag:s19], $0x80  }
0x58: {  	[sflag:s19] =	ssyncset.done $0x0  }
0x59: {  	[sflag:s19] =	ssyncadd.s32 $0xFFFFFF80  }
0x5a: {  	[tilespmem:s26], [sflag:$0x2] =	stream.strided.gather [hbm4b:s16+s24], $0xA000, s25, s24, $0x38;
	[tilespmem:$0x17B80] =	vst v63  }
0x5b: {  	_ =	swait.ge [sflag:s19], $0xA000  }
0x5c: {  	[sflag:s19] =	ssyncset.done $0x0  }
0x5d: {  	[sflag:s19] =	ssyncadd.s32 $0xFFFF6000  }
0x5e: {  	[spmem:s2] =	stream.indirect.scatter.add.f32 [tilespmem:s26], [sflag:$0x1], $0x50, s20, s25, $0xb8;
	[tilespmem:$0x17B80] =	vst v63  }
0x5f: {  	_ = 	snop  }
0x60: {  	[spmem:s2] =	stream.indirect.scatter.add.f32 [tilespmem:s28], [sflag:$0x1], $0x50, s21, s25, $0xb8;
	[tilespmem:$0x17B80] =	vst v63  }
0x61: {  	_ = 	snop  }
0x62: {  	[spmem:s2] =	stream.indirect.scatter.add.f32 [tilespmem:s29], [sflag:$0x1], $0x50, s22, s25, $0xb8;
	[tilespmem:$0x17B80] =	vst v63  }
0x63: {  	_ = 	snop  }
0x64: {  	[spmem:s2] =	stream.indirect.scatter.add.f32 [tilespmem:s30], [sflag:$0x1], $0x50, s23, s25, $0xb8;
	[tilespmem:$0x17B80] =	vst v63  }
0x65: {  	_ =	swait.ge [sflag:s31], $0x2800  }
0x66: {  	[sflag:s31] =	ssyncset.done $0x0  }
0x67: {  	[sflag:s31] =	ssyncadd.s32 $0xFFFFD800  }
0x68: {  	_ =	swait.ge [sflag:s31], $0x2800  }
0x69: {  	[sflag:s31] =	ssyncset.done $0x0  }
0x6a: {  	[sflag:s31] =	ssyncadd.s32 $0xFFFFD800  }
0x6b: {  	_ =	swait.ge [sflag:s31], $0x2800  }
0x6c: {  	[sflag:s31] =	ssyncset.done $0x0  }
0x6d: {  	[sflag:s31] =	ssyncadd.s32 $0xFFFFD800  }
0x6e: {  	s6 =	simm.s32 $0x80;
	_ =	swait.ge [sflag:s31], $0x2800  }
0x6f: {  	s5 =	simm.s32 $0x40;
	s0 =	sadd.s32 $0x2000, s16;
	[sflag:s31] =	ssyncset.done $0x0  }
.LBB2_4:
0x70: {  	s8 =	sadd.s32 s5, s17  }
0x71: {  	[sflag:s31] =	ssyncadd.s32 $0xFFFFD800;
	s5 =	smov.u32 s6;
	s7 =	sadd.s32 $0x40, s6  }
0x72: {  	[tilespmem:s20], [sflag:$0x2] =	stream.linear.gather [hbm4b:s8+s3], $0x80, $0x38;
	[tilespmem:$0x17B80] =	vst v63  }
0x73: {  	p0 =	sne.s32 s6, $0x100;
	_ =	swait.ge [sflag:s19], $0x80  }
0x74: {  	[sflag:s19] =	ssyncset.done $0x0  }
0x75: {  	s6 =	sadd.s32 $0x10, s8;
	[sflag:s19] =	ssyncadd.s32 $0xFFFFFF80  }
0x76: {  	[tilespmem:s21], [sflag:$0x2] =	stream.linear.gather [hbm4b:s6+s3], $0x80, $0x38;
	[tilespmem:$0x17B80] =	vst v63  }
0x77: {  	_ =	swait.ge [sflag:s19], $0x80  }
0x78: {  	[sflag:s19] =	ssyncset.done $0x0  }
0x79: {  	s6 =	sadd.s32 $0x20, s8;
	[sflag:s19] =	ssyncadd.s32 $0xFFFFFF80  }
0x7a: {  	[tilespmem:s22], [sflag:$0x2] =	stream.linear.gather [hbm4b:s6+s3], $0x80, $0x38;
	[tilespmem:$0x17B80] =	vst v63  }
0x7b: {  	_ =	swait.ge [sflag:s19], $0x80  }
0x7c: {  	[sflag:s19] =	ssyncset.done $0x0  }
0x7d: {  	s6 =	sadd.s32 $0x30, s8;
	[sflag:s19] =	ssyncadd.s32 $0xFFFFFF80  }
0x7e: {  	[tilespmem:s23], [sflag:$0x2] =	stream.linear.gather [hbm4b:s6+s3], $0x80, $0x38;
	[tilespmem:$0x17B80] =	vst v63  }
0x7f: {  	_ =	swait.ge [sflag:s19], $0x80  }
0x80: {  	[sflag:s19] =	ssyncset.done $0x0  }
0x81: {  	[sflag:s19] =	ssyncadd.s32 $0xFFFFFF80  }
0x82: {  	[tilespmem:s26], [sflag:$0x2] =	stream.strided.gather [hbm4b:s0+s24], $0xA000, s25, s24, $0x38;
	[tilespmem:$0x17B80] =	vst v63  }
0x83: {  	_ =	swait.ge [sflag:s19], $0xA000  }
0x84: {  	[sflag:s19] =	ssyncset.done $0x0  }
0x85: {  	[sflag:s19] =	ssyncadd.s32 $0xFFFF6000  }
0x86: {  	[spmem:s2] =	stream.indirect.scatter.add.f32 [tilespmem:s26], [sflag:$0x1], $0x50, s20, s25, $0xb8;
	[tilespmem:$0x17B80] =	vst v63  }
0x87: {  	_ = 	snop  }
0x88: {  	[spmem:s2] =	stream.indirect.scatter.add.f32 [tilespmem:s28], [sflag:$0x1], $0x50, s21, s25, $0xb8;
	[tilespmem:$0x17B80] =	vst v63  }
0x89: {  	_ = 	snop  }
0x8a: {  	[spmem:s2] =	stream.indirect.scatter.add.f32 [tilespmem:s29], [sflag:$0x1], $0x50, s22, s25, $0xb8;
	[tilespmem:$0x17B80] =	vst v63  }
0x8b: {  	_ = 	snop  }
0x8c: {  	[spmem:s2] =	stream.indirect.scatter.add.f32 [tilespmem:s30], [sflag:$0x1], $0x50, s23, s25, $0xb8;
	[tilespmem:$0x17B80] =	vst v63  }
0x8d: {  	_ =	swait.ge [sflag:s31], $0x2800  }
0x8e: {  	[sflag:s31] =	ssyncset.done $0x0  }
0x8f: {  	[sflag:s31] =	ssyncadd.s32 $0xFFFFD800  }
0x90: {  	_ =	swait.ge [sflag:s31], $0x2800  }
0x91: {  	[sflag:s31] =	ssyncset.done $0x0  }
0x92: {  	[sflag:s31] =	ssyncadd.s32 $0xFFFFD800  }
.Ltmp1:
0x93: {  	_ =	swait.ge [sflag:s31], $0x2800;
	(pc) =	sbr.rel @p0 .LBB2_4-.Ltmp1, $4  }
0x94: {  	[sflag:s31] =	ssyncset.done $0x0  }
0x95: {  	[sflag:s31] =	ssyncadd.s32 $0xFFFFD800  }
0x96: {  	_ =	swait.ge [sflag:s31], $0x2800  }
0x97: {  	s6 =	smov.u32 s7;
	s0 =	sadd.s32 $0x2000, s0;
	[sflag:s31] =	ssyncset.done $0x0  }
0x98: {  	s5 =	sadd.s32 s5, s17;
	[sflag:s31] =	ssyncadd.s32 $0xFFFFD800  }
0x99: {  	[tilespmem:s20], [sflag:$0x2] =	stream.linear.gather [hbm4b:s5+s3], $0x80, $0x38;
	[tilespmem:$0x17B80] =	vst v63  }
0x9a: {  	_ =	swait.ge [sflag:s19], $0x80  }
0x9b: {  	[sflag:s19] =	ssyncset.done $0x0  }
0x9c: {  	s6 =	sadd.s32 $0x10, s5;
	[sflag:s19] =	ssyncadd.s32 $0xFFFFFF80  }
0x9d: {  	[tilespmem:s21], [sflag:$0x2] =	stream.linear.gather [hbm4b:s6+s3], $0x80, $0x38;
	[tilespmem:$0x17B80] =	vst v63  }
0x9e: {  	_ =	swait.ge [sflag:s19], $0x80  }
0x9f: {  	[sflag:s19] =	ssyncset.done $0x0  }
0xa0: {  	s8 =	sadd.s32 $0x20, s5;
	[sflag:s19] =	ssyncadd.s32 $0xFFFFFF80  }
0xa1: {  	[tilespmem:s22], [sflag:$0x2] =	stream.linear.gather [hbm4b:s8+s3], $0x80, $0x38;
	[tilespmem:$0x17B80] =	vst v63  }
0xa2: {  	_ =	swait.ge [sflag:s19], $0x80  }
0xa3: {  	[sflag:s19] =	ssyncset.done $0x0  }
0xa4: {  	s5 =	sadd.s32 $0x30, s5;
	[sflag:s19] =	ssyncadd.s32 $0xFFFFFF80  }
0xa5: {  	[tilespmem:s23], [sflag:$0x2] =	stream.linear.gather [hbm4b:s5+s3], $0x80, $0x38;
	[tilespmem:$0x17B80] =	vst v63  }
0xa6: {  	_ =	swait.ge [sflag:s19], $0x80  }
0xa7: {  	[sflag:s19] =	ssyncset.done $0x0  }
0xa8: {  	[sflag:s19] =	ssyncadd.s32 $0xFFFFFF80  }
0xa9: {  	[tilespmem:s26], [sflag:$0x2] =	stream.strided.gather [hbm4b:s0+s24], $0xA000, s25, s24, $0x38;
	[tilespmem:$0x17B80] =	vst v63  }
0xaa: {  	_ =	swait.ge [sflag:s19], $0xA000  }
0xab: {  	[sflag:s19] =	ssyncset.done $0x0  }
0xac: {  	[sflag:s19] =	ssyncadd.s32 $0xFFFF6000  }
0xad: {  	[spmem:s2] =	stream.indirect.scatter.add.f32 [tilespmem:s26], [sflag:$0x1], $0x50, s20, s25, $0xb8;
	[tilespmem:$0x17B80] =	vst v63  }
0xae: {  	_ = 	snop  }
0xaf: {  	[spmem:s2] =	stream.indirect.scatter.add.f32 [tilespmem:s28], [sflag:$0x1], $0x50, s21, s25, $0xb8;
	[tilespmem:$0x17B80] =	vst v63  }
0xb0: {  	_ = 	snop  }
0xb1: {  	[spmem:s2] =	stream.indirect.scatter.add.f32 [tilespmem:s29], [sflag:$0x1], $0x50, s22, s25, $0xb8;
	[tilespmem:$0x17B80] =	vst v63  }
0xb2: {  	_ = 	snop  }
0xb3: {  	[spmem:s2] =	stream.indirect.scatter.add.f32 [tilespmem:s30], [sflag:$0x1], $0x50, s23, s25, $0xb8;
	[tilespmem:$0x17B80] =	vst v63  }
0xb4: {  	_ =	swait.ge [sflag:s31], $0x2800  }
0xb5: {  	[sflag:s31] =	ssyncset.done $0x0  }
0xb6: {  	[sflag:s31] =	ssyncadd.s32 $0xFFFFD800  }
0xb7: {  	_ =	swait.ge [sflag:s31], $0x2800  }
0xb8: {  	[sflag:s31] =	ssyncset.done $0x0  }
0xb9: {  	[sflag:s31] =	ssyncadd.s32 $0xFFFFD800  }
0xba: {  	_ =	swait.ge [sflag:s31], $0x2800  }
0xbb: {  	[sflag:s31] =	ssyncset.done $0x0  }
0xbc: {  	[sflag:s31] =	ssyncadd.s32 $0xFFFFD800  }
0xbd: {  	s1 =	sadd.s32 $0x1, s1;
	_ =	swait.ge [sflag:s31], $0x2800  }
0xbe: {  	s7 =	stileid.u32;
	p0 =	sne.s32 s1, s15;
	[sflag:s31] =	ssyncset.done $0x0  }
0xbf: {  	s8 =	sshrl.u32 s4, $0x3;
	s0 =	sshll.u32 s7, $0x6;
	[sflag:s31] =	ssyncadd.s32 $0xFFFFD800  }
.Ltmp2:
0xc0: {  	s0 =	sor.u32 $0x1C02, s0;
	[bflag:$0x0] =	sbarrier.arrive $0xFFFF;
	(pc) =	sbr.rel @p0 .LBB2_1-.Ltmp2, $4  }
0xc1: {  	[hbm:s14], [sflag:s0] =	dma.local [spmem:s8], $0x18B0  }
0xc2: {  	_ =	swait.ge [sflag:s19], $0x18B0  }
0xc3: {  	[sflag:s19] =	ssyncset.done $0x0  }
0xc4: {  	[sflag:s19] =	ssyncadd.s32 $0xFFFFE750  }
0xc5: {  	_ =	sfence.sel $0x180000  }
0xc6: {  	[bflag:$0x0] =	sbarrier.arrive $0xFFFF  }
0xc7: {  	_ =	strace $0x9000004D  }
0xc8: {  	s0 =	stileid.u32;
	[bflag:$0x2] =	sbarrier.arrive $0xFFFF  }
0xc9: {  	p0 =	sne.s32 s0, $0x0;
	s0 =	rddreg [dreg:$0x2]  }
0xca: {  	s0 =	sadd.s32 @!p0 $0x100000, s0  }
0xcb: {  	[sflag:s0] =	ssyncadd.tile.s32 @!p0 $0x1;
	_ =	shalt  }
.Lfunc_end2:
_tile_overlayer_lowered:
.L_overlay_start_2:
0xcc: {  	(tag) =	ssettag $0x2  }
0xcd: {  	s0 =	rddreg [dreg:$0x0];
	s2 =	stileid.u32  }
0xce: {  	s1 =	rddreg [dreg:$0x1];
	p0 =	sne.s32 s2, $0x0  }
0xcf: {  	s3 =	rddreg [dreg:$0x2];
	[bflag:$0x3] =	sbarrier.arrive $0xFFFF;
	s2 =	simm.s32 @!p0 $0x1C02  }
0xd0: {  	[timem:s3], [sflag:s2] =	dma.local @!p0 [hbm:s0], s1  }
0xd1: {  	s0 =	simm.s32 @!p0 $0x2  }
0xd2: {  	_ =	swait.ge @!p0 [sflag:s0], s1  }
0xd3: {  	s1 =	ssub.s32 @!p0 $0x0, s1;
	[sflag:s0] =	ssyncset.done @!p0 $0x0  }
0xd4: {  	[sflag:s0] =	ssyncadd.s32 @!p0 s1  }
0xd5: {  	[bflag:$0x3] =	sbarrier.arrive $0xFFFF  }
0xd6: {  	_ =	shalt  }

// kernel: kernel.17.cloned.1.call-start
scs
__scs_entry_jumppad:
0x0: {  	(pc) =	sbr.rel $0x88, $3  }
0x1: {  	(tag) =	ssettag $0x0;
	lr =	simm.s32 $0x1  }
0x2: {  	[smem:$0x3F94] =	sst lr;
	_ =	strace $0xD0000000  }
0x3: {  	_ = 	snop  }
0x4: {  	_ = 	snop  }
0x5: {  	_ = 	snop  }
0x6: {  	_ = 	snop  }
0x7: {  	_ = 	snop  }
__scs_overlays_trampoline_lowered:
0x8: {  	[smem:$0x3FA3] =	sst s0  }
0x9: {  	[smem:$0x3FA4] =	sst s1  }
0xa: {  	[smem:$0x3FA5] =	sst s2  }
0xb: {  	[smem:$0x3FA6] =	sst s3  }
0xc: {  	[smem:$0x3FA7] =	sst s4  }
0xd: {  	[smem:$0x3FA8] =	sst s5  }
0xe: {  	[smem:$0x3FA9] =	sst s6  }
0xf: {  	[smem:$0x3FAA] =	sst s7  }
0x10: {  	[smem:$0x3FAB] =	sst s8  }
0x11: {  	[smem:$0x3FAC] =	sst s9;
	s0 =	simm.s32 @!p0 $0x0  }
0x12: {  	s1 =	sld [smem:$0x3F92];
	s0 =	simm.s32 @p0 $0x1  }
0x13: {  	[smem:$0x3FAD] =	sst s0;
	s0 =	simm.s32 @!p1 $0x0  }
0x14: {  	s2 =	sld [smem:$0x3F91];
	s0 =	simm.s32 @p1 $0x1  }
0x15: {  	[smem:$0x3FAE] =	sst s0;
	s0 =	simm.s32 @!p2 $0x0  }
0x16: {  	s3 =	sld [smem:$0x3FDB];
	s0 =	simm.s32 @p2 $0x1  }
0x17: {  	s4 =	simm.s32 $0x1BF5;
	[smem:$0x3FB0] =	sst s0  }
0x18: {  	s0 =	sld [smem:$0x3F93];
	_ =	swait.ge [sflag:s4], $0x0  }
0x19: {  	s7 =	sld [smem:$0x3F94]  }
0x1a: {  	s8 =	sadd.s32 $0xFFFFE003, lr  }
0x1b: {  	s9 =	sadd.s32 $0xFFFFFEF7, lr;
	s5 =	simm.s32 $0xFFFFFFFF;
	p2 =	slt.u32 s8, $0xFFFFF086  }
0x1c: {  	p1 =	slt.u32 s9, $0xF7A;
	s5 =	simm.s32 @!p2 $0x0  }
0x1d: {  	s5 =	simm.s32 @p1 $0x1;
	p0 =	seq.s32 s7, s2  }
0x1e: {  	s7 =	smul.u32 @!p0 $0xF7A, s2;
	p2 =	seq.s32 @!p0 s5, $0x0  }
0x1f: {  	s9 =	smul.u32 $0xF7A, s1;
	s8 =	simm.s32 @!p0 $0x1BF5;
	p2 =	por !p2, p0  }
0x20: {  	[sflag:s8] =	ssyncset.s32 @!p0 $0xFFFFF086;
	s6 =	sadd.s32 @!p0 s3, s7;
	s7 =	simm.s32 @!p0 $0x108  }
0x21: {  	s3 =	sadd.s32 s3, s9;
	s6 =	sadd.s32 @!p0 $0x88, s6;
	s7 =	simm.s32 @p2 $0x1082  }
0x22: {  	[simem:s7], [sflag:s8] =	dma.local @!p0 [hbm:s6], $0xF7A  }
0x23: {  	s9 =	sor.u32 $0xD0000000, s2;
	s6 =	simm.s32 $0x108;
	_ =	swait.ge @!p0 [sflag:s8], $0x0  }
0x24: {  	s3 =	sadd.s32 $0x88, s3;
	s6 =	simm.s32 @!p1 $0x1082;
	[sflag:s4] =	ssyncset.s32 $0xFFFFF086  }
0x25: {  	[simem:s6], [sflag:s4] =	dma.local [hbm:s3], $0xF7A  }
0x26: {  	[smem:$0x3F94] =	sst s1;
	(tag) =	ssettag s2;
	_ =	strace s9  }
0x27: {  	s1 =	sld [smem:$0x3FA4]  }
0x28: {  	s2 =	sld [smem:$0x3FA5]  }
0x29: {  	s4 =	sld [smem:$0x3FA7]  }
0x2a: {  	p0 =	seq.s32 s5, $0x0;
	s5 =	sld [smem:$0x3FA8]  }
0x2b: {  	s6 =	sld [smem:$0x3FA9]  }
0x2c: {  	s7 =	sld [smem:$0x3FAA]  }
0x2d: {  	s3 =	simm.s32 $0x108;
	s8 =	sld [smem:$0x3FAB]  }
0x2e: {  	s3 =	simm.s32 @!p0 $0x1082;
	s9 =	sld [smem:$0x3FAC]  }
0x2f: {  	lr =	sadd.s32 s0, s3;
	s0 =	sld [smem:$0x3FA3]  }
0x30: {  	s3 =	sld [smem:$0x3FA6]  }
0x31: {  	[smem:$0x3FAF] =	sst s10  }
0x32: {  	s10 =	sld [smem:$0x3FAD];
	_ =	sdelay $0x3  }
0x33: {  	p0 =	seq.s32 s10, $0x1;
	s10 =	sld [smem:$0x3FAF];
	_ =	sdelay $0x3  }
0x34: {  	[smem:$0x3FAF] =	sst s10  }
0x35: {  	s10 =	sld [smem:$0x3FAE];
	_ =	sdelay $0x3  }
0x36: {  	p1 =	seq.s32 s10, $0x1;
	s10 =	sld [smem:$0x3FAF];
	_ =	sdelay $0x3  }
0x37: {  	[smem:$0x3FAF] =	sst s10  }
0x38: {  	s10 =	sld [smem:$0x3FB0]  }
0x39: {  	_ = 	snop;
	(pc) =	sbr.ind lr, $3  }
0x3a: {  	_ = 	snop  }
0x3b: {  	_ = 	snop  }
0x3c: {  	p2 =	seq.s32 s10, $0x1;
	s10 =	sld [smem:$0x3FAF]  }
0x3d: {  	_ =	shalt  }
0x3e: {  	_ =	shalt  }
0x3f: {  	_ =	shalt  }
0x40: {  	_ =	shalt  }
0x41: {  	_ =	shalt  }
0x42: {  	_ =	shalt  }
0x43: {  	_ =	shalt  }
0x44: {  	_ =	shalt  }
0x45: {  	_ =	shalt  }
0x46: {  	_ =	shalt  }
0x47: {  	_ =	shalt  }
0x48: {  	_ =	shalt  }
0x49: {  	_ =	shalt  }
0x4a: {  	_ =	shalt  }
0x4b: {  	_ =	shalt  }
0x4c: {  	_ =	shalt  }
0x4d: {  	_ =	shalt  }
0x4e: {  	_ =	shalt  }
0x4f: {  	_ =	shalt  }
0x50: {  	_ =	shalt  }
0x51: {  	_ =	shalt  }
0x52: {  	_ =	shalt  }
0x53: {  	_ =	shalt  }
0x54: {  	_ =	shalt  }
0x55: {  	_ =	shalt  }
0x56: {  	_ =	shalt  }
0x57: {  	_ =	shalt  }
0x58: {  	_ =	shalt  }
0x59: {  	_ =	shalt  }
0x5a: {  	_ =	shalt  }
0x5b: {  	_ =	shalt  }
0x5c: {  	_ =	shalt  }
0x5d: {  	_ =	shalt  }
0x5e: {  	_ =	shalt  }
0x5f: {  	_ =	shalt  }
0x60: {  	_ =	shalt  }
0x61: {  	_ =	shalt  }
0x62: {  	_ =	shalt  }
0x63: {  	_ =	shalt  }
0x64: {  	_ =	shalt  }
0x65: {  	_ =	shalt  }
0x66: {  	_ =	shalt  }
0x67: {  	_ =	shalt  }
0x68: {  	_ =	shalt  }
0x69: {  	_ =	shalt  }
0x6a: {  	_ =	shalt  }
0x6b: {  	_ =	shalt  }
0x6c: {  	_ =	shalt  }
0x6d: {  	_ =	shalt  }
0x6e: {  	_ =	shalt  }
0x6f: {  	_ =	shalt  }
0x70: {  	_ =	shalt  }
0x71: {  	_ =	shalt  }
0x72: {  	_ =	shalt  }
0x73: {  	_ =	shalt  }
0x74: {  	_ =	shalt  }
0x75: {  	_ =	shalt  }
0x76: {  	_ =	shalt  }
0x77: {  	_ =	shalt  }
0x78: {  	_ =	shalt  }
0x79: {  	_ =	shalt  }
0x7a: {  	_ =	shalt  }
0x7b: {  	_ =	shalt  }
0x7c: {  	_ =	shalt  }
0x7d: {  	_ =	shalt  }
0x7e: {  	_ =	shalt  }
0x7f: {  	_ =	shalt  }
0x80: {  	_ =	shalt  }
0x81: {  	_ =	shalt  }
0x82: {  	_ =	shalt  }
0x83: {  	_ =	shalt  }
0x84: {  	_ =	shalt  }
0x85: {  	_ =	shalt  }
0x86: {  	_ =	shalt  }
0x87: {  	_ =	shalt  }
.Lfunc_end0:
.L_simem_size_0:
called_computation.2_lowered:
.L_overlay_start_0:
0x88: {  	s2 =	sld [smem:$0x3FD9]  }
0x89: {  	s3 =	sld [smem:$0x3FFE];
	_ =	sdelay $0x1  }
0x8a: {  	s1 =	srdreg.scid  }
0x8b: {  	s0 =	sand.u32 $0x1, s1  }
0x8c: {  	s17 =	sshll.u32 s0, $0xA;
	s2 =	sadd.s32 s3, s2  }
0x8d: {  	s2 =	sadd.s32 s2, s17  }
0x8e: {  	[smem:$0x3FBB] =	sst s2  }
0x8f: {  	_ = 	snop  }
0x90: {  	(tm) =	ssettm $0x1  }
0x91: {  	s18 =	sld [smem:$0x3FFB];
	_ =	sdelay $0x3  }
0x92: {  	_ =	strace s18  }
0x93: {  	s2 =	sld [smem:$0x3FFC];
	_ =	sdelay $0x3  }
0x94: {  	_ =	strace s2  }
0x95: {  	s2 =	sld [smem:$0x3FFD];
	_ =	sdelay $0x3  }
0x96: {  	_ =	strace s2  }
0x97: {  	_ =	strace $0x8FFFFFFF  }
0x98: {  	s19 =	sld [smem:$0x3FDB];
	_ =	sdelay $0x1  }
0x99: {  	s20 =	simm.s32 $_scs_section_size  }
0x9a: {  	s4 =	simm.s32 $_size__tile_overlayer_lowered;
	s5 =	simm.s32 $_tile_overlayer_lowered  }
0x9b: {  	s6 =	simm.s32 $0x1BFF;
	s21 =	sshll.u32 s5, $0x1;
	s3 =	sadd.s32 s20, s19  }
0x9c: {  	s22 =	simm.s32 $0x0;
	s4 =	sshll.u32 s4, $0x1;
	s5 =	sadd.s32 s21, s3  }
0x9d: {  	[timem:s22], [sflag:s6] =	dma.local [hbm:s5], s4  }
0x9e: {  	_ =	swait.ge [sflag:s6], s4  }
0x9f: {  	s4 =	ssub.s32 $0x0, s4;
	[sflag:s6] =	ssyncset.done $0x0  }
0xa0: {  	[sflag:s6] =	ssyncadd.s32 s4;
	_ =	sdelay $0x1  }
0xa1: {  	s23 =	simm.s32 $0x1B8B  }
0xa2: {  	_ =	swait.ge [sflag:s23], $0x1  }
0xa3: {  	[sflag:s23] =	ssyncset.done $0x0  }
0xa4: {  	[sflag:s23] =	ssyncadd.s32 $0xFFFFFFFF  }
0xa5: {  	s4 =	sld [smem:$0x0]  }
0xa6: {  	s5 =	sand.u32 $0xFFFFFFFE, s1  }
0xa7: {  	p0 =	sne.s32 s1, s5  }
0xa8: {  	s5 =	sshll.u32 @p0 s5, $0xE  }
0xa9: {  	s5 =	sadd.s32 @p0 $0x11B8D, s5;
	s6 =	sshll.u32 @p0 s4, $0x11  }
0xaa: {  	s5 =	sor.u32 @p0 s6, s5  }
0xab: {  	[sflag:s5] =	ssyncadd.remote.s32 @p0 $0x1;
	_ =	sdelay $0x1  }
0xac: {  	s5 =	simm.s32 @p0 $0x1B8D  }
0xad: {  	_ =	swait.eq @p0 [sflag:s5], $0x1  }
0xae: {  	[sflag:s5] =	ssyncadd.s32 @p0 $0xFFFFFFFF  }
0xaf: {  	s6 =	sshll.u32 @!p0 s1, $0xE  }
0xb0: {  	s6 =	sor.u32 @!p0 $0x4000, s6;
	s5 =	simm.s32 @!p0 $0x1B8D  }
0xb1: {  	s4 =	sshll.u32 @!p0 s4, $0x11;
	s6 =	sadd.s32 @!p0 $0x11B8D, s6;
	_ =	swait.eq @!p0 [sflag:s5], $0x1  }
0xb2: {  	s4 =	sor.u32 @!p0 s4, s6;
	[sflag:s5] =	ssyncadd.s32 @!p0 $0xFFFFFFFF  }
0xb3: {  	s25 =	simm.s32 $0x1B8E;
	s24 =	sld [smem:$0x3FFE];
	[sflag:s4] =	ssyncadd.remote.s32 @!p0 $0x1  }
0xb4: {  	s26 =	simm.s32 $execute0_lowered;
	[smem:$0x3FD2] =	sst s25  }
0xb5: {  	s5 =	sshll.u32 s26, $0x1;
	_ =	strace $0x80000049;
	[dreg:$0x1] =	wrdreg $0xFFFFFFFF  }
0xb6: {  	s28 =	simm.s32 $_size_execute0_lowered;
	s3 =	sadd.s32 s3, s5;
	[dreg:$0x0] =	wrdreg $0x0  }
0xb7: {  	s5 =	sshll.u32 s28, $0x1;
	[dreg:$0x2] =	wrdreg s3  }
0xb8: {  	[dreg:$0x3] =	wrdreg s5  }
0xb9: {  	[dreg:$0x4] =	wrdreg $0xC0  }
0xba: {  	_ =	task [dreg:s22], $0x5FFFF  }
0xbb: {  	[dreg:$0x1] =	wrdreg $0xFFFFFFFF  }
0xbc: {  	[dreg:$0x0] =	wrdreg $0x60  }
0xbd: {  	[dreg:$0x2] =	wrdreg s24  }
0xbe: {  	[dreg:$0x3] =	wrdreg $0x0  }
0xbf: {  	[dreg:$0x4] =	wrdreg $0xB  }
0xc0: {  	_ =	task.clear_ibuf [dreg:s22], $0x5FFFF;
	_ =	strace $0x90000049  }
0xc1: {  	s29 =	simm.s32 $0xB;
	_ =	strace $0x8000004B  }
0xc2: {  	_ =	swait.ge [sflag:s29], $0x1  }
0xc3: {  	[sflag:s29] =	ssyncadd.s32 $0xFFFFFFFF  }
0xc4: {  	_ =	strace $0x9000004B  }
0xc5: {  	_ =	sfence  }
0xc6: {  	s30 =	sld [smem:$0x0];
	_ =	sdelay $0x2  }
0xc7: {  	s31 =	sshll.u32 s1, $0xD;
	s1 =	sshrl.u32 s1, $0x2  }
0xc8: {  	s4 =	sand.u32 $0x4000, s31;
	s1 =	sadd.s32 s1, s30  }
0xc9: {  	s0 =	sor.u32 s4, s0;
	s1 =	sshll.u32 s1, $0x11  }
0xca: {  	s0 =	sor.u32 s1, s0  }
0xcb: {  	s0 =	sadd.s32 $0x8F2B, s0  }
0xcc: {  	[sflag:s0] =	ssyncadd.remote.s32 $0x1  }
0xcd: {  	_ =	sfence.sel $0xFFFF  }
0xce: {  	[dreg:$0x0] =	wrdreg $0xFFFFFFFF;
	(pc) =	sbr.abs _section_cstart, $3  }
0xcf: {  	[dreg:$0x1] =	wrdreg $0xFFFFFFFF  }
0xd0: {  	_ =	task.clear_ibuf [dreg:s22], $0x2FFFF;
	_ =	strace $0x9FFFFFFF  }
0xd1: {  	(tm) =	ssettm $0x7FFFFFFF  }
tec
execute0_lowered:
.L_overlay_start_1:
0x0: {  	(tag) =	ssettag $0x1  }
0x1: {  	s0 =	srdreg.scid;
	s8 =	stileid.u32  }
0x2: {  	s1 =	rddreg [dreg:$0x0];
	s5 =	smul.u32 $0x50000, s8  }
0x3: {  	s2 =	rddreg [dreg:$0x1];
	s3 =	simm.s32 $0x0;
	s6 =	smul.u32 $0xC580, s8  }
0x4: {  	s18 =	simm.s32 $0x16780;
	s28 =	simm.s32 $0xED80;
	s7 =	smul.u32 $0x140, s8  }
0x5: {  	s29 =	simm.s32 $0x11580;
	s0 =	sand.u32 $0x1, s0;
	s21 =	smul.u32 $0x31600, s8  }
0x6: {  	s30 =	simm.s32 $0x13D80;
	s31 =	simm.s32 $0x1;
	s4 =	smul.u32 $0x500000, s0  }
0x7: {  	[smem:$0x7FF] =	sst s3;
	s19 =	smul.u32 $0xC5800, s0;
	s0 =	ssub.s32 $0x2, s0  }
0x8: {  	_ =	strace $0x8000004A;
	s7 =	sadd.s32 s7, s1;
	s22 =	sshrl.u32 s0, $0x1  }
0x9: {  	s4 =	sadd.s32 s5, s4;
	s20 =	sadd.s32 s6, s19;
	s5 =	sshrl.u32 s21, $0x2  }
0xa: {  	s0 =	ssub.s32 s0, s22;
	s17 =	sadd.s32 $0x1800, s7;
	s19 =	simm.s32 $0x2  }
0xb: {  	s21 =	simm.s32 $0x16600;
	s22 =	simm.s32 $0x16680;
	s4 =	sshrl.u32 s4, $0x3  }
0xc: {  	s5 =	sadd.s32 s5, s2;
	s15 =	smax.u32 s0, $0x1;
	s16 =	sadd.s32 s4, s1  }
0xd: {  	s4 =	sshrl.u32 s20, $0x3;
	s23 =	sadd.s32 $0x1400, s5;
	s24 =	sadd.s32 $0x2800, s5  }
0xe: {  	s25 =	sadd.s32 $0x3C00, s5;
	s26 =	sadd.s32 $0x5000, s5;
	s9 =	sadd.s32 $0x6400, s5  }
0xf: {  	s10 =	sadd.s32 $0x7800, s5;
	s11 =	sadd.s32 $0x8C00, s5;
	[dreg:$0x3] =	wrdreg s23  }
0x10: {  	s12 =	sadd.s32 $0xA000, s5;
	s13 =	sadd.s32 $0xB400, s5;
	[dreg:$0x4] =	wrdreg s24  }
0x11: {  	s20 =	simm.s32 $0x16580;
	s1 =	sadd.s32 s4, s1;
	[dreg:$0x5] =	wrdreg s25  }
0x12: {  	s4 =	sadd.s32 s6, s2;
	[dreg:$0x6] =	wrdreg s26;
	s16 =	sadd.s32 $0x175600, s16  }
0x13: {  	s23 =	simm.s32 $0x16700;
	s24 =	simm.s32 $0x50;
	s25 =	simm.s32 $0x80  }
0x14: {  	v0 =	vimm.f32 $0.0e+00;
	s26 =	simm.s32 $0xC580;
	s14 =	sadd.s32 $0x2B5600, s1;
	s1 =	simm.s32 $0x0  }
.LBB2_1:
0x15: {  	s5 =	simm.s32 $0x140;
	s0 =	simm.s32 $0x0  }
.LBB2_2:
0x16: {  	p0 =	sne.s32 s5, $0x4EC0;
	[tilespmem:s0+$0x167C0] =	vst v0;
	s6 =	smov.u32 s5;
	s5 =	sadd.s32 $0x140, s5  }
.Ltmp0:
0x17: {  	[tilespmem:s0+$0x167B0] =	vst v0;
	(pc) =	sbr.rel @p0 .LBB2_2-.Ltmp0, $4  }
0x18: {  	[tilespmem:s0+$0x167A0] =	vst v0  }
0x19: {  	[tilespmem:s0+$0x16780] =	vst v0  }
0x1a: {  	[tilespmem:s0+$0x16790] =	vst v0  }
0x1b: {  	s0 =	sshra.s32 s6, $0x2  }
0x1c: {  	[tilespmem:s0+$0x167C0] =	vst v0  }
0x1d: {  	[tilespmem:s0+$0x167B0] =	vst v0  }
0x1e: {  	[tilespmem:s0+$0x167A0] =	vst v0  }
0x1f: {  	[tilespmem:s0+$0x16780] =	vst v0  }
0x20: {  	[tilespmem:s0+$0x16790] =	vst v0  }
0x21: {  	[spmem:s4] =	stream.linear.scatter [tilespmem:s18], [sflag:$0x2], $0x1400, $0x38;
	[tilespmem:$0x17B80] =	vst v63  }
0x22: {  	_ =	swait.ge [sflag:s19], $0x1400  }
0x23: {  	[sflag:s19] =	ssyncset.done $0x0  }
0x24: {  	s7 =	rddreg [dreg:$0x3];
	[sflag:s19] =	ssyncadd.s32 $0xFFFFEC00  }
0x25: {  	[spmem:s7] =	stream.linear.scatter [tilespmem:s18], [sflag:$0x2], $0x1400, $0x38;
	[tilespmem:$0x17B80] =	vst v63  }
0x26: {  	_ =	swait.ge [sflag:s19], $0x1400  }
0x27: {  	[sflag:s19] =	ssyncset.done $0x0  }
0x28: {  	s8 =	rddreg [dreg:$0x4];
	[sflag:s19] =	ssyncadd.s32 $0xFFFFEC00  }
0x29: {  	[spmem:s8] =	stream.linear.scatter [tilespmem:s18], [sflag:$0x2], $0x1400, $0x38;
	[tilespmem:$0x17B80] =	vst v63  }
0x2a: {  	_ =	swait.ge [sflag:s19], $0x1400  }
0x2b: {  	[sflag:s19] =	ssyncset.done $0x0  }
0x2c: {  	s5 =	rddreg [dreg:$0x5];
	[sflag:s19] =	ssyncadd.s32 $0xFFFFEC00  }
0x2d: {  	[spmem:s5] =	stream.linear.scatter [tilespmem:s18], [sflag:$0x2], $0x1400, $0x38;
	[tilespmem:$0x17B80] =	vst v63  }
0x2e: {  	_ =	swait.ge [sflag:s19], $0x1400  }
0x2f: {  	[sflag:s19] =	ssyncset.done $0x0  }
0x30: {  	s6 =	rddreg [dreg:$0x6];
	[sflag:s19] =	ssyncadd.s32 $0xFFFFEC00  }
0x31: {  	[spmem:s6] =	stream.linear.scatter [tilespmem:s18], [sflag:$0x2], $0x1400, $0x38;
	[tilespmem:$0x17B80] =	vst v63  }
0x32: {  	_ =	swait.ge [sflag:s19], $0x1400  }
0x33: {  	[sflag:s19] =	ssyncset.done $0x0  }
0x34: {  	[sflag:s19] =	ssyncadd.s32 $0xFFFFEC00  }
0x35: {  	[spmem:s9] =	stream.linear.scatter [tilespmem:s18], [sflag:$0x2], $0x1400, $0x38;
	[tilespmem:$0x17B80] =	vst v63  }
0x36: {  	_ =	swait.ge [sflag:s19], $0x1400  }
0x37: {  	[sflag:s19] =	ssyncset.done $0x0  }
0x38: {  	[sflag:s19] =	ssyncadd.s32 $0xFFFFEC00  }
0x39: {  	[spmem:s10] =	stream.linear.scatter [tilespmem:s18], [sflag:$0x2], $0x1400, $0x38;
	[tilespmem:$0x17B80] =	vst v63  }
0x3a: {  	_ =	swait.ge [sflag:s19], $0x1400  }
0x3b: {  	[sflag:s19] =	ssyncset.done $0x0  }
0x3c: {  	[sflag:s19] =	ssyncadd.s32 $0xFFFFEC00  }
0x3d: {  	[spmem:s11] =	stream.linear.scatter [tilespmem:s18], [sflag:$0x2], $0x1400, $0x38;
	[tilespmem:$0x17B80] =	vst v63  }
0x3e: {  	_ =	swait.ge [sflag:s19], $0x1400  }
0x3f: {  	[sflag:s19] =	ssyncset.done $0x0  }
0x40: {  	[sflag:s19] =	ssyncadd.s32 $0xFFFFEC00  }
0x41: {  	[spmem:s12] =	stream.linear.scatter [tilespmem:s18], [sflag:$0x2], $0x1400, $0x38;
	[tilespmem:$0x17B80] =	vst v63  }
0x42: {  	_ =	swait.ge [sflag:s19], $0x1400  }
0x43: {  	[sflag:s19] =	ssyncset.done $0x0  }
0x44: {  	[sflag:s19] =	ssyncadd.s32 $0xFFFFEC00  }
0x45: {  	[spmem:s13] =	stream.linear.scatter [tilespmem:s18], [sflag:$0x2], $0x1180, $0x38;
	[tilespmem:$0x17B80] =	vst v63  }
0x46: {  	_ =	swait.ge [sflag:s19], $0x1180  }
0x47: {  	[sflag:s19] =	ssyncset.done $0x0  }
0x48: {  	[sflag:s19] =	ssyncadd.s32 $0xFFFFEE80  }
0x49: {  	s7 =	sadd.s32 $0x0, s17;
	[bflag:$0x0] =	sbarrier.arrive $0xFFFF  }
0x4a: {  	[tilespmem:s20], [sflag:$0x2] =	stream.linear.gather [hbm4b:s7+s3], $0x80, $0x38;
	[tilespmem:$0x17B80] =	vst v63  }
0x4b: {  	_ =	swait.ge [sflag:s19], $0x80  }
0x4c: {  	[sflag:s19] =	ssyncset.done $0x0  }
0x4d: {  	s5 =	sadd.s32 $0x10, s7;
	[sflag:s19] =	ssyncadd.s32 $0xFFFFFF80  }
0x4e: {  	[tilespmem:s21], [sflag:$0x2] =	stream.linear.gather [hbm4b:s5+s3], $0x80, $0x38;
	[tilespmem:$0x17B80] =	vst v63  }
0x4f: {  	_ =	swait.ge [sflag:s19], $0x80  }
0x50: {  	[sflag:s19] =	ssyncset.done $0x0  }
0x51: {  	s8 =	sadd.s32 $0x20, s7;
	[sflag:s19] =	ssyncadd.s32 $0xFFFFFF80  }
0x52: {  	[tilespmem:s22], [sflag:$0x2] =	stream.linear.gather [hbm4b:s8+s3], $0x80, $0x38;
	[tilespmem:$0x17B80] =	vst v63  }
0x53: {  	_ =	swait.ge [sflag:s19], $0x80  }
0x54: {  	[sflag:s19] =	ssyncset.done $0x0  }
0x55: {  	s0 =	sadd.s32 $0x30, s7;
	[sflag:s19] =	ssyncadd.s32 $0xFFFFFF80  }
0x56: {  	[tilespmem:s23], [sflag:$0x2] =	stream.linear.gather [hbm4b:s0+s3], $0x80, $0x38;
	[tilespmem:$0x17B80] =	vst v63  }
0x57: {  	_ =	swait.ge [sflag:s19], $0x80  }
0x58: {  	[sflag:s19] =	ssyncset.done $0x0  }
0x59: {  	[sflag:s19] =	ssyncadd.s32 $0xFFFFFF80  }
0x5a: {  	[tilespmem:s26], [sflag:$0x2] =	stream.strided.gather [hbm4b:s16+s24], $0xA000, s25, s24, $0x38;
	[tilespmem:$0x17B80] =	vst v63  }
0x5b: {  	_ =	swait.ge [sflag:s19], $0xA000  }
0x5c: {  	[sflag:s19] =	ssyncset.done $0x0  }
0x5d: {  	[sflag:s19] =	ssyncadd.s32 $0xFFFF6000  }
0x5e: {  	[spmem:s2] =	stream.indirect.scatter.add.f32 [tilespmem:s26], [sflag:$0x1], $0x50, s20, s25, $0xb8;
	[tilespmem:$0x17B80] =	vst v63  }
0x5f: {  	_ = 	snop  }
0x60: {  	[spmem:s2] =	stream.indirect.scatter.add.f32 [tilespmem:s28], [sflag:$0x1], $0x50, s21, s25, $0xb8;
	[tilespmem:$0x17B80] =	vst v63  }
0x61: {  	_ = 	snop  }
0x62: {  	[spmem:s2] =	stream.indirect.scatter.add.f32 [tilespmem:s29], [sflag:$0x1], $0x50, s22, s25, $0xb8;
	[tilespmem:$0x17B80] =	vst v63  }
0x63: {  	_ = 	snop  }
0x64: {  	[spmem:s2] =	stream.indirect.scatter.add.f32 [tilespmem:s30], [sflag:$0x1], $0x50, s23, s25, $0xb8;
	[tilespmem:$0x17B80] =	vst v63  }
0x65: {  	_ =	swait.ge [sflag:s31], $0x2800  }
0x66: {  	[sflag:s31] =	ssyncset.done $0x0  }
0x67: {  	[sflag:s31] =	ssyncadd.s32 $0xFFFFD800  }
0x68: {  	_ =	swait.ge [sflag:s31], $0x2800  }
0x69: {  	[sflag:s31] =	ssyncset.done $0x0  }
0x6a: {  	[sflag:s31] =	ssyncadd.s32 $0xFFFFD800  }
0x6b: {  	_ =	swait.ge [sflag:s31], $0x2800  }
0x6c: {  	[sflag:s31] =	ssyncset.done $0x0  }
0x6d: {  	[sflag:s31] =	ssyncadd.s32 $0xFFFFD800  }
0x6e: {  	s6 =	simm.s32 $0x80;
	_ =	swait.ge [sflag:s31], $0x2800  }
0x6f: {  	s5 =	simm.s32 $0x40;
	s0 =	sadd.s32 $0x2000, s16;
	[sflag:s31] =	ssyncset.done $0x0  }
.LBB2_4:
0x70: {  	s8 =	sadd.s32 s5, s17  }
0x71: {  	[sflag:s31] =	ssyncadd.s32 $0xFFFFD800;
	s5 =	smov.u32 s6;
	s7 =	sadd.s32 $0x40, s6  }
0x72: {  	[tilespmem:s20], [sflag:$0x2] =	stream.linear.gather [hbm4b:s8+s3], $0x80, $0x38;
	[tilespmem:$0x17B80] =	vst v63  }
0x73: {  	p0 =	sne.s32 s6, $0x100;
	_ =	swait.ge [sflag:s19], $0x80  }
0x74: {  	[sflag:s19] =	ssyncset.done $0x0  }
0x75: {  	s6 =	sadd.s32 $0x10, s8;
	[sflag:s19] =	ssyncadd.s32 $0xFFFFFF80  }
0x76: {  	[tilespmem:s21], [sflag:$0x2] =	stream.linear.gather [hbm4b:s6+s3], $0x80, $0x38;
	[tilespmem:$0x17B80] =	vst v63  }
0x77: {  	_ =	swait.ge [sflag:s19], $0x80  }
0x78: {  	[sflag:s19] =	ssyncset.done $0x0  }
0x79: {  	s6 =	sadd.s32 $0x20, s8;
	[sflag:s19] =	ssyncadd.s32 $0xFFFFFF80  }
0x7a: {  	[tilespmem:s22], [sflag:$0x2] =	stream.linear.gather [hbm4b:s6+s3], $0x80, $0x38;
	[tilespmem:$0x17B80] =	vst v63  }
0x7b: {  	_ =	swait.ge [sflag:s19], $0x80  }
0x7c: {  	[sflag:s19] =	ssyncset.done $0x0  }
0x7d: {  	s6 =	sadd.s32 $0x30, s8;
	[sflag:s19] =	ssyncadd.s32 $0xFFFFFF80  }
0x7e: {  	[tilespmem:s23], [sflag:$0x2] =	stream.linear.gather [hbm4b:s6+s3], $0x80, $0x38;
	[tilespmem:$0x17B80] =	vst v63  }
0x7f: {  	_ =	swait.ge [sflag:s19], $0x80  }
0x80: {  	[sflag:s19] =	ssyncset.done $0x0  }
0x81: {  	[sflag:s19] =	ssyncadd.s32 $0xFFFFFF80  }
0x82: {  	[tilespmem:s26], [sflag:$0x2] =	stream.strided.gather [hbm4b:s0+s24], $0xA000, s25, s24, $0x38;
	[tilespmem:$0x17B80] =	vst v63  }
0x83: {  	_ =	swait.ge [sflag:s19], $0xA000  }
0x84: {  	[sflag:s19] =	ssyncset.done $0x0  }
0x85: {  	[sflag:s19] =	ssyncadd.s32 $0xFFFF6000  }
0x86: {  	[spmem:s2] =	stream.indirect.scatter.add.f32 [tilespmem:s26], [sflag:$0x1], $0x50, s20, s25, $0xb8;
	[tilespmem:$0x17B80] =	vst v63  }
0x87: {  	_ = 	snop  }
0x88: {  	[spmem:s2] =	stream.indirect.scatter.add.f32 [tilespmem:s28], [sflag:$0x1], $0x50, s21, s25, $0xb8;
	[tilespmem:$0x17B80] =	vst v63  }
0x89: {  	_ = 	snop  }
0x8a: {  	[spmem:s2] =	stream.indirect.scatter.add.f32 [tilespmem:s29], [sflag:$0x1], $0x50, s22, s25, $0xb8;
	[tilespmem:$0x17B80] =	vst v63  }
0x8b: {  	_ = 	snop  }
0x8c: {  	[spmem:s2] =	stream.indirect.scatter.add.f32 [tilespmem:s30], [sflag:$0x1], $0x50, s23, s25, $0xb8;
	[tilespmem:$0x17B80] =	vst v63  }
0x8d: {  	_ =	swait.ge [sflag:s31], $0x2800  }
0x8e: {  	[sflag:s31] =	ssyncset.done $0x0  }
0x8f: {  	[sflag:s31] =	ssyncadd.s32 $0xFFFFD800  }
0x90: {  	_ =	swait.ge [sflag:s31], $0x2800  }
0x91: {  	[sflag:s31] =	ssyncset.done $0x0  }
0x92: {  	[sflag:s31] =	ssyncadd.s32 $0xFFFFD800  }
.Ltmp1:
0x93: {  	_ =	swait.ge [sflag:s31], $0x2800;
	(pc) =	sbr.rel @p0 .LBB2_4-.Ltmp1, $4  }
0x94: {  	[sflag:s31] =	ssyncset.done $0x0  }
0x95: {  	[sflag:s31] =	ssyncadd.s32 $0xFFFFD800  }
0x96: {  	_ =	swait.ge [sflag:s31], $0x2800  }
0x97: {  	s6 =	smov.u32 s7;
	s0 =	sadd.s32 $0x2000, s0;
	[sflag:s31] =	ssyncset.done $0x0  }
0x98: {  	s5 =	sadd.s32 s5, s17;
	[sflag:s31] =	ssyncadd.s32 $0xFFFFD800  }
0x99: {  	[tilespmem:s20], [sflag:$0x2] =	stream.linear.gather [hbm4b:s5+s3], $0x80, $0x38;
	[tilespmem:$0x17B80] =	vst v63  }
0x9a: {  	_ =	swait.ge [sflag:s19], $0x80  }
0x9b: {  	[sflag:s19] =	ssyncset.done $0x0  }
0x9c: {  	s6 =	sadd.s32 $0x10, s5;
	[sflag:s19] =	ssyncadd.s32 $0xFFFFFF80  }
0x9d: {  	[tilespmem:s21], [sflag:$0x2] =	stream.linear.gather [hbm4b:s6+s3], $0x80, $0x38;
	[tilespmem:$0x17B80] =	vst v63  }
0x9e: {  	_ =	swait.ge [sflag:s19], $0x80  }
0x9f: {  	[sflag:s19] =	ssyncset.done $0x0  }
0xa0: {  	s8 =	sadd.s32 $0x20, s5;
	[sflag:s19] =	ssyncadd.s32 $0xFFFFFF80  }
0xa1: {  	[tilespmem:s22], [sflag:$0x2] =	stream.linear.gather [hbm4b:s8+s3], $0x80, $0x38;
	[tilespmem:$0x17B80] =	vst v63  }
0xa2: {  	_ =	swait.ge [sflag:s19], $0x80  }
0xa3: {  	[sflag:s19] =	ssyncset.done $0x0  }
0xa4: {  	s5 =	sadd.s32 $0x30, s5;
	[sflag:s19] =	ssyncadd.s32 $0xFFFFFF80  }
0xa5: {  	[tilespmem:s23], [sflag:$0x2] =	stream.linear.gather [hbm4b:s5+s3], $0x80, $0x38;
	[tilespmem:$0x17B80] =	vst v63  }
0xa6: {  	_ =	swait.ge [sflag:s19], $0x80  }
0xa7: {  	[sflag:s19] =	ssyncset.done $0x0  }
0xa8: {  	[sflag:s19] =	ssyncadd.s32 $0xFFFFFF80  }
0xa9: {  	[tilespmem:s26], [sflag:$0x2] =	stream.strided.gather [hbm4b:s0+s24], $0xA000, s25, s24, $0x38;
	[tilespmem:$0x17B80] =	vst v63  }
0xaa: {  	_ =	swait.ge [sflag:s19], $0xA000  }
0xab: {  	[sflag:s19] =	ssyncset.done $0x0  }
0xac: {  	[sflag:s19] =	ssyncadd.s32 $0xFFFF6000  }
0xad: {  	[spmem:s2] =	stream.indirect.scatter.add.f32 [tilespmem:s26], [sflag:$0x1], $0x50, s20, s25, $0xb8;
	[tilespmem:$0x17B80] =	vst v63  }
0xae: {  	_ = 	snop  }
0xaf: {  	[spmem:s2] =	stream.indirect.scatter.add.f32 [tilespmem:s28], [sflag:$0x1], $0x50, s21, s25, $0xb8;
	[tilespmem:$0x17B80] =	vst v63  }
0xb0: {  	_ = 	snop  }
0xb1: {  	[spmem:s2] =	stream.indirect.scatter.add.f32 [tilespmem:s29], [sflag:$0x1], $0x50, s22, s25, $0xb8;
	[tilespmem:$0x17B80] =	vst v63  }
0xb2: {  	_ = 	snop  }
0xb3: {  	[spmem:s2] =	stream.indirect.scatter.add.f32 [tilespmem:s30], [sflag:$0x1], $0x50, s23, s25, $0xb8;
	[tilespmem:$0x17B80] =	vst v63  }
0xb4: {  	_ =	swait.ge [sflag:s31], $0x2800  }
0xb5: {  	[sflag:s31] =	ssyncset.done $0x0  }
0xb6: {  	[sflag:s31] =	ssyncadd.s32 $0xFFFFD800  }
0xb7: {  	_ =	swait.ge [sflag:s31], $0x2800  }
0xb8: {  	[sflag:s31] =	ssyncset.done $0x0  }
0xb9: {  	[sflag:s31] =	ssyncadd.s32 $0xFFFFD800  }
0xba: {  	_ =	swait.ge [sflag:s31], $0x2800  }
0xbb: {  	[sflag:s31] =	ssyncset.done $0x0  }
0xbc: {  	[sflag:s31] =	ssyncadd.s32 $0xFFFFD800  }
0xbd: {  	s1 =	sadd.s32 $0x1, s1;
	_ =	swait.ge [sflag:s31], $0x2800  }
0xbe: {  	s7 =	stileid.u32;
	p0 =	sne.s32 s1, s15;
	[sflag:s31] =	ssyncset.done $0x0  }
0xbf: {  	s8 =	sshrl.u32 s4, $0x3;
	s0 =	sshll.u32 s7, $0x6;
	[sflag:s31] =	ssyncadd.s32 $0xFFFFD800  }
.Ltmp2:
0xc0: {  	s0 =	sor.u32 $0x1C02, s0;
	[bflag:$0x0] =	sbarrier.arrive $0xFFFF;
	(pc) =	sbr.rel @p0 .LBB2_1-.Ltmp2, $4  }
0xc1: {  	[hbm:s14], [sflag:s0] =	dma.local [spmem:s8], $0x18B0  }
0xc2: {  	_ =	swait.ge [sflag:s19], $0x18B0  }
0xc3: {  	[sflag:s19] =	ssyncset.done $0x0  }
0xc4: {  	[sflag:s19] =	ssyncadd.s32 $0xFFFFE750  }
0xc5: {  	_ =	sfence.sel $0x180000  }
0xc6: {  	[bflag:$0x0] =	sbarrier.arrive $0xFFFF  }
0xc7: {  	_ =	strace $0x9000004A  }
0xc8: {  	s0 =	stileid.u32;
	[bflag:$0x2] =	sbarrier.arrive $0xFFFF  }
0xc9: {  	p0 =	sne.s32 s0, $0x0;
	s0 =	rddreg [dreg:$0x2]  }
0xca: {  	s0 =	sadd.s32 @!p0 $0x100000, s0  }
0xcb: {  	[sflag:s0] =	ssyncadd.tile.s32 @!p0 $0x1;
	_ =	shalt  }
.Lfunc_end2:
_tile_overlayer_lowered:
.L_overlay_start_2:
0xcc: {  	(tag) =	ssettag $0x2  }
0xcd: {  	s0 =	rddreg [dreg:$0x0];
	s2 =	stileid.u32  }
0xce: {  	s1 =	rddreg [dreg:$0x1];
	p0 =	sne.s32 s2, $0x0  }
0xcf: {  	s3 =	rddreg [dreg:$0x2];
	[bflag:$0x3] =	sbarrier.arrive $0xFFFF;
	s2 =	simm.s32 @!p0 $0x1C02  }
0xd0: {  	[timem:s3], [sflag:s2] =	dma.local @!p0 [hbm:s0], s1  }
0xd1: {  	s0 =	simm.s32 @!p0 $0x2  }
0xd2: {  	_ =	swait.ge @!p0 [sflag:s0], s1  }
0xd3: {  	s1 =	ssub.s32 @!p0 $0x0, s1;
	[sflag:s0] =	ssyncset.done @!p0 $0x0  }
0xd4: {  	[sflag:s0] =	ssyncadd.s32 @!p0 s1  }
0xd5: {  	[bflag:$0x3] =	sbarrier.arrive $0xFFFF  }
0xd6: {  	_ =	shalt  }

// kernel: kernel.20.cloned.1.call-start
scs
__scs_entry_jumppad:
0x0: {  	(pc) =	sbr.rel $0x88, $3  }
0x1: {  	(tag) =	ssettag $0x0;
	lr =	simm.s32 $0x1  }
0x2: {  	[smem:$0x3F94] =	sst lr;
	_ =	strace $0xD0000000  }
0x3: {  	_ = 	snop  }
0x4: {  	_ = 	snop  }
0x5: {  	_ = 	snop  }
0x6: {  	_ = 	snop  }
0x7: {  	_ = 	snop  }
__scs_overlays_trampoline_lowered:
0x8: {  	[smem:$0x3FA3] =	sst s0  }
0x9: {  	[smem:$0x3FA4] =	sst s1  }
0xa: {  	[smem:$0x3FA5] =	sst s2  }
0xb: {  	[smem:$0x3FA6] =	sst s3  }
0xc: {  	[smem:$0x3FA7] =	sst s4  }
0xd: {  	[smem:$0x3FA8] =	sst s5  }
0xe: {  	[smem:$0x3FA9] =	sst s6  }
0xf: {  	[smem:$0x3FAA] =	sst s7  }
0x10: {  	[smem:$0x3FAB] =	sst s8  }
0x11: {  	[smem:$0x3FAC] =	sst s9;
	s0 =	simm.s32 @!p0 $0x0  }
0x12: {  	s1 =	sld [smem:$0x3F92];
	s0 =	simm.s32 @p0 $0x1  }
0x13: {  	[smem:$0x3FAD] =	sst s0;
	s0 =	simm.s32 @!p1 $0x0  }
0x14: {  	s2 =	sld [smem:$0x3F91];
	s0 =	simm.s32 @p1 $0x1  }
0x15: {  	[smem:$0x3FAE] =	sst s0;
	s0 =	simm.s32 @!p2 $0x0  }
0x16: {  	s3 =	sld [smem:$0x3FDB];
	s0 =	simm.s32 @p2 $0x1  }
0x17: {  	s4 =	simm.s32 $0x1BF5;
	[smem:$0x3FB0] =	sst s0  }
0x18: {  	s0 =	sld [smem:$0x3F93];
	_ =	swait.ge [sflag:s4], $0x0  }
0x19: {  	s7 =	sld [smem:$0x3F94]  }
0x1a: {  	s8 =	sadd.s32 $0xFFFFE003, lr  }
0x1b: {  	s9 =	sadd.s32 $0xFFFFFEF7, lr;
	s5 =	simm.s32 $0xFFFFFFFF;
	p2 =	slt.u32 s8, $0xFFFFF086  }
0x1c: {  	p1 =	slt.u32 s9, $0xF7A;
	s5 =	simm.s32 @!p2 $0x0  }
0x1d: {  	s5 =	simm.s32 @p1 $0x1;
	p0 =	seq.s32 s7, s2  }
0x1e: {  	s7 =	smul.u32 @!p0 $0xF7A, s2;
	p2 =	seq.s32 @!p0 s5, $0x0  }
0x1f: {  	s9 =	smul.u32 $0xF7A, s1;
	s8 =	simm.s32 @!p0 $0x1BF5;
	p2 =	por !p2, p0  }
0x20: {  	[sflag:s8] =	ssyncset.s32 @!p0 $0xFFFFF086;
	s6 =	sadd.s32 @!p0 s3, s7;
	s7 =	simm.s32 @!p0 $0x108  }
0x21: {  	s3 =	sadd.s32 s3, s9;
	s6 =	sadd.s32 @!p0 $0x88, s6;
	s7 =	simm.s32 @p2 $0x1082  }
0x22: {  	[simem:s7], [sflag:s8] =	dma.local @!p0 [hbm:s6], $0xF7A  }
0x23: {  	s9 =	sor.u32 $0xD0000000, s2;
	s6 =	simm.s32 $0x108;
	_ =	swait.ge @!p0 [sflag:s8], $0x0  }
0x24: {  	s3 =	sadd.s32 $0x88, s3;
	s6 =	simm.s32 @!p1 $0x1082;
	[sflag:s4] =	ssyncset.s32 $0xFFFFF086  }
0x25: {  	[simem:s6], [sflag:s4] =	dma.local [hbm:s3], $0xF7A  }
0x26: {  	[smem:$0x3F94] =	sst s1;
	(tag) =	ssettag s2;
	_ =	strace s9  }
0x27: {  	s1 =	sld [smem:$0x3FA4]  }
0x28: {  	s2 =	sld [smem:$0x3FA5]  }
0x29: {  	s4 =	sld [smem:$0x3FA7]  }
0x2a: {  	p0 =	seq.s32 s5, $0x0;
	s5 =	sld [smem:$0x3FA8]  }
0x2b: {  	s6 =	sld [smem:$0x3FA9]  }
0x2c: {  	s7 =	sld [smem:$0x3FAA]  }
0x2d: {  	s3 =	simm.s32 $0x108;
	s8 =	sld [smem:$0x3FAB]  }
0x2e: {  	s3 =	simm.s32 @!p0 $0x1082;
	s9 =	sld [smem:$0x3FAC]  }
0x2f: {  	lr =	sadd.s32 s0, s3;
	s0 =	sld [smem:$0x3FA3]  }
0x30: {  	s3 =	sld [smem:$0x3FA6]  }
0x31: {  	[smem:$0x3FAF] =	sst s10  }
0x32: {  	s10 =	sld [smem:$0x3FAD];
	_ =	sdelay $0x3  }
0x33: {  	p0 =	seq.s32 s10, $0x1;
	s10 =	sld [smem:$0x3FAF];
	_ =	sdelay $0x3  }
0x34: {  	[smem:$0x3FAF] =	sst s10  }
0x35: {  	s10 =	sld [smem:$0x3FAE];
	_ =	sdelay $0x3  }
0x36: {  	p1 =	seq.s32 s10, $0x1;
	s10 =	sld [smem:$0x3FAF];
	_ =	sdelay $0x3  }
0x37: {  	[smem:$0x3FAF] =	sst s10  }
0x38: {  	s10 =	sld [smem:$0x3FB0]  }
0x39: {  	_ = 	snop;
	(pc) =	sbr.ind lr, $3  }
0x3a: {  	_ = 	snop  }
0x3b: {  	_ = 	snop  }
0x3c: {  	p2 =	seq.s32 s10, $0x1;
	s10 =	sld [smem:$0x3FAF]  }
0x3d: {  	_ =	shalt  }
0x3e: {  	_ =	shalt  }
0x3f: {  	_ =	shalt  }
0x40: {  	_ =	shalt  }
0x41: {  	_ =	shalt  }
0x42: {  	_ =	shalt  }
0x43: {  	_ =	shalt  }
0x44: {  	_ =	shalt  }
0x45: {  	_ =	shalt  }
0x46: {  	_ =	shalt  }
0x47: {  	_ =	shalt  }
0x48: {  	_ =	shalt  }
0x49: {  	_ =	shalt  }
0x4a: {  	_ =	shalt  }
0x4b: {  	_ =	shalt  }
0x4c: {  	_ =	shalt  }
0x4d: {  	_ =	shalt  }
0x4e: {  	_ =	shalt  }
0x4f: {  	_ =	shalt  }
0x50: {  	_ =	shalt  }
0x51: {  	_ =	shalt  }
0x52: {  	_ =	shalt  }
0x53: {  	_ =	shalt  }
0x54: {  	_ =	shalt  }
0x55: {  	_ =	shalt  }
0x56: {  	_ =	shalt  }
0x57: {  	_ =	shalt  }
0x58: {  	_ =	shalt  }
0x59: {  	_ =	shalt  }
0x5a: {  	_ =	shalt  }
0x5b: {  	_ =	shalt  }
0x5c: {  	_ =	shalt  }
0x5d: {  	_ =	shalt  }
0x5e: {  	_ =	shalt  }
0x5f: {  	_ =	shalt  }
0x60: {  	_ =	shalt  }
0x61: {  	_ =	shalt  }
0x62: {  	_ =	shalt  }
0x63: {  	_ =	shalt  }
0x64: {  	_ =	shalt  }
0x65: {  	_ =	shalt  }
0x66: {  	_ =	shalt  }
0x67: {  	_ =	shalt  }
0x68: {  	_ =	shalt  }
0x69: {  	_ =	shalt  }
0x6a: {  	_ =	shalt  }
0x6b: {  	_ =	shalt  }
0x6c: {  	_ =	shalt  }
0x6d: {  	_ =	shalt  }
0x6e: {  	_ =	shalt  }
0x6f: {  	_ =	shalt  }
0x70: {  	_ =	shalt  }
0x71: {  	_ =	shalt  }
0x72: {  	_ =	shalt  }
0x73: {  	_ =	shalt  }
0x74: {  	_ =	shalt  }
0x75: {  	_ =	shalt  }
0x76: {  	_ =	shalt  }
0x77: {  	_ =	shalt  }
0x78: {  	_ =	shalt  }
0x79: {  	_ =	shalt  }
0x7a: {  	_ =	shalt  }
0x7b: {  	_ =	shalt  }
0x7c: {  	_ =	shalt  }
0x7d: {  	_ =	shalt  }
0x7e: {  	_ =	shalt  }
0x7f: {  	_ =	shalt  }
0x80: {  	_ =	shalt  }
0x81: {  	_ =	shalt  }
0x82: {  	_ =	shalt  }
0x83: {  	_ =	shalt  }
0x84: {  	_ =	shalt  }
0x85: {  	_ =	shalt  }
0x86: {  	_ =	shalt  }
0x87: {  	_ =	shalt  }
.Lfunc_end0:
.L_simem_size_0:
called_computation.3_lowered:
.L_overlay_start_0:
0x88: {  	s2 =	sld [smem:$0x3FD9]  }
0x89: {  	s3 =	sld [smem:$0x3FFE];
	_ =	sdelay $0x1  }
0x8a: {  	s1 =	srdreg.scid  }
0x8b: {  	s0 =	sand.u32 $0x1, s1  }
0x8c: {  	s14 =	sshll.u32 s0, $0xA;
	s2 =	sadd.s32 s3, s2  }
0x8d: {  	s2 =	sadd.s32 s2, s14  }
0x8e: {  	[smem:$0x3FBB] =	sst s2  }
0x8f: {  	_ = 	snop  }
0x90: {  	s2 =	sld [smem:$0x3FD0];
	_ =	sdelay $0x2  }
0x91: {  	s15 =	simm.s32 $0xD;
	s4 =	simm.s32 $0x10  }
0x92: {  	[smem:s4], [sflag:s15] =	dma.local [hbm:s2], $0x1  }
0x93: {  	_ =	swait.eq [sflag:s15], $0x1  }
0x94: {  	[sflag:s15] =	ssyncset.done $0x0  }
0x95: {  	[sflag:s15] =	ssyncadd.s32 $0xFFFFFFFF  }
0x96: {  	s16 =	sld [smem:$0x12];
	(tm) =	ssettm $0x1  }
0x97: {  	s17 =	sld [smem:$0x3FFB];
	_ =	sdelay $0x3  }
0x98: {  	_ =	strace s17  }
0x99: {  	s3 =	sld [smem:$0x3FFC];
	_ =	sdelay $0x3  }
0x9a: {  	_ =	strace s3  }
0x9b: {  	s3 =	sld [smem:$0x3FFD];
	_ =	sdelay $0x3  }
0x9c: {  	_ =	strace s3  }
0x9d: {  	_ =	strace $0x8FFFFFFF  }
0x9e: {  	s18 =	sld [smem:$0x3FDB];
	_ =	sdelay $0x1  }
0x9f: {  	s19 =	simm.s32 $_scs_section_size  }
0xa0: {  	s5 =	simm.s32 $_size__tile_overlayer_lowered;
	s6 =	simm.s32 $_tile_overlayer_lowered  }
0xa1: {  	s22 =	simm.s32 $0x1BFF;
	s21 =	sshll.u32 s6, $0x1;
	s3 =	sadd.s32 s19, s18  }
0xa2: {  	s7 =	simm.s32 $0x0;
	s20 =	sshll.u32 s5, $0x1;
	s5 =	sadd.s32 s21, s3  }
0xa3: {  	[timem:s7], [sflag:s22] =	dma.local [hbm:s5], s20  }
0xa4: {  	_ =	swait.ge [sflag:s22], s20  }
0xa5: {  	s4 =	ssub.s32 $0x0, s20;
	[sflag:s22] =	ssyncset.done $0x0  }
0xa6: {  	[sflag:s22] =	ssyncadd.s32 s4;
	_ =	sdelay $0x1  }
0xa7: {  	s23 =	simm.s32 $0x1B8B  }
0xa8: {  	_ =	swait.ge [sflag:s23], $0x1  }
0xa9: {  	[sflag:s23] =	ssyncset.done $0x0  }
0xaa: {  	s25 =	simm.s32 $0x1B8E;
	s24 =	sld [smem:$0x3FFE];
	[sflag:s23] =	ssyncadd.s32 $0xFFFFFFFF  }
0xab: {  	s26 =	simm.s32 $execute0_lowered;
	[smem:$0x3FD2] =	sst s25  }
0xac: {  	s5 =	sshll.u32 s26, $0x1;
	_ =	strace $0x80000046;
	[dreg:$0x1] =	wrdreg $0xFFFFFFFF  }
0xad: {  	s28 =	simm.s32 $_size_execute0_lowered;
	s3 =	sadd.s32 s3, s5;
	[dreg:$0x0] =	wrdreg $0x0  }
0xae: {  	s5 =	sshll.u32 s28, $0x1;
	[dreg:$0x2] =	wrdreg s3  }
0xaf: {  	[dreg:$0x3] =	wrdreg s5  }
0xb0: {  	[dreg:$0x4] =	wrdreg $0xC0  }
0xb1: {  	_ =	task [dreg:s7], $0x5FFFF  }
0xb2: {  	[dreg:$0x1] =	wrdreg $0xFFFFFFFF  }
0xb3: {  	[dreg:$0x0] =	wrdreg $0x60  }
0xb4: {  	[dreg:$0x2] =	wrdreg s24  }
0xb5: {  	[dreg:$0x3] =	wrdreg s16  }
0xb6: {  	[dreg:$0x4] =	wrdreg $0x0  }
0xb7: {  	[dreg:$0x5] =	wrdreg $0xC  }
0xb8: {  	_ =	task.clear_ibuf [dreg:s7], $0x6FFFF;
	_ =	strace $0x90000046  }
0xb9: {  	s29 =	simm.s32 $0xC;
	_ =	strace $0x80000048  }
0xba: {  	_ =	swait.ge [sflag:s29], $0x1  }
0xbb: {  	[sflag:s29] =	ssyncadd.s32 $0xFFFFFFFF  }
0xbc: {  	_ =	strace $0x90000048  }
0xbd: {  	_ =	sfence  }
0xbe: {  	s30 =	sld [smem:$0x0];
	_ =	sdelay $0x2  }
0xbf: {  	s31 =	sshll.u32 s1, $0xD;
	s1 =	sshrl.u32 s1, $0x2  }
0xc0: {  	s3 =	sand.u32 $0x4000, s31;
	s1 =	sadd.s32 s1, s30  }
0xc1: {  	s0 =	sor.u32 s3, s0;
	s1 =	sshll.u32 s1, $0x11  }
0xc2: {  	s0 =	sor.u32 s1, s0  }
0xc3: {  	s0 =	sadd.s32 $0x8F2B, s0  }
0xc4: {  	[sflag:s0] =	ssyncadd.remote.s32 $0x1  }
0xc5: {  	_ =	sfence.sel $0xFFFF  }
0xc6: {  	[dreg:$0x0] =	wrdreg $0xFFFFFFFF;
	(pc) =	sbr.abs _section_cstart, $3  }
0xc7: {  	[dreg:$0x1] =	wrdreg $0xFFFFFFFF  }
0xc8: {  	_ =	task.clear_ibuf [dreg:s7], $0x2FFFF;
	_ =	strace $0x9FFFFFFF  }
0xc9: {  	(tm) =	ssettm $0x7FFFFFFF  }
tec
execute0_lowered:
.L_overlay_start_1:
0x0: {  	(tag) =	ssettag $0x1  }
0x1: {  	s0 =	rddreg [dreg:$0x0]  }
0x2: {  	s1 =	srdreg.scid;
	s14 =	stileid.u32  }
0x3: {  	s5 =	rddreg [dreg:$0x1];
	s6 =	smul.u32 $0x50000, s14  }
0x4: {  	s2 =	rddreg [dreg:$0x2];
	s7 =	smul.u32 $0xC580, s14  }
0x5: {  	s3 =	simm.s32 $0x0;
	s28 =	simm.s32 $0xED80;
	s8 =	smul.u32 $0x31600, s14  }
0x6: {  	s29 =	simm.s32 $0x11580;
	s1 =	sand.u32 $0x1, s1;
	s26 =	smul.u32 $0x140, s14  }
0x7: {  	s30 =	simm.s32 $0x13D80;
	s31 =	simm.s32 $0x1;
	s4 =	smul.u32 $0x500000, s1  }
0x8: {  	[smem:$0x7FF] =	sst s3;
	s18 =	smul.u32 $0xC5800, s1;
	s1 =	ssub.s32 $0x2, s1  }
0x9: {  	_ =	strace $0x80000047;
	s20 =	sshrl.u32 s8, $0x2;
	s21 =	sshrl.u32 s1, $0x1  }
0xa: {  	s17 =	sadd.s32 s26, s5;
	s26 =	simm.s32 $0xC580;
	s4 =	sadd.s32 s6, s4  }
0xb: {  	s19 =	sadd.s32 s7, s18;
	s6 =	sadd.s32 s20, s2;
	s1 =	ssub.s32 s1, s21  }
0xc: {  	s18 =	simm.s32 $0x16780;
	s20 =	simm.s32 $0x16580;
	s21 =	simm.s32 $0x16600  }
0xd: {  	s4 =	sshrl.u32 s4, $0x3;
	s22 =	sadd.s32 $0x1400, s6;
	s23 =	sadd.s32 $0x2800, s6  }
0xe: {  	s24 =	sadd.s32 $0x3C00, s6;
	s25 =	sadd.s32 $0x5000, s6;
	s9 =	sadd.s32 $0x6400, s6  }
0xf: {  	s10 =	sadd.s32 $0x7800, s6;
	s11 =	sadd.s32 $0x8C00, s6;
	[dreg:$0x4] =	wrdreg s22  }
0x10: {  	s12 =	sadd.s32 $0xA000, s6;
	s13 =	sadd.s32 $0xB400, s6;
	[dreg:$0x5] =	wrdreg s23  }
0x11: {  	s15 =	smax.u32 s1, $0x1;
	s1 =	simm.s32 $0x0;
	[dreg:$0x6] =	wrdreg s24  }
0x12: {  	s16 =	sadd.s32 s4, s0;
	s4 =	sshrl.u32 s19, $0x3;
	[dreg:$0x7] =	wrdreg s25  }
0x13: {  	s19 =	simm.s32 $0x2;
	s22 =	simm.s32 $0x16680;
	s23 =	simm.s32 $0x16700  }
0x14: {  	s24 =	simm.s32 $0x50;
	s25 =	simm.s32 $0x80;
	s0 =	sadd.s32 s4, s0  }
0x15: {  	v0 =	vimm.f32 $0.0e+00;
	s4 =	sadd.s32 s7, s2;
	s16 =	sadd.s32 $0x4000, s16;
	s14 =	sadd.s32 $0x144000, s0  }
.LBB2_1:
0x16: {  	s5 =	simm.s32 $0x140;
	s0 =	simm.s32 $0x0  }
.LBB2_2:
0x17: {  	p0 =	sne.s32 s5, $0x4EC0;
	[tilespmem:s0+$0x167C0] =	vst v0;
	s6 =	smov.u32 s5;
	s5 =	sadd.s32 $0x140, s5  }
.Ltmp0:
0x18: {  	[tilespmem:s0+$0x167B0] =	vst v0;
	(pc) =	sbr.rel @p0 .LBB2_2-.Ltmp0, $4  }
0x19: {  	[tilespmem:s0+$0x167A0] =	vst v0  }
0x1a: {  	[tilespmem:s0+$0x16780] =	vst v0  }
0x1b: {  	[tilespmem:s0+$0x16790] =	vst v0  }
0x1c: {  	s0 =	sshra.s32 s6, $0x2  }
0x1d: {  	[tilespmem:s0+$0x167C0] =	vst v0  }
0x1e: {  	[tilespmem:s0+$0x167B0] =	vst v0  }
0x1f: {  	[tilespmem:s0+$0x167A0] =	vst v0  }
0x20: {  	[tilespmem:s0+$0x16780] =	vst v0  }
0x21: {  	[tilespmem:s0+$0x16790] =	vst v0  }
0x22: {  	[spmem:s4] =	stream.linear.scatter [tilespmem:s18], [sflag:$0x2], $0x1400, $0x38;
	[tilespmem:$0x17B80] =	vst v63  }
0x23: {  	_ =	swait.ge [sflag:s19], $0x1400  }
0x24: {  	[sflag:s19] =	ssyncset.done $0x0  }
0x25: {  	s7 =	rddreg [dreg:$0x4];
	[sflag:s19] =	ssyncadd.s32 $0xFFFFEC00  }
0x26: {  	[spmem:s7] =	stream.linear.scatter [tilespmem:s18], [sflag:$0x2], $0x1400, $0x38;
	[tilespmem:$0x17B80] =	vst v63  }
0x27: {  	_ =	swait.ge [sflag:s19], $0x1400  }
0x28: {  	[sflag:s19] =	ssyncset.done $0x0  }
0x29: {  	s8 =	rddreg [dreg:$0x5];
	[sflag:s19] =	ssyncadd.s32 $0xFFFFEC00  }
0x2a: {  	[spmem:s8] =	stream.linear.scatter [tilespmem:s18], [sflag:$0x2], $0x1400, $0x38;
	[tilespmem:$0x17B80] =	vst v63  }
0x2b: {  	_ =	swait.ge [sflag:s19], $0x1400  }
0x2c: {  	[sflag:s19] =	ssyncset.done $0x0  }
0x2d: {  	s5 =	rddreg [dreg:$0x6];
	[sflag:s19] =	ssyncadd.s32 $0xFFFFEC00  }
0x2e: {  	[spmem:s5] =	stream.linear.scatter [tilespmem:s18], [sflag:$0x2], $0x1400, $0x38;
	[tilespmem:$0x17B80] =	vst v63  }
0x2f: {  	_ =	swait.ge [sflag:s19], $0x1400  }
0x30: {  	[sflag:s19] =	ssyncset.done $0x0  }
0x31: {  	s6 =	rddreg [dreg:$0x7];
	[sflag:s19] =	ssyncadd.s32 $0xFFFFEC00  }
0x32: {  	[spmem:s6] =	stream.linear.scatter [tilespmem:s18], [sflag:$0x2], $0x1400, $0x38;
	[tilespmem:$0x17B80] =	vst v63  }
0x33: {  	_ =	swait.ge [sflag:s19], $0x1400  }
0x34: {  	[sflag:s19] =	ssyncset.done $0x0  }
0x35: {  	[sflag:s19] =	ssyncadd.s32 $0xFFFFEC00  }
0x36: {  	[spmem:s9] =	stream.linear.scatter [tilespmem:s18], [sflag:$0x2], $0x1400, $0x38;
	[tilespmem:$0x17B80] =	vst v63  }
0x37: {  	_ =	swait.ge [sflag:s19], $0x1400  }
0x38: {  	[sflag:s19] =	ssyncset.done $0x0  }
0x39: {  	[sflag:s19] =	ssyncadd.s32 $0xFFFFEC00  }
0x3a: {  	[spmem:s10] =	stream.linear.scatter [tilespmem:s18], [sflag:$0x2], $0x1400, $0x38;
	[tilespmem:$0x17B80] =	vst v63  }
0x3b: {  	_ =	swait.ge [sflag:s19], $0x1400  }
0x3c: {  	[sflag:s19] =	ssyncset.done $0x0  }
0x3d: {  	[sflag:s19] =	ssyncadd.s32 $0xFFFFEC00  }
0x3e: {  	[spmem:s11] =	stream.linear.scatter [tilespmem:s18], [sflag:$0x2], $0x1400, $0x38;
	[tilespmem:$0x17B80] =	vst v63  }
0x3f: {  	_ =	swait.ge [sflag:s19], $0x1400  }
0x40: {  	[sflag:s19] =	ssyncset.done $0x0  }
0x41: {  	[sflag:s19] =	ssyncadd.s32 $0xFFFFEC00  }
0x42: {  	[spmem:s12] =	stream.linear.scatter [tilespmem:s18], [sflag:$0x2], $0x1400, $0x38;
	[tilespmem:$0x17B80] =	vst v63  }
0x43: {  	_ =	swait.ge [sflag:s19], $0x1400  }
0x44: {  	[sflag:s19] =	ssyncset.done $0x0  }
0x45: {  	[sflag:s19] =	ssyncadd.s32 $0xFFFFEC00  }
0x46: {  	[spmem:s13] =	stream.linear.scatter [tilespmem:s18], [sflag:$0x2], $0x1180, $0x38;
	[tilespmem:$0x17B80] =	vst v63  }
0x47: {  	_ =	swait.ge [sflag:s19], $0x1180  }
0x48: {  	[sflag:s19] =	ssyncset.done $0x0  }
0x49: {  	[sflag:s19] =	ssyncadd.s32 $0xFFFFEE80  }
0x4a: {  	s7 =	sadd.s32 $0x0, s17;
	[bflag:$0x0] =	sbarrier.arrive $0xFFFF  }
0x4b: {  	[tilespmem:s20], [sflag:$0x2] =	stream.linear.gather [hbm4b:s7+s3], $0x80, $0x38;
	[tilespmem:$0x17B80] =	vst v63  }
0x4c: {  	_ =	swait.ge [sflag:s19], $0x80  }
0x4d: {  	[sflag:s19] =	ssyncset.done $0x0  }
0x4e: {  	s5 =	sadd.s32 $0x10, s7;
	[sflag:s19] =	ssyncadd.s32 $0xFFFFFF80  }
0x4f: {  	[tilespmem:s21], [sflag:$0x2] =	stream.linear.gather [hbm4b:s5+s3], $0x80, $0x38;
	[tilespmem:$0x17B80] =	vst v63  }
0x50: {  	_ =	swait.ge [sflag:s19], $0x80  }
0x51: {  	[sflag:s19] =	ssyncset.done $0x0  }
0x52: {  	s8 =	sadd.s32 $0x20, s7;
	[sflag:s19] =	ssyncadd.s32 $0xFFFFFF80  }
0x53: {  	[tilespmem:s22], [sflag:$0x2] =	stream.linear.gather [hbm4b:s8+s3], $0x80, $0x38;
	[tilespmem:$0x17B80] =	vst v63  }
0x54: {  	_ =	swait.ge [sflag:s19], $0x80  }
0x55: {  	[sflag:s19] =	ssyncset.done $0x0  }
0x56: {  	s0 =	sadd.s32 $0x30, s7;
	[sflag:s19] =	ssyncadd.s32 $0xFFFFFF80  }
0x57: {  	[tilespmem:s23], [sflag:$0x2] =	stream.linear.gather [hbm4b:s0+s3], $0x80, $0x38;
	[tilespmem:$0x17B80] =	vst v63  }
0x58: {  	_ =	swait.ge [sflag:s19], $0x80  }
0x59: {  	[sflag:s19] =	ssyncset.done $0x0  }
0x5a: {  	[sflag:s19] =	ssyncadd.s32 $0xFFFFFF80  }
0x5b: {  	[tilespmem:s26], [sflag:$0x2] =	stream.strided.gather [hbm4b:s16+s24], $0xA000, s25, s24, $0x38;
	[tilespmem:$0x17B80] =	vst v63  }
0x5c: {  	_ =	swait.ge [sflag:s19], $0xA000  }
0x5d: {  	[sflag:s19] =	ssyncset.done $0x0  }
0x5e: {  	[sflag:s19] =	ssyncadd.s32 $0xFFFF6000  }
0x5f: {  	[spmem:s2] =	stream.indirect.scatter.add.f32 [tilespmem:s26], [sflag:$0x1], $0x50, s20, s25, $0xb8;
	[tilespmem:$0x17B80] =	vst v63  }
0x60: {  	_ = 	snop  }
0x61: {  	[spmem:s2] =	stream.indirect.scatter.add.f32 [tilespmem:s28], [sflag:$0x1], $0x50, s21, s25, $0xb8;
	[tilespmem:$0x17B80] =	vst v63  }
0x62: {  	_ = 	snop  }
0x63: {  	[spmem:s2] =	stream.indirect.scatter.add.f32 [tilespmem:s29], [sflag:$0x1], $0x50, s22, s25, $0xb8;
	[tilespmem:$0x17B80] =	vst v63  }
0x64: {  	_ = 	snop  }
0x65: {  	[spmem:s2] =	stream.indirect.scatter.add.f32 [tilespmem:s30], [sflag:$0x1], $0x50, s23, s25, $0xb8;
	[tilespmem:$0x17B80] =	vst v63  }
0x66: {  	_ =	swait.ge [sflag:s31], $0x2800  }
0x67: {  	[sflag:s31] =	ssyncset.done $0x0  }
0x68: {  	[sflag:s31] =	ssyncadd.s32 $0xFFFFD800  }
0x69: {  	_ =	swait.ge [sflag:s31], $0x2800  }
0x6a: {  	[sflag:s31] =	ssyncset.done $0x0  }
0x6b: {  	[sflag:s31] =	ssyncadd.s32 $0xFFFFD800  }
0x6c: {  	_ =	swait.ge [sflag:s31], $0x2800  }
0x6d: {  	[sflag:s31] =	ssyncset.done $0x0  }
0x6e: {  	[sflag:s31] =	ssyncadd.s32 $0xFFFFD800  }
0x6f: {  	s6 =	simm.s32 $0x80;
	_ =	swait.ge [sflag:s31], $0x2800  }
0x70: {  	s5 =	simm.s32 $0x40;
	s0 =	sadd.s32 $0x2000, s16;
	[sflag:s31] =	ssyncset.done $0x0  }
.LBB2_4:
0x71: {  	s8 =	sadd.s32 s5, s17  }
0x72: {  	[sflag:s31] =	ssyncadd.s32 $0xFFFFD800;
	s5 =	smov.u32 s6;
	s7 =	sadd.s32 $0x40, s6  }
0x73: {  	[tilespmem:s20], [sflag:$0x2] =	stream.linear.gather [hbm4b:s8+s3], $0x80, $0x38;
	[tilespmem:$0x17B80] =	vst v63  }
0x74: {  	p0 =	sne.s32 s6, $0x100;
	_ =	swait.ge [sflag:s19], $0x80  }
0x75: {  	[sflag:s19] =	ssyncset.done $0x0  }
0x76: {  	s6 =	sadd.s32 $0x10, s8;
	[sflag:s19] =	ssyncadd.s32 $0xFFFFFF80  }
0x77: {  	[tilespmem:s21], [sflag:$0x2] =	stream.linear.gather [hbm4b:s6+s3], $0x80, $0x38;
	[tilespmem:$0x17B80] =	vst v63  }
0x78: {  	_ =	swait.ge [sflag:s19], $0x80  }
0x79: {  	[sflag:s19] =	ssyncset.done $0x0  }
0x7a: {  	s6 =	sadd.s32 $0x20, s8;
	[sflag:s19] =	ssyncadd.s32 $0xFFFFFF80  }
0x7b: {  	[tilespmem:s22], [sflag:$0x2] =	stream.linear.gather [hbm4b:s6+s3], $0x80, $0x38;
	[tilespmem:$0x17B80] =	vst v63  }
0x7c: {  	_ =	swait.ge [sflag:s19], $0x80  }
0x7d: {  	[sflag:s19] =	ssyncset.done $0x0  }
0x7e: {  	s6 =	sadd.s32 $0x30, s8;
	[sflag:s19] =	ssyncadd.s32 $0xFFFFFF80  }
0x7f: {  	[tilespmem:s23], [sflag:$0x2] =	stream.linear.gather [hbm4b:s6+s3], $0x80, $0x38;
	[tilespmem:$0x17B80] =	vst v63  }
0x80: {  	_ =	swait.ge [sflag:s19], $0x80  }
0x81: {  	[sflag:s19] =	ssyncset.done $0x0  }
0x82: {  	[sflag:s19] =	ssyncadd.s32 $0xFFFFFF80  }
0x83: {  	[tilespmem:s26], [sflag:$0x2] =	stream.strided.gather [hbm4b:s0+s24], $0xA000, s25, s24, $0x38;
	[tilespmem:$0x17B80] =	vst v63  }
0x84: {  	_ =	swait.ge [sflag:s19], $0xA000  }
0x85: {  	[sflag:s19] =	ssyncset.done $0x0  }
0x86: {  	[sflag:s19] =	ssyncadd.s32 $0xFFFF6000  }
0x87: {  	[spmem:s2] =	stream.indirect.scatter.add.f32 [tilespmem:s26], [sflag:$0x1], $0x50, s20, s25, $0xb8;
	[tilespmem:$0x17B80] =	vst v63  }
0x88: {  	_ = 	snop  }
0x89: {  	[spmem:s2] =	stream.indirect.scatter.add.f32 [tilespmem:s28], [sflag:$0x1], $0x50, s21, s25, $0xb8;
	[tilespmem:$0x17B80] =	vst v63  }
0x8a: {  	_ = 	snop  }
0x8b: {  	[spmem:s2] =	stream.indirect.scatter.add.f32 [tilespmem:s29], [sflag:$0x1], $0x50, s22, s25, $0xb8;
	[tilespmem:$0x17B80] =	vst v63  }
0x8c: {  	_ = 	snop  }
0x8d: {  	[spmem:s2] =	stream.indirect.scatter.add.f32 [tilespmem:s30], [sflag:$0x1], $0x50, s23, s25, $0xb8;
	[tilespmem:$0x17B80] =	vst v63  }
0x8e: {  	_ =	swait.ge [sflag:s31], $0x2800  }
0x8f: {  	[sflag:s31] =	ssyncset.done $0x0  }
0x90: {  	[sflag:s31] =	ssyncadd.s32 $0xFFFFD800  }
0x91: {  	_ =	swait.ge [sflag:s31], $0x2800  }
0x92: {  	[sflag:s31] =	ssyncset.done $0x0  }
0x93: {  	[sflag:s31] =	ssyncadd.s32 $0xFFFFD800  }
.Ltmp1:
0x94: {  	_ =	swait.ge [sflag:s31], $0x2800;
	(pc) =	sbr.rel @p0 .LBB2_4-.Ltmp1, $4  }
0x95: {  	[sflag:s31] =	ssyncset.done $0x0  }
0x96: {  	[sflag:s31] =	ssyncadd.s32 $0xFFFFD800  }
0x97: {  	_ =	swait.ge [sflag:s31], $0x2800  }
0x98: {  	s6 =	smov.u32 s7;
	s0 =	sadd.s32 $0x2000, s0;
	[sflag:s31] =	ssyncset.done $0x0  }
0x99: {  	s5 =	sadd.s32 s5, s17;
	[sflag:s31] =	ssyncadd.s32 $0xFFFFD800  }
0x9a: {  	[tilespmem:s20], [sflag:$0x2] =	stream.linear.gather [hbm4b:s5+s3], $0x80, $0x38;
	[tilespmem:$0x17B80] =	vst v63  }
0x9b: {  	_ =	swait.ge [sflag:s19], $0x80  }
0x9c: {  	[sflag:s19] =	ssyncset.done $0x0  }
0x9d: {  	s6 =	sadd.s32 $0x10, s5;
	[sflag:s19] =	ssyncadd.s32 $0xFFFFFF80  }
0x9e: {  	[tilespmem:s21], [sflag:$0x2] =	stream.linear.gather [hbm4b:s6+s3], $0x80, $0x38;
	[tilespmem:$0x17B80] =	vst v63  }
0x9f: {  	_ =	swait.ge [sflag:s19], $0x80  }
0xa0: {  	[sflag:s19] =	ssyncset.done $0x0  }
0xa1: {  	s8 =	sadd.s32 $0x20, s5;
	[sflag:s19] =	ssyncadd.s32 $0xFFFFFF80  }
0xa2: {  	[tilespmem:s22], [sflag:$0x2] =	stream.linear.gather [hbm4b:s8+s3], $0x80, $0x38;
	[tilespmem:$0x17B80] =	vst v63  }
0xa3: {  	_ =	swait.ge [sflag:s19], $0x80  }
0xa4: {  	[sflag:s19] =	ssyncset.done $0x0  }
0xa5: {  	s5 =	sadd.s32 $0x30, s5;
	[sflag:s19] =	ssyncadd.s32 $0xFFFFFF80  }
0xa6: {  	[tilespmem:s23], [sflag:$0x2] =	stream.linear.gather [hbm4b:s5+s3], $0x80, $0x38;
	[tilespmem:$0x17B80] =	vst v63  }
0xa7: {  	_ =	swait.ge [sflag:s19], $0x80  }
0xa8: {  	[sflag:s19] =	ssyncset.done $0x0  }
0xa9: {  	[sflag:s19] =	ssyncadd.s32 $0xFFFFFF80  }
0xaa: {  	[tilespmem:s26], [sflag:$0x2] =	stream.strided.gather [hbm4b:s0+s24], $0xA000, s25, s24, $0x38;
	[tilespmem:$0x17B80] =	vst v63  }
0xab: {  	_ =	swait.ge [sflag:s19], $0xA000  }
0xac: {  	[sflag:s19] =	ssyncset.done $0x0  }
0xad: {  	[sflag:s19] =	ssyncadd.s32 $0xFFFF6000  }
0xae: {  	[spmem:s2] =	stream.indirect.scatter.add.f32 [tilespmem:s26], [sflag:$0x1], $0x50, s20, s25, $0xb8;
	[tilespmem:$0x17B80] =	vst v63  }
0xaf: {  	_ = 	snop  }
0xb0: {  	[spmem:s2] =	stream.indirect.scatter.add.f32 [tilespmem:s28], [sflag:$0x1], $0x50, s21, s25, $0xb8;
	[tilespmem:$0x17B80] =	vst v63  }
0xb1: {  	_ = 	snop  }
0xb2: {  	[spmem:s2] =	stream.indirect.scatter.add.f32 [tilespmem:s29], [sflag:$0x1], $0x50, s22, s25, $0xb8;
	[tilespmem:$0x17B80] =	vst v63  }
0xb3: {  	_ = 	snop  }
0xb4: {  	[spmem:s2] =	stream.indirect.scatter.add.f32 [tilespmem:s30], [sflag:$0x1], $0x50, s23, s25, $0xb8;
	[tilespmem:$0x17B80] =	vst v63  }
0xb5: {  	_ =	swait.ge [sflag:s31], $0x2800  }
0xb6: {  	[sflag:s31] =	ssyncset.done $0x0  }
0xb7: {  	[sflag:s31] =	ssyncadd.s32 $0xFFFFD800  }
0xb8: {  	_ =	swait.ge [sflag:s31], $0x2800  }
0xb9: {  	[sflag:s31] =	ssyncset.done $0x0  }
0xba: {  	[sflag:s31] =	ssyncadd.s32 $0xFFFFD800  }
0xbb: {  	_ =	swait.ge [sflag:s31], $0x2800  }
0xbc: {  	[sflag:s31] =	ssyncset.done $0x0  }
0xbd: {  	[sflag:s31] =	ssyncadd.s32 $0xFFFFD800  }
0xbe: {  	s1 =	sadd.s32 $0x1, s1;
	_ =	swait.ge [sflag:s31], $0x2800  }
0xbf: {  	s7 =	stileid.u32;
	p0 =	sne.s32 s1, s15;
	[sflag:s31] =	ssyncset.done $0x0  }
0xc0: {  	s8 =	sshrl.u32 s4, $0x3;
	s0 =	sshll.u32 s7, $0x6;
	[sflag:s31] =	ssyncadd.s32 $0xFFFFD800  }
.Ltmp2:
0xc1: {  	s0 =	sor.u32 $0x1C02, s0;
	[bflag:$0x0] =	sbarrier.arrive $0xFFFF;
	(pc) =	sbr.rel @p0 .LBB2_1-.Ltmp2, $4  }
0xc2: {  	[hbm:s14], [sflag:s0] =	dma.local [spmem:s8], $0x18B0  }
0xc3: {  	_ =	swait.ge [sflag:s19], $0x18B0  }
0xc4: {  	[sflag:s19] =	ssyncset.done $0x0  }
0xc5: {  	[sflag:s19] =	ssyncadd.s32 $0xFFFFE750  }
0xc6: {  	_ =	sfence.sel $0x180000  }
0xc7: {  	[bflag:$0x0] =	sbarrier.arrive $0xFFFF  }
0xc8: {  	_ =	strace $0x90000047  }
0xc9: {  	s0 =	stileid.u32;
	[bflag:$0x2] =	sbarrier.arrive $0xFFFF  }
0xca: {  	p0 =	sne.s32 s0, $0x0;
	s0 =	rddreg [dreg:$0x3]  }
0xcb: {  	s0 =	sadd.s32 @!p0 $0x100000, s0  }
0xcc: {  	[sflag:s0] =	ssyncadd.tile.s32 @!p0 $0x1;
	_ =	shalt  }
.Lfunc_end2:
_tile_overlayer_lowered:
.L_overlay_start_2:
0xcd: {  	(tag) =	ssettag $0x2  }
0xce: {  	s0 =	rddreg [dreg:$0x0];
	s2 =	stileid.u32  }
0xcf: {  	s1 =	rddreg [dreg:$0x1];
	p0 =	sne.s32 s2, $0x0  }
0xd0: {  	s3 =	rddreg [dreg:$0x2];
	[bflag:$0x3] =	sbarrier.arrive $0xFFFF;
	s2 =	simm.s32 @!p0 $0x1C02  }
0xd1: {  	[timem:s3], [sflag:s2] =	dma.local @!p0 [hbm:s0], s1  }
0xd2: {  	s0 =	simm.s32 @!p0 $0x2  }
0xd3: {  	_ =	swait.ge @!p0 [sflag:s0], s1  }
0xd4: {  	s1 =	ssub.s32 @!p0 $0x0, s1;
	[sflag:s0] =	ssyncset.done @!p0 $0x0  }
0xd5: {  	[sflag:s0] =	ssyncadd.s32 @!p0 s1  }
0xd6: {  	[bflag:$0x3] =	sbarrier.arrive $0xFFFF  }
0xd7: {  	_ =	shalt  }

</sc_bundles>
